<compile_context>
chip_gen: v7x
topology: tpu7x:2x2x1
jax: 0.10.2.dev20260603
libtpu: 0.0.44.dev20260713+nightly
codegen_flags: <defaults>
</compile_context>

<pallas_src>
import functools

import jax
import jax.numpy as jnp
import numpy as np
from jax import lax
from jax.experimental import pallas as pl
from jax.experimental.pallas import tpu as pltpu
from jax.experimental.pallas import tpu_sc as plsc

_FIELD_DIM = 38462
_LANES = 16


def _build_sc_kernel(B, F, D, NC, NS):
    NW = NC * NS
    rows_w = B // NW
    CB = 128
    n_chunks = rows_w // CB
    nflat = rows_w * F
    n_groups = rows_w // _LANES

    mesh = plsc.VectorSubcoreMesh(core_axis_name="c", subcore_axis_name="s",
                                  num_cores=NC, num_subcores=NS)

    @functools.partial(
        pl.kernel,
        out_type=jax.ShapeDtypeStruct((B, D), jnp.float32),
        mesh=mesh,
        compiler_params=pltpu.CompilerParams(use_tc_tiling_on_sc=False, needs_layout_passes=False),
        scratch_types=[
            pltpu.VMEM((nflat,), jnp.int32),
            pltpu.VMEM((F, rows_w), jnp.int32),
            pltpu.VMEM((rows_w, D), jnp.float32),
            pltpu.VMEM((_LANES,), jnp.float32),
            pltpu.SemaphoreType.DMA,
        ],
    )
    def sc_kernel(data_hbm, bias_hbm, table_hbm, out_hbm,
                  raw_v, idx_v, acc_v, bias_v, sem):
        wid = lax.axis_index("s") * NC + lax.axis_index("c")

        pltpu.sync_copy(bias_hbm, bias_v)
        pltpu.sync_copy(data_hbm.at[pl.ds(wid * nflat, nflat)], raw_v)

        iota26 = lax.iota(jnp.int32, _LANES) * np.int32(F)

        @pl.loop(0, F)
        def _fld(f):
            off = f * np.int32(_FIELD_DIM)

            @pl.loop(0, n_groups)
            def _grp(g):
                p = iota26 + (g * np.int32(_LANES * F) + f)
                vals = plsc.load_gather(raw_v, [p])
                idx_v[f, pl.ds(g * _LANES, _LANES)] = vals + off

        @pl.loop(0, rows_w)
        def _init(c):
            acc_v[c, :] = bias_v[:]

        cps = [
            pltpu.async_copy(table_hbm.at[idx_v.at[f, pl.ds(t * CB, CB)]],
                             acc_v.at[pl.ds(t * CB, CB)], sem, add=True)
            for t in range(n_chunks)
            for f in range(F)
        ]
        for cp in cps:
            cp.wait()

        pltpu.sync_copy(acc_v, out_hbm.at[pl.ds(wid * rows_w, rows_w)])

    return sc_kernel


def kernel(data, table, bias):
    B, F = data.shape
    D = table.shape[1]
    info = plsc.get_sparse_core_info()
    NC, NS = info.num_cores, info.num_subcores
    data_flat = data.reshape(-1)
    sc_kernel = _build_sc_kernel(B, F, D, NC, NS)
    return sc_kernel(data_flat, bias, table)

# --- scband reference (transcript-rebuilt; emitter-appended) ---
"""Pipeline reference for scband-feature-embedding-sum-71494025609961 (READ-ONLY COPY).

The authoritative reference and input builder live on the scoring server;
editing this copy changes nothing except your own understanding.
"""

import jax, jax.numpy as jnp
import numpy as np

FEATURE_DIMS = [38462] * 26
TOTAL_VOCAB = int(np.sum(FEATURE_DIMS))
OUT_DIM = 16
OFFSETS = jnp.asarray(np.concatenate([[0], np.cumsum(FEATURE_DIMS)[:-1]]).astype(np.int32))


def setup_inputs(seed: int = 0) -> dict:
    key = jax.random.key(seed)
    k1, k2 = jax.random.split(key, 2)
    data = jax.random.randint(k1, (16384, 26), 0, 38462, dtype=jnp.int32)
    table = jax.random.normal(k2, (TOTAL_VOCAB, OUT_DIM), dtype=jnp.float32) * 0.01
    bias = jnp.zeros((OUT_DIM,), dtype=jnp.float32)
    return {"data": data, "table": table, "bias": bias}


def reference(data, table, bias):
    # data: int[B, F] per-field indices; add per-field offsets into the flat table
    idx = data + OFFSETS[None, :]
    emb = jnp.take(table, idx, axis=0)  # [B, F, out_dim]
    out = jnp.sum(emb, axis=1) + bias   # [B, out_dim]
    return out

if __name__ == "__main__":
    import jax
    _d = setup_inputs()
    print(jax.jit(kernel)(*tuple(_d.values())))

</pallas_src>

<mosaic_0001>
#map = affine_map<(d0, d1) -> (0)>
#map1 = affine_map<(d0, d1) -> (0, 0)>
module attributes {stable_mosaic.version = 14 : i64} {
  func.func @sc_kernel(%arg0: i32, %arg1: i32, %arg2: memref<425984xi32, #tpu.memory_space<hbm>>, %arg3: memref<16xf32, #tpu.memory_space<hbm>>, %arg4: memref<1000012x16xf32, #tpu.memory_space<hbm>>, %arg5: memref<16384x16xf32, #tpu.memory_space<hbm>>, %arg6: memref<13312xi32, #tpu.memory_space<vmem>>, %arg7: memref<26x512xi32, #tpu.memory_space<vmem>>, %arg8: memref<512x16xf32, #tpu.memory_space<vmem>>, %arg9: memref<16xf32, #tpu.memory_space<vmem>>, %arg10: memref<!tpu.dma_semaphore, #tpu.memory_space<semaphore_mem>>) attributes {dimension_semantics = [#tpu.dimension_semantics<core_parallel>, #tpu.dimension_semantics<subcore_parallel>], iteration_bounds = array<i64: 2, 16>, scalar_prefetch = 0 : i64, scratch_operands = 5 : i64, tpu.core_type = #tpu.core_type<sc_vector_subcore>, window_params = [{transform_indices = #map}, {transform_indices = #map}, {transform_indices = #map1}, {transform_indices = #map1}]} {
    %mul3A = arith.constant 2 : i32
    %mul3A_0 = arith.muli %arg1, %mul3A : i32
    %add3A = arith.addi %mul3A_0, %arg0 : i32
    "tpu.region"() ({
      %run_scoped3A = tpu.sem_alloc : memref<!tpu.dma_semaphore, #tpu.memory_space<semaphore_mem>>
      tpu.enqueue_dma source(%arg3 : memref<16xf32, #tpu.memory_space<hbm>>) target(%arg9 : memref<16xf32, #tpu.memory_space<vmem>>) target_semaphore(%run_scoped3A : memref<!tpu.dma_semaphore, #tpu.memory_space<semaphore_mem>>)
      tpu.wait_dma2 semaphore(%run_scoped3A : memref<!tpu.dma_semaphore, #tpu.memory_space<semaphore_mem>>) src(%arg3 : memref<16xf32, #tpu.memory_space<hbm>>) dst(%arg9 : memref<16xf32, #tpu.memory_space<vmem>>)
      tpu.yield
    }) : () -> ()
    %mul3A_1 = arith.constant 13312 : i32
    %mul3A_2 = arith.muli %add3A, %mul3A_1 : i32
    "tpu.region"() ({
      %run_scoped3A = tpu.sem_alloc : memref<!tpu.dma_semaphore, #tpu.memory_space<semaphore_mem>>
      %dma_start3A_2095 = tpu.memref_slice %arg2[%mul3A_2] : memref<425984xi32, #tpu.memory_space<hbm>> -> memref<13312xi32, #tpu.memory_space<hbm>>
      %dma_start3A_2096 = tpu.memref_slice %arg2[%mul3A_2] : memref<425984xi32, #tpu.memory_space<hbm>> -> memref<13312xi32, #tpu.memory_space<hbm>>
      tpu.enqueue_dma source(%dma_start3A_2096 : memref<13312xi32, #tpu.memory_space<hbm>>) target(%arg6 : memref<13312xi32, #tpu.memory_space<vmem>>) target_semaphore(%run_scoped3A : memref<!tpu.dma_semaphore, #tpu.memory_space<semaphore_mem>>)
      %dma_wait3A_2097 = tpu.memref_slice %arg2[%mul3A_2] : memref<425984xi32, #tpu.memory_space<hbm>> -> memref<13312xi32, #tpu.memory_space<hbm>>
      %dma_wait3A_2098 = tpu.memref_slice %arg2[%mul3A_2] : memref<425984xi32, #tpu.memory_space<hbm>> -> memref<13312xi32, #tpu.memory_space<hbm>>
      tpu.wait_dma2 semaphore(%run_scoped3A : memref<!tpu.dma_semaphore, #tpu.memory_space<semaphore_mem>>) src(%dma_wait3A_2098 : memref<13312xi32, #tpu.memory_space<hbm>>) dst(%arg6 : memref<13312xi32, #tpu.memory_space<vmem>>)
      tpu.yield
    }) : () -> ()
    %iota3A = tpu.iota {dimensions = array<i32: 0>} : vector<16xi32>
    %mul3A_3 = arith.constant 26 : i32
    %mul3A_4 = vector.broadcast %mul3A_3 : i32 to vector<16xi32>
    %mul3A_5 = arith.muli %iota3A, %mul3A_4 : vector<16xi32>
    %scan3A = arith.constant 0 : i32
    %scan3A_6 = arith.constant 26 : i32
    %scan3A_7 = arith.addi %scan3A, %scan3A_6 : i32
    %scan3A_8 = arith.constant 1 : i32
    scf.for %scan3A_2095 = %scan3A to %scan3A_7 step %scan3A_8  : i32 {
      %mul3A_2096 = arith.constant 1 : i32
      %mul3A_2097 = arith.muli %scan3A_2095, %mul3A_2096 : i32
      %add3A_2098 = arith.constant 0 : i32
      %add3A_2099 = arith.addi %add3A_2098, %mul3A_2097 : i32
      %mul3A_2100 = arith.constant 38462 : i32
      %mul3A_2101 = arith.muli %add3A_2099, %mul3A_2100 : i32
      %scan3A_2102 = arith.constant 0 : i32
      %scan3A_2103 = arith.constant 32 : i32
      %scan3A_2104 = arith.addi %scan3A_2102, %scan3A_2103 : i32
      %scan3A_2105 = arith.constant 1 : i32
      scf.for %scan3A_2107 = %scan3A_2102 to %scan3A_2104 step %scan3A_2105  : i32 {
        %mul3A_2108 = arith.constant 1 : i32
        %mul3A_2109 = arith.muli %scan3A_2107, %mul3A_2108 : i32
        %add3A_2110 = arith.constant 0 : i32
        %add3A_2111 = arith.addi %add3A_2110, %mul3A_2109 : i32
        %mul3A_2112 = arith.constant 416 : i32
        %mul3A_2113 = arith.muli %add3A_2111, %mul3A_2112 : i32
        %add3A_2114 = arith.addi %mul3A_2113, %add3A_2099 : i32
        %add3A_2115 = vector.broadcast %add3A_2114 : i32 to vector<16xi32>
        %add3A_2116 = arith.addi %mul3A_5, %add3A_2115 : vector<16xi32>
        %gather3A = tpu.vector_load_idx %arg6[%add3A_2116] : memref<13312xi32, #tpu.memory_space<vmem>>[vector<16xi32>], vector<16xi32>,
        %add3A_2117 = vector.broadcast %mul3A_2101 : i32 to vector<16xi32>
        %add3A_2118 = arith.addi %gather3A, %add3A_2117 : vector<16xi32>
        %mul3A_2119 = arith.constant 16 : i32
        %mul3A_2120 = arith.muli %add3A_2111, %mul3A_2119 : i32
        %swap3A = arith.index_cast %add3A_2099 : i32 to index
        %swap3A_2121 = arith.index_cast %mul3A_2120 : i32 to index
        %swap3A_2122 = tpu.vector_load %arg7[%swap3A, %swap3A_2121] {strides = array<i32>} : memref<26x512xi32, #tpu.memory_space<vmem>>, vector<16xi32>,
        tpu.vector_store %arg7[%swap3A, %swap3A_2121], %add3A_2118 {strides = array<i32>} : memref<26x512xi32, #tpu.memory_space<vmem>>, vector<16xi32>,
      }
      %scan3A_2106 = arith.constant 32 : i32
    }
    %scan3A_9 = arith.constant 26 : i32
    %scan3A_10 = arith.constant 0 : i32
    %scan3A_11 = arith.constant 512 : i32
    %scan3A_12 = arith.addi %scan3A_10, %scan3A_11 : i32
    %scan3A_13 = arith.constant 1 : i32
    scf.for %scan3A_2095 = %scan3A_10 to %scan3A_12 step %scan3A_13  : i32 {
      %mul3A_2096 = arith.constant 1 : i32
      %mul3A_2097 = arith.muli %scan3A_2095, %mul3A_2096 : i32
      %add3A_2098 = arith.constant 0 : i32
      %add3A_2099 = arith.addi %add3A_2098, %mul3A_2097 : i32
      %get3A = arith.constant 0 : index
      %get3A_2100 = tpu.vector_load %arg9[%get3A] {strides = array<i32>} : memref<16xf32, #tpu.memory_space<vmem>>, vector<16xf32>,
      %swap3A = arith.index_cast %add3A_2099 : i32 to index
      %swap3A_2101 = arith.constant 0 : index
      %swap3A_2102 = tpu.vector_load %arg8[%swap3A, %swap3A_2101] {strides = array<i32>} : memref<512x16xf32, #tpu.memory_space<vmem>>, vector<16xf32>,
      tpu.vector_store %arg8[%swap3A, %swap3A_2101], %get3A_2100 {strides = array<i32>} : memref<512x16xf32, #tpu.memory_space<vmem>>, vector<16xf32>,
    }
    %scan3A_14 = arith.constant 512 : i32
    %dma_start3A = arith.constant 0 : i32
    %dma_start3A_15 = arith.constant 0 : i32
    %dma_start3A_16 = arith.constant 0 : i32
    %dma_start3A_17 = tpu.memref_slice %arg8[%dma_start3A_15, %dma_start3A_16] : memref<512x16xf32, #tpu.memory_space<vmem>> -> memref<128x16xf32, #tpu.memory_space<vmem>>
    %dma_start3A_18 = arith.constant 0 : i32
    %dma_start3A_19 = tpu.memref_slice %arg7[%dma_start3A, %dma_start3A_18] : memref<26x512xi32, #tpu.memory_space<vmem>> -> memref<1x128xi32, #tpu.memory_space<vmem>>
    %dma_start3A_20 = tpu.memref_squeeze %dma_start3A_19 : memref<1x128xi32, #tpu.memory_space<vmem>> -> memref<128xi32, #tpu.memory_space<vmem>>
    %dma_start3A_21 = arith.constant 0 : i32
    %dma_start3A_22 = arith.constant 0 : i32
    %dma_start3A_23 = tpu.memref_slice %arg4[%dma_start3A_21, %dma_start3A_22] : memref<1000012x16xf32, #tpu.memory_space<hbm>> -> memref<1000012x16xf32, #tpu.memory_space<hbm>>
    tpu.enqueue_indirect_dma source(%dma_start3A_23 : memref<1000012x16xf32, #tpu.memory_space<hbm>>) target(%dma_start3A_17 : memref<128x16xf32, #tpu.memory_space<vmem>>) offsets(%dma_start3A_20 : memref<128xi32, #tpu.memory_space<vmem>>) semaphore(%arg10 : memref<!tpu.dma_semaphore, #tpu.memory_space<semaphore_mem>>) {add = true}
    %dma_start3A_24 = arith.constant 1 : i32
    %dma_start3A_25 = arith.constant 0 : i32
    %dma_start3A_26 = arith.constant 0 : i32
    %dma_start3A_27 = tpu.memref_slice %arg8[%dma_start3A_25, %dma_start3A_26] : memref<512x16xf32, #tpu.memory_space<vmem>> -> memref<128x16xf32, #tpu.memory_space<vmem>>
    %dma_start3A_28 = arith.constant 0 : i32
    %dma_start3A_29 = tpu.memref_slice %arg7[%dma_start3A_24, %dma_start3A_28] : memref<26x512xi32, #tpu.memory_space<vmem>> -> memref<1x128xi32, #tpu.memory_space<vmem>>
    %dma_start3A_30 = tpu.memref_squeeze %dma_start3A_29 : memref<1x128xi32, #tpu.memory_space<vmem>> -> memref<128xi32, #tpu.memory_space<vmem>>
    %dma_start3A_31 = arith.constant 0 : i32
    %dma_start3A_32 = arith.constant 0 : i32
    %dma_start3A_33 = tpu.memref_slice %arg4[%dma_start3A_31, %dma_start3A_32] : memref<1000012x16xf32, #tpu.memory_space<hbm>> -> memref<1000012x16xf32, #tpu.memory_space<hbm>>
    tpu.enqueue_indirect_dma source(%dma_start3A_33 : memref<1000012x16xf32, #tpu.memory_space<hbm>>) target(%dma_start3A_27 : memref<128x16xf32, #tpu.memory_space<vmem>>) offsets(%dma_start3A_30 : memref<128xi32, #tpu.memory_space<vmem>>) semaphore(%arg10 : memref<!tpu.dma_semaphore, #tpu.memory_space<semaphore_mem>>) {add = true}
    %dma_start3A_34 = arith.constant 2 : i32
    %dma_start3A_35 = arith.constant 0 : i32
    %dma_start3A_36 = arith.constant 0 : i32
    %dma_start3A_37 = tpu.memref_slice %arg8[%dma_start3A_35, %dma_start3A_36] : memref<512x16xf32, #tpu.memory_space<vmem>> -> memref<128x16xf32, #tpu.memory_space<vmem>>
    %dma_start3A_38 = arith.constant 0 : i32
    %dma_start3A_39 = tpu.memref_slice %arg7[%dma_start3A_34, %dma_start3A_38] : memref<26x512xi32, #tpu.memory_space<vmem>> -> memref<1x128xi32, #tpu.memory_space<vmem>>
    %dma_start3A_40 = tpu.memref_squeeze %dma_start3A_39 : memref<1x128xi32, #tpu.memory_space<vmem>> -> memref<128xi32, #tpu.memory_space<vmem>>
    %dma_start3A_41 = arith.constant 0 : i32
    %dma_start3A_42 = arith.constant 0 : i32
    %dma_start3A_43 = tpu.memref_slice %arg4[%dma_start3A_41, %dma_start3A_42] : memref<1000012x16xf32, #tpu.memory_space<hbm>> -> memref<1000012x16xf32, #tpu.memory_space<hbm>>
    tpu.enqueue_indirect_dma source(%dma_start3A_43 : memref<1000012x16xf32, #tpu.memory_space<hbm>>) target(%dma_start3A_37 : memref<128x16xf32, #tpu.memory_space<vmem>>) offsets(%dma_start3A_40 : memref<128xi32, #tpu.memory_space<vmem>>) semaphore(%arg10 : memref<!tpu.dma_semaphore, #tpu.memory_space<semaphore_mem>>) {add = true}
    %dma_start3A_44 = arith.constant 3 : i32
    %dma_start3A_45 = arith.constant 0 : i32
    %dma_start3A_46 = arith.constant 0 : i32
    %dma_start3A_47 = tpu.memref_slice %arg8[%dma_start3A_45, %dma_start3A_46] : memref<512x16xf32, #tpu.memory_space<vmem>> -> memref<128x16xf32, #tpu.memory_space<vmem>>
    %dma_start3A_48 = arith.constant 0 : i32
    %dma_start3A_49 = tpu.memref_slice %arg7[%dma_start3A_44, %dma_start3A_48] : memref<26x512xi32, #tpu.memory_space<vmem>> -> memref<1x128xi32, #tpu.memory_space<vmem>>
    %dma_start3A_50 = tpu.memref_squeeze %dma_start3A_49 : memref<1x128xi32, #tpu.memory_space<vmem>> -> memref<128xi32, #tpu.memory_space<vmem>>
    %dma_start3A_51 = arith.constant 0 : i32
    %dma_start3A_52 = arith.constant 0 : i32
    %dma_start3A_53 = tpu.memref_slice %arg4[%dma_start3A_51, %dma_start3A_52] : memref<1000012x16xf32, #tpu.memory_space<hbm>> -> memref<1000012x16xf32, #tpu.memory_space<hbm>>
    tpu.enqueue_indirect_dma source(%dma_start3A_53 : memref<1000012x16xf32, #tpu.memory_space<hbm>>) target(%dma_start3A_47 : memref<128x16xf32, #tpu.memory_space<vmem>>) offsets(%dma_start3A_50 : memref<128xi32, #tpu.memory_space<vmem>>) semaphore(%arg10 : memref<!tpu.dma_semaphore, #tpu.memory_space<semaphore_mem>>) {add = true}
    %dma_start3A_54 = arith.constant 4 : i32
    %dma_start3A_55 = arith.constant 0 : i32
    %dma_start3A_56 = arith.constant 0 : i32
    %dma_start3A_57 = tpu.memref_slice %arg8[%dma_start3A_55, %dma_start3A_56] : memref<512x16xf32, #tpu.memory_space<vmem>> -> memref<128x16xf32, #tpu.memory_space<vmem>>
    %dma_start3A_58 = arith.constant 0 : i32
    %dma_start3A_59 = tpu.memref_slice %arg7[%dma_start3A_54, %dma_start3A_58] : memref<26x512xi32, #tpu.memory_space<vmem>> -> memref<1x128xi32, #tpu.memory_space<vmem>>
    %dma_start3A_60 = tpu.memref_squeeze %dma_start3A_59 : memref<1x128xi32, #tpu.memory_space<vmem>> -> memref<128xi32, #tpu.memory_space<vmem>>
    %dma_start3A_61 = arith.constant 0 : i32
    %dma_start3A_62 = arith.constant 0 : i32
    %dma_start3A_63 = tpu.memref_slice %arg4[%dma_start3A_61, %dma_start3A_62] : memref<1000012x16xf32, #tpu.memory_space<hbm>> -> memref<1000012x16xf32, #tpu.memory_space<hbm>>
    tpu.enqueue_indirect_dma source(%dma_start3A_63 : memref<1000012x16xf32, #tpu.memory_space<hbm>>) target(%dma_start3A_57 : memref<128x16xf32, #tpu.memory_space<vmem>>) offsets(%dma_start3A_60 : memref<128xi32, #tpu.memory_space<vmem>>) semaphore(%arg10 : memref<!tpu.dma_semaphore, #tpu.memory_space<semaphore_mem>>) {add = true}
    %dma_start3A_64 = arith.constant 5 : i32
    %dma_start3A_65 = arith.constant 0 : i32
    %dma_start3A_66 = arith.constant 0 : i32
    %dma_start3A_67 = tpu.memref_slice %arg8[%dma_start3A_65, %dma_start3A_66] : memref<512x16xf32, #tpu.memory_space<vmem>> -> memref<128x16xf32, #tpu.memory_space<vmem>>
    %dma_start3A_68 = arith.constant 0 : i32
    %dma_start3A_69 = tpu.memref_slice %arg7[%dma_start3A_64, %dma_start3A_68] : memref<26x512xi32, #tpu.memory_space<vmem>> -> memref<1x128xi32, #tpu.memory_space<vmem>>
    %dma_start3A_70 = tpu.memref_squeeze %dma_start3A_69 : memref<1x128xi32, #tpu.memory_space<vmem>> -> memref<128xi32, #tpu.memory_space<vmem>>
    %dma_start3A_71 = arith.constant 0 : i32
    %dma_start3A_72 = arith.constant 0 : i32
    %dma_start3A_73 = tpu.memref_slice %arg4[%dma_start3A_71, %dma_start3A_72] : memref<1000012x16xf32, #tpu.memory_space<hbm>> -> memref<1000012x16xf32, #tpu.memory_space<hbm>>
    tpu.enqueue_indirect_dma source(%dma_start3A_73 : memref<1000012x16xf32, #tpu.memory_space<hbm>>) target(%dma_start3A_67 : memref<128x16xf32, #tpu.memory_space<vmem>>) offsets(%dma_start3A_70 : memref<128xi32, #tpu.memory_space<vmem>>) semaphore(%arg10 : memref<!tpu.dma_semaphore, #tpu.memory_space<semaphore_mem>>) {add = true}
    %dma_start3A_74 = arith.constant 6 : i32
    %dma_start3A_75 = arith.constant 0 : i32
    %dma_start3A_76 = arith.constant 0 : i32
    %dma_start3A_77 = tpu.memref_slice %arg8[%dma_start3A_75, %dma_start3A_76] : memref<512x16xf32, #tpu.memory_space<vmem>> -> memref<128x16xf32, #tpu.memory_space<vmem>>
    %dma_start3A_78 = arith.constant 0 : i32
    %dma_start3A_79 = tpu.memref_slice %arg7[%dma_start3A_74, %dma_start3A_78] : memref<26x512xi32, #tpu.memory_space<vmem>> -> memref<1x128xi32, #tpu.memory_space<vmem>>
    %dma_start3A_80 = tpu.memref_squeeze %dma_start3A_79 : memref<1x128xi32, #tpu.memory_space<vmem>> -> memref<128xi32, #tpu.memory_space<vmem>>
    %dma_start3A_81 = arith.constant 0 : i32
    %dma_start3A_82 = arith.constant 0 : i32
    %dma_start3A_83 = tpu.memref_slice %arg4[%dma_start3A_81, %dma_start3A_82] : memref<1000012x16xf32, #tpu.memory_space<hbm>> -> memref<1000012x16xf32, #tpu.memory_space<hbm>>
    tpu.enqueue_indirect_dma source(%dma_start3A_83 : memref<1000012x16xf32, #tpu.memory_space<hbm>>) target(%dma_start3A_77 : memref<128x16xf32, #tpu.memory_space<vmem>>) offsets(%dma_start3A_80 : memref<128xi32, #tpu.memory_space<vmem>>) semaphore(%arg10 : memref<!tpu.dma_semaphore, #tpu.memory_space<semaphore_mem>>) {add = true}
    %dma_start3A_84 = arith.constant 7 : i32
    %dma_start3A_85 = arith.constant 0 : i32
    %dma_start3A_86 = arith.constant 0 : i32
    %dma_start3A_87 = tpu.memref_slice %arg8[%dma_start3A_85, %dma_start3A_86] : memref<512x16xf32, #tpu.memory_space<vmem>> -> memref<128x16xf32, #tpu.memory_space<vmem>>
    %dma_start3A_88 = arith.constant 0 : i32
    %dma_start3A_89 = tpu.memref_slice %arg7[%dma_start3A_84, %dma_start3A_88] : memref<26x512xi32, #tpu.memory_space<vmem>> -> memref<1x128xi32, #tpu.memory_space<vmem>>
    %dma_start3A_90 = tpu.memref_squeeze %dma_start3A_89 : memref<1x128xi32, #tpu.memory_space<vmem>> -> memref<128xi32, #tpu.memory_space<vmem>>
    %dma_start3A_91 = arith.constant 0 : i32
    %dma_start3A_92 = arith.constant 0 : i32
    %dma_start3A_93 = tpu.memref_slice %arg4[%dma_start3A_91, %dma_start3A_92] : memref<1000012x16xf32, #tpu.memory_space<hbm>> -> memref<1000012x16xf32, #tpu.memory_space<hbm>>
    tpu.enqueue_indirect_dma source(%dma_start3A_93 : memref<1000012x16xf32, #tpu.memory_space<hbm>>) target(%dma_start3A_87 : memref<128x16xf32, #tpu.memory_space<vmem>>) offsets(%dma_start3A_90 : memref<128xi32, #tpu.memory_space<vmem>>) semaphore(%arg10 : memref<!tpu.dma_semaphore, #tpu.memory_space<semaphore_mem>>) {add = true}
    %dma_start3A_94 = arith.constant 8 : i32
    %dma_start3A_95 = arith.constant 0 : i32
    %dma_start3A_96 = arith.constant 0 : i32
    %dma_start3A_97 = tpu.memref_slice %arg8[%dma_start3A_95, %dma_start3A_96] : memref<512x16xf32, #tpu.memory_space<vmem>> -> memref<128x16xf32, #tpu.memory_space<vmem>>
    %dma_start3A_98 = arith.constant 0 : i32
    %dma_start3A_99 = tpu.memref_slice %arg7[%dma_start3A_94, %dma_start3A_98] : memref<26x512xi32, #tpu.memory_space<vmem>> -> memref<1x128xi32, #tpu.memory_space<vmem>>
    %dma_start3A_100 = tpu.memref_squeeze %dma_start3A_99 : memref<1x128xi32, #tpu.memory_space<vmem>> -> memref<128xi32, #tpu.memory_space<vmem>>
    %dma_start3A_101 = arith.constant 0 : i32
    %dma_start3A_102 = arith.constant 0 : i32
    %dma_start3A_103 = tpu.memref_slice %arg4[%dma_start3A_101, %dma_start3A_102] : memref<1000012x16xf32, #tpu.memory_space<hbm>> -> memref<1000012x16xf32, #tpu.memory_space<hbm>>
    tpu.enqueue_indirect_dma source(%dma_start3A_103 : memref<1000012x16xf32, #tpu.memory_space<hbm>>) target(%dma_start3A_97 : memref<128x16xf32, #tpu.memory_space<vmem>>) offsets(%dma_start3A_100 : memref<128xi32, #tpu.memory_space<vmem>>) semaphore(%arg10 : memref<!tpu.dma_semaphore, #tpu.memory_space<semaphore_mem>>) {add = true}
    %dma_start3A_104 = arith.constant 9 : i32
    %dma_start3A_105 = arith.constant 0 : i32
    %dma_start3A_106 = arith.constant 0 : i32
    %dma_start3A_107 = tpu.memref_slice %arg8[%dma_start3A_105, %dma_start3A_106] : memref<512x16xf32, #tpu.memory_space<vmem>> -> memref<128x16xf32, #tpu.memory_space<vmem>>
    %dma_start3A_108 = arith.constant 0 : i32
    %dma_start3A_109 = tpu.memref_slice %arg7[%dma_start3A_104, %dma_start3A_108] : memref<26x512xi32, #tpu.memory_space<vmem>> -> memref<1x128xi32, #tpu.memory_space<vmem>>
    %dma_start3A_110 = tpu.memref_squeeze %dma_start3A_109 : memref<1x128xi32, #tpu.memory_space<vmem>> -> memref<128xi32, #tpu.memory_space<vmem>>
    %dma_start3A_111 = arith.constant 0 : i32
    %dma_start3A_112 = arith.constant 0 : i32
    %dma_start3A_113 = tpu.memref_slice %arg4[%dma_start3A_111, %dma_start3A_112] : memref<1000012x16xf32, #tpu.memory_space<hbm>> -> memref<1000012x16xf32, #tpu.memory_space<hbm>>
    tpu.enqueue_indirect_dma source(%dma_start3A_113 : memref<1000012x16xf32, #tpu.memory_space<hbm>>) target(%dma_start3A_107 : memref<128x16xf32, #tpu.memory_space<vmem>>) offsets(%dma_start3A_110 : memref<128xi32, #tpu.memory_space<vmem>>) semaphore(%arg10 : memref<!tpu.dma_semaphore, #tpu.memory_space<semaphore_mem>>) {add = true}
    %dma_start3A_114 = arith.constant 10 : i32
    %dma_start3A_115 = arith.constant 0 : i32
    %dma_start3A_116 = arith.constant 0 : i32
    %dma_start3A_117 = tpu.memref_slice %arg8[%dma_start3A_115, %dma_start3A_116] : memref<512x16xf32, #tpu.memory_space<vmem>> -> memref<128x16xf32, #tpu.memory_space<vmem>>
    %dma_start3A_118 = arith.constant 0 : i32
    %dma_start3A_119 = tpu.memref_slice %arg7[%dma_start3A_114, %dma_start3A_118] : memref<26x512xi32, #tpu.memory_space<vmem>> -> memref<1x128xi32, #tpu.memory_space<vmem>>
    %dma_start3A_120 = tpu.memref_squeeze %dma_start3A_119 : memref<1x128xi32, #tpu.memory_space<vmem>> -> memref<128xi32, #tpu.memory_space<vmem>>
    %dma_start3A_121 = arith.constant 0 : i32
    %dma_start3A_122 = arith.constant 0 : i32
    %dma_start3A_123 = tpu.memref_slice %arg4[%dma_start3A_121, %dma_start3A_122] : memref<1000012x16xf32, #tpu.memory_space<hbm>> -> memref<1000012x16xf32, #tpu.memory_space<hbm>>
    tpu.enqueue_indirect_dma source(%dma_start3A_123 : memref<1000012x16xf32, #tpu.memory_space<hbm>>) target(%dma_start3A_117 : memref<128x16xf32, #tpu.memory_space<vmem>>) offsets(%dma_start3A_120 : memref<128xi32, #tpu.memory_space<vmem>>) semaphore(%arg10 : memref<!tpu.dma_semaphore, #tpu.memory_space<semaphore_mem>>) {add = true}
    %dma_start3A_124 = arith.constant 11 : i32
    %dma_start3A_125 = arith.constant 0 : i32
    %dma_start3A_126 = arith.constant 0 : i32
    %dma_start3A_127 = tpu.memref_slice %arg8[%dma_start3A_125, %dma_start3A_126] : memref<512x16xf32, #tpu.memory_space<vmem>> -> memref<128x16xf32, #tpu.memory_space<vmem>>
    %dma_start3A_128 = arith.constant 0 : i32
    %dma_start3A_129 = tpu.memref_slice %arg7[%dma_start3A_124, %dma_start3A_128] : memref<26x512xi32, #tpu.memory_space<vmem>> -> memref<1x128xi32, #tpu.memory_space<vmem>>
    %dma_start3A_130 = tpu.memref_squeeze %dma_start3A_129 : memref<1x128xi32, #tpu.memory_space<vmem>> -> memref<128xi32, #tpu.memory_space<vmem>>
    %dma_start3A_131 = arith.constant 0 : i32
    %dma_start3A_132 = arith.constant 0 : i32
    %dma_start3A_133 = tpu.memref_slice %arg4[%dma_start3A_131, %dma_start3A_132] : memref<1000012x16xf32, #tpu.memory_space<hbm>> -> memref<1000012x16xf32, #tpu.memory_space<hbm>>
    tpu.enqueue_indirect_dma source(%dma_start3A_133 : memref<1000012x16xf32, #tpu.memory_space<hbm>>) target(%dma_start3A_127 : memref<128x16xf32, #tpu.memory_space<vmem>>) offsets(%dma_start3A_130 : memref<128xi32, #tpu.memory_space<vmem>>) semaphore(%arg10 : memref<!tpu.dma_semaphore, #tpu.memory_space<semaphore_mem>>) {add = true}
    %dma_start3A_134 = arith.constant 12 : i32
    %dma_start3A_135 = arith.constant 0 : i32
    %dma_start3A_136 = arith.constant 0 : i32
    %dma_start3A_137 = tpu.memref_slice %arg8[%dma_start3A_135, %dma_start3A_136] : memref<512x16xf32, #tpu.memory_space<vmem>> -> memref<128x16xf32, #tpu.memory_space<vmem>>
    %dma_start3A_138 = arith.constant 0 : i32
    %dma_start3A_139 = tpu.memref_slice %arg7[%dma_start3A_134, %dma_start3A_138] : memref<26x512xi32, #tpu.memory_space<vmem>> -> memref<1x128xi32, #tpu.memory_space<vmem>>
    %dma_start3A_140 = tpu.memref_squeeze %dma_start3A_139 : memref<1x128xi32, #tpu.memory_space<vmem>> -> memref<128xi32, #tpu.memory_space<vmem>>
    %dma_start3A_141 = arith.constant 0 : i32
    %dma_start3A_142 = arith.constant 0 : i32
    %dma_start3A_143 = tpu.memref_slice %arg4[%dma_start3A_141, %dma_start3A_142] : memref<1000012x16xf32, #tpu.memory_space<hbm>> -> memref<1000012x16xf32, #tpu.memory_space<hbm>>
    tpu.enqueue_indirect_dma source(%dma_start3A_143 : memref<1000012x16xf32, #tpu.memory_space<hbm>>) target(%dma_start3A_137 : memref<128x16xf32, #tpu.memory_space<vmem>>) offsets(%dma_start3A_140 : memref<128xi32, #tpu.memory_space<vmem>>) semaphore(%arg10 : memref<!tpu.dma_semaphore, #tpu.memory_space<semaphore_mem>>) {add = true}
    %dma_start3A_144 = arith.constant 13 : i32
    %dma_start3A_145 = arith.constant 0 : i32
    %dma_start3A_146 = arith.constant 0 : i32
    %dma_start3A_147 = tpu.memref_slice %arg8[%dma_start3A_145, %dma_start3A_146] : memref<512x16xf32, #tpu.memory_space<vmem>> -> memref<128x16xf32, #tpu.memory_space<vmem>>
    %dma_start3A_148 = arith.constant 0 : i32
    %dma_start3A_149 = tpu.memref_slice %arg7[%dma_start3A_144, %dma_start3A_148] : memref<26x512xi32, #tpu.memory_space<vmem>> -> memref<1x128xi32, #tpu.memory_space<vmem>>
    %dma_start3A_150 = tpu.memref_squeeze %dma_start3A_149 : memref<1x128xi32, #tpu.memory_space<vmem>> -> memref<128xi32, #tpu.memory_space<vmem>>
    %dma_start3A_151 = arith.constant 0 : i32
    %dma_start3A_152 = arith.constant 0 : i32
    %dma_start3A_153 = tpu.memref_slice %arg4[%dma_start3A_151, %dma_start3A_152] : memref<1000012x16xf32, #tpu.memory_space<hbm>> -> memref<1000012x16xf32, #tpu.memory_space<hbm>>
    tpu.enqueue_indirect_dma source(%dma_start3A_153 : memref<1000012x16xf32, #tpu.memory_space<hbm>>) target(%dma_start3A_147 : memref<128x16xf32, #tpu.memory_space<vmem>>) offsets(%dma_start3A_150 : memref<128xi32, #tpu.memory_space<vmem>>) semaphore(%arg10 : memref<!tpu.dma_semaphore, #tpu.memory_space<semaphore_mem>>) {add = true}
    %dma_start3A_154 = arith.constant 14 : i32
    %dma_start3A_155 = arith.constant 0 : i32
    %dma_start3A_156 = arith.constant 0 : i32
    %dma_start3A_157 = tpu.memref_slice %arg8[%dma_start3A_155, %dma_start3A_156] : memref<512x16xf32, #tpu.memory_space<vmem>> -> memref<128x16xf32, #tpu.memory_space<vmem>>
    %dma_start3A_158 = arith.constant 0 : i32
    %dma_start3A_159 = tpu.memref_slice %arg7[%dma_start3A_154, %dma_start3A_158] : memref<26x512xi32, #tpu.memory_space<vmem>> -> memref<1x128xi32, #tpu.memory_space<vmem>>
    %dma_start3A_160 = tpu.memref_squeeze %dma_start3A_159 : memref<1x128xi32, #tpu.memory_space<vmem>> -> memref<128xi32, #tpu.memory_space<vmem>>
    %dma_start3A_161 = arith.constant 0 : i32
    %dma_start3A_162 = arith.constant 0 : i32
    %dma_start3A_163 = tpu.memref_slice %arg4[%dma_start3A_161, %dma_start3A_162] : memref<1000012x16xf32, #tpu.memory_space<hbm>> -> memref<1000012x16xf32, #tpu.memory_space<hbm>>
    tpu.enqueue_indirect_dma source(%dma_start3A_163 : memref<1000012x16xf32, #tpu.memory_space<hbm>>) target(%dma_start3A_157 : memref<128x16xf32, #tpu.memory_space<vmem>>) offsets(%dma_start3A_160 : memref<128xi32, #tpu.memory_space<vmem>>) semaphore(%arg10 : memref<!tpu.dma_semaphore, #tpu.memory_space<semaphore_mem>>) {add = true}
    %dma_start3A_164 = arith.constant 15 : i32
    %dma_start3A_165 = arith.constant 0 : i32
    %dma_start3A_166 = arith.constant 0 : i32
    %dma_start3A_167 = tpu.memref_slice %arg8[%dma_start3A_165, %dma_start3A_166] : memref<512x16xf32, #tpu.memory_space<vmem>> -> memref<128x16xf32, #tpu.memory_space<vmem>>
    %dma_start3A_168 = arith.constant 0 : i32
    %dma_start3A_169 = tpu.memref_slice %arg7[%dma_start3A_164, %dma_start3A_168] : memref<26x512xi32, #tpu.memory_space<vmem>> -> memref<1x128xi32, #tpu.memory_space<vmem>>
    %dma_start3A_170 = tpu.memref_squeeze %dma_start3A_169 : memref<1x128xi32, #tpu.memory_space<vmem>> -> memref<128xi32, #tpu.memory_space<vmem>>
    %dma_start3A_171 = arith.constant 0 : i32
    %dma_start3A_172 = arith.constant 0 : i32
    %dma_start3A_173 = tpu.memref_slice %arg4[%dma_start3A_171, %dma_start3A_172] : memref<1000012x16xf32, #tpu.memory_space<hbm>> -> memref<1000012x16xf32, #tpu.memory_space<hbm>>
    tpu.enqueue_indirect_dma source(%dma_start3A_173 : memref<1000012x16xf32, #tpu.memory_space<hbm>>) target(%dma_start3A_167 : memref<128x16xf32, #tpu.memory_space<vmem>>) offsets(%dma_start3A_170 : memref<128xi32, #tpu.memory_space<vmem>>) semaphore(%arg10 : memref<!tpu.dma_semaphore, #tpu.memory_space<semaphore_mem>>) {add = true}
    %dma_start3A_174 = arith.constant 16 : i32
    %dma_start3A_175 = arith.constant 0 : i32
    %dma_start3A_176 = arith.constant 0 : i32
    %dma_start3A_177 = tpu.memref_slice %arg8[%dma_start3A_175, %dma_start3A_176] : memref<512x16xf32, #tpu.memory_space<vmem>> -> memref<128x16xf32, #tpu.memory_space<vmem>>
    %dma_start3A_178 = arith.constant 0 : i32
    %dma_start3A_179 = tpu.memref_slice %arg7[%dma_start3A_174, %dma_start3A_178] : memref<26x512xi32, #tpu.memory_space<vmem>> -> memref<1x128xi32, #tpu.memory_space<vmem>>
    %dma_start3A_180 = tpu.memref_squeeze %dma_start3A_179 : memref<1x128xi32, #tpu.memory_space<vmem>> -> memref<128xi32, #tpu.memory_space<vmem>>
    %dma_start3A_181 = arith.constant 0 : i32
    %dma_start3A_182 = arith.constant 0 : i32
    %dma_start3A_183 = tpu.memref_slice %arg4[%dma_start3A_181, %dma_start3A_182] : memref<1000012x16xf32, #tpu.memory_space<hbm>> -> memref<1000012x16xf32, #tpu.memory_space<hbm>>
    tpu.enqueue_indirect_dma source(%dma_start3A_183 : memref<1000012x16xf32, #tpu.memory_space<hbm>>) target(%dma_start3A_177 : memref<128x16xf32, #tpu.memory_space<vmem>>) offsets(%dma_start3A_180 : memref<128xi32, #tpu.memory_space<vmem>>) semaphore(%arg10 : memref<!tpu.dma_semaphore, #tpu.memory_space<semaphore_mem>>) {add = true}
    %dma_start3A_184 = arith.constant 17 : i32
    %dma_start3A_185 = arith.constant 0 : i32
    %dma_start3A_186 = arith.constant 0 : i32
    %dma_start3A_187 = tpu.memref_slice %arg8[%dma_start3A_185, %dma_start3A_186] : memref<512x16xf32, #tpu.memory_space<vmem>> -> memref<128x16xf32, #tpu.memory_space<vmem>>
    %dma_start3A_188 = arith.constant 0 : i32
    %dma_start3A_189 = tpu.memref_slice %arg7[%dma_start3A_184, %dma_start3A_188] : memref<26x512xi32, #tpu.memory_space<vmem>> -> memref<1x128xi32, #tpu.memory_space<vmem>>
    %dma_start3A_190 = tpu.memref_squeeze %dma_start3A_189 : memref<1x128xi32, #tpu.memory_space<vmem>> -> memref<128xi32, #tpu.memory_space<vmem>>
    %dma_start3A_191 = arith.constant 0 : i32
    %dma_start3A_192 = arith.constant 0 : i32
    %dma_start3A_193 = tpu.memref_slice %arg4[%dma_start3A_191, %dma_start3A_192] : memref<1000012x16xf32, #tpu.memory_space<hbm>> -> memref<1000012x16xf32, #tpu.memory_space<hbm>>
    tpu.enqueue_indirect_dma source(%dma_start3A_193 : memref<1000012x16xf32, #tpu.memory_space<hbm>>) target(%dma_start3A_187 : memref<128x16xf32, #tpu.memory_space<vmem>>) offsets(%dma_start3A_190 : memref<128xi32, #tpu.memory_space<vmem>>) semaphore(%arg10 : memref<!tpu.dma_semaphore, #tpu.memory_space<semaphore_mem>>) {add = true}
    %dma_start3A_194 = arith.constant 18 : i32
    %dma_start3A_195 = arith.constant 0 : i32
    %dma_start3A_196 = arith.constant 0 : i32
    %dma_start3A_197 = tpu.memref_slice %arg8[%dma_start3A_195, %dma_start3A_196] : memref<512x16xf32, #tpu.memory_space<vmem>> -> memref<128x16xf32, #tpu.memory_space<vmem>>
    %dma_start3A_198 = arith.constant 0 : i32
    %dma_start3A_199 = tpu.memref_slice %arg7[%dma_start3A_194, %dma_start3A_198] : memref<26x512xi32, #tpu.memory_space<vmem>> -> memref<1x128xi32, #tpu.memory_space<vmem>>
    %dma_start3A_200 = tpu.memref_squeeze %dma_start3A_199 : memref<1x128xi32, #tpu.memory_space<vmem>> -> memref<128xi32, #tpu.memory_space<vmem>>
    %dma_start3A_201 = arith.constant 0 : i32
    %dma_start3A_202 = arith.constant 0 : i32
    %dma_start3A_203 = tpu.memref_slice %arg4[%dma_start3A_201, %dma_start3A_202] : memref<1000012x16xf32, #tpu.memory_space<hbm>> -> memref<1000012x16xf32, #tpu.memory_space<hbm>>
    tpu.enqueue_indirect_dma source(%dma_start3A_203 : memref<1000012x16xf32, #tpu.memory_space<hbm>>) target(%dma_start3A_197 : memref<128x16xf32, #tpu.memory_space<vmem>>) offsets(%dma_start3A_200 : memref<128xi32, #tpu.memory_space<vmem>>) semaphore(%arg10 : memref<!tpu.dma_semaphore, #tpu.memory_space<semaphore_mem>>) {add = true}
    %dma_start3A_204 = arith.constant 19 : i32
    %dma_start3A_205 = arith.constant 0 : i32
    %dma_start3A_206 = arith.constant 0 : i32
    %dma_start3A_207 = tpu.memref_slice %arg8[%dma_start3A_205, %dma_start3A_206] : memref<512x16xf32, #tpu.memory_space<vmem>> -> memref<128x16xf32, #tpu.memory_space<vmem>>
    %dma_start3A_208 = arith.constant 0 : i32
    %dma_start3A_209 = tpu.memref_slice %arg7[%dma_start3A_204, %dma_start3A_208] : memref<26x512xi32, #tpu.memory_space<vmem>> -> memref<1x128xi32, #tpu.memory_space<vmem>>
    %dma_start3A_210 = tpu.memref_squeeze %dma_start3A_209 : memref<1x128xi32, #tpu.memory_space<vmem>> -> memref<128xi32, #tpu.memory_space<vmem>>
    %dma_start3A_211 = arith.constant 0 : i32
    %dma_start3A_212 = arith.constant 0 : i32
    %dma_start3A_213 = tpu.memref_slice %arg4[%dma_start3A_211, %dma_start3A_212] : memref<1000012x16xf32, #tpu.memory_space<hbm>> -> memref<1000012x16xf32, #tpu.memory_space<hbm>>
    tpu.enqueue_indirect_dma source(%dma_start3A_213 : memref<1000012x16xf32, #tpu.memory_space<hbm>>) target(%dma_start3A_207 : memref<128x16xf32, #tpu.memory_space<vmem>>) offsets(%dma_start3A_210 : memref<128xi32, #tpu.memory_space<vmem>>) semaphore(%arg10 : memref<!tpu.dma_semaphore, #tpu.memory_space<semaphore_mem>>) {add = true}
    %dma_start3A_214 = arith.constant 20 : i32
    %dma_start3A_215 = arith.constant 0 : i32
    %dma_start3A_216 = arith.constant 0 : i32
    %dma_start3A_217 = tpu.memref_slice %arg8[%dma_start3A_215, %dma_start3A_216] : memref<512x16xf32, #tpu.memory_space<vmem>> -> memref<128x16xf32, #tpu.memory_space<vmem>>
    %dma_start3A_218 = arith.constant 0 : i32
    %dma_start3A_219 = tpu.memref_slice %arg7[%dma_start3A_214, %dma_start3A_218] : memref<26x512xi32, #tpu.memory_space<vmem>> -> memref<1x128xi32, #tpu.memory_space<vmem>>
    %dma_start3A_220 = tpu.memref_squeeze %dma_start3A_219 : memref<1x128xi32, #tpu.memory_space<vmem>> -> memref<128xi32, #tpu.memory_space<vmem>>
    %dma_start3A_221 = arith.constant 0 : i32
    %dma_start3A_222 = arith.constant 0 : i32
    %dma_start3A_223 = tpu.memref_slice %arg4[%dma_start3A_221, %dma_start3A_222] : memref<1000012x16xf32, #tpu.memory_space<hbm>> -> memref<1000012x16xf32, #tpu.memory_space<hbm>>
    tpu.enqueue_indirect_dma source(%dma_start3A_223 : memref<1000012x16xf32, #tpu.memory_space<hbm>>) target(%dma_start3A_217 : memref<128x16xf32, #tpu.memory_space<vmem>>) offsets(%dma_start3A_220 : memref<128xi32, #tpu.memory_space<vmem>>) semaphore(%arg10 : memref<!tpu.dma_semaphore, #tpu.memory_space<semaphore_mem>>) {add = true}
    %dma_start3A_224 = arith.constant 21 : i32
    %dma_start3A_225 = arith.constant 0 : i32
    %dma_start3A_226 = arith.constant 0 : i32
    %dma_start3A_227 = tpu.memref_slice %arg8[%dma_start3A_225, %dma_start3A_226] : memref<512x16xf32, #tpu.memory_space<vmem>> -> memref<128x16xf32, #tpu.memory_space<vmem>>
    %dma_start3A_228 = arith.constant 0 : i32
    %dma_start3A_229 = tpu.memref_slice %arg7[%dma_start3A_224, %dma_start3A_228] : memref<26x512xi32, #tpu.memory_space<vmem>> -> memref<1x128xi32, #tpu.memory_space<vmem>>
    %dma_start3A_230 = tpu.memref_squeeze %dma_start3A_229 : memref<1x128xi32, #tpu.memory_space<vmem>> -> memref<128xi32, #tpu.memory_space<vmem>>
    %dma_start3A_231 = arith.constant 0 : i32
    %dma_start3A_232 = arith.constant 0 : i32
    %dma_start3A_233 = tpu.memref_slice %arg4[%dma_start3A_231, %dma_start3A_232] : memref<1000012x16xf32, #tpu.memory_space<hbm>> -> memref<1000012x16xf32, #tpu.memory_space<hbm>>
    tpu.enqueue_indirect_dma source(%dma_start3A_233 : memref<1000012x16xf32, #tpu.memory_space<hbm>>) target(%dma_start3A_227 : memref<128x16xf32, #tpu.memory_space<vmem>>) offsets(%dma_start3A_230 : memref<128xi32, #tpu.memory_space<vmem>>) semaphore(%arg10 : memref<!tpu.dma_semaphore, #tpu.memory_space<semaphore_mem>>) {add = true}
    %dma_start3A_234 = arith.constant 22 : i32
    %dma_start3A_235 = arith.constant 0 : i32
    %dma_start3A_236 = arith.constant 0 : i32
    %dma_start3A_237 = tpu.memref_slice %arg8[%dma_start3A_235, %dma_start3A_236] : memref<512x16xf32, #tpu.memory_space<vmem>> -> memref<128x16xf32, #tpu.memory_space<vmem>>
    %dma_start3A_238 = arith.constant 0 : i32
    %dma_start3A_239 = tpu.memref_slice %arg7[%dma_start3A_234, %dma_start3A_238] : memref<26x512xi32, #tpu.memory_space<vmem>> -> memref<1x128xi32, #tpu.memory_space<vmem>>
    %dma_start3A_240 = tpu.memref_squeeze %dma_start3A_239 : memref<1x128xi32, #tpu.memory_space<vmem>> -> memref<128xi32, #tpu.memory_space<vmem>>
    %dma_start3A_241 = arith.constant 0 : i32
    %dma_start3A_242 = arith.constant 0 : i32
    %dma_start3A_243 = tpu.memref_slice %arg4[%dma_start3A_241, %dma_start3A_242] : memref<1000012x16xf32, #tpu.memory_space<hbm>> -> memref<1000012x16xf32, #tpu.memory_space<hbm>>
    tpu.enqueue_indirect_dma source(%dma_start3A_243 : memref<1000012x16xf32, #tpu.memory_space<hbm>>) target(%dma_start3A_237 : memref<128x16xf32, #tpu.memory_space<vmem>>) offsets(%dma_start3A_240 : memref<128xi32, #tpu.memory_space<vmem>>) semaphore(%arg10 : memref<!tpu.dma_semaphore, #tpu.memory_space<semaphore_mem>>) {add = true}
    %dma_start3A_244 = arith.constant 23 : i32
    %dma_start3A_245 = arith.constant 0 : i32
    %dma_start3A_246 = arith.constant 0 : i32
    %dma_start3A_247 = tpu.memref_slice %arg8[%dma_start3A_245, %dma_start3A_246] : memref<512x16xf32, #tpu.memory_space<vmem>> -> memref<128x16xf32, #tpu.memory_space<vmem>>
    %dma_start3A_248 = arith.constant 0 : i32
    %dma_start3A_249 = tpu.memref_slice %arg7[%dma_start3A_244, %dma_start3A_248] : memref<26x512xi32, #tpu.memory_space<vmem>> -> memref<1x128xi32, #tpu.memory_space<vmem>>
    %dma_start3A_250 = tpu.memref_squeeze %dma_start3A_249 : memref<1x128xi32, #tpu.memory_space<vmem>> -> memref<128xi32, #tpu.memory_space<vmem>>
    %dma_start3A_251 = arith.constant 0 : i32
    %dma_start3A_252 = arith.constant 0 : i32
    %dma_start3A_253 = tpu.memref_slice %arg4[%dma_start3A_251, %dma_start3A_252] : memref<1000012x16xf32, #tpu.memory_space<hbm>> -> memref<1000012x16xf32, #tpu.memory_space<hbm>>
    tpu.enqueue_indirect_dma source(%dma_start3A_253 : memref<1000012x16xf32, #tpu.memory_space<hbm>>) target(%dma_start3A_247 : memref<128x16xf32, #tpu.memory_space<vmem>>) offsets(%dma_start3A_250 : memref<128xi32, #tpu.memory_space<vmem>>) semaphore(%arg10 : memref<!tpu.dma_semaphore, #tpu.memory_space<semaphore_mem>>) {add = true}
    %dma_start3A_254 = arith.constant 24 : i32
    %dma_start3A_255 = arith.constant 0 : i32
    %dma_start3A_256 = arith.constant 0 : i32
    %dma_start3A_257 = tpu.memref_slice %arg8[%dma_start3A_255, %dma_start3A_256] : memref<512x16xf32, #tpu.memory_space<vmem>> -> memref<128x16xf32, #tpu.memory_space<vmem>>
    %dma_start3A_258 = arith.constant 0 : i32
    %dma_start3A_259 = tpu.memref_slice %arg7[%dma_start3A_254, %dma_start3A_258] : memref<26x512xi32, #tpu.memory_space<vmem>> -> memref<1x128xi32, #tpu.memory_space<vmem>>
    %dma_start3A_260 = tpu.memref_squeeze %dma_start3A_259 : memref<1x128xi32, #tpu.memory_space<vmem>> -> memref<128xi32, #tpu.memory_space<vmem>>
    %dma_start3A_261 = arith.constant 0 : i32
    %dma_start3A_262 = arith.constant 0 : i32
    %dma_start3A_263 = tpu.memref_slice %arg4[%dma_start3A_261, %dma_start3A_262] : memref<1000012x16xf32, #tpu.memory_space<hbm>> -> memref<1000012x16xf32, #tpu.memory_space<hbm>>
    tpu.enqueue_indirect_dma source(%dma_start3A_263 : memref<1000012x16xf32, #tpu.memory_space<hbm>>) target(%dma_start3A_257 : memref<128x16xf32, #tpu.memory_space<vmem>>) offsets(%dma_start3A_260 : memref<128xi32, #tpu.memory_space<vmem>>) semaphore(%arg10 : memref<!tpu.dma_semaphore, #tpu.memory_space<semaphore_mem>>) {add = true}
    %dma_start3A_264 = arith.constant 25 : i32
    %dma_start3A_265 = arith.constant 0 : i32
    %dma_start3A_266 = arith.constant 0 : i32
    %dma_start3A_267 = tpu.memref_slice %arg8[%dma_start3A_265, %dma_start3A_266] : memref<512x16xf32, #tpu.memory_space<vmem>> -> memref<128x16xf32, #tpu.memory_space<vmem>>
    %dma_start3A_268 = arith.constant 0 : i32
    %dma_start3A_269 = tpu.memref_slice %arg7[%dma_start3A_264, %dma_start3A_268] : memref<26x512xi32, #tpu.memory_space<vmem>> -> memref<1x128xi32, #tpu.memory_space<vmem>>
    %dma_start3A_270 = tpu.memref_squeeze %dma_start3A_269 : memref<1x128xi32, #tpu.memory_space<vmem>> -> memref<128xi32, #tpu.memory_space<vmem>>
    %dma_start3A_271 = arith.constant 0 : i32
    %dma_start3A_272 = arith.constant 0 : i32
    %dma_start3A_273 = tpu.memref_slice %arg4[%dma_start3A_271, %dma_start3A_272] : memref<1000012x16xf32, #tpu.memory_space<hbm>> -> memref<1000012x16xf32, #tpu.memory_space<hbm>>
    tpu.enqueue_indirect_dma source(%dma_start3A_273 : memref<1000012x16xf32, #tpu.memory_space<hbm>>) target(%dma_start3A_267 : memref<128x16xf32, #tpu.memory_space<vmem>>) offsets(%dma_start3A_270 : memref<128xi32, #tpu.memory_space<vmem>>) semaphore(%arg10 : memref<!tpu.dma_semaphore, #tpu.memory_space<semaphore_mem>>) {add = true}
    %dma_start3A_274 = arith.constant 0 : i32
    %dma_start3A_275 = arith.constant 128 : i32
    %dma_start3A_276 = arith.constant 0 : i32
    %dma_start3A_277 = tpu.memref_slice %arg8[%dma_start3A_275, %dma_start3A_276] : memref<512x16xf32, #tpu.memory_space<vmem>> -> memref<128x16xf32, #tpu.memory_space<vmem>>
    %dma_start3A_278 = arith.constant 128 : i32
    %dma_start3A_279 = tpu.memref_slice %arg7[%dma_start3A_274, %dma_start3A_278] : memref<26x512xi32, #tpu.memory_space<vmem>> -> memref<1x128xi32, #tpu.memory_space<vmem>>
    %dma_start3A_280 = tpu.memref_squeeze %dma_start3A_279 : memref<1x128xi32, #tpu.memory_space<vmem>> -> memref<128xi32, #tpu.memory_space<vmem>>
    %dma_start3A_281 = arith.constant 0 : i32
    %dma_start3A_282 = arith.constant 0 : i32
    %dma_start3A_283 = tpu.memref_slice %arg4[%dma_start3A_281, %dma_start3A_282] : memref<1000012x16xf32, #tpu.memory_space<hbm>> -> memref<1000012x16xf32, #tpu.memory_space<hbm>>
    tpu.enqueue_indirect_dma source(%dma_start3A_283 : memref<1000012x16xf32, #tpu.memory_space<hbm>>) target(%dma_start3A_277 : memref<128x16xf32, #tpu.memory_space<vmem>>) offsets(%dma_start3A_280 : memref<128xi32, #tpu.memory_space<vmem>>) semaphore(%arg10 : memref<!tpu.dma_semaphore, #tpu.memory_space<semaphore_mem>>) {add = true}
    %dma_start3A_284 = arith.constant 1 : i32
    %dma_start3A_285 = arith.constant 128 : i32
    %dma_start3A_286 = arith.constant 0 : i32
    %dma_start3A_287 = tpu.memref_slice %arg8[%dma_start3A_285, %dma_start3A_286] : memref<512x16xf32, #tpu.memory_space<vmem>> -> memref<128x16xf32, #tpu.memory_space<vmem>>
    %dma_start3A_288 = arith.constant 128 : i32
    %dma_start3A_289 = tpu.memref_slice %arg7[%dma_start3A_284, %dma_start3A_288] : memref<26x512xi32, #tpu.memory_space<vmem>> -> memref<1x128xi32, #tpu.memory_space<vmem>>
    %dma_start3A_290 = tpu.memref_squeeze %dma_start3A_289 : memref<1x128xi32, #tpu.memory_space<vmem>> -> memref<128xi32, #tpu.memory_space<vmem>>
    %dma_start3A_291 = arith.constant 0 : i32
    %dma_start3A_292 = arith.constant 0 : i32
    %dma_start3A_293 = tpu.memref_slice %arg4[%dma_start3A_291, %dma_start3A_292] : memref<1000012x16xf32, #tpu.memory_space<hbm>> -> memref<1000012x16xf32, #tpu.memory_space<hbm>>
    tpu.enqueue_indirect_dma source(%dma_start3A_293 : memref<1000012x16xf32, #tpu.memory_space<hbm>>) target(%dma_start3A_287 : memref<128x16xf32, #tpu.memory_space<vmem>>) offsets(%dma_start3A_290 : memref<128xi32, #tpu.memory_space<vmem>>) semaphore(%arg10 : memref<!tpu.dma_semaphore, #tpu.memory_space<semaphore_mem>>) {add = true}
    %dma_start3A_294 = arith.constant 2 : i32
    %dma_start3A_295 = arith.constant 128 : i32
    %dma_start3A_296 = arith.constant 0 : i32
    %dma_start3A_297 = tpu.memref_slice %arg8[%dma_start3A_295, %dma_start3A_296] : memref<512x16xf32, #tpu.memory_space<vmem>> -> memref<128x16xf32, #tpu.memory_space<vmem>>
    %dma_start3A_298 = arith.constant 128 : i32
    %dma_start3A_299 = tpu.memref_slice %arg7[%dma_start3A_294, %dma_start3A_298] : memref<26x512xi32, #tpu.memory_space<vmem>> -> memref<1x128xi32, #tpu.memory_space<vmem>>
    %dma_start3A_300 = tpu.memref_squeeze %dma_start3A_299 : memref<1x128xi32, #tpu.memory_space<vmem>> -> memref<128xi32, #tpu.memory_space<vmem>>
    %dma_start3A_301 = arith.constant 0 : i32
    %dma_start3A_302 = arith.constant 0 : i32
    %dma_start3A_303 = tpu.memref_slice %arg4[%dma_start3A_301, %dma_start3A_302] : memref<1000012x16xf32, #tpu.memory_space<hbm>> -> memref<1000012x16xf32, #tpu.memory_space<hbm>>
    tpu.enqueue_indirect_dma source(%dma_start3A_303 : memref<1000012x16xf32, #tpu.memory_space<hbm>>) target(%dma_start3A_297 : memref<128x16xf32, #tpu.memory_space<vmem>>) offsets(%dma_start3A_300 : memref<128xi32, #tpu.memory_space<vmem>>) semaphore(%arg10 : memref<!tpu.dma_semaphore, #tpu.memory_space<semaphore_mem>>) {add = true}
    %dma_start3A_304 = arith.constant 3 : i32
    %dma_start3A_305 = arith.constant 128 : i32
    %dma_start3A_306 = arith.constant 0 : i32
    %dma_start3A_307 = tpu.memref_slice %arg8[%dma_start3A_305, %dma_start3A_306] : memref<512x16xf32, #tpu.memory_space<vmem>> -> memref<128x16xf32, #tpu.memory_space<vmem>>
    %dma_start3A_308 = arith.constant 128 : i32
    %dma_start3A_309 = tpu.memref_slice %arg7[%dma_start3A_304, %dma_start3A_308] : memref<26x512xi32, #tpu.memory_space<vmem>> -> memref<1x128xi32, #tpu.memory_space<vmem>>
    %dma_start3A_310 = tpu.memref_squeeze %dma_start3A_309 : memref<1x128xi32, #tpu.memory_space<vmem>> -> memref<128xi32, #tpu.memory_space<vmem>>
    %dma_start3A_311 = arith.constant 0 : i32
    %dma_start3A_312 = arith.constant 0 : i32
    %dma_start3A_313 = tpu.memref_slice %arg4[%dma_start3A_311, %dma_start3A_312] : memref<1000012x16xf32, #tpu.memory_space<hbm>> -> memref<1000012x16xf32, #tpu.memory_space<hbm>>
    tpu.enqueue_indirect_dma source(%dma_start3A_313 : memref<1000012x16xf32, #tpu.memory_space<hbm>>) target(%dma_start3A_307 : memref<128x16xf32, #tpu.memory_space<vmem>>) offsets(%dma_start3A_310 : memref<128xi32, #tpu.memory_space<vmem>>) semaphore(%arg10 : memref<!tpu.dma_semaphore, #tpu.memory_space<semaphore_mem>>) {add = true}
    %dma_start3A_314 = arith.constant 4 : i32
    %dma_start3A_315 = arith.constant 128 : i32
    %dma_start3A_316 = arith.constant 0 : i32
    %dma_start3A_317 = tpu.memref_slice %arg8[%dma_start3A_315, %dma_start3A_316] : memref<512x16xf32, #tpu.memory_space<vmem>> -> memref<128x16xf32, #tpu.memory_space<vmem>>
    %dma_start3A_318 = arith.constant 128 : i32
    %dma_start3A_319 = tpu.memref_slice %arg7[%dma_start3A_314, %dma_start3A_318] : memref<26x512xi32, #tpu.memory_space<vmem>> -> memref<1x128xi32, #tpu.memory_space<vmem>>
    %dma_start3A_320 = tpu.memref_squeeze %dma_start3A_319 : memref<1x128xi32, #tpu.memory_space<vmem>> -> memref<128xi32, #tpu.memory_space<vmem>>
    %dma_start3A_321 = arith.constant 0 : i32
    %dma_start3A_322 = arith.constant 0 : i32
    %dma_start3A_323 = tpu.memref_slice %arg4[%dma_start3A_321, %dma_start3A_322] : memref<1000012x16xf32, #tpu.memory_space<hbm>> -> memref<1000012x16xf32, #tpu.memory_space<hbm>>
    tpu.enqueue_indirect_dma source(%dma_start3A_323 : memref<1000012x16xf32, #tpu.memory_space<hbm>>) target(%dma_start3A_317 : memref<128x16xf32, #tpu.memory_space<vmem>>) offsets(%dma_start3A_320 : memref<128xi32, #tpu.memory_space<vmem>>) semaphore(%arg10 : memref<!tpu.dma_semaphore, #tpu.memory_space<semaphore_mem>>) {add = true}
    %dma_start3A_324 = arith.constant 5 : i32
    %dma_start3A_325 = arith.constant 128 : i32
    %dma_start3A_326 = arith.constant 0 : i32
    %dma_start3A_327 = tpu.memref_slice %arg8[%dma_start3A_325, %dma_start3A_326] : memref<512x16xf32, #tpu.memory_space<vmem>> -> memref<128x16xf32, #tpu.memory_space<vmem>>
    %dma_start3A_328 = arith.constant 128 : i32
    %dma_start3A_329 = tpu.memref_slice %arg7[%dma_start3A_324, %dma_start3A_328] : memref<26x512xi32, #tpu.memory_space<vmem>> -> memref<1x128xi32, #tpu.memory_space<vmem>>
    %dma_start3A_330 = tpu.memref_squeeze %dma_start3A_329 : memref<1x128xi32, #tpu.memory_space<vmem>> -> memref<128xi32, #tpu.memory_space<vmem>>
    %dma_start3A_331 = arith.constant 0 : i32
    %dma_start3A_332 = arith.constant 0 : i32
    %dma_start3A_333 = tpu.memref_slice %arg4[%dma_start3A_331, %dma_start3A_332] : memref<1000012x16xf32, #tpu.memory_space<hbm>> -> memref<1000012x16xf32, #tpu.memory_space<hbm>>
    tpu.enqueue_indirect_dma source(%dma_start3A_333 : memref<1000012x16xf32, #tpu.memory_space<hbm>>) target(%dma_start3A_327 : memref<128x16xf32, #tpu.memory_space<vmem>>) offsets(%dma_start3A_330 : memref<128xi32, #tpu.memory_space<vmem>>) semaphore(%arg10 : memref<!tpu.dma_semaphore, #tpu.memory_space<semaphore_mem>>) {add = true}
    %dma_start3A_334 = arith.constant 6 : i32
    %dma_start3A_335 = arith.constant 128 : i32
    %dma_start3A_336 = arith.constant 0 : i32
    %dma_start3A_337 = tpu.memref_slice %arg8[%dma_start3A_335, %dma_start3A_336] : memref<512x16xf32, #tpu.memory_space<vmem>> -> memref<128x16xf32, #tpu.memory_space<vmem>>
    %dma_start3A_338 = arith.constant 128 : i32
    %dma_start3A_339 = tpu.memref_slice %arg7[%dma_start3A_334, %dma_start3A_338] : memref<26x512xi32, #tpu.memory_space<vmem>> -> memref<1x128xi32, #tpu.memory_space<vmem>>
    %dma_start3A_340 = tpu.memref_squeeze %dma_start3A_339 : memref<1x128xi32, #tpu.memory_space<vmem>> -> memref<128xi32, #tpu.memory_space<vmem>>
    %dma_start3A_341 = arith.constant 0 : i32
    %dma_start3A_342 = arith.constant 0 : i32
    %dma_start3A_343 = tpu.memref_slice %arg4[%dma_start3A_341, %dma_start3A_342] : memref<1000012x16xf32, #tpu.memory_space<hbm>> -> memref<1000012x16xf32, #tpu.memory_space<hbm>>
    tpu.enqueue_indirect_dma source(%dma_start3A_343 : memref<1000012x16xf32, #tpu.memory_space<hbm>>) target(%dma_start3A_337 : memref<128x16xf32, #tpu.memory_space<vmem>>) offsets(%dma_start3A_340 : memref<128xi32, #tpu.memory_space<vmem>>) semaphore(%arg10 : memref<!tpu.dma_semaphore, #tpu.memory_space<semaphore_mem>>) {add = true}
    %dma_start3A_344 = arith.constant 7 : i32
    %dma_start3A_345 = arith.constant 128 : i32
    %dma_start3A_346 = arith.constant 0 : i32
    %dma_start3A_347 = tpu.memref_slice %arg8[%dma_start3A_345, %dma_start3A_346] : memref<512x16xf32, #tpu.memory_space<vmem>> -> memref<128x16xf32, #tpu.memory_space<vmem>>
    %dma_start3A_348 = arith.constant 128 : i32
    %dma_start3A_349 = tpu.memref_slice %arg7[%dma_start3A_344, %dma_start3A_348] : memref<26x512xi32, #tpu.memory_space<vmem>> -> memref<1x128xi32, #tpu.memory_space<vmem>>
    %dma_start3A_350 = tpu.memref_squeeze %dma_start3A_349 : memref<1x128xi32, #tpu.memory_space<vmem>> -> memref<128xi32, #tpu.memory_space<vmem>>
    %dma_start3A_351 = arith.constant 0 : i32
    %dma_start3A_352 = arith.constant 0 : i32
    %dma_start3A_353 = tpu.memref_slice %arg4[%dma_start3A_351, %dma_start3A_352] : memref<1000012x16xf32, #tpu.memory_space<hbm>> -> memref<1000012x16xf32, #tpu.memory_space<hbm>>
    tpu.enqueue_indirect_dma source(%dma_start3A_353 : memref<1000012x16xf32, #tpu.memory_space<hbm>>) target(%dma_start3A_347 : memref<128x16xf32, #tpu.memory_space<vmem>>) offsets(%dma_start3A_350 : memref<128xi32, #tpu.memory_space<vmem>>) semaphore(%arg10 : memref<!tpu.dma_semaphore, #tpu.memory_space<semaphore_mem>>) {add = true}
    %dma_start3A_354 = arith.constant 8 : i32
    %dma_start3A_355 = arith.constant 128 : i32
    %dma_start3A_356 = arith.constant 0 : i32
    %dma_start3A_357 = tpu.memref_slice %arg8[%dma_start3A_355, %dma_start3A_356] : memref<512x16xf32, #tpu.memory_space<vmem>> -> memref<128x16xf32, #tpu.memory_space<vmem>>
    %dma_start3A_358 = arith.constant 128 : i32
    %dma_start3A_359 = tpu.memref_slice %arg7[%dma_start3A_354, %dma_start3A_358] : memref<26x512xi32, #tpu.memory_space<vmem>> -> memref<1x128xi32, #tpu.memory_space<vmem>>
    %dma_start3A_360 = tpu.memref_squeeze %dma_start3A_359 : memref<1x128xi32, #tpu.memory_space<vmem>> -> memref<128xi32, #tpu.memory_space<vmem>>
    %dma_start3A_361 = arith.constant 0 : i32
    %dma_start3A_362 = arith.constant 0 : i32
    %dma_start3A_363 = tpu.memref_slice %arg4[%dma_start3A_361, %dma_start3A_362] : memref<1000012x16xf32, #tpu.memory_space<hbm>> -> memref<1000012x16xf32, #tpu.memory_space<hbm>>
    tpu.enqueue_indirect_dma source(%dma_start3A_363 : memref<1000012x16xf32, #tpu.memory_space<hbm>>) target(%dma_start3A_357 : memref<128x16xf32, #tpu.memory_space<vmem>>) offsets(%dma_start3A_360 : memref<128xi32, #tpu.memory_space<vmem>>) semaphore(%arg10 : memref<!tpu.dma_semaphore, #tpu.memory_space<semaphore_mem>>) {add = true}
    %dma_start3A_364 = arith.constant 9 : i32
    %dma_start3A_365 = arith.constant 128 : i32
    %dma_start3A_366 = arith.constant 0 : i32
    %dma_start3A_367 = tpu.memref_slice %arg8[%dma_start3A_365, %dma_start3A_366] : memref<512x16xf32, #tpu.memory_space<vmem>> -> memref<128x16xf32, #tpu.memory_space<vmem>>
    %dma_start3A_368 = arith.constant 128 : i32
    %dma_start3A_369 = tpu.memref_slice %arg7[%dma_start3A_364, %dma_start3A_368] : memref<26x512xi32, #tpu.memory_space<vmem>> -> memref<1x128xi32, #tpu.memory_space<vmem>>
    %dma_start3A_370 = tpu.memref_squeeze %dma_start3A_369 : memref<1x128xi32, #tpu.memory_space<vmem>> -> memref<128xi32, #tpu.memory_space<vmem>>
    %dma_start3A_371 = arith.constant 0 : i32
    %dma_start3A_372 = arith.constant 0 : i32
    %dma_start3A_373 = tpu.memref_slice %arg4[%dma_start3A_371, %dma_start3A_372] : memref<1000012x16xf32, #tpu.memory_space<hbm>> -> memref<1000012x16xf32, #tpu.memory_space<hbm>>
    tpu.enqueue_indirect_dma source(%dma_start3A_373 : memref<1000012x16xf32, #tpu.memory_space<hbm>>) target(%dma_start3A_367 : memref<128x16xf32, #tpu.memory_space<vmem>>) offsets(%dma_start3A_370 : memref<128xi32, #tpu.memory_space<vmem>>) semaphore(%arg10 : memref<!tpu.dma_semaphore, #tpu.memory_space<semaphore_mem>>) {add = true}
    %dma_start3A_374 = arith.constant 10 : i32
    %dma_start3A_375 = arith.constant 128 : i32
    %dma_start3A_376 = arith.constant 0 : i32
    %dma_start3A_377 = tpu.memref_slice %arg8[%dma_start3A_375, %dma_start3A_376] : memref<512x16xf32, #tpu.memory_space<vmem>> -> memref<128x16xf32, #tpu.memory_space<vmem>>
    %dma_start3A_378 = arith.constant 128 : i32
    %dma_start3A_379 = tpu.memref_slice %arg7[%dma_start3A_374, %dma_start3A_378] : memref<26x512xi32, #tpu.memory_space<vmem>> -> memref<1x128xi32, #tpu.memory_space<vmem>>
    %dma_start3A_380 = tpu.memref_squeeze %dma_start3A_379 : memref<1x128xi32, #tpu.memory_space<vmem>> -> memref<128xi32, #tpu.memory_space<vmem>>
    %dma_start3A_381 = arith.constant 0 : i32
    %dma_start3A_382 = arith.constant 0 : i32
    %dma_start3A_383 = tpu.memref_slice %arg4[%dma_start3A_381, %dma_start3A_382] : memref<1000012x16xf32, #tpu.memory_space<hbm>> -> memref<1000012x16xf32, #tpu.memory_space<hbm>>
    tpu.enqueue_indirect_dma source(%dma_start3A_383 : memref<1000012x16xf32, #tpu.memory_space<hbm>>) target(%dma_start3A_377 : memref<128x16xf32, #tpu.memory_space<vmem>>) offsets(%dma_start3A_380 : memref<128xi32, #tpu.memory_space<vmem>>) semaphore(%arg10 : memref<!tpu.dma_semaphore, #tpu.memory_space<semaphore_mem>>) {add = true}
    %dma_start3A_384 = arith.constant 11 : i32
    %dma_start3A_385 = arith.constant 128 : i32
    %dma_start3A_386 = arith.constant 0 : i32
    %dma_start3A_387 = tpu.memref_slice %arg8[%dma_start3A_385, %dma_start3A_386] : memref<512x16xf32, #tpu.memory_space<vmem>> -> memref<128x16xf32, #tpu.memory_space<vmem>>
    %dma_start3A_388 = arith.constant 128 : i32
    %dma_start3A_389 = tpu.memref_slice %arg7[%dma_start3A_384, %dma_start3A_388] : memref<26x512xi32, #tpu.memory_space<vmem>> -> memref<1x128xi32, #tpu.memory_space<vmem>>
    %dma_start3A_390 = tpu.memref_squeeze %dma_start3A_389 : memref<1x128xi32, #tpu.memory_space<vmem>> -> memref<128xi32, #tpu.memory_space<vmem>>
    %dma_start3A_391 = arith.constant 0 : i32
    %dma_start3A_392 = arith.constant 0 : i32
    %dma_start3A_393 = tpu.memref_slice %arg4[%dma_start3A_391, %dma_start3A_392] : memref<1000012x16xf32, #tpu.memory_space<hbm>> -> memref<1000012x16xf32, #tpu.memory_space<hbm>>
    tpu.enqueue_indirect_dma source(%dma_start3A_393 : memref<1000012x16xf32, #tpu.memory_space<hbm>>) target(%dma_start3A_387 : memref<128x16xf32, #tpu.memory_space<vmem>>) offsets(%dma_start3A_390 : memref<128xi32, #tpu.memory_space<vmem>>) semaphore(%arg10 : memref<!tpu.dma_semaphore, #tpu.memory_space<semaphore_mem>>) {add = true}
    %dma_start3A_394 = arith.constant 12 : i32
    %dma_start3A_395 = arith.constant 128 : i32
    %dma_start3A_396 = arith.constant 0 : i32
    %dma_start3A_397 = tpu.memref_slice %arg8[%dma_start3A_395, %dma_start3A_396] : memref<512x16xf32, #tpu.memory_space<vmem>> -> memref<128x16xf32, #tpu.memory_space<vmem>>
    %dma_start3A_398 = arith.constant 128 : i32
    %dma_start3A_399 = tpu.memref_slice %arg7[%dma_start3A_394, %dma_start3A_398] : memref<26x512xi32, #tpu.memory_space<vmem>> -> memref<1x128xi32, #tpu.memory_space<vmem>>
    %dma_start3A_400 = tpu.memref_squeeze %dma_start3A_399 : memref<1x128xi32, #tpu.memory_space<vmem>> -> memref<128xi32, #tpu.memory_space<vmem>>
    %dma_start3A_401 = arith.constant 0 : i32
    %dma_start3A_402 = arith.constant 0 : i32
    %dma_start3A_403 = tpu.memref_slice %arg4[%dma_start3A_401, %dma_start3A_402] : memref<1000012x16xf32, #tpu.memory_space<hbm>> -> memref<1000012x16xf32, #tpu.memory_space<hbm>>
    tpu.enqueue_indirect_dma source(%dma_start3A_403 : memref<1000012x16xf32, #tpu.memory_space<hbm>>) target(%dma_start3A_397 : memref<128x16xf32, #tpu.memory_space<vmem>>) offsets(%dma_start3A_400 : memref<128xi32, #tpu.memory_space<vmem>>) semaphore(%arg10 : memref<!tpu.dma_semaphore, #tpu.memory_space<semaphore_mem>>) {add = true}
    %dma_start3A_404 = arith.constant 13 : i32
    %dma_start3A_405 = arith.constant 128 : i32
    %dma_start3A_406 = arith.constant 0 : i32
    %dma_start3A_407 = tpu.memref_slice %arg8[%dma_start3A_405, %dma_start3A_406] : memref<512x16xf32, #tpu.memory_space<vmem>> -> memref<128x16xf32, #tpu.memory_space<vmem>>
    %dma_start3A_408 = arith.constant 128 : i32
    %dma_start3A_409 = tpu.memref_slice %arg7[%dma_start3A_404, %dma_start3A_408] : memref<26x512xi32, #tpu.memory_space<vmem>> -> memref<1x128xi32, #tpu.memory_space<vmem>>
    %dma_start3A_410 = tpu.memref_squeeze %dma_start3A_409 : memref<1x128xi32, #tpu.memory_space<vmem>> -> memref<128xi32, #tpu.memory_space<vmem>>
    %dma_start3A_411 = arith.constant 0 : i32
    %dma_start3A_412 = arith.constant 0 : i32
    %dma_start3A_413 = tpu.memref_slice %arg4[%dma_start3A_411, %dma_start3A_412] : memref<1000012x16xf32, #tpu.memory_space<hbm>> -> memref<1000012x16xf32, #tpu.memory_space<hbm>>
    tpu.enqueue_indirect_dma source(%dma_start3A_413 : memref<1000012x16xf32, #tpu.memory_space<hbm>>) target(%dma_start3A_407 : memref<128x16xf32, #tpu.memory_space<vmem>>) offsets(%dma_start3A_410 : memref<128xi32, #tpu.memory_space<vmem>>) semaphore(%arg10 : memref<!tpu.dma_semaphore, #tpu.memory_space<semaphore_mem>>) {add = true}
    %dma_start3A_414 = arith.constant 14 : i32
    %dma_start3A_415 = arith.constant 128 : i32
    %dma_start3A_416 = arith.constant 0 : i32
    %dma_start3A_417 = tpu.memref_slice %arg8[%dma_start3A_415, %dma_start3A_416] : memref<512x16xf32, #tpu.memory_space<vmem>> -> memref<128x16xf32, #tpu.memory_space<vmem>>
    %dma_start3A_418 = arith.constant 128 : i32
    %dma_start3A_419 = tpu.memref_slice %arg7[%dma_start3A_414, %dma_start3A_418] : memref<26x512xi32, #tpu.memory_space<vmem>> -> memref<1x128xi32, #tpu.memory_space<vmem>>
    %dma_start3A_420 = tpu.memref_squeeze %dma_start3A_419 : memref<1x128xi32, #tpu.memory_space<vmem>> -> memref<128xi32, #tpu.memory_space<vmem>>
    %dma_start3A_421 = arith.constant 0 : i32
    %dma_start3A_422 = arith.constant 0 : i32
    %dma_start3A_423 = tpu.memref_slice %arg4[%dma_start3A_421, %dma_start3A_422] : memref<1000012x16xf32, #tpu.memory_space<hbm>> -> memref<1000012x16xf32, #tpu.memory_space<hbm>>
    tpu.enqueue_indirect_dma source(%dma_start3A_423 : memref<1000012x16xf32, #tpu.memory_space<hbm>>) target(%dma_start3A_417 : memref<128x16xf32, #tpu.memory_space<vmem>>) offsets(%dma_start3A_420 : memref<128xi32, #tpu.memory_space<vmem>>) semaphore(%arg10 : memref<!tpu.dma_semaphore, #tpu.memory_space<semaphore_mem>>) {add = true}
    %dma_start3A_424 = arith.constant 15 : i32
    %dma_start3A_425 = arith.constant 128 : i32
    %dma_start3A_426 = arith.constant 0 : i32
    %dma_start3A_427 = tpu.memref_slice %arg8[%dma_start3A_425, %dma_start3A_426] : memref<512x16xf32, #tpu.memory_space<vmem>> -> memref<128x16xf32, #tpu.memory_space<vmem>>
    %dma_start3A_428 = arith.constant 128 : i32
    %dma_start3A_429 = tpu.memref_slice %arg7[%dma_start3A_424, %dma_start3A_428] : memref<26x512xi32, #tpu.memory_space<vmem>> -> memref<1x128xi32, #tpu.memory_space<vmem>>
    %dma_start3A_430 = tpu.memref_squeeze %dma_start3A_429 : memref<1x128xi32, #tpu.memory_space<vmem>> -> memref<128xi32, #tpu.memory_space<vmem>>
    %dma_start3A_431 = arith.constant 0 : i32
    %dma_start3A_432 = arith.constant 0 : i32
    %dma_start3A_433 = tpu.memref_slice %arg4[%dma_start3A_431, %dma_start3A_432] : memref<1000012x16xf32, #tpu.memory_space<hbm>> -> memref<1000012x16xf32, #tpu.memory_space<hbm>>
    tpu.enqueue_indirect_dma source(%dma_start3A_433 : memref<1000012x16xf32, #tpu.memory_space<hbm>>) target(%dma_start3A_427 : memref<128x16xf32, #tpu.memory_space<vmem>>) offsets(%dma_start3A_430 : memref<128xi32, #tpu.memory_space<vmem>>) semaphore(%arg10 : memref<!tpu.dma_semaphore, #tpu.memory_space<semaphore_mem>>) {add = true}
    %dma_start3A_434 = arith.constant 16 : i32
    %dma_start3A_435 = arith.constant 128 : i32
    %dma_start3A_436 = arith.constant 0 : i32
    %dma_start3A_437 = tpu.memref_slice %arg8[%dma_start3A_435, %dma_start3A_436] : memref<512x16xf32, #tpu.memory_space<vmem>> -> memref<128x16xf32, #tpu.memory_space<vmem>>
    %dma_start3A_438 = arith.constant 128 : i32
    %dma_start3A_439 = tpu.memref_slice %arg7[%dma_start3A_434, %dma_start3A_438] : memref<26x512xi32, #tpu.memory_space<vmem>> -> memref<1x128xi32, #tpu.memory_space<vmem>>
    %dma_start3A_440 = tpu.memref_squeeze %dma_start3A_439 : memref<1x128xi32, #tpu.memory_space<vmem>> -> memref<128xi32, #tpu.memory_space<vmem>>
    %dma_start3A_441 = arith.constant 0 : i32
    %dma_start3A_442 = arith.constant 0 : i32
    %dma_start3A_443 = tpu.memref_slice %arg4[%dma_start3A_441, %dma_start3A_442] : memref<1000012x16xf32, #tpu.memory_space<hbm>> -> memref<1000012x16xf32, #tpu.memory_space<hbm>>
    tpu.enqueue_indirect_dma source(%dma_start3A_443 : memref<1000012x16xf32, #tpu.memory_space<hbm>>) target(%dma_start3A_437 : memref<128x16xf32, #tpu.memory_space<vmem>>) offsets(%dma_start3A_440 : memref<128xi32, #tpu.memory_space<vmem>>) semaphore(%arg10 : memref<!tpu.dma_semaphore, #tpu.memory_space<semaphore_mem>>) {add = true}
    %dma_start3A_444 = arith.constant 17 : i32
    %dma_start3A_445 = arith.constant 128 : i32
    %dma_start3A_446 = arith.constant 0 : i32
    %dma_start3A_447 = tpu.memref_slice %arg8[%dma_start3A_445, %dma_start3A_446] : memref<512x16xf32, #tpu.memory_space<vmem>> -> memref<128x16xf32, #tpu.memory_space<vmem>>
    %dma_start3A_448 = arith.constant 128 : i32
    %dma_start3A_449 = tpu.memref_slice %arg7[%dma_start3A_444, %dma_start3A_448] : memref<26x512xi32, #tpu.memory_space<vmem>> -> memref<1x128xi32, #tpu.memory_space<vmem>>
    %dma_start3A_450 = tpu.memref_squeeze %dma_start3A_449 : memref<1x128xi32, #tpu.memory_space<vmem>> -> memref<128xi32, #tpu.memory_space<vmem>>
    %dma_start3A_451 = arith.constant 0 : i32
    %dma_start3A_452 = arith.constant 0 : i32
    %dma_start3A_453 = tpu.memref_slice %arg4[%dma_start3A_451, %dma_start3A_452] : memref<1000012x16xf32, #tpu.memory_space<hbm>> -> memref<1000012x16xf32, #tpu.memory_space<hbm>>
    tpu.enqueue_indirect_dma source(%dma_start3A_453 : memref<1000012x16xf32, #tpu.memory_space<hbm>>) target(%dma_start3A_447 : memref<128x16xf32, #tpu.memory_space<vmem>>) offsets(%dma_start3A_450 : memref<128xi32, #tpu.memory_space<vmem>>) semaphore(%arg10 : memref<!tpu.dma_semaphore, #tpu.memory_space<semaphore_mem>>) {add = true}
    %dma_start3A_454 = arith.constant 18 : i32
    %dma_start3A_455 = arith.constant 128 : i32
    %dma_start3A_456 = arith.constant 0 : i32
    %dma_start3A_457 = tpu.memref_slice %arg8[%dma_start3A_455, %dma_start3A_456] : memref<512x16xf32, #tpu.memory_space<vmem>> -> memref<128x16xf32, #tpu.memory_space<vmem>>
    %dma_start3A_458 = arith.constant 128 : i32
    %dma_start3A_459 = tpu.memref_slice %arg7[%dma_start3A_454, %dma_start3A_458] : memref<26x512xi32, #tpu.memory_space<vmem>> -> memref<1x128xi32, #tpu.memory_space<vmem>>
    %dma_start3A_460 = tpu.memref_squeeze %dma_start3A_459 : memref<1x128xi32, #tpu.memory_space<vmem>> -> memref<128xi32, #tpu.memory_space<vmem>>
    %dma_start3A_461 = arith.constant 0 : i32
    %dma_start3A_462 = arith.constant 0 : i32
    %dma_start3A_463 = tpu.memref_slice %arg4[%dma_start3A_461, %dma_start3A_462] : memref<1000012x16xf32, #tpu.memory_space<hbm>> -> memref<1000012x16xf32, #tpu.memory_space<hbm>>
    tpu.enqueue_indirect_dma source(%dma_start3A_463 : memref<1000012x16xf32, #tpu.memory_space<hbm>>) target(%dma_start3A_457 : memref<128x16xf32, #tpu.memory_space<vmem>>) offsets(%dma_start3A_460 : memref<128xi32, #tpu.memory_space<vmem>>) semaphore(%arg10 : memref<!tpu.dma_semaphore, #tpu.memory_space<semaphore_mem>>) {add = true}
    %dma_start3A_464 = arith.constant 19 : i32
    %dma_start3A_465 = arith.constant 128 : i32
    %dma_start3A_466 = arith.constant 0 : i32
    %dma_start3A_467 = tpu.memref_slice %arg8[%dma_start3A_465, %dma_start3A_466] : memref<512x16xf32, #tpu.memory_space<vmem>> -> memref<128x16xf32, #tpu.memory_space<vmem>>
    %dma_start3A_468 = arith.constant 128 : i32
    %dma_start3A_469 = tpu.memref_slice %arg7[%dma_start3A_464, %dma_start3A_468] : memref<26x512xi32, #tpu.memory_space<vmem>> -> memref<1x128xi32, #tpu.memory_space<vmem>>
    %dma_start3A_470 = tpu.memref_squeeze %dma_start3A_469 : memref<1x128xi32, #tpu.memory_space<vmem>> -> memref<128xi32, #tpu.memory_space<vmem>>
    %dma_start3A_471 = arith.constant 0 : i32
    %dma_start3A_472 = arith.constant 0 : i32
    %dma_start3A_473 = tpu.memref_slice %arg4[%dma_start3A_471, %dma_start3A_472] : memref<1000012x16xf32, #tpu.memory_space<hbm>> -> memref<1000012x16xf32, #tpu.memory_space<hbm>>
    tpu.enqueue_indirect_dma source(%dma_start3A_473 : memref<1000012x16xf32, #tpu.memory_space<hbm>>) target(%dma_start3A_467 : memref<128x16xf32, #tpu.memory_space<vmem>>) offsets(%dma_start3A_470 : memref<128xi32, #tpu.memory_space<vmem>>) semaphore(%arg10 : memref<!tpu.dma_semaphore, #tpu.memory_space<semaphore_mem>>) {add = true}
    %dma_start3A_474 = arith.constant 20 : i32
    %dma_start3A_475 = arith.constant 128 : i32
    %dma_start3A_476 = arith.constant 0 : i32
    %dma_start3A_477 = tpu.memref_slice %arg8[%dma_start3A_475, %dma_start3A_476] : memref<512x16xf32, #tpu.memory_space<vmem>> -> memref<128x16xf32, #tpu.memory_space<vmem>>
    %dma_start3A_478 = arith.constant 128 : i32
    %dma_start3A_479 = tpu.memref_slice %arg7[%dma_start3A_474, %dma_start3A_478] : memref<26x512xi32, #tpu.memory_space<vmem>> -> memref<1x128xi32, #tpu.memory_space<vmem>>
    %dma_start3A_480 = tpu.memref_squeeze %dma_start3A_479 : memref<1x128xi32, #tpu.memory_space<vmem>> -> memref<128xi32, #tpu.memory_space<vmem>>
    %dma_start3A_481 = arith.constant 0 : i32
    %dma_start3A_482 = arith.constant 0 : i32
    %dma_start3A_483 = tpu.memref_slice %arg4[%dma_start3A_481, %dma_start3A_482] : memref<1000012x16xf32, #tpu.memory_space<hbm>> -> memref<1000012x16xf32, #tpu.memory_space<hbm>>
    tpu.enqueue_indirect_dma source(%dma_start3A_483 : memref<1000012x16xf32, #tpu.memory_space<hbm>>) target(%dma_start3A_477 : memref<128x16xf32, #tpu.memory_space<vmem>>) offsets(%dma_start3A_480 : memref<128xi32, #tpu.memory_space<vmem>>) semaphore(%arg10 : memref<!tpu.dma_semaphore, #tpu.memory_space<semaphore_mem>>) {add = true}
    %dma_start3A_484 = arith.constant 21 : i32
    %dma_start3A_485 = arith.constant 128 : i32
    %dma_start3A_486 = arith.constant 0 : i32
    %dma_start3A_487 = tpu.memref_slice %arg8[%dma_start3A_485, %dma_start3A_486] : memref<512x16xf32, #tpu.memory_space<vmem>> -> memref<128x16xf32, #tpu.memory_space<vmem>>
    %dma_start3A_488 = arith.constant 128 : i32
    %dma_start3A_489 = tpu.memref_slice %arg7[%dma_start3A_484, %dma_start3A_488] : memref<26x512xi32, #tpu.memory_space<vmem>> -> memref<1x128xi32, #tpu.memory_space<vmem>>
    %dma_start3A_490 = tpu.memref_squeeze %dma_start3A_489 : memref<1x128xi32, #tpu.memory_space<vmem>> -> memref<128xi32, #tpu.memory_space<vmem>>
    %dma_start3A_491 = arith.constant 0 : i32
    %dma_start3A_492 = arith.constant 0 : i32
    %dma_start3A_493 = tpu.memref_slice %arg4[%dma_start3A_491, %dma_start3A_492] : memref<1000012x16xf32, #tpu.memory_space<hbm>> -> memref<1000012x16xf32, #tpu.memory_space<hbm>>
    tpu.enqueue_indirect_dma source(%dma_start3A_493 : memref<1000012x16xf32, #tpu.memory_space<hbm>>) target(%dma_start3A_487 : memref<128x16xf32, #tpu.memory_space<vmem>>) offsets(%dma_start3A_490 : memref<128xi32, #tpu.memory_space<vmem>>) semaphore(%arg10 : memref<!tpu.dma_semaphore, #tpu.memory_space<semaphore_mem>>) {add = true}
    %dma_start3A_494 = arith.constant 22 : i32
    %dma_start3A_495 = arith.constant 128 : i32
    %dma_start3A_496 = arith.constant 0 : i32
    %dma_start3A_497 = tpu.memref_slice %arg8[%dma_start3A_495, %dma_start3A_496] : memref<512x16xf32, #tpu.memory_space<vmem>> -> memref<128x16xf32, #tpu.memory_space<vmem>>
    %dma_start3A_498 = arith.constant 128 : i32
    %dma_start3A_499 = tpu.memref_slice %arg7[%dma_start3A_494, %dma_start3A_498] : memref<26x512xi32, #tpu.memory_space<vmem>> -> memref<1x128xi32, #tpu.memory_space<vmem>>
    %dma_start3A_500 = tpu.memref_squeeze %dma_start3A_499 : memref<1x128xi32, #tpu.memory_space<vmem>> -> memref<128xi32, #tpu.memory_space<vmem>>
    %dma_start3A_501 = arith.constant 0 : i32
    %dma_start3A_502 = arith.constant 0 : i32
    %dma_start3A_503 = tpu.memref_slice %arg4[%dma_start3A_501, %dma_start3A_502] : memref<1000012x16xf32, #tpu.memory_space<hbm>> -> memref<1000012x16xf32, #tpu.memory_space<hbm>>
    tpu.enqueue_indirect_dma source(%dma_start3A_503 : memref<1000012x16xf32, #tpu.memory_space<hbm>>) target(%dma_start3A_497 : memref<128x16xf32, #tpu.memory_space<vmem>>) offsets(%dma_start3A_500 : memref<128xi32, #tpu.memory_space<vmem>>) semaphore(%arg10 : memref<!tpu.dma_semaphore, #tpu.memory_space<semaphore_mem>>) {add = true}
    %dma_start3A_504 = arith.constant 23 : i32
    %dma_start3A_505 = arith.constant 128 : i32
    %dma_start3A_506 = arith.constant 0 : i32
    %dma_start3A_507 = tpu.memref_slice %arg8[%dma_start3A_505, %dma_start3A_506] : memref<512x16xf32, #tpu.memory_space<vmem>> -> memref<128x16xf32, #tpu.memory_space<vmem>>
    %dma_start3A_508 = arith.constant 128 : i32
    %dma_start3A_509 = tpu.memref_slice %arg7[%dma_start3A_504, %dma_start3A_508] : memref<26x512xi32, #tpu.memory_space<vmem>> -> memref<1x128xi32, #tpu.memory_space<vmem>>
    %dma_start3A_510 = tpu.memref_squeeze %dma_start3A_509 : memref<1x128xi32, #tpu.memory_space<vmem>> -> memref<128xi32, #tpu.memory_space<vmem>>
    %dma_start3A_511 = arith.constant 0 : i32
    %dma_start3A_512 = arith.constant 0 : i32
    %dma_start3A_513 = tpu.memref_slice %arg4[%dma_start3A_511, %dma_start3A_512] : memref<1000012x16xf32, #tpu.memory_space<hbm>> -> memref<1000012x16xf32, #tpu.memory_space<hbm>>
    tpu.enqueue_indirect_dma source(%dma_start3A_513 : memref<1000012x16xf32, #tpu.memory_space<hbm>>) target(%dma_start3A_507 : memref<128x16xf32, #tpu.memory_space<vmem>>) offsets(%dma_start3A_510 : memref<128xi32, #tpu.memory_space<vmem>>) semaphore(%arg10 : memref<!tpu.dma_semaphore, #tpu.memory_space<semaphore_mem>>) {add = true}
    %dma_start3A_514 = arith.constant 24 : i32
    %dma_start3A_515 = arith.constant 128 : i32
    %dma_start3A_516 = arith.constant 0 : i32
    %dma_start3A_517 = tpu.memref_slice %arg8[%dma_start3A_515, %dma_start3A_516] : memref<512x16xf32, #tpu.memory_space<vmem>> -> memref<128x16xf32, #tpu.memory_space<vmem>>
    %dma_start3A_518 = arith.constant 128 : i32
    %dma_start3A_519 = tpu.memref_slice %arg7[%dma_start3A_514, %dma_start3A_518] : memref<26x512xi32, #tpu.memory_space<vmem>> -> memref<1x128xi32, #tpu.memory_space<vmem>>
    %dma_start3A_520 = tpu.memref_squeeze %dma_start3A_519 : memref<1x128xi32, #tpu.memory_space<vmem>> -> memref<128xi32, #tpu.memory_space<vmem>>
    %dma_start3A_521 = arith.constant 0 : i32
    %dma_start3A_522 = arith.constant 0 : i32
    %dma_start3A_523 = tpu.memref_slice %arg4[%dma_start3A_521, %dma_start3A_522] : memref<1000012x16xf32, #tpu.memory_space<hbm>> -> memref<1000012x16xf32, #tpu.memory_space<hbm>>
    tpu.enqueue_indirect_dma source(%dma_start3A_523 : memref<1000012x16xf32, #tpu.memory_space<hbm>>) target(%dma_start3A_517 : memref<128x16xf32, #tpu.memory_space<vmem>>) offsets(%dma_start3A_520 : memref<128xi32, #tpu.memory_space<vmem>>) semaphore(%arg10 : memref<!tpu.dma_semaphore, #tpu.memory_space<semaphore_mem>>) {add = true}
    %dma_start3A_524 = arith.constant 25 : i32
    %dma_start3A_525 = arith.constant 128 : i32
    %dma_start3A_526 = arith.constant 0 : i32
    %dma_start3A_527 = tpu.memref_slice %arg8[%dma_start3A_525, %dma_start3A_526] : memref<512x16xf32, #tpu.memory_space<vmem>> -> memref<128x16xf32, #tpu.memory_space<vmem>>
    %dma_start3A_528 = arith.constant 128 : i32
    %dma_start3A_529 = tpu.memref_slice %arg7[%dma_start3A_524, %dma_start3A_528] : memref<26x512xi32, #tpu.memory_space<vmem>> -> memref<1x128xi32, #tpu.memory_space<vmem>>
    %dma_start3A_530 = tpu.memref_squeeze %dma_start3A_529 : memref<1x128xi32, #tpu.memory_space<vmem>> -> memref<128xi32, #tpu.memory_space<vmem>>
    %dma_start3A_531 = arith.constant 0 : i32
    %dma_start3A_532 = arith.constant 0 : i32
    %dma_start3A_533 = tpu.memref_slice %arg4[%dma_start3A_531, %dma_start3A_532] : memref<1000012x16xf32, #tpu.memory_space<hbm>> -> memref<1000012x16xf32, #tpu.memory_space<hbm>>
    tpu.enqueue_indirect_dma source(%dma_start3A_533 : memref<1000012x16xf32, #tpu.memory_space<hbm>>) target(%dma_start3A_527 : memref<128x16xf32, #tpu.memory_space<vmem>>) offsets(%dma_start3A_530 : memref<128xi32, #tpu.memory_space<vmem>>) semaphore(%arg10 : memref<!tpu.dma_semaphore, #tpu.memory_space<semaphore_mem>>) {add = true}
    %dma_start3A_534 = arith.constant 0 : i32
    %dma_start3A_535 = arith.constant 256 : i32
    %dma_start3A_536 = arith.constant 0 : i32
    %dma_start3A_537 = tpu.memref_slice %arg8[%dma_start3A_535, %dma_start3A_536] : memref<512x16xf32, #tpu.memory_space<vmem>> -> memref<128x16xf32, #tpu.memory_space<vmem>>
    %dma_start3A_538 = arith.constant 256 : i32
    %dma_start3A_539 = tpu.memref_slice %arg7[%dma_start3A_534, %dma_start3A_538] : memref<26x512xi32, #tpu.memory_space<vmem>> -> memref<1x128xi32, #tpu.memory_space<vmem>>
    %dma_start3A_540 = tpu.memref_squeeze %dma_start3A_539 : memref<1x128xi32, #tpu.memory_space<vmem>> -> memref<128xi32, #tpu.memory_space<vmem>>
    %dma_start3A_541 = arith.constant 0 : i32
    %dma_start3A_542 = arith.constant 0 : i32
    %dma_start3A_543 = tpu.memref_slice %arg4[%dma_start3A_541, %dma_start3A_542] : memref<1000012x16xf32, #tpu.memory_space<hbm>> -> memref<1000012x16xf32, #tpu.memory_space<hbm>>
    tpu.enqueue_indirect_dma source(%dma_start3A_543 : memref<1000012x16xf32, #tpu.memory_space<hbm>>) target(%dma_start3A_537 : memref<128x16xf32, #tpu.memory_space<vmem>>) offsets(%dma_start3A_540 : memref<128xi32, #tpu.memory_space<vmem>>) semaphore(%arg10 : memref<!tpu.dma_semaphore, #tpu.memory_space<semaphore_mem>>) {add = true}
    %dma_start3A_544 = arith.constant 1 : i32
    %dma_start3A_545 = arith.constant 256 : i32
    %dma_start3A_546 = arith.constant 0 : i32
    %dma_start3A_547 = tpu.memref_slice %arg8[%dma_start3A_545, %dma_start3A_546] : memref<512x16xf32, #tpu.memory_space<vmem>> -> memref<128x16xf32, #tpu.memory_space<vmem>>
    %dma_start3A_548 = arith.constant 256 : i32
    %dma_start3A_549 = tpu.memref_slice %arg7[%dma_start3A_544, %dma_start3A_548] : memref<26x512xi32, #tpu.memory_space<vmem>> -> memref<1x128xi32, #tpu.memory_space<vmem>>
    %dma_start3A_550 = tpu.memref_squeeze %dma_start3A_549 : memref<1x128xi32, #tpu.memory_space<vmem>> -> memref<128xi32, #tpu.memory_space<vmem>>
    %dma_start3A_551 = arith.constant 0 : i32
    %dma_start3A_552 = arith.constant 0 : i32
    %dma_start3A_553 = tpu.memref_slice %arg4[%dma_start3A_551, %dma_start3A_552] : memref<1000012x16xf32, #tpu.memory_space<hbm>> -> memref<1000012x16xf32, #tpu.memory_space<hbm>>
    tpu.enqueue_indirect_dma source(%dma_start3A_553 : memref<1000012x16xf32, #tpu.memory_space<hbm>>) target(%dma_start3A_547 : memref<128x16xf32, #tpu.memory_space<vmem>>) offsets(%dma_start3A_550 : memref<128xi32, #tpu.memory_space<vmem>>) semaphore(%arg10 : memref<!tpu.dma_semaphore, #tpu.memory_space<semaphore_mem>>) {add = true}
    %dma_start3A_554 = arith.constant 2 : i32
    %dma_start3A_555 = arith.constant 256 : i32
    %dma_start3A_556 = arith.constant 0 : i32
    %dma_start3A_557 = tpu.memref_slice %arg8[%dma_start3A_555, %dma_start3A_556] : memref<512x16xf32, #tpu.memory_space<vmem>> -> memref<128x16xf32, #tpu.memory_space<vmem>>
    %dma_start3A_558 = arith.constant 256 : i32
    %dma_start3A_559 = tpu.memref_slice %arg7[%dma_start3A_554, %dma_start3A_558] : memref<26x512xi32, #tpu.memory_space<vmem>> -> memref<1x128xi32, #tpu.memory_space<vmem>>
    %dma_start3A_560 = tpu.memref_squeeze %dma_start3A_559 : memref<1x128xi32, #tpu.memory_space<vmem>> -> memref<128xi32, #tpu.memory_space<vmem>>
    %dma_start3A_561 = arith.constant 0 : i32
    %dma_start3A_562 = arith.constant 0 : i32
    %dma_start3A_563 = tpu.memref_slice %arg4[%dma_start3A_561, %dma_start3A_562] : memref<1000012x16xf32, #tpu.memory_space<hbm>> -> memref<1000012x16xf32, #tpu.memory_space<hbm>>
    tpu.enqueue_indirect_dma source(%dma_start3A_563 : memref<1000012x16xf32, #tpu.memory_space<hbm>>) target(%dma_start3A_557 : memref<128x16xf32, #tpu.memory_space<vmem>>) offsets(%dma_start3A_560 : memref<128xi32, #tpu.memory_space<vmem>>) semaphore(%arg10 : memref<!tpu.dma_semaphore, #tpu.memory_space<semaphore_mem>>) {add = true}
    %dma_start3A_564 = arith.constant 3 : i32
    %dma_start3A_565 = arith.constant 256 : i32
    %dma_start3A_566 = arith.constant 0 : i32
    %dma_start3A_567 = tpu.memref_slice %arg8[%dma_start3A_565, %dma_start3A_566] : memref<512x16xf32, #tpu.memory_space<vmem>> -> memref<128x16xf32, #tpu.memory_space<vmem>>
    %dma_start3A_568 = arith.constant 256 : i32
    %dma_start3A_569 = tpu.memref_slice %arg7[%dma_start3A_564, %dma_start3A_568] : memref<26x512xi32, #tpu.memory_space<vmem>> -> memref<1x128xi32, #tpu.memory_space<vmem>>
    %dma_start3A_570 = tpu.memref_squeeze %dma_start3A_569 : memref<1x128xi32, #tpu.memory_space<vmem>> -> memref<128xi32, #tpu.memory_space<vmem>>
    %dma_start3A_571 = arith.constant 0 : i32
    %dma_start3A_572 = arith.constant 0 : i32
    %dma_start3A_573 = tpu.memref_slice %arg4[%dma_start3A_571, %dma_start3A_572] : memref<1000012x16xf32, #tpu.memory_space<hbm>> -> memref<1000012x16xf32, #tpu.memory_space<hbm>>
    tpu.enqueue_indirect_dma source(%dma_start3A_573 : memref<1000012x16xf32, #tpu.memory_space<hbm>>) target(%dma_start3A_567 : memref<128x16xf32, #tpu.memory_space<vmem>>) offsets(%dma_start3A_570 : memref<128xi32, #tpu.memory_space<vmem>>) semaphore(%arg10 : memref<!tpu.dma_semaphore, #tpu.memory_space<semaphore_mem>>) {add = true}
    %dma_start3A_574 = arith.constant 4 : i32
    %dma_start3A_575 = arith.constant 256 : i32
    %dma_start3A_576 = arith.constant 0 : i32
    %dma_start3A_577 = tpu.memref_slice %arg8[%dma_start3A_575, %dma_start3A_576] : memref<512x16xf32, #tpu.memory_space<vmem>> -> memref<128x16xf32, #tpu.memory_space<vmem>>
    %dma_start3A_578 = arith.constant 256 : i32
    %dma_start3A_579 = tpu.memref_slice %arg7[%dma_start3A_574, %dma_start3A_578] : memref<26x512xi32, #tpu.memory_space<vmem>> -> memref<1x128xi32, #tpu.memory_space<vmem>>
    %dma_start3A_580 = tpu.memref_squeeze %dma_start3A_579 : memref<1x128xi32, #tpu.memory_space<vmem>> -> memref<128xi32, #tpu.memory_space<vmem>>
    %dma_start3A_581 = arith.constant 0 : i32
    %dma_start3A_582 = arith.constant 0 : i32
    %dma_start3A_583 = tpu.memref_slice %arg4[%dma_start3A_581, %dma_start3A_582] : memref<1000012x16xf32, #tpu.memory_space<hbm>> -> memref<1000012x16xf32, #tpu.memory_space<hbm>>
    tpu.enqueue_indirect_dma source(%dma_start3A_583 : memref<1000012x16xf32, #tpu.memory_space<hbm>>) target(%dma_start3A_577 : memref<128x16xf32, #tpu.memory_space<vmem>>) offsets(%dma_start3A_580 : memref<128xi32, #tpu.memory_space<vmem>>) semaphore(%arg10 : memref<!tpu.dma_semaphore, #tpu.memory_space<semaphore_mem>>) {add = true}
    %dma_start3A_584 = arith.constant 5 : i32
    %dma_start3A_585 = arith.constant 256 : i32
    %dma_start3A_586 = arith.constant 0 : i32
    %dma_start3A_587 = tpu.memref_slice %arg8[%dma_start3A_585, %dma_start3A_586] : memref<512x16xf32, #tpu.memory_space<vmem>> -> memref<128x16xf32, #tpu.memory_space<vmem>>
    %dma_start3A_588 = arith.constant 256 : i32
    %dma_start3A_589 = tpu.memref_slice %arg7[%dma_start3A_584, %dma_start3A_588] : memref<26x512xi32, #tpu.memory_space<vmem>> -> memref<1x128xi32, #tpu.memory_space<vmem>>
    %dma_start3A_590 = tpu.memref_squeeze %dma_start3A_589 : memref<1x128xi32, #tpu.memory_space<vmem>> -> memref<128xi32, #tpu.memory_space<vmem>>
    %dma_start3A_591 = arith.constant 0 : i32
    %dma_start3A_592 = arith.constant 0 : i32
    %dma_start3A_593 = tpu.memref_slice %arg4[%dma_start3A_591, %dma_start3A_592] : memref<1000012x16xf32, #tpu.memory_space<hbm>> -> memref<1000012x16xf32, #tpu.memory_space<hbm>>
    tpu.enqueue_indirect_dma source(%dma_start3A_593 : memref<1000012x16xf32, #tpu.memory_space<hbm>>) target(%dma_start3A_587 : memref<128x16xf32, #tpu.memory_space<vmem>>) offsets(%dma_start3A_590 : memref<128xi32, #tpu.memory_space<vmem>>) semaphore(%arg10 : memref<!tpu.dma_semaphore, #tpu.memory_space<semaphore_mem>>) {add = true}
    %dma_start3A_594 = arith.constant 6 : i32
    %dma_start3A_595 = arith.constant 256 : i32
    %dma_start3A_596 = arith.constant 0 : i32
    %dma_start3A_597 = tpu.memref_slice %arg8[%dma_start3A_595, %dma_start3A_596] : memref<512x16xf32, #tpu.memory_space<vmem>> -> memref<128x16xf32, #tpu.memory_space<vmem>>
    %dma_start3A_598 = arith.constant 256 : i32
    %dma_start3A_599 = tpu.memref_slice %arg7[%dma_start3A_594, %dma_start3A_598] : memref<26x512xi32, #tpu.memory_space<vmem>> -> memref<1x128xi32, #tpu.memory_space<vmem>>
    %dma_start3A_600 = tpu.memref_squeeze %dma_start3A_599 : memref<1x128xi32, #tpu.memory_space<vmem>> -> memref<128xi32, #tpu.memory_space<vmem>>
    %dma_start3A_601 = arith.constant 0 : i32
    %dma_start3A_602 = arith.constant 0 : i32
    %dma_start3A_603 = tpu.memref_slice %arg4[%dma_start3A_601, %dma_start3A_602] : memref<1000012x16xf32, #tpu.memory_space<hbm>> -> memref<1000012x16xf32, #tpu.memory_space<hbm>>
    tpu.enqueue_indirect_dma source(%dma_start3A_603 : memref<1000012x16xf32, #tpu.memory_space<hbm>>) target(%dma_start3A_597 : memref<128x16xf32, #tpu.memory_space<vmem>>) offsets(%dma_start3A_600 : memref<128xi32, #tpu.memory_space<vmem>>) semaphore(%arg10 : memref<!tpu.dma_semaphore, #tpu.memory_space<semaphore_mem>>) {add = true}
    %dma_start3A_604 = arith.constant 7 : i32
    %dma_start3A_605 = arith.constant 256 : i32
    %dma_start3A_606 = arith.constant 0 : i32
    %dma_start3A_607 = tpu.memref_slice %arg8[%dma_start3A_605, %dma_start3A_606] : memref<512x16xf32, #tpu.memory_space<vmem>> -> memref<128x16xf32, #tpu.memory_space<vmem>>
    %dma_start3A_608 = arith.constant 256 : i32
    %dma_start3A_609 = tpu.memref_slice %arg7[%dma_start3A_604, %dma_start3A_608] : memref<26x512xi32, #tpu.memory_space<vmem>> -> memref<1x128xi32, #tpu.memory_space<vmem>>
    %dma_start3A_610 = tpu.memref_squeeze %dma_start3A_609 : memref<1x128xi32, #tpu.memory_space<vmem>> -> memref<128xi32, #tpu.memory_space<vmem>>
    %dma_start3A_611 = arith.constant 0 : i32
    %dma_start3A_612 = arith.constant 0 : i32
    %dma_start3A_613 = tpu.memref_slice %arg4[%dma_start3A_611, %dma_start3A_612] : memref<1000012x16xf32, #tpu.memory_space<hbm>> -> memref<1000012x16xf32, #tpu.memory_space<hbm>>
    tpu.enqueue_indirect_dma source(%dma_start3A_613 : memref<1000012x16xf32, #tpu.memory_space<hbm>>) target(%dma_start3A_607 : memref<128x16xf32, #tpu.memory_space<vmem>>) offsets(%dma_start3A_610 : memref<128xi32, #tpu.memory_space<vmem>>) semaphore(%arg10 : memref<!tpu.dma_semaphore, #tpu.memory_space<semaphore_mem>>) {add = true}
    %dma_start3A_614 = arith.constant 8 : i32
    %dma_start3A_615 = arith.constant 256 : i32
    %dma_start3A_616 = arith.constant 0 : i32
    %dma_start3A_617 = tpu.memref_slice %arg8[%dma_start3A_615, %dma_start3A_616] : memref<512x16xf32, #tpu.memory_space<vmem>> -> memref<128x16xf32, #tpu.memory_space<vmem>>
    %dma_start3A_618 = arith.constant 256 : i32
    %dma_start3A_619 = tpu.memref_slice %arg7[%dma_start3A_614, %dma_start3A_618] : memref<26x512xi32, #tpu.memory_space<vmem>> -> memref<1x128xi32, #tpu.memory_space<vmem>>
    %dma_start3A_620 = tpu.memref_squeeze %dma_start3A_619 : memref<1x128xi32, #tpu.memory_space<vmem>> -> memref<128xi32, #tpu.memory_space<vmem>>
    %dma_start3A_621 = arith.constant 0 : i32
    %dma_start3A_622 = arith.constant 0 : i32
    %dma_start3A_623 = tpu.memref_slice %arg4[%dma_start3A_621, %dma_start3A_622] : memref<1000012x16xf32, #tpu.memory_space<hbm>> -> memref<1000012x16xf32, #tpu.memory_space<hbm>>
    tpu.enqueue_indirect_dma source(%dma_start3A_623 : memref<1000012x16xf32, #tpu.memory_space<hbm>>) target(%dma_start3A_617 : memref<128x16xf32, #tpu.memory_space<vmem>>) offsets(%dma_start3A_620 : memref<128xi32, #tpu.memory_space<vmem>>) semaphore(%arg10 : memref<!tpu.dma_semaphore, #tpu.memory_space<semaphore_mem>>) {add = true}
    %dma_start3A_624 = arith.constant 9 : i32
    %dma_start3A_625 = arith.constant 256 : i32
    %dma_start3A_626 = arith.constant 0 : i32
    %dma_start3A_627 = tpu.memref_slice %arg8[%dma_start3A_625, %dma_start3A_626] : memref<512x16xf32, #tpu.memory_space<vmem>> -> memref<128x16xf32, #tpu.memory_space<vmem>>
    %dma_start3A_628 = arith.constant 256 : i32
    %dma_start3A_629 = tpu.memref_slice %arg7[%dma_start3A_624, %dma_start3A_628] : memref<26x512xi32, #tpu.memory_space<vmem>> -> memref<1x128xi32, #tpu.memory_space<vmem>>
    %dma_start3A_630 = tpu.memref_squeeze %dma_start3A_629 : memref<1x128xi32, #tpu.memory_space<vmem>> -> memref<128xi32, #tpu.memory_space<vmem>>
    %dma_start3A_631 = arith.constant 0 : i32
    %dma_start3A_632 = arith.constant 0 : i32
    %dma_start3A_633 = tpu.memref_slice %arg4[%dma_start3A_631, %dma_start3A_632] : memref<1000012x16xf32, #tpu.memory_space<hbm>> -> memref<1000012x16xf32, #tpu.memory_space<hbm>>
    tpu.enqueue_indirect_dma source(%dma_start3A_633 : memref<1000012x16xf32, #tpu.memory_space<hbm>>) target(%dma_start3A_627 : memref<128x16xf32, #tpu.memory_space<vmem>>) offsets(%dma_start3A_630 : memref<128xi32, #tpu.memory_space<vmem>>) semaphore(%arg10 : memref<!tpu.dma_semaphore, #tpu.memory_space<semaphore_mem>>) {add = true}
    %dma_start3A_634 = arith.constant 10 : i32
    %dma_start3A_635 = arith.constant 256 : i32
    %dma_start3A_636 = arith.constant 0 : i32
    %dma_start3A_637 = tpu.memref_slice %arg8[%dma_start3A_635, %dma_start3A_636] : memref<512x16xf32, #tpu.memory_space<vmem>> -> memref<128x16xf32, #tpu.memory_space<vmem>>
    %dma_start3A_638 = arith.constant 256 : i32
    %dma_start3A_639 = tpu.memref_slice %arg7[%dma_start3A_634, %dma_start3A_638] : memref<26x512xi32, #tpu.memory_space<vmem>> -> memref<1x128xi32, #tpu.memory_space<vmem>>
    %dma_start3A_640 = tpu.memref_squeeze %dma_start3A_639 : memref<1x128xi32, #tpu.memory_space<vmem>> -> memref<128xi32, #tpu.memory_space<vmem>>
    %dma_start3A_641 = arith.constant 0 : i32
    %dma_start3A_642 = arith.constant 0 : i32
    %dma_start3A_643 = tpu.memref_slice %arg4[%dma_start3A_641, %dma_start3A_642] : memref<1000012x16xf32, #tpu.memory_space<hbm>> -> memref<1000012x16xf32, #tpu.memory_space<hbm>>
    tpu.enqueue_indirect_dma source(%dma_start3A_643 : memref<1000012x16xf32, #tpu.memory_space<hbm>>) target(%dma_start3A_637 : memref<128x16xf32, #tpu.memory_space<vmem>>) offsets(%dma_start3A_640 : memref<128xi32, #tpu.memory_space<vmem>>) semaphore(%arg10 : memref<!tpu.dma_semaphore, #tpu.memory_space<semaphore_mem>>) {add = true}
    %dma_start3A_644 = arith.constant 11 : i32
    %dma_start3A_645 = arith.constant 256 : i32
    %dma_start3A_646 = arith.constant 0 : i32
    %dma_start3A_647 = tpu.memref_slice %arg8[%dma_start3A_645, %dma_start3A_646] : memref<512x16xf32, #tpu.memory_space<vmem>> -> memref<128x16xf32, #tpu.memory_space<vmem>>
    %dma_start3A_648 = arith.constant 256 : i32
    %dma_start3A_649 = tpu.memref_slice %arg7[%dma_start3A_644, %dma_start3A_648] : memref<26x512xi32, #tpu.memory_space<vmem>> -> memref<1x128xi32, #tpu.memory_space<vmem>>
    %dma_start3A_650 = tpu.memref_squeeze %dma_start3A_649 : memref<1x128xi32, #tpu.memory_space<vmem>> -> memref<128xi32, #tpu.memory_space<vmem>>
    %dma_start3A_651 = arith.constant 0 : i32
    %dma_start3A_652 = arith.constant 0 : i32
    %dma_start3A_653 = tpu.memref_slice %arg4[%dma_start3A_651, %dma_start3A_652] : memref<1000012x16xf32, #tpu.memory_space<hbm>> -> memref<1000012x16xf32, #tpu.memory_space<hbm>>
    tpu.enqueue_indirect_dma source(%dma_start3A_653 : memref<1000012x16xf32, #tpu.memory_space<hbm>>) target(%dma_start3A_647 : memref<128x16xf32, #tpu.memory_space<vmem>>) offsets(%dma_start3A_650 : memref<128xi32, #tpu.memory_space<vmem>>) semaphore(%arg10 : memref<!tpu.dma_semaphore, #tpu.memory_space<semaphore_mem>>) {add = true}
    %dma_start3A_654 = arith.constant 12 : i32
    %dma_start3A_655 = arith.constant 256 : i32
    %dma_start3A_656 = arith.constant 0 : i32
    %dma_start3A_657 = tpu.memref_slice %arg8[%dma_start3A_655, %dma_start3A_656] : memref<512x16xf32, #tpu.memory_space<vmem>> -> memref<128x16xf32, #tpu.memory_space<vmem>>
    %dma_start3A_658 = arith.constant 256 : i32
    %dma_start3A_659 = tpu.memref_slice %arg7[%dma_start3A_654, %dma_start3A_658] : memref<26x512xi32, #tpu.memory_space<vmem>> -> memref<1x128xi32, #tpu.memory_space<vmem>>
    %dma_start3A_660 = tpu.memref_squeeze %dma_start3A_659 : memref<1x128xi32, #tpu.memory_space<vmem>> -> memref<128xi32, #tpu.memory_space<vmem>>
    %dma_start3A_661 = arith.constant 0 : i32
    %dma_start3A_662 = arith.constant 0 : i32
    %dma_start3A_663 = tpu.memref_slice %arg4[%dma_start3A_661, %dma_start3A_662] : memref<1000012x16xf32, #tpu.memory_space<hbm>> -> memref<1000012x16xf32, #tpu.memory_space<hbm>>
    tpu.enqueue_indirect_dma source(%dma_start3A_663 : memref<1000012x16xf32, #tpu.memory_space<hbm>>) target(%dma_start3A_657 : memref<128x16xf32, #tpu.memory_space<vmem>>) offsets(%dma_start3A_660 : memref<128xi32, #tpu.memory_space<vmem>>) semaphore(%arg10 : memref<!tpu.dma_semaphore, #tpu.memory_space<semaphore_mem>>) {add = true}
    %dma_start3A_664 = arith.constant 13 : i32
    %dma_start3A_665 = arith.constant 256 : i32
    %dma_start3A_666 = arith.constant 0 : i32
    %dma_start3A_667 = tpu.memref_slice %arg8[%dma_start3A_665, %dma_start3A_666] : memref<512x16xf32, #tpu.memory_space<vmem>> -> memref<128x16xf32, #tpu.memory_space<vmem>>
    %dma_start3A_668 = arith.constant 256 : i32
    %dma_start3A_669 = tpu.memref_slice %arg7[%dma_start3A_664, %dma_start3A_668] : memref<26x512xi32, #tpu.memory_space<vmem>> -> memref<1x128xi32, #tpu.memory_space<vmem>>
    %dma_start3A_670 = tpu.memref_squeeze %dma_start3A_669 : memref<1x128xi32, #tpu.memory_space<vmem>> -> memref<128xi32, #tpu.memory_space<vmem>>
    %dma_start3A_671 = arith.constant 0 : i32
    %dma_start3A_672 = arith.constant 0 : i32
    %dma_start3A_673 = tpu.memref_slice %arg4[%dma_start3A_671, %dma_start3A_672] : memref<1000012x16xf32, #tpu.memory_space<hbm>> -> memref<1000012x16xf32, #tpu.memory_space<hbm>>
    tpu.enqueue_indirect_dma source(%dma_start3A_673 : memref<1000012x16xf32, #tpu.memory_space<hbm>>) target(%dma_start3A_667 : memref<128x16xf32, #tpu.memory_space<vmem>>) offsets(%dma_start3A_670 : memref<128xi32, #tpu.memory_space<vmem>>) semaphore(%arg10 : memref<!tpu.dma_semaphore, #tpu.memory_space<semaphore_mem>>) {add = true}
    %dma_start3A_674 = arith.constant 14 : i32
    %dma_start3A_675 = arith.constant 256 : i32
    %dma_start3A_676 = arith.constant 0 : i32
    %dma_start3A_677 = tpu.memref_slice %arg8[%dma_start3A_675, %dma_start3A_676] : memref<512x16xf32, #tpu.memory_space<vmem>> -> memref<128x16xf32, #tpu.memory_space<vmem>>
    %dma_start3A_678 = arith.constant 256 : i32
    %dma_start3A_679 = tpu.memref_slice %arg7[%dma_start3A_674, %dma_start3A_678] : memref<26x512xi32, #tpu.memory_space<vmem>> -> memref<1x128xi32, #tpu.memory_space<vmem>>
    %dma_start3A_680 = tpu.memref_squeeze %dma_start3A_679 : memref<1x128xi32, #tpu.memory_space<vmem>> -> memref<128xi32, #tpu.memory_space<vmem>>
    %dma_start3A_681 = arith.constant 0 : i32
    %dma_start3A_682 = arith.constant 0 : i32
    %dma_start3A_683 = tpu.memref_slice %arg4[%dma_start3A_681, %dma_start3A_682] : memref<1000012x16xf32, #tpu.memory_space<hbm>> -> memref<1000012x16xf32, #tpu.memory_space<hbm>>
    tpu.enqueue_indirect_dma source(%dma_start3A_683 : memref<1000012x16xf32, #tpu.memory_space<hbm>>) target(%dma_start3A_677 : memref<128x16xf32, #tpu.memory_space<vmem>>) offsets(%dma_start3A_680 : memref<128xi32, #tpu.memory_space<vmem>>) semaphore(%arg10 : memref<!tpu.dma_semaphore, #tpu.memory_space<semaphore_mem>>) {add = true}
    %dma_start3A_684 = arith.constant 15 : i32
    %dma_start3A_685 = arith.constant 256 : i32
    %dma_start3A_686 = arith.constant 0 : i32
    %dma_start3A_687 = tpu.memref_slice %arg8[%dma_start3A_685, %dma_start3A_686] : memref<512x16xf32, #tpu.memory_space<vmem>> -> memref<128x16xf32, #tpu.memory_space<vmem>>
    %dma_start3A_688 = arith.constant 256 : i32
    %dma_start3A_689 = tpu.memref_slice %arg7[%dma_start3A_684, %dma_start3A_688] : memref<26x512xi32, #tpu.memory_space<vmem>> -> memref<1x128xi32, #tpu.memory_space<vmem>>
    %dma_start3A_690 = tpu.memref_squeeze %dma_start3A_689 : memref<1x128xi32, #tpu.memory_space<vmem>> -> memref<128xi32, #tpu.memory_space<vmem>>
    %dma_start3A_691 = arith.constant 0 : i32
    %dma_start3A_692 = arith.constant 0 : i32
    %dma_start3A_693 = tpu.memref_slice %arg4[%dma_start3A_691, %dma_start3A_692] : memref<1000012x16xf32, #tpu.memory_space<hbm>> -> memref<1000012x16xf32, #tpu.memory_space<hbm>>
    tpu.enqueue_indirect_dma source(%dma_start3A_693 : memref<1000012x16xf32, #tpu.memory_space<hbm>>) target(%dma_start3A_687 : memref<128x16xf32, #tpu.memory_space<vmem>>) offsets(%dma_start3A_690 : memref<128xi32, #tpu.memory_space<vmem>>) semaphore(%arg10 : memref<!tpu.dma_semaphore, #tpu.memory_space<semaphore_mem>>) {add = true}
    %dma_start3A_694 = arith.constant 16 : i32
    %dma_start3A_695 = arith.constant 256 : i32
    %dma_start3A_696 = arith.constant 0 : i32
    %dma_start3A_697 = tpu.memref_slice %arg8[%dma_start3A_695, %dma_start3A_696] : memref<512x16xf32, #tpu.memory_space<vmem>> -> memref<128x16xf32, #tpu.memory_space<vmem>>
    %dma_start3A_698 = arith.constant 256 : i32
    %dma_start3A_699 = tpu.memref_slice %arg7[%dma_start3A_694, %dma_start3A_698] : memref<26x512xi32, #tpu.memory_space<vmem>> -> memref<1x128xi32, #tpu.memory_space<vmem>>
    %dma_start3A_700 = tpu.memref_squeeze %dma_start3A_699 : memref<1x128xi32, #tpu.memory_space<vmem>> -> memref<128xi32, #tpu.memory_space<vmem>>
    %dma_start3A_701 = arith.constant 0 : i32
    %dma_start3A_702 = arith.constant 0 : i32
    %dma_start3A_703 = tpu.memref_slice %arg4[%dma_start3A_701, %dma_start3A_702] : memref<1000012x16xf32, #tpu.memory_space<hbm>> -> memref<1000012x16xf32, #tpu.memory_space<hbm>>
    tpu.enqueue_indirect_dma source(%dma_start3A_703 : memref<1000012x16xf32, #tpu.memory_space<hbm>>) target(%dma_start3A_697 : memref<128x16xf32, #tpu.memory_space<vmem>>) offsets(%dma_start3A_700 : memref<128xi32, #tpu.memory_space<vmem>>) semaphore(%arg10 : memref<!tpu.dma_semaphore, #tpu.memory_space<semaphore_mem>>) {add = true}
    %dma_start3A_704 = arith.constant 17 : i32
    %dma_start3A_705 = arith.constant 256 : i32
    %dma_start3A_706 = arith.constant 0 : i32
    %dma_start3A_707 = tpu.memref_slice %arg8[%dma_start3A_705, %dma_start3A_706] : memref<512x16xf32, #tpu.memory_space<vmem>> -> memref<128x16xf32, #tpu.memory_space<vmem>>
    %dma_start3A_708 = arith.constant 256 : i32
    %dma_start3A_709 = tpu.memref_slice %arg7[%dma_start3A_704, %dma_start3A_708] : memref<26x512xi32, #tpu.memory_space<vmem>> -> memref<1x128xi32, #tpu.memory_space<vmem>>
    %dma_start3A_710 = tpu.memref_squeeze %dma_start3A_709 : memref<1x128xi32, #tpu.memory_space<vmem>> -> memref<128xi32, #tpu.memory_space<vmem>>
    %dma_start3A_711 = arith.constant 0 : i32
    %dma_start3A_712 = arith.constant 0 : i32
    %dma_start3A_713 = tpu.memref_slice %arg4[%dma_start3A_711, %dma_start3A_712] : memref<1000012x16xf32, #tpu.memory_space<hbm>> -> memref<1000012x16xf32, #tpu.memory_space<hbm>>
    tpu.enqueue_indirect_dma source(%dma_start3A_713 : memref<1000012x16xf32, #tpu.memory_space<hbm>>) target(%dma_start3A_707 : memref<128x16xf32, #tpu.memory_space<vmem>>) offsets(%dma_start3A_710 : memref<128xi32, #tpu.memory_space<vmem>>) semaphore(%arg10 : memref<!tpu.dma_semaphore, #tpu.memory_space<semaphore_mem>>) {add = true}
    %dma_start3A_714 = arith.constant 18 : i32
    %dma_start3A_715 = arith.constant 256 : i32
    %dma_start3A_716 = arith.constant 0 : i32
    %dma_start3A_717 = tpu.memref_slice %arg8[%dma_start3A_715, %dma_start3A_716] : memref<512x16xf32, #tpu.memory_space<vmem>> -> memref<128x16xf32, #tpu.memory_space<vmem>>
    %dma_start3A_718 = arith.constant 256 : i32
    %dma_start3A_719 = tpu.memref_slice %arg7[%dma_start3A_714, %dma_start3A_718] : memref<26x512xi32, #tpu.memory_space<vmem>> -> memref<1x128xi32, #tpu.memory_space<vmem>>
    %dma_start3A_720 = tpu.memref_squeeze %dma_start3A_719 : memref<1x128xi32, #tpu.memory_space<vmem>> -> memref<128xi32, #tpu.memory_space<vmem>>
    %dma_start3A_721 = arith.constant 0 : i32
    %dma_start3A_722 = arith.constant 0 : i32
    %dma_start3A_723 = tpu.memref_slice %arg4[%dma_start3A_721, %dma_start3A_722] : memref<1000012x16xf32, #tpu.memory_space<hbm>> -> memref<1000012x16xf32, #tpu.memory_space<hbm>>
    tpu.enqueue_indirect_dma source(%dma_start3A_723 : memref<1000012x16xf32, #tpu.memory_space<hbm>>) target(%dma_start3A_717 : memref<128x16xf32, #tpu.memory_space<vmem>>) offsets(%dma_start3A_720 : memref<128xi32, #tpu.memory_space<vmem>>) semaphore(%arg10 : memref<!tpu.dma_semaphore, #tpu.memory_space<semaphore_mem>>) {add = true}
    %dma_start3A_724 = arith.constant 19 : i32
    %dma_start3A_725 = arith.constant 256 : i32
    %dma_start3A_726 = arith.constant 0 : i32
    %dma_start3A_727 = tpu.memref_slice %arg8[%dma_start3A_725, %dma_start3A_726] : memref<512x16xf32, #tpu.memory_space<vmem>> -> memref<128x16xf32, #tpu.memory_space<vmem>>
    %dma_start3A_728 = arith.constant 256 : i32
    %dma_start3A_729 = tpu.memref_slice %arg7[%dma_start3A_724, %dma_start3A_728] : memref<26x512xi32, #tpu.memory_space<vmem>> -> memref<1x128xi32, #tpu.memory_space<vmem>>
    %dma_start3A_730 = tpu.memref_squeeze %dma_start3A_729 : memref<1x128xi32, #tpu.memory_space<vmem>> -> memref<128xi32, #tpu.memory_space<vmem>>
    %dma_start3A_731 = arith.constant 0 : i32
    %dma_start3A_732 = arith.constant 0 : i32
    %dma_start3A_733 = tpu.memref_slice %arg4[%dma_start3A_731, %dma_start3A_732] : memref<1000012x16xf32, #tpu.memory_space<hbm>> -> memref<1000012x16xf32, #tpu.memory_space<hbm>>
    tpu.enqueue_indirect_dma source(%dma_start3A_733 : memref<1000012x16xf32, #tpu.memory_space<hbm>>) target(%dma_start3A_727 : memref<128x16xf32, #tpu.memory_space<vmem>>) offsets(%dma_start3A_730 : memref<128xi32, #tpu.memory_space<vmem>>) semaphore(%arg10 : memref<!tpu.dma_semaphore, #tpu.memory_space<semaphore_mem>>) {add = true}
    %dma_start3A_734 = arith.constant 20 : i32
    %dma_start3A_735 = arith.constant 256 : i32
    %dma_start3A_736 = arith.constant 0 : i32
    %dma_start3A_737 = tpu.memref_slice %arg8[%dma_start3A_735, %dma_start3A_736] : memref<512x16xf32, #tpu.memory_space<vmem>> -> memref<128x16xf32, #tpu.memory_space<vmem>>
    %dma_start3A_738 = arith.constant 256 : i32
    %dma_start3A_739 = tpu.memref_slice %arg7[%dma_start3A_734, %dma_start3A_738] : memref<26x512xi32, #tpu.memory_space<vmem>> -> memref<1x128xi32, #tpu.memory_space<vmem>>
    %dma_start3A_740 = tpu.memref_squeeze %dma_start3A_739 : memref<1x128xi32, #tpu.memory_space<vmem>> -> memref<128xi32, #tpu.memory_space<vmem>>
    %dma_start3A_741 = arith.constant 0 : i32
    %dma_start3A_742 = arith.constant 0 : i32
    %dma_start3A_743 = tpu.memref_slice %arg4[%dma_start3A_741, %dma_start3A_742] : memref<1000012x16xf32, #tpu.memory_space<hbm>> -> memref<1000012x16xf32, #tpu.memory_space<hbm>>
    tpu.enqueue_indirect_dma source(%dma_start3A_743 : memref<1000012x16xf32, #tpu.memory_space<hbm>>) target(%dma_start3A_737 : memref<128x16xf32, #tpu.memory_space<vmem>>) offsets(%dma_start3A_740 : memref<128xi32, #tpu.memory_space<vmem>>) semaphore(%arg10 : memref<!tpu.dma_semaphore, #tpu.memory_space<semaphore_mem>>) {add = true}
    %dma_start3A_744 = arith.constant 21 : i32
    %dma_start3A_745 = arith.constant 256 : i32
    %dma_start3A_746 = arith.constant 0 : i32
    %dma_start3A_747 = tpu.memref_slice %arg8[%dma_start3A_745, %dma_start3A_746] : memref<512x16xf32, #tpu.memory_space<vmem>> -> memref<128x16xf32, #tpu.memory_space<vmem>>
    %dma_start3A_748 = arith.constant 256 : i32
    %dma_start3A_749 = tpu.memref_slice %arg7[%dma_start3A_744, %dma_start3A_748] : memref<26x512xi32, #tpu.memory_space<vmem>> -> memref<1x128xi32, #tpu.memory_space<vmem>>
    %dma_start3A_750 = tpu.memref_squeeze %dma_start3A_749 : memref<1x128xi32, #tpu.memory_space<vmem>> -> memref<128xi32, #tpu.memory_space<vmem>>
    %dma_start3A_751 = arith.constant 0 : i32
    %dma_start3A_752 = arith.constant 0 : i32
    %dma_start3A_753 = tpu.memref_slice %arg4[%dma_start3A_751, %dma_start3A_752] : memref<1000012x16xf32, #tpu.memory_space<hbm>> -> memref<1000012x16xf32, #tpu.memory_space<hbm>>
    tpu.enqueue_indirect_dma source(%dma_start3A_753 : memref<1000012x16xf32, #tpu.memory_space<hbm>>) target(%dma_start3A_747 : memref<128x16xf32, #tpu.memory_space<vmem>>) offsets(%dma_start3A_750 : memref<128xi32, #tpu.memory_space<vmem>>) semaphore(%arg10 : memref<!tpu.dma_semaphore, #tpu.memory_space<semaphore_mem>>) {add = true}
    %dma_start3A_754 = arith.constant 22 : i32
    %dma_start3A_755 = arith.constant 256 : i32
    %dma_start3A_756 = arith.constant 0 : i32
    %dma_start3A_757 = tpu.memref_slice %arg8[%dma_start3A_755, %dma_start3A_756] : memref<512x16xf32, #tpu.memory_space<vmem>> -> memref<128x16xf32, #tpu.memory_space<vmem>>
    %dma_start3A_758 = arith.constant 256 : i32
    %dma_start3A_759 = tpu.memref_slice %arg7[%dma_start3A_754, %dma_start3A_758] : memref<26x512xi32, #tpu.memory_space<vmem>> -> memref<1x128xi32, #tpu.memory_space<vmem>>
    %dma_start3A_760 = tpu.memref_squeeze %dma_start3A_759 : memref<1x128xi32, #tpu.memory_space<vmem>> -> memref<128xi32, #tpu.memory_space<vmem>>
    %dma_start3A_761 = arith.constant 0 : i32
    %dma_start3A_762 = arith.constant 0 : i32
    %dma_start3A_763 = tpu.memref_slice %arg4[%dma_start3A_761, %dma_start3A_762] : memref<1000012x16xf32, #tpu.memory_space<hbm>> -> memref<1000012x16xf32, #tpu.memory_space<hbm>>
    tpu.enqueue_indirect_dma source(%dma_start3A_763 : memref<1000012x16xf32, #tpu.memory_space<hbm>>) target(%dma_start3A_757 : memref<128x16xf32, #tpu.memory_space<vmem>>) offsets(%dma_start3A_760 : memref<128xi32, #tpu.memory_space<vmem>>) semaphore(%arg10 : memref<!tpu.dma_semaphore, #tpu.memory_space<semaphore_mem>>) {add = true}
    %dma_start3A_764 = arith.constant 23 : i32
    %dma_start3A_765 = arith.constant 256 : i32
    %dma_start3A_766 = arith.constant 0 : i32
    %dma_start3A_767 = tpu.memref_slice %arg8[%dma_start3A_765, %dma_start3A_766] : memref<512x16xf32, #tpu.memory_space<vmem>> -> memref<128x16xf32, #tpu.memory_space<vmem>>
    %dma_start3A_768 = arith.constant 256 : i32
    %dma_start3A_769 = tpu.memref_slice %arg7[%dma_start3A_764, %dma_start3A_768] : memref<26x512xi32, #tpu.memory_space<vmem>> -> memref<1x128xi32, #tpu.memory_space<vmem>>
    %dma_start3A_770 = tpu.memref_squeeze %dma_start3A_769 : memref<1x128xi32, #tpu.memory_space<vmem>> -> memref<128xi32, #tpu.memory_space<vmem>>
    %dma_start3A_771 = arith.constant 0 : i32
    %dma_start3A_772 = arith.constant 0 : i32
    %dma_start3A_773 = tpu.memref_slice %arg4[%dma_start3A_771, %dma_start3A_772] : memref<1000012x16xf32, #tpu.memory_space<hbm>> -> memref<1000012x16xf32, #tpu.memory_space<hbm>>
    tpu.enqueue_indirect_dma source(%dma_start3A_773 : memref<1000012x16xf32, #tpu.memory_space<hbm>>) target(%dma_start3A_767 : memref<128x16xf32, #tpu.memory_space<vmem>>) offsets(%dma_start3A_770 : memref<128xi32, #tpu.memory_space<vmem>>) semaphore(%arg10 : memref<!tpu.dma_semaphore, #tpu.memory_space<semaphore_mem>>) {add = true}
    %dma_start3A_774 = arith.constant 24 : i32
    %dma_start3A_775 = arith.constant 256 : i32
    %dma_start3A_776 = arith.constant 0 : i32
    %dma_start3A_777 = tpu.memref_slice %arg8[%dma_start3A_775, %dma_start3A_776] : memref<512x16xf32, #tpu.memory_space<vmem>> -> memref<128x16xf32, #tpu.memory_space<vmem>>
    %dma_start3A_778 = arith.constant 256 : i32
    %dma_start3A_779 = tpu.memref_slice %arg7[%dma_start3A_774, %dma_start3A_778] : memref<26x512xi32, #tpu.memory_space<vmem>> -> memref<1x128xi32, #tpu.memory_space<vmem>>
    %dma_start3A_780 = tpu.memref_squeeze %dma_start3A_779 : memref<1x128xi32, #tpu.memory_space<vmem>> -> memref<128xi32, #tpu.memory_space<vmem>>
    %dma_start3A_781 = arith.constant 0 : i32
    %dma_start3A_782 = arith.constant 0 : i32
    %dma_start3A_783 = tpu.memref_slice %arg4[%dma_start3A_781, %dma_start3A_782] : memref<1000012x16xf32, #tpu.memory_space<hbm>> -> memref<1000012x16xf32, #tpu.memory_space<hbm>>
    tpu.enqueue_indirect_dma source(%dma_start3A_783 : memref<1000012x16xf32, #tpu.memory_space<hbm>>) target(%dma_start3A_777 : memref<128x16xf32, #tpu.memory_space<vmem>>) offsets(%dma_start3A_780 : memref<128xi32, #tpu.memory_space<vmem>>) semaphore(%arg10 : memref<!tpu.dma_semaphore, #tpu.memory_space<semaphore_mem>>) {add = true}
    %dma_start3A_784 = arith.constant 25 : i32
    %dma_start3A_785 = arith.constant 256 : i32
    %dma_start3A_786 = arith.constant 0 : i32
    %dma_start3A_787 = tpu.memref_slice %arg8[%dma_start3A_785, %dma_start3A_786] : memref<512x16xf32, #tpu.memory_space<vmem>> -> memref<128x16xf32, #tpu.memory_space<vmem>>
    %dma_start3A_788 = arith.constant 256 : i32
    %dma_start3A_789 = tpu.memref_slice %arg7[%dma_start3A_784, %dma_start3A_788] : memref<26x512xi32, #tpu.memory_space<vmem>> -> memref<1x128xi32, #tpu.memory_space<vmem>>
    %dma_start3A_790 = tpu.memref_squeeze %dma_start3A_789 : memref<1x128xi32, #tpu.memory_space<vmem>> -> memref<128xi32, #tpu.memory_space<vmem>>
    %dma_start3A_791 = arith.constant 0 : i32
    %dma_start3A_792 = arith.constant 0 : i32
    %dma_start3A_793 = tpu.memref_slice %arg4[%dma_start3A_791, %dma_start3A_792] : memref<1000012x16xf32, #tpu.memory_space<hbm>> -> memref<1000012x16xf32, #tpu.memory_space<hbm>>
    tpu.enqueue_indirect_dma source(%dma_start3A_793 : memref<1000012x16xf32, #tpu.memory_space<hbm>>) target(%dma_start3A_787 : memref<128x16xf32, #tpu.memory_space<vmem>>) offsets(%dma_start3A_790 : memref<128xi32, #tpu.memory_space<vmem>>) semaphore(%arg10 : memref<!tpu.dma_semaphore, #tpu.memory_space<semaphore_mem>>) {add = true}
    %dma_start3A_794 = arith.constant 0 : i32
    %dma_start3A_795 = arith.constant 384 : i32
    %dma_start3A_796 = arith.constant 0 : i32
    %dma_start3A_797 = tpu.memref_slice %arg8[%dma_start3A_795, %dma_start3A_796] : memref<512x16xf32, #tpu.memory_space<vmem>> -> memref<128x16xf32, #tpu.memory_space<vmem>>
    %dma_start3A_798 = arith.constant 384 : i32
    %dma_start3A_799 = tpu.memref_slice %arg7[%dma_start3A_794, %dma_start3A_798] : memref<26x512xi32, #tpu.memory_space<vmem>> -> memref<1x128xi32, #tpu.memory_space<vmem>>
    %dma_start3A_800 = tpu.memref_squeeze %dma_start3A_799 : memref<1x128xi32, #tpu.memory_space<vmem>> -> memref<128xi32, #tpu.memory_space<vmem>>
    %dma_start3A_801 = arith.constant 0 : i32
    %dma_start3A_802 = arith.constant 0 : i32
    %dma_start3A_803 = tpu.memref_slice %arg4[%dma_start3A_801, %dma_start3A_802] : memref<1000012x16xf32, #tpu.memory_space<hbm>> -> memref<1000012x16xf32, #tpu.memory_space<hbm>>
    tpu.enqueue_indirect_dma source(%dma_start3A_803 : memref<1000012x16xf32, #tpu.memory_space<hbm>>) target(%dma_start3A_797 : memref<128x16xf32, #tpu.memory_space<vmem>>) offsets(%dma_start3A_800 : memref<128xi32, #tpu.memory_space<vmem>>) semaphore(%arg10 : memref<!tpu.dma_semaphore, #tpu.memory_space<semaphore_mem>>) {add = true}
    %dma_start3A_804 = arith.constant 1 : i32
    %dma_start3A_805 = arith.constant 384 : i32
    %dma_start3A_806 = arith.constant 0 : i32
    %dma_start3A_807 = tpu.memref_slice %arg8[%dma_start3A_805, %dma_start3A_806] : memref<512x16xf32, #tpu.memory_space<vmem>> -> memref<128x16xf32, #tpu.memory_space<vmem>>
    %dma_start3A_808 = arith.constant 384 : i32
    %dma_start3A_809 = tpu.memref_slice %arg7[%dma_start3A_804, %dma_start3A_808] : memref<26x512xi32, #tpu.memory_space<vmem>> -> memref<1x128xi32, #tpu.memory_space<vmem>>
    %dma_start3A_810 = tpu.memref_squeeze %dma_start3A_809 : memref<1x128xi32, #tpu.memory_space<vmem>> -> memref<128xi32, #tpu.memory_space<vmem>>
    %dma_start3A_811 = arith.constant 0 : i32
    %dma_start3A_812 = arith.constant 0 : i32
    %dma_start3A_813 = tpu.memref_slice %arg4[%dma_start3A_811, %dma_start3A_812] : memref<1000012x16xf32, #tpu.memory_space<hbm>> -> memref<1000012x16xf32, #tpu.memory_space<hbm>>
    tpu.enqueue_indirect_dma source(%dma_start3A_813 : memref<1000012x16xf32, #tpu.memory_space<hbm>>) target(%dma_start3A_807 : memref<128x16xf32, #tpu.memory_space<vmem>>) offsets(%dma_start3A_810 : memref<128xi32, #tpu.memory_space<vmem>>) semaphore(%arg10 : memref<!tpu.dma_semaphore, #tpu.memory_space<semaphore_mem>>) {add = true}
    %dma_start3A_814 = arith.constant 2 : i32
    %dma_start3A_815 = arith.constant 384 : i32
    %dma_start3A_816 = arith.constant 0 : i32
    %dma_start3A_817 = tpu.memref_slice %arg8[%dma_start3A_815, %dma_start3A_816] : memref<512x16xf32, #tpu.memory_space<vmem>> -> memref<128x16xf32, #tpu.memory_space<vmem>>
    %dma_start3A_818 = arith.constant 384 : i32
    %dma_start3A_819 = tpu.memref_slice %arg7[%dma_start3A_814, %dma_start3A_818] : memref<26x512xi32, #tpu.memory_space<vmem>> -> memref<1x128xi32, #tpu.memory_space<vmem>>
    %dma_start3A_820 = tpu.memref_squeeze %dma_start3A_819 : memref<1x128xi32, #tpu.memory_space<vmem>> -> memref<128xi32, #tpu.memory_space<vmem>>
    %dma_start3A_821 = arith.constant 0 : i32
    %dma_start3A_822 = arith.constant 0 : i32
    %dma_start3A_823 = tpu.memref_slice %arg4[%dma_start3A_821, %dma_start3A_822] : memref<1000012x16xf32, #tpu.memory_space<hbm>> -> memref<1000012x16xf32, #tpu.memory_space<hbm>>
    tpu.enqueue_indirect_dma source(%dma_start3A_823 : memref<1000012x16xf32, #tpu.memory_space<hbm>>) target(%dma_start3A_817 : memref<128x16xf32, #tpu.memory_space<vmem>>) offsets(%dma_start3A_820 : memref<128xi32, #tpu.memory_space<vmem>>) semaphore(%arg10 : memref<!tpu.dma_semaphore, #tpu.memory_space<semaphore_mem>>) {add = true}
    %dma_start3A_824 = arith.constant 3 : i32
    %dma_start3A_825 = arith.constant 384 : i32
    %dma_start3A_826 = arith.constant 0 : i32
    %dma_start3A_827 = tpu.memref_slice %arg8[%dma_start3A_825, %dma_start3A_826] : memref<512x16xf32, #tpu.memory_space<vmem>> -> memref<128x16xf32, #tpu.memory_space<vmem>>
    %dma_start3A_828 = arith.constant 384 : i32
    %dma_start3A_829 = tpu.memref_slice %arg7[%dma_start3A_824, %dma_start3A_828] : memref<26x512xi32, #tpu.memory_space<vmem>> -> memref<1x128xi32, #tpu.memory_space<vmem>>
    %dma_start3A_830 = tpu.memref_squeeze %dma_start3A_829 : memref<1x128xi32, #tpu.memory_space<vmem>> -> memref<128xi32, #tpu.memory_space<vmem>>
    %dma_start3A_831 = arith.constant 0 : i32
    %dma_start3A_832 = arith.constant 0 : i32
    %dma_start3A_833 = tpu.memref_slice %arg4[%dma_start3A_831, %dma_start3A_832] : memref<1000012x16xf32, #tpu.memory_space<hbm>> -> memref<1000012x16xf32, #tpu.memory_space<hbm>>
    tpu.enqueue_indirect_dma source(%dma_start3A_833 : memref<1000012x16xf32, #tpu.memory_space<hbm>>) target(%dma_start3A_827 : memref<128x16xf32, #tpu.memory_space<vmem>>) offsets(%dma_start3A_830 : memref<128xi32, #tpu.memory_space<vmem>>) semaphore(%arg10 : memref<!tpu.dma_semaphore, #tpu.memory_space<semaphore_mem>>) {add = true}
    %dma_start3A_834 = arith.constant 4 : i32
    %dma_start3A_835 = arith.constant 384 : i32
    %dma_start3A_836 = arith.constant 0 : i32
    %dma_start3A_837 = tpu.memref_slice %arg8[%dma_start3A_835, %dma_start3A_836] : memref<512x16xf32, #tpu.memory_space<vmem>> -> memref<128x16xf32, #tpu.memory_space<vmem>>
    %dma_start3A_838 = arith.constant 384 : i32
    %dma_start3A_839 = tpu.memref_slice %arg7[%dma_start3A_834, %dma_start3A_838] : memref<26x512xi32, #tpu.memory_space<vmem>> -> memref<1x128xi32, #tpu.memory_space<vmem>>
    %dma_start3A_840 = tpu.memref_squeeze %dma_start3A_839 : memref<1x128xi32, #tpu.memory_space<vmem>> -> memref<128xi32, #tpu.memory_space<vmem>>
    %dma_start3A_841 = arith.constant 0 : i32
    %dma_start3A_842 = arith.constant 0 : i32
    %dma_start3A_843 = tpu.memref_slice %arg4[%dma_start3A_841, %dma_start3A_842] : memref<1000012x16xf32, #tpu.memory_space<hbm>> -> memref<1000012x16xf32, #tpu.memory_space<hbm>>
    tpu.enqueue_indirect_dma source(%dma_start3A_843 : memref<1000012x16xf32, #tpu.memory_space<hbm>>) target(%dma_start3A_837 : memref<128x16xf32, #tpu.memory_space<vmem>>) offsets(%dma_start3A_840 : memref<128xi32, #tpu.memory_space<vmem>>) semaphore(%arg10 : memref<!tpu.dma_semaphore, #tpu.memory_space<semaphore_mem>>) {add = true}
    %dma_start3A_844 = arith.constant 5 : i32
    %dma_start3A_845 = arith.constant 384 : i32
    %dma_start3A_846 = arith.constant 0 : i32
    %dma_start3A_847 = tpu.memref_slice %arg8[%dma_start3A_845, %dma_start3A_846] : memref<512x16xf32, #tpu.memory_space<vmem>> -> memref<128x16xf32, #tpu.memory_space<vmem>>
    %dma_start3A_848 = arith.constant 384 : i32
    %dma_start3A_849 = tpu.memref_slice %arg7[%dma_start3A_844, %dma_start3A_848] : memref<26x512xi32, #tpu.memory_space<vmem>> -> memref<1x128xi32, #tpu.memory_space<vmem>>
    %dma_start3A_850 = tpu.memref_squeeze %dma_start3A_849 : memref<1x128xi32, #tpu.memory_space<vmem>> -> memref<128xi32, #tpu.memory_space<vmem>>
    %dma_start3A_851 = arith.constant 0 : i32
    %dma_start3A_852 = arith.constant 0 : i32
    %dma_start3A_853 = tpu.memref_slice %arg4[%dma_start3A_851, %dma_start3A_852] : memref<1000012x16xf32, #tpu.memory_space<hbm>> -> memref<1000012x16xf32, #tpu.memory_space<hbm>>
    tpu.enqueue_indirect_dma source(%dma_start3A_853 : memref<1000012x16xf32, #tpu.memory_space<hbm>>) target(%dma_start3A_847 : memref<128x16xf32, #tpu.memory_space<vmem>>) offsets(%dma_start3A_850 : memref<128xi32, #tpu.memory_space<vmem>>) semaphore(%arg10 : memref<!tpu.dma_semaphore, #tpu.memory_space<semaphore_mem>>) {add = true}
    %dma_start3A_854 = arith.constant 6 : i32
    %dma_start3A_855 = arith.constant 384 : i32
    %dma_start3A_856 = arith.constant 0 : i32
    %dma_start3A_857 = tpu.memref_slice %arg8[%dma_start3A_855, %dma_start3A_856] : memref<512x16xf32, #tpu.memory_space<vmem>> -> memref<128x16xf32, #tpu.memory_space<vmem>>
    %dma_start3A_858 = arith.constant 384 : i32
    %dma_start3A_859 = tpu.memref_slice %arg7[%dma_start3A_854, %dma_start3A_858] : memref<26x512xi32, #tpu.memory_space<vmem>> -> memref<1x128xi32, #tpu.memory_space<vmem>>
    %dma_start3A_860 = tpu.memref_squeeze %dma_start3A_859 : memref<1x128xi32, #tpu.memory_space<vmem>> -> memref<128xi32, #tpu.memory_space<vmem>>
    %dma_start3A_861 = arith.constant 0 : i32
    %dma_start3A_862 = arith.constant 0 : i32
    %dma_start3A_863 = tpu.memref_slice %arg4[%dma_start3A_861, %dma_start3A_862] : memref<1000012x16xf32, #tpu.memory_space<hbm>> -> memref<1000012x16xf32, #tpu.memory_space<hbm>>
    tpu.enqueue_indirect_dma source(%dma_start3A_863 : memref<1000012x16xf32, #tpu.memory_space<hbm>>) target(%dma_start3A_857 : memref<128x16xf32, #tpu.memory_space<vmem>>) offsets(%dma_start3A_860 : memref<128xi32, #tpu.memory_space<vmem>>) semaphore(%arg10 : memref<!tpu.dma_semaphore, #tpu.memory_space<semaphore_mem>>) {add = true}
    %dma_start3A_864 = arith.constant 7 : i32
    %dma_start3A_865 = arith.constant 384 : i32
    %dma_start3A_866 = arith.constant 0 : i32
    %dma_start3A_867 = tpu.memref_slice %arg8[%dma_start3A_865, %dma_start3A_866] : memref<512x16xf32, #tpu.memory_space<vmem>> -> memref<128x16xf32, #tpu.memory_space<vmem>>
    %dma_start3A_868 = arith.constant 384 : i32
    %dma_start3A_869 = tpu.memref_slice %arg7[%dma_start3A_864, %dma_start3A_868] : memref<26x512xi32, #tpu.memory_space<vmem>> -> memref<1x128xi32, #tpu.memory_space<vmem>>
    %dma_start3A_870 = tpu.memref_squeeze %dma_start3A_869 : memref<1x128xi32, #tpu.memory_space<vmem>> -> memref<128xi32, #tpu.memory_space<vmem>>
    %dma_start3A_871 = arith.constant 0 : i32
    %dma_start3A_872 = arith.constant 0 : i32
    %dma_start3A_873 = tpu.memref_slice %arg4[%dma_start3A_871, %dma_start3A_872] : memref<1000012x16xf32, #tpu.memory_space<hbm>> -> memref<1000012x16xf32, #tpu.memory_space<hbm>>
    tpu.enqueue_indirect_dma source(%dma_start3A_873 : memref<1000012x16xf32, #tpu.memory_space<hbm>>) target(%dma_start3A_867 : memref<128x16xf32, #tpu.memory_space<vmem>>) offsets(%dma_start3A_870 : memref<128xi32, #tpu.memory_space<vmem>>) semaphore(%arg10 : memref<!tpu.dma_semaphore, #tpu.memory_space<semaphore_mem>>) {add = true}
    %dma_start3A_874 = arith.constant 8 : i32
    %dma_start3A_875 = arith.constant 384 : i32
    %dma_start3A_876 = arith.constant 0 : i32
    %dma_start3A_877 = tpu.memref_slice %arg8[%dma_start3A_875, %dma_start3A_876] : memref<512x16xf32, #tpu.memory_space<vmem>> -> memref<128x16xf32, #tpu.memory_space<vmem>>
    %dma_start3A_878 = arith.constant 384 : i32
    %dma_start3A_879 = tpu.memref_slice %arg7[%dma_start3A_874, %dma_start3A_878] : memref<26x512xi32, #tpu.memory_space<vmem>> -> memref<1x128xi32, #tpu.memory_space<vmem>>
    %dma_start3A_880 = tpu.memref_squeeze %dma_start3A_879 : memref<1x128xi32, #tpu.memory_space<vmem>> -> memref<128xi32, #tpu.memory_space<vmem>>
    %dma_start3A_881 = arith.constant 0 : i32
    %dma_start3A_882 = arith.constant 0 : i32
    %dma_start3A_883 = tpu.memref_slice %arg4[%dma_start3A_881, %dma_start3A_882] : memref<1000012x16xf32, #tpu.memory_space<hbm>> -> memref<1000012x16xf32, #tpu.memory_space<hbm>>
    tpu.enqueue_indirect_dma source(%dma_start3A_883 : memref<1000012x16xf32, #tpu.memory_space<hbm>>) target(%dma_start3A_877 : memref<128x16xf32, #tpu.memory_space<vmem>>) offsets(%dma_start3A_880 : memref<128xi32, #tpu.memory_space<vmem>>) semaphore(%arg10 : memref<!tpu.dma_semaphore, #tpu.memory_space<semaphore_mem>>) {add = true}
    %dma_start3A_884 = arith.constant 9 : i32
    %dma_start3A_885 = arith.constant 384 : i32
    %dma_start3A_886 = arith.constant 0 : i32
    %dma_start3A_887 = tpu.memref_slice %arg8[%dma_start3A_885, %dma_start3A_886] : memref<512x16xf32, #tpu.memory_space<vmem>> -> memref<128x16xf32, #tpu.memory_space<vmem>>
    %dma_start3A_888 = arith.constant 384 : i32
    %dma_start3A_889 = tpu.memref_slice %arg7[%dma_start3A_884, %dma_start3A_888] : memref<26x512xi32, #tpu.memory_space<vmem>> -> memref<1x128xi32, #tpu.memory_space<vmem>>
    %dma_start3A_890 = tpu.memref_squeeze %dma_start3A_889 : memref<1x128xi32, #tpu.memory_space<vmem>> -> memref<128xi32, #tpu.memory_space<vmem>>
    %dma_start3A_891 = arith.constant 0 : i32
    %dma_start3A_892 = arith.constant 0 : i32
    %dma_start3A_893 = tpu.memref_slice %arg4[%dma_start3A_891, %dma_start3A_892] : memref<1000012x16xf32, #tpu.memory_space<hbm>> -> memref<1000012x16xf32, #tpu.memory_space<hbm>>
    tpu.enqueue_indirect_dma source(%dma_start3A_893 : memref<1000012x16xf32, #tpu.memory_space<hbm>>) target(%dma_start3A_887 : memref<128x16xf32, #tpu.memory_space<vmem>>) offsets(%dma_start3A_890 : memref<128xi32, #tpu.memory_space<vmem>>) semaphore(%arg10 : memref<!tpu.dma_semaphore, #tpu.memory_space<semaphore_mem>>) {add = true}
    %dma_start3A_894 = arith.constant 10 : i32
    %dma_start3A_895 = arith.constant 384 : i32
    %dma_start3A_896 = arith.constant 0 : i32
    %dma_start3A_897 = tpu.memref_slice %arg8[%dma_start3A_895, %dma_start3A_896] : memref<512x16xf32, #tpu.memory_space<vmem>> -> memref<128x16xf32, #tpu.memory_space<vmem>>
    %dma_start3A_898 = arith.constant 384 : i32
    %dma_start3A_899 = tpu.memref_slice %arg7[%dma_start3A_894, %dma_start3A_898] : memref<26x512xi32, #tpu.memory_space<vmem>> -> memref<1x128xi32, #tpu.memory_space<vmem>>
    %dma_start3A_900 = tpu.memref_squeeze %dma_start3A_899 : memref<1x128xi32, #tpu.memory_space<vmem>> -> memref<128xi32, #tpu.memory_space<vmem>>
    %dma_start3A_901 = arith.constant 0 : i32
    %dma_start3A_902 = arith.constant 0 : i32
    %dma_start3A_903 = tpu.memref_slice %arg4[%dma_start3A_901, %dma_start3A_902] : memref<1000012x16xf32, #tpu.memory_space<hbm>> -> memref<1000012x16xf32, #tpu.memory_space<hbm>>
    tpu.enqueue_indirect_dma source(%dma_start3A_903 : memref<1000012x16xf32, #tpu.memory_space<hbm>>) target(%dma_start3A_897 : memref<128x16xf32, #tpu.memory_space<vmem>>) offsets(%dma_start3A_900 : memref<128xi32, #tpu.memory_space<vmem>>) semaphore(%arg10 : memref<!tpu.dma_semaphore, #tpu.memory_space<semaphore_mem>>) {add = true}
    %dma_start3A_904 = arith.constant 11 : i32
    %dma_start3A_905 = arith.constant 384 : i32
    %dma_start3A_906 = arith.constant 0 : i32
    %dma_start3A_907 = tpu.memref_slice %arg8[%dma_start3A_905, %dma_start3A_906] : memref<512x16xf32, #tpu.memory_space<vmem>> -> memref<128x16xf32, #tpu.memory_space<vmem>>
    %dma_start3A_908 = arith.constant 384 : i32
    %dma_start3A_909 = tpu.memref_slice %arg7[%dma_start3A_904, %dma_start3A_908] : memref<26x512xi32, #tpu.memory_space<vmem>> -> memref<1x128xi32, #tpu.memory_space<vmem>>
    %dma_start3A_910 = tpu.memref_squeeze %dma_start3A_909 : memref<1x128xi32, #tpu.memory_space<vmem>> -> memref<128xi32, #tpu.memory_space<vmem>>
    %dma_start3A_911 = arith.constant 0 : i32
    %dma_start3A_912 = arith.constant 0 : i32
    %dma_start3A_913 = tpu.memref_slice %arg4[%dma_start3A_911, %dma_start3A_912] : memref<1000012x16xf32, #tpu.memory_space<hbm>> -> memref<1000012x16xf32, #tpu.memory_space<hbm>>
    tpu.enqueue_indirect_dma source(%dma_start3A_913 : memref<1000012x16xf32, #tpu.memory_space<hbm>>) target(%dma_start3A_907 : memref<128x16xf32, #tpu.memory_space<vmem>>) offsets(%dma_start3A_910 : memref<128xi32, #tpu.memory_space<vmem>>) semaphore(%arg10 : memref<!tpu.dma_semaphore, #tpu.memory_space<semaphore_mem>>) {add = true}
    %dma_start3A_914 = arith.constant 12 : i32
    %dma_start3A_915 = arith.constant 384 : i32
    %dma_start3A_916 = arith.constant 0 : i32
    %dma_start3A_917 = tpu.memref_slice %arg8[%dma_start3A_915, %dma_start3A_916] : memref<512x16xf32, #tpu.memory_space<vmem>> -> memref<128x16xf32, #tpu.memory_space<vmem>>
    %dma_start3A_918 = arith.constant 384 : i32
    %dma_start3A_919 = tpu.memref_slice %arg7[%dma_start3A_914, %dma_start3A_918] : memref<26x512xi32, #tpu.memory_space<vmem>> -> memref<1x128xi32, #tpu.memory_space<vmem>>
    %dma_start3A_920 = tpu.memref_squeeze %dma_start3A_919 : memref<1x128xi32, #tpu.memory_space<vmem>> -> memref<128xi32, #tpu.memory_space<vmem>>
    %dma_start3A_921 = arith.constant 0 : i32
    %dma_start3A_922 = arith.constant 0 : i32
    %dma_start3A_923 = tpu.memref_slice %arg4[%dma_start3A_921, %dma_start3A_922] : memref<1000012x16xf32, #tpu.memory_space<hbm>> -> memref<1000012x16xf32, #tpu.memory_space<hbm>>
    tpu.enqueue_indirect_dma source(%dma_start3A_923 : memref<1000012x16xf32, #tpu.memory_space<hbm>>) target(%dma_start3A_917 : memref<128x16xf32, #tpu.memory_space<vmem>>) offsets(%dma_start3A_920 : memref<128xi32, #tpu.memory_space<vmem>>) semaphore(%arg10 : memref<!tpu.dma_semaphore, #tpu.memory_space<semaphore_mem>>) {add = true}
    %dma_start3A_924 = arith.constant 13 : i32
    %dma_start3A_925 = arith.constant 384 : i32
    %dma_start3A_926 = arith.constant 0 : i32
    %dma_start3A_927 = tpu.memref_slice %arg8[%dma_start3A_925, %dma_start3A_926] : memref<512x16xf32, #tpu.memory_space<vmem>> -> memref<128x16xf32, #tpu.memory_space<vmem>>
    %dma_start3A_928 = arith.constant 384 : i32
    %dma_start3A_929 = tpu.memref_slice %arg7[%dma_start3A_924, %dma_start3A_928] : memref<26x512xi32, #tpu.memory_space<vmem>> -> memref<1x128xi32, #tpu.memory_space<vmem>>
    %dma_start3A_930 = tpu.memref_squeeze %dma_start3A_929 : memref<1x128xi32, #tpu.memory_space<vmem>> -> memref<128xi32, #tpu.memory_space<vmem>>
    %dma_start3A_931 = arith.constant 0 : i32
    %dma_start3A_932 = arith.constant 0 : i32
    %dma_start3A_933 = tpu.memref_slice %arg4[%dma_start3A_931, %dma_start3A_932] : memref<1000012x16xf32, #tpu.memory_space<hbm>> -> memref<1000012x16xf32, #tpu.memory_space<hbm>>
    tpu.enqueue_indirect_dma source(%dma_start3A_933 : memref<1000012x16xf32, #tpu.memory_space<hbm>>) target(%dma_start3A_927 : memref<128x16xf32, #tpu.memory_space<vmem>>) offsets(%dma_start3A_930 : memref<128xi32, #tpu.memory_space<vmem>>) semaphore(%arg10 : memref<!tpu.dma_semaphore, #tpu.memory_space<semaphore_mem>>) {add = true}
    %dma_start3A_934 = arith.constant 14 : i32
    %dma_start3A_935 = arith.constant 384 : i32
    %dma_start3A_936 = arith.constant 0 : i32
    %dma_start3A_937 = tpu.memref_slice %arg8[%dma_start3A_935, %dma_start3A_936] : memref<512x16xf32, #tpu.memory_space<vmem>> -> memref<128x16xf32, #tpu.memory_space<vmem>>
    %dma_start3A_938 = arith.constant 384 : i32
    %dma_start3A_939 = tpu.memref_slice %arg7[%dma_start3A_934, %dma_start3A_938] : memref<26x512xi32, #tpu.memory_space<vmem>> -> memref<1x128xi32, #tpu.memory_space<vmem>>
    %dma_start3A_940 = tpu.memref_squeeze %dma_start3A_939 : memref<1x128xi32, #tpu.memory_space<vmem>> -> memref<128xi32, #tpu.memory_space<vmem>>
    %dma_start3A_941 = arith.constant 0 : i32
    %dma_start3A_942 = arith.constant 0 : i32
    %dma_start3A_943 = tpu.memref_slice %arg4[%dma_start3A_941, %dma_start3A_942] : memref<1000012x16xf32, #tpu.memory_space<hbm>> -> memref<1000012x16xf32, #tpu.memory_space<hbm>>
    tpu.enqueue_indirect_dma source(%dma_start3A_943 : memref<1000012x16xf32, #tpu.memory_space<hbm>>) target(%dma_start3A_937 : memref<128x16xf32, #tpu.memory_space<vmem>>) offsets(%dma_start3A_940 : memref<128xi32, #tpu.memory_space<vmem>>) semaphore(%arg10 : memref<!tpu.dma_semaphore, #tpu.memory_space<semaphore_mem>>) {add = true}
    %dma_start3A_944 = arith.constant 15 : i32
    %dma_start3A_945 = arith.constant 384 : i32
    %dma_start3A_946 = arith.constant 0 : i32
    %dma_start3A_947 = tpu.memref_slice %arg8[%dma_start3A_945, %dma_start3A_946] : memref<512x16xf32, #tpu.memory_space<vmem>> -> memref<128x16xf32, #tpu.memory_space<vmem>>
    %dma_start3A_948 = arith.constant 384 : i32
    %dma_start3A_949 = tpu.memref_slice %arg7[%dma_start3A_944, %dma_start3A_948] : memref<26x512xi32, #tpu.memory_space<vmem>> -> memref<1x128xi32, #tpu.memory_space<vmem>>
    %dma_start3A_950 = tpu.memref_squeeze %dma_start3A_949 : memref<1x128xi32, #tpu.memory_space<vmem>> -> memref<128xi32, #tpu.memory_space<vmem>>
    %dma_start3A_951 = arith.constant 0 : i32
    %dma_start3A_952 = arith.constant 0 : i32
    %dma_start3A_953 = tpu.memref_slice %arg4[%dma_start3A_951, %dma_start3A_952] : memref<1000012x16xf32, #tpu.memory_space<hbm>> -> memref<1000012x16xf32, #tpu.memory_space<hbm>>
    tpu.enqueue_indirect_dma source(%dma_start3A_953 : memref<1000012x16xf32, #tpu.memory_space<hbm>>) target(%dma_start3A_947 : memref<128x16xf32, #tpu.memory_space<vmem>>) offsets(%dma_start3A_950 : memref<128xi32, #tpu.memory_space<vmem>>) semaphore(%arg10 : memref<!tpu.dma_semaphore, #tpu.memory_space<semaphore_mem>>) {add = true}
    %dma_start3A_954 = arith.constant 16 : i32
    %dma_start3A_955 = arith.constant 384 : i32
    %dma_start3A_956 = arith.constant 0 : i32
    %dma_start3A_957 = tpu.memref_slice %arg8[%dma_start3A_955, %dma_start3A_956] : memref<512x16xf32, #tpu.memory_space<vmem>> -> memref<128x16xf32, #tpu.memory_space<vmem>>
    %dma_start3A_958 = arith.constant 384 : i32
    %dma_start3A_959 = tpu.memref_slice %arg7[%dma_start3A_954, %dma_start3A_958] : memref<26x512xi32, #tpu.memory_space<vmem>> -> memref<1x128xi32, #tpu.memory_space<vmem>>
    %dma_start3A_960 = tpu.memref_squeeze %dma_start3A_959 : memref<1x128xi32, #tpu.memory_space<vmem>> -> memref<128xi32, #tpu.memory_space<vmem>>
    %dma_start3A_961 = arith.constant 0 : i32
    %dma_start3A_962 = arith.constant 0 : i32
    %dma_start3A_963 = tpu.memref_slice %arg4[%dma_start3A_961, %dma_start3A_962] : memref<1000012x16xf32, #tpu.memory_space<hbm>> -> memref<1000012x16xf32, #tpu.memory_space<hbm>>
    tpu.enqueue_indirect_dma source(%dma_start3A_963 : memref<1000012x16xf32, #tpu.memory_space<hbm>>) target(%dma_start3A_957 : memref<128x16xf32, #tpu.memory_space<vmem>>) offsets(%dma_start3A_960 : memref<128xi32, #tpu.memory_space<vmem>>) semaphore(%arg10 : memref<!tpu.dma_semaphore, #tpu.memory_space<semaphore_mem>>) {add = true}
    %dma_start3A_964 = arith.constant 17 : i32
    %dma_start3A_965 = arith.constant 384 : i32
    %dma_start3A_966 = arith.constant 0 : i32
    %dma_start3A_967 = tpu.memref_slice %arg8[%dma_start3A_965, %dma_start3A_966] : memref<512x16xf32, #tpu.memory_space<vmem>> -> memref<128x16xf32, #tpu.memory_space<vmem>>
    %dma_start3A_968 = arith.constant 384 : i32
    %dma_start3A_969 = tpu.memref_slice %arg7[%dma_start3A_964, %dma_start3A_968] : memref<26x512xi32, #tpu.memory_space<vmem>> -> memref<1x128xi32, #tpu.memory_space<vmem>>
    %dma_start3A_970 = tpu.memref_squeeze %dma_start3A_969 : memref<1x128xi32, #tpu.memory_space<vmem>> -> memref<128xi32, #tpu.memory_space<vmem>>
    %dma_start3A_971 = arith.constant 0 : i32
    %dma_start3A_972 = arith.constant 0 : i32
    %dma_start3A_973 = tpu.memref_slice %arg4[%dma_start3A_971, %dma_start3A_972] : memref<1000012x16xf32, #tpu.memory_space<hbm>> -> memref<1000012x16xf32, #tpu.memory_space<hbm>>
    tpu.enqueue_indirect_dma source(%dma_start3A_973 : memref<1000012x16xf32, #tpu.memory_space<hbm>>) target(%dma_start3A_967 : memref<128x16xf32, #tpu.memory_space<vmem>>) offsets(%dma_start3A_970 : memref<128xi32, #tpu.memory_space<vmem>>) semaphore(%arg10 : memref<!tpu.dma_semaphore, #tpu.memory_space<semaphore_mem>>) {add = true}
    %dma_start3A_974 = arith.constant 18 : i32
    %dma_start3A_975 = arith.constant 384 : i32
    %dma_start3A_976 = arith.constant 0 : i32
    %dma_start3A_977 = tpu.memref_slice %arg8[%dma_start3A_975, %dma_start3A_976] : memref<512x16xf32, #tpu.memory_space<vmem>> -> memref<128x16xf32, #tpu.memory_space<vmem>>
    %dma_start3A_978 = arith.constant 384 : i32
    %dma_start3A_979 = tpu.memref_slice %arg7[%dma_start3A_974, %dma_start3A_978] : memref<26x512xi32, #tpu.memory_space<vmem>> -> memref<1x128xi32, #tpu.memory_space<vmem>>
    %dma_start3A_980 = tpu.memref_squeeze %dma_start3A_979 : memref<1x128xi32, #tpu.memory_space<vmem>> -> memref<128xi32, #tpu.memory_space<vmem>>
    %dma_start3A_981 = arith.constant 0 : i32
    %dma_start3A_982 = arith.constant 0 : i32
    %dma_start3A_983 = tpu.memref_slice %arg4[%dma_start3A_981, %dma_start3A_982] : memref<1000012x16xf32, #tpu.memory_space<hbm>> -> memref<1000012x16xf32, #tpu.memory_space<hbm>>
    tpu.enqueue_indirect_dma source(%dma_start3A_983 : memref<1000012x16xf32, #tpu.memory_space<hbm>>) target(%dma_start3A_977 : memref<128x16xf32, #tpu.memory_space<vmem>>) offsets(%dma_start3A_980 : memref<128xi32, #tpu.memory_space<vmem>>) semaphore(%arg10 : memref<!tpu.dma_semaphore, #tpu.memory_space<semaphore_mem>>) {add = true}
    %dma_start3A_984 = arith.constant 19 : i32
    %dma_start3A_985 = arith.constant 384 : i32
    %dma_start3A_986 = arith.constant 0 : i32
    %dma_start3A_987 = tpu.memref_slice %arg8[%dma_start3A_985, %dma_start3A_986] : memref<512x16xf32, #tpu.memory_space<vmem>> -> memref<128x16xf32, #tpu.memory_space<vmem>>
    %dma_start3A_988 = arith.constant 384 : i32
    %dma_start3A_989 = tpu.memref_slice %arg7[%dma_start3A_984, %dma_start3A_988] : memref<26x512xi32, #tpu.memory_space<vmem>> -> memref<1x128xi32, #tpu.memory_space<vmem>>
    %dma_start3A_990 = tpu.memref_squeeze %dma_start3A_989 : memref<1x128xi32, #tpu.memory_space<vmem>> -> memref<128xi32, #tpu.memory_space<vmem>>
    %dma_start3A_991 = arith.constant 0 : i32
    %dma_start3A_992 = arith.constant 0 : i32
    %dma_start3A_993 = tpu.memref_slice %arg4[%dma_start3A_991, %dma_start3A_992] : memref<1000012x16xf32, #tpu.memory_space<hbm>> -> memref<1000012x16xf32, #tpu.memory_space<hbm>>
    tpu.enqueue_indirect_dma source(%dma_start3A_993 : memref<1000012x16xf32, #tpu.memory_space<hbm>>) target(%dma_start3A_987 : memref<128x16xf32, #tpu.memory_space<vmem>>) offsets(%dma_start3A_990 : memref<128xi32, #tpu.memory_space<vmem>>) semaphore(%arg10 : memref<!tpu.dma_semaphore, #tpu.memory_space<semaphore_mem>>) {add = true}
    %dma_start3A_994 = arith.constant 20 : i32
    %dma_start3A_995 = arith.constant 384 : i32
    %dma_start3A_996 = arith.constant 0 : i32
    %dma_start3A_997 = tpu.memref_slice %arg8[%dma_start3A_995, %dma_start3A_996] : memref<512x16xf32, #tpu.memory_space<vmem>> -> memref<128x16xf32, #tpu.memory_space<vmem>>
    %dma_start3A_998 = arith.constant 384 : i32
    %dma_start3A_999 = tpu.memref_slice %arg7[%dma_start3A_994, %dma_start3A_998] : memref<26x512xi32, #tpu.memory_space<vmem>> -> memref<1x128xi32, #tpu.memory_space<vmem>>
    %dma_start3A_1000 = tpu.memref_squeeze %dma_start3A_999 : memref<1x128xi32, #tpu.memory_space<vmem>> -> memref<128xi32, #tpu.memory_space<vmem>>
    %dma_start3A_1001 = arith.constant 0 : i32
    %dma_start3A_1002 = arith.constant 0 : i32
    %dma_start3A_1003 = tpu.memref_slice %arg4[%dma_start3A_1001, %dma_start3A_1002] : memref<1000012x16xf32, #tpu.memory_space<hbm>> -> memref<1000012x16xf32, #tpu.memory_space<hbm>>
    tpu.enqueue_indirect_dma source(%dma_start3A_1003 : memref<1000012x16xf32, #tpu.memory_space<hbm>>) target(%dma_start3A_997 : memref<128x16xf32, #tpu.memory_space<vmem>>) offsets(%dma_start3A_1000 : memref<128xi32, #tpu.memory_space<vmem>>) semaphore(%arg10 : memref<!tpu.dma_semaphore, #tpu.memory_space<semaphore_mem>>) {add = true}
    %dma_start3A_1004 = arith.constant 21 : i32
    %dma_start3A_1005 = arith.constant 384 : i32
    %dma_start3A_1006 = arith.constant 0 : i32
    %dma_start3A_1007 = tpu.memref_slice %arg8[%dma_start3A_1005, %dma_start3A_1006] : memref<512x16xf32, #tpu.memory_space<vmem>> -> memref<128x16xf32, #tpu.memory_space<vmem>>
    %dma_start3A_1008 = arith.constant 384 : i32
    %dma_start3A_1009 = tpu.memref_slice %arg7[%dma_start3A_1004, %dma_start3A_1008] : memref<26x512xi32, #tpu.memory_space<vmem>> -> memref<1x128xi32, #tpu.memory_space<vmem>>
    %dma_start3A_1010 = tpu.memref_squeeze %dma_start3A_1009 : memref<1x128xi32, #tpu.memory_space<vmem>> -> memref<128xi32, #tpu.memory_space<vmem>>
    %dma_start3A_1011 = arith.constant 0 : i32
    %dma_start3A_1012 = arith.constant 0 : i32
    %dma_start3A_1013 = tpu.memref_slice %arg4[%dma_start3A_1011, %dma_start3A_1012] : memref<1000012x16xf32, #tpu.memory_space<hbm>> -> memref<1000012x16xf32, #tpu.memory_space<hbm>>
    tpu.enqueue_indirect_dma source(%dma_start3A_1013 : memref<1000012x16xf32, #tpu.memory_space<hbm>>) target(%dma_start3A_1007 : memref<128x16xf32, #tpu.memory_space<vmem>>) offsets(%dma_start3A_1010 : memref<128xi32, #tpu.memory_space<vmem>>) semaphore(%arg10 : memref<!tpu.dma_semaphore, #tpu.memory_space<semaphore_mem>>) {add = true}
    %dma_start3A_1014 = arith.constant 22 : i32
    %dma_start3A_1015 = arith.constant 384 : i32
    %dma_start3A_1016 = arith.constant 0 : i32
    %dma_start3A_1017 = tpu.memref_slice %arg8[%dma_start3A_1015, %dma_start3A_1016] : memref<512x16xf32, #tpu.memory_space<vmem>> -> memref<128x16xf32, #tpu.memory_space<vmem>>
    %dma_start3A_1018 = arith.constant 384 : i32
    %dma_start3A_1019 = tpu.memref_slice %arg7[%dma_start3A_1014, %dma_start3A_1018] : memref<26x512xi32, #tpu.memory_space<vmem>> -> memref<1x128xi32, #tpu.memory_space<vmem>>
    %dma_start3A_1020 = tpu.memref_squeeze %dma_start3A_1019 : memref<1x128xi32, #tpu.memory_space<vmem>> -> memref<128xi32, #tpu.memory_space<vmem>>
    %dma_start3A_1021 = arith.constant 0 : i32
    %dma_start3A_1022 = arith.constant 0 : i32
    %dma_start3A_1023 = tpu.memref_slice %arg4[%dma_start3A_1021, %dma_start3A_1022] : memref<1000012x16xf32, #tpu.memory_space<hbm>> -> memref<1000012x16xf32, #tpu.memory_space<hbm>>
    tpu.enqueue_indirect_dma source(%dma_start3A_1023 : memref<1000012x16xf32, #tpu.memory_space<hbm>>) target(%dma_start3A_1017 : memref<128x16xf32, #tpu.memory_space<vmem>>) offsets(%dma_start3A_1020 : memref<128xi32, #tpu.memory_space<vmem>>) semaphore(%arg10 : memref<!tpu.dma_semaphore, #tpu.memory_space<semaphore_mem>>) {add = true}
    %dma_start3A_1024 = arith.constant 23 : i32
    %dma_start3A_1025 = arith.constant 384 : i32
    %dma_start3A_1026 = arith.constant 0 : i32
    %dma_start3A_1027 = tpu.memref_slice %arg8[%dma_start3A_1025, %dma_start3A_1026] : memref<512x16xf32, #tpu.memory_space<vmem>> -> memref<128x16xf32, #tpu.memory_space<vmem>>
    %dma_start3A_1028 = arith.constant 384 : i32
    %dma_start3A_1029 = tpu.memref_slice %arg7[%dma_start3A_1024, %dma_start3A_1028] : memref<26x512xi32, #tpu.memory_space<vmem>> -> memref<1x128xi32, #tpu.memory_space<vmem>>
    %dma_start3A_1030 = tpu.memref_squeeze %dma_start3A_1029 : memref<1x128xi32, #tpu.memory_space<vmem>> -> memref<128xi32, #tpu.memory_space<vmem>>
    %dma_start3A_1031 = arith.constant 0 : i32
    %dma_start3A_1032 = arith.constant 0 : i32
    %dma_start3A_1033 = tpu.memref_slice %arg4[%dma_start3A_1031, %dma_start3A_1032] : memref<1000012x16xf32, #tpu.memory_space<hbm>> -> memref<1000012x16xf32, #tpu.memory_space<hbm>>
    tpu.enqueue_indirect_dma source(%dma_start3A_1033 : memref<1000012x16xf32, #tpu.memory_space<hbm>>) target(%dma_start3A_1027 : memref<128x16xf32, #tpu.memory_space<vmem>>) offsets(%dma_start3A_1030 : memref<128xi32, #tpu.memory_space<vmem>>) semaphore(%arg10 : memref<!tpu.dma_semaphore, #tpu.memory_space<semaphore_mem>>) {add = true}
    %dma_start3A_1034 = arith.constant 24 : i32
    %dma_start3A_1035 = arith.constant 384 : i32
    %dma_start3A_1036 = arith.constant 0 : i32
    %dma_start3A_1037 = tpu.memref_slice %arg8[%dma_start3A_1035, %dma_start3A_1036] : memref<512x16xf32, #tpu.memory_space<vmem>> -> memref<128x16xf32, #tpu.memory_space<vmem>>
    %dma_start3A_1038 = arith.constant 384 : i32
    %dma_start3A_1039 = tpu.memref_slice %arg7[%dma_start3A_1034, %dma_start3A_1038] : memref<26x512xi32, #tpu.memory_space<vmem>> -> memref<1x128xi32, #tpu.memory_space<vmem>>
    %dma_start3A_1040 = tpu.memref_squeeze %dma_start3A_1039 : memref<1x128xi32, #tpu.memory_space<vmem>> -> memref<128xi32, #tpu.memory_space<vmem>>
    %dma_start3A_1041 = arith.constant 0 : i32
    %dma_start3A_1042 = arith.constant 0 : i32
    %dma_start3A_1043 = tpu.memref_slice %arg4[%dma_start3A_1041, %dma_start3A_1042] : memref<1000012x16xf32, #tpu.memory_space<hbm>> -> memref<1000012x16xf32, #tpu.memory_space<hbm>>
    tpu.enqueue_indirect_dma source(%dma_start3A_1043 : memref<1000012x16xf32, #tpu.memory_space<hbm>>) target(%dma_start3A_1037 : memref<128x16xf32, #tpu.memory_space<vmem>>) offsets(%dma_start3A_1040 : memref<128xi32, #tpu.memory_space<vmem>>) semaphore(%arg10 : memref<!tpu.dma_semaphore, #tpu.memory_space<semaphore_mem>>) {add = true}
    %dma_start3A_1044 = arith.constant 25 : i32
    %dma_start3A_1045 = arith.constant 384 : i32
    %dma_start3A_1046 = arith.constant 0 : i32
    %dma_start3A_1047 = tpu.memref_slice %arg8[%dma_start3A_1045, %dma_start3A_1046] : memref<512x16xf32, #tpu.memory_space<vmem>> -> memref<128x16xf32, #tpu.memory_space<vmem>>
    %dma_start3A_1048 = arith.constant 384 : i32
    %dma_start3A_1049 = tpu.memref_slice %arg7[%dma_start3A_1044, %dma_start3A_1048] : memref<26x512xi32, #tpu.memory_space<vmem>> -> memref<1x128xi32, #tpu.memory_space<vmem>>
    %dma_start3A_1050 = tpu.memref_squeeze %dma_start3A_1049 : memref<1x128xi32, #tpu.memory_space<vmem>> -> memref<128xi32, #tpu.memory_space<vmem>>
    %dma_start3A_1051 = arith.constant 0 : i32
    %dma_start3A_1052 = arith.constant 0 : i32
    %dma_start3A_1053 = tpu.memref_slice %arg4[%dma_start3A_1051, %dma_start3A_1052] : memref<1000012x16xf32, #tpu.memory_space<hbm>> -> memref<1000012x16xf32, #tpu.memory_space<hbm>>
    tpu.enqueue_indirect_dma source(%dma_start3A_1053 : memref<1000012x16xf32, #tpu.memory_space<hbm>>) target(%dma_start3A_1047 : memref<128x16xf32, #tpu.memory_space<vmem>>) offsets(%dma_start3A_1050 : memref<128xi32, #tpu.memory_space<vmem>>) semaphore(%arg10 : memref<!tpu.dma_semaphore, #tpu.memory_space<semaphore_mem>>) {add = true}
    %dma_wait3A = arith.constant 0 : i32
    %dma_wait3A_1054 = arith.constant 0 : i32
    %dma_wait3A_1055 = arith.constant 0 : i32
    %dma_wait3A_1056 = tpu.memref_slice %arg8[%dma_wait3A_1054, %dma_wait3A_1055] : memref<512x16xf32, #tpu.memory_space<vmem>> -> memref<128x16xf32, #tpu.memory_space<vmem>>
    %dma_wait3A_1057 = arith.constant 0 : i32
    %dma_wait3A_1058 = tpu.memref_slice %arg7[%dma_wait3A, %dma_wait3A_1057] : memref<26x512xi32, #tpu.memory_space<vmem>> -> memref<1x128xi32, #tpu.memory_space<vmem>>
    %dma_wait3A_1059 = tpu.memref_squeeze %dma_wait3A_1058 : memref<1x128xi32, #tpu.memory_space<vmem>> -> memref<128xi32, #tpu.memory_space<vmem>>
    %dma_wait3A_1060 = arith.constant 0 : i32
    %dma_wait3A_1061 = arith.constant 0 : i32
    %dma_wait3A_1062 = tpu.memref_slice %arg4[%dma_wait3A_1060, %dma_wait3A_1061] : memref<1000012x16xf32, #tpu.memory_space<hbm>> -> memref<1000012x16xf32, #tpu.memory_space<hbm>>
    tpu.wait_indirect_dma semaphore(%arg10 : memref<!tpu.dma_semaphore, #tpu.memory_space<semaphore_mem>>) src(%dma_wait3A_1062 : memref<1000012x16xf32, #tpu.memory_space<hbm>>) dst(%dma_wait3A_1056 : memref<128x16xf32, #tpu.memory_space<vmem>>)
    %dma_wait3A_1063 = arith.constant 1 : i32
    %dma_wait3A_1064 = arith.constant 0 : i32
    %dma_wait3A_1065 = arith.constant 0 : i32
    %dma_wait3A_1066 = tpu.memref_slice %arg8[%dma_wait3A_1064, %dma_wait3A_1065] : memref<512x16xf32, #tpu.memory_space<vmem>> -> memref<128x16xf32, #tpu.memory_space<vmem>>
    %dma_wait3A_1067 = arith.constant 0 : i32
    %dma_wait3A_1068 = tpu.memref_slice %arg7[%dma_wait3A_1063, %dma_wait3A_1067] : memref<26x512xi32, #tpu.memory_space<vmem>> -> memref<1x128xi32, #tpu.memory_space<vmem>>
    %dma_wait3A_1069 = tpu.memref_squeeze %dma_wait3A_1068 : memref<1x128xi32, #tpu.memory_space<vmem>> -> memref<128xi32, #tpu.memory_space<vmem>>
    %dma_wait3A_1070 = arith.constant 0 : i32
    %dma_wait3A_1071 = arith.constant 0 : i32
    %dma_wait3A_1072 = tpu.memref_slice %arg4[%dma_wait3A_1070, %dma_wait3A_1071] : memref<1000012x16xf32, #tpu.memory_space<hbm>> -> memref<1000012x16xf32, #tpu.memory_space<hbm>>
    tpu.wait_indirect_dma semaphore(%arg10 : memref<!tpu.dma_semaphore, #tpu.memory_space<semaphore_mem>>) src(%dma_wait3A_1072 : memref<1000012x16xf32, #tpu.memory_space<hbm>>) dst(%dma_wait3A_1066 : memref<128x16xf32, #tpu.memory_space<vmem>>)
    %dma_wait3A_1073 = arith.constant 2 : i32
    %dma_wait3A_1074 = arith.constant 0 : i32
    %dma_wait3A_1075 = arith.constant 0 : i32
    %dma_wait3A_1076 = tpu.memref_slice %arg8[%dma_wait3A_1074, %dma_wait3A_1075] : memref<512x16xf32, #tpu.memory_space<vmem>> -> memref<128x16xf32, #tpu.memory_space<vmem>>
    %dma_wait3A_1077 = arith.constant 0 : i32
    %dma_wait3A_1078 = tpu.memref_slice %arg7[%dma_wait3A_1073, %dma_wait3A_1077] : memref<26x512xi32, #tpu.memory_space<vmem>> -> memref<1x128xi32, #tpu.memory_space<vmem>>
    %dma_wait3A_1079 = tpu.memref_squeeze %dma_wait3A_1078 : memref<1x128xi32, #tpu.memory_space<vmem>> -> memref<128xi32, #tpu.memory_space<vmem>>
    %dma_wait3A_1080 = arith.constant 0 : i32
    %dma_wait3A_1081 = arith.constant 0 : i32
    %dma_wait3A_1082 = tpu.memref_slice %arg4[%dma_wait3A_1080, %dma_wait3A_1081] : memref<1000012x16xf32, #tpu.memory_space<hbm>> -> memref<1000012x16xf32, #tpu.memory_space<hbm>>
    tpu.wait_indirect_dma semaphore(%arg10 : memref<!tpu.dma_semaphore, #tpu.memory_space<semaphore_mem>>) src(%dma_wait3A_1082 : memref<1000012x16xf32, #tpu.memory_space<hbm>>) dst(%dma_wait3A_1076 : memref<128x16xf32, #tpu.memory_space<vmem>>)
    %dma_wait3A_1083 = arith.constant 3 : i32
    %dma_wait3A_1084 = arith.constant 0 : i32
    %dma_wait3A_1085 = arith.constant 0 : i32
    %dma_wait3A_1086 = tpu.memref_slice %arg8[%dma_wait3A_1084, %dma_wait3A_1085] : memref<512x16xf32, #tpu.memory_space<vmem>> -> memref<128x16xf32, #tpu.memory_space<vmem>>
    %dma_wait3A_1087 = arith.constant 0 : i32
    %dma_wait3A_1088 = tpu.memref_slice %arg7[%dma_wait3A_1083, %dma_wait3A_1087] : memref<26x512xi32, #tpu.memory_space<vmem>> -> memref<1x128xi32, #tpu.memory_space<vmem>>
    %dma_wait3A_1089 = tpu.memref_squeeze %dma_wait3A_1088 : memref<1x128xi32, #tpu.memory_space<vmem>> -> memref<128xi32, #tpu.memory_space<vmem>>
    %dma_wait3A_1090 = arith.constant 0 : i32
    %dma_wait3A_1091 = arith.constant 0 : i32
    %dma_wait3A_1092 = tpu.memref_slice %arg4[%dma_wait3A_1090, %dma_wait3A_1091] : memref<1000012x16xf32, #tpu.memory_space<hbm>> -> memref<1000012x16xf32, #tpu.memory_space<hbm>>
    tpu.wait_indirect_dma semaphore(%arg10 : memref<!tpu.dma_semaphore, #tpu.memory_space<semaphore_mem>>) src(%dma_wait3A_1092 : memref<1000012x16xf32, #tpu.memory_space<hbm>>) dst(%dma_wait3A_1086 : memref<128x16xf32, #tpu.memory_space<vmem>>)
    %dma_wait3A_1093 = arith.constant 4 : i32
    %dma_wait3A_1094 = arith.constant 0 : i32
    %dma_wait3A_1095 = arith.constant 0 : i32
    %dma_wait3A_1096 = tpu.memref_slice %arg8[%dma_wait3A_1094, %dma_wait3A_1095] : memref<512x16xf32, #tpu.memory_space<vmem>> -> memref<128x16xf32, #tpu.memory_space<vmem>>
    %dma_wait3A_1097 = arith.constant 0 : i32
    %dma_wait3A_1098 = tpu.memref_slice %arg7[%dma_wait3A_1093, %dma_wait3A_1097] : memref<26x512xi32, #tpu.memory_space<vmem>> -> memref<1x128xi32, #tpu.memory_space<vmem>>
    %dma_wait3A_1099 = tpu.memref_squeeze %dma_wait3A_1098 : memref<1x128xi32, #tpu.memory_space<vmem>> -> memref<128xi32, #tpu.memory_space<vmem>>
    %dma_wait3A_1100 = arith.constant 0 : i32
    %dma_wait3A_1101 = arith.constant 0 : i32
    %dma_wait3A_1102 = tpu.memref_slice %arg4[%dma_wait3A_1100, %dma_wait3A_1101] : memref<1000012x16xf32, #tpu.memory_space<hbm>> -> memref<1000012x16xf32, #tpu.memory_space<hbm>>
    tpu.wait_indirect_dma semaphore(%arg10 : memref<!tpu.dma_semaphore, #tpu.memory_space<semaphore_mem>>) src(%dma_wait3A_1102 : memref<1000012x16xf32, #tpu.memory_space<hbm>>) dst(%dma_wait3A_1096 : memref<128x16xf32, #tpu.memory_space<vmem>>)
    %dma_wait3A_1103 = arith.constant 5 : i32
    %dma_wait3A_1104 = arith.constant 0 : i32
    %dma_wait3A_1105 = arith.constant 0 : i32
    %dma_wait3A_1106 = tpu.memref_slice %arg8[%dma_wait3A_1104, %dma_wait3A_1105] : memref<512x16xf32, #tpu.memory_space<vmem>> -> memref<128x16xf32, #tpu.memory_space<vmem>>
    %dma_wait3A_1107 = arith.constant 0 : i32
    %dma_wait3A_1108 = tpu.memref_slice %arg7[%dma_wait3A_1103, %dma_wait3A_1107] : memref<26x512xi32, #tpu.memory_space<vmem>> -> memref<1x128xi32, #tpu.memory_space<vmem>>
    %dma_wait3A_1109 = tpu.memref_squeeze %dma_wait3A_1108 : memref<1x128xi32, #tpu.memory_space<vmem>> -> memref<128xi32, #tpu.memory_space<vmem>>
    %dma_wait3A_1110 = arith.constant 0 : i32
    %dma_wait3A_1111 = arith.constant 0 : i32
    %dma_wait3A_1112 = tpu.memref_slice %arg4[%dma_wait3A_1110, %dma_wait3A_1111] : memref<1000012x16xf32, #tpu.memory_space<hbm>> -> memref<1000012x16xf32, #tpu.memory_space<hbm>>
    tpu.wait_indirect_dma semaphore(%arg10 : memref<!tpu.dma_semaphore, #tpu.memory_space<semaphore_mem>>) src(%dma_wait3A_1112 : memref<1000012x16xf32, #tpu.memory_space<hbm>>) dst(%dma_wait3A_1106 : memref<128x16xf32, #tpu.memory_space<vmem>>)
    %dma_wait3A_1113 = arith.constant 6 : i32
    %dma_wait3A_1114 = arith.constant 0 : i32
    %dma_wait3A_1115 = arith.constant 0 : i32
    %dma_wait3A_1116 = tpu.memref_slice %arg8[%dma_wait3A_1114, %dma_wait3A_1115] : memref<512x16xf32, #tpu.memory_space<vmem>> -> memref<128x16xf32, #tpu.memory_space<vmem>>
    %dma_wait3A_1117 = arith.constant 0 : i32
    %dma_wait3A_1118 = tpu.memref_slice %arg7[%dma_wait3A_1113, %dma_wait3A_1117] : memref<26x512xi32, #tpu.memory_space<vmem>> -> memref<1x128xi32, #tpu.memory_space<vmem>>
    %dma_wait3A_1119 = tpu.memref_squeeze %dma_wait3A_1118 : memref<1x128xi32, #tpu.memory_space<vmem>> -> memref<128xi32, #tpu.memory_space<vmem>>
    %dma_wait3A_1120 = arith.constant 0 : i32
    %dma_wait3A_1121 = arith.constant 0 : i32
    %dma_wait3A_1122 = tpu.memref_slice %arg4[%dma_wait3A_1120, %dma_wait3A_1121] : memref<1000012x16xf32, #tpu.memory_space<hbm>> -> memref<1000012x16xf32, #tpu.memory_space<hbm>>
    tpu.wait_indirect_dma semaphore(%arg10 : memref<!tpu.dma_semaphore, #tpu.memory_space<semaphore_mem>>) src(%dma_wait3A_1122 : memref<1000012x16xf32, #tpu.memory_space<hbm>>) dst(%dma_wait3A_1116 : memref<128x16xf32, #tpu.memory_space<vmem>>)
    %dma_wait3A_1123 = arith.constant 7 : i32
    %dma_wait3A_1124 = arith.constant 0 : i32
    %dma_wait3A_1125 = arith.constant 0 : i32
    %dma_wait3A_1126 = tpu.memref_slice %arg8[%dma_wait3A_1124, %dma_wait3A_1125] : memref<512x16xf32, #tpu.memory_space<vmem>> -> memref<128x16xf32, #tpu.memory_space<vmem>>
    %dma_wait3A_1127 = arith.constant 0 : i32
    %dma_wait3A_1128 = tpu.memref_slice %arg7[%dma_wait3A_1123, %dma_wait3A_1127] : memref<26x512xi32, #tpu.memory_space<vmem>> -> memref<1x128xi32, #tpu.memory_space<vmem>>
    %dma_wait3A_1129 = tpu.memref_squeeze %dma_wait3A_1128 : memref<1x128xi32, #tpu.memory_space<vmem>> -> memref<128xi32, #tpu.memory_space<vmem>>
    %dma_wait3A_1130 = arith.constant 0 : i32
    %dma_wait3A_1131 = arith.constant 0 : i32
    %dma_wait3A_1132 = tpu.memref_slice %arg4[%dma_wait3A_1130, %dma_wait3A_1131] : memref<1000012x16xf32, #tpu.memory_space<hbm>> -> memref<1000012x16xf32, #tpu.memory_space<hbm>>
    tpu.wait_indirect_dma semaphore(%arg10 : memref<!tpu.dma_semaphore, #tpu.memory_space<semaphore_mem>>) src(%dma_wait3A_1132 : memref<1000012x16xf32, #tpu.memory_space<hbm>>) dst(%dma_wait3A_1126 : memref<128x16xf32, #tpu.memory_space<vmem>>)
    %dma_wait3A_1133 = arith.constant 8 : i32
    %dma_wait3A_1134 = arith.constant 0 : i32
    %dma_wait3A_1135 = arith.constant 0 : i32
    %dma_wait3A_1136 = tpu.memref_slice %arg8[%dma_wait3A_1134, %dma_wait3A_1135] : memref<512x16xf32, #tpu.memory_space<vmem>> -> memref<128x16xf32, #tpu.memory_space<vmem>>
    %dma_wait3A_1137 = arith.constant 0 : i32
    %dma_wait3A_1138 = tpu.memref_slice %arg7[%dma_wait3A_1133, %dma_wait3A_1137] : memref<26x512xi32, #tpu.memory_space<vmem>> -> memref<1x128xi32, #tpu.memory_space<vmem>>
    %dma_wait3A_1139 = tpu.memref_squeeze %dma_wait3A_1138 : memref<1x128xi32, #tpu.memory_space<vmem>> -> memref<128xi32, #tpu.memory_space<vmem>>
    %dma_wait3A_1140 = arith.constant 0 : i32
    %dma_wait3A_1141 = arith.constant 0 : i32
    %dma_wait3A_1142 = tpu.memref_slice %arg4[%dma_wait3A_1140, %dma_wait3A_1141] : memref<1000012x16xf32, #tpu.memory_space<hbm>> -> memref<1000012x16xf32, #tpu.memory_space<hbm>>
    tpu.wait_indirect_dma semaphore(%arg10 : memref<!tpu.dma_semaphore, #tpu.memory_space<semaphore_mem>>) src(%dma_wait3A_1142 : memref<1000012x16xf32, #tpu.memory_space<hbm>>) dst(%dma_wait3A_1136 : memref<128x16xf32, #tpu.memory_space<vmem>>)
    %dma_wait3A_1143 = arith.constant 9 : i32
    %dma_wait3A_1144 = arith.constant 0 : i32
    %dma_wait3A_1145 = arith.constant 0 : i32
    %dma_wait3A_1146 = tpu.memref_slice %arg8[%dma_wait3A_1144, %dma_wait3A_1145] : memref<512x16xf32, #tpu.memory_space<vmem>> -> memref<128x16xf32, #tpu.memory_space<vmem>>
    %dma_wait3A_1147 = arith.constant 0 : i32
    %dma_wait3A_1148 = tpu.memref_slice %arg7[%dma_wait3A_1143, %dma_wait3A_1147] : memref<26x512xi32, #tpu.memory_space<vmem>> -> memref<1x128xi32, #tpu.memory_space<vmem>>
    %dma_wait3A_1149 = tpu.memref_squeeze %dma_wait3A_1148 : memref<1x128xi32, #tpu.memory_space<vmem>> -> memref<128xi32, #tpu.memory_space<vmem>>
    %dma_wait3A_1150 = arith.constant 0 : i32
    %dma_wait3A_1151 = arith.constant 0 : i32
    %dma_wait3A_1152 = tpu.memref_slice %arg4[%dma_wait3A_1150, %dma_wait3A_1151] : memref<1000012x16xf32, #tpu.memory_space<hbm>> -> memref<1000012x16xf32, #tpu.memory_space<hbm>>
    tpu.wait_indirect_dma semaphore(%arg10 : memref<!tpu.dma_semaphore, #tpu.memory_space<semaphore_mem>>) src(%dma_wait3A_1152 : memref<1000012x16xf32, #tpu.memory_space<hbm>>) dst(%dma_wait3A_1146 : memref<128x16xf32, #tpu.memory_space<vmem>>)
    %dma_wait3A_1153 = arith.constant 10 : i32
    %dma_wait3A_1154 = arith.constant 0 : i32
    %dma_wait3A_1155 = arith.constant 0 : i32
    %dma_wait3A_1156 = tpu.memref_slice %arg8[%dma_wait3A_1154, %dma_wait3A_1155] : memref<512x16xf32, #tpu.memory_space<vmem>> -> memref<128x16xf32, #tpu.memory_space<vmem>>
    %dma_wait3A_1157 = arith.constant 0 : i32
    %dma_wait3A_1158 = tpu.memref_slice %arg7[%dma_wait3A_1153, %dma_wait3A_1157] : memref<26x512xi32, #tpu.memory_space<vmem>> -> memref<1x128xi32, #tpu.memory_space<vmem>>
    %dma_wait3A_1159 = tpu.memref_squeeze %dma_wait3A_1158 : memref<1x128xi32, #tpu.memory_space<vmem>> -> memref<128xi32, #tpu.memory_space<vmem>>
    %dma_wait3A_1160 = arith.constant 0 : i32
    %dma_wait3A_1161 = arith.constant 0 : i32
    %dma_wait3A_1162 = tpu.memref_slice %arg4[%dma_wait3A_1160, %dma_wait3A_1161] : memref<1000012x16xf32, #tpu.memory_space<hbm>> -> memref<1000012x16xf32, #tpu.memory_space<hbm>>
    tpu.wait_indirect_dma semaphore(%arg10 : memref<!tpu.dma_semaphore, #tpu.memory_space<semaphore_mem>>) src(%dma_wait3A_1162 : memref<1000012x16xf32, #tpu.memory_space<hbm>>) dst(%dma_wait3A_1156 : memref<128x16xf32, #tpu.memory_space<vmem>>)
    %dma_wait3A_1163 = arith.constant 11 : i32
    %dma_wait3A_1164 = arith.constant 0 : i32
    %dma_wait3A_1165 = arith.constant 0 : i32
    %dma_wait3A_1166 = tpu.memref_slice %arg8[%dma_wait3A_1164, %dma_wait3A_1165] : memref<512x16xf32, #tpu.memory_space<vmem>> -> memref<128x16xf32, #tpu.memory_space<vmem>>
    %dma_wait3A_1167 = arith.constant 0 : i32
    %dma_wait3A_1168 = tpu.memref_slice %arg7[%dma_wait3A_1163, %dma_wait3A_1167] : memref<26x512xi32, #tpu.memory_space<vmem>> -> memref<1x128xi32, #tpu.memory_space<vmem>>
    %dma_wait3A_1169 = tpu.memref_squeeze %dma_wait3A_1168 : memref<1x128xi32, #tpu.memory_space<vmem>> -> memref<128xi32, #tpu.memory_space<vmem>>
    %dma_wait3A_1170 = arith.constant 0 : i32
    %dma_wait3A_1171 = arith.constant 0 : i32
    %dma_wait3A_1172 = tpu.memref_slice %arg4[%dma_wait3A_1170, %dma_wait3A_1171] : memref<1000012x16xf32, #tpu.memory_space<hbm>> -> memref<1000012x16xf32, #tpu.memory_space<hbm>>
    tpu.wait_indirect_dma semaphore(%arg10 : memref<!tpu.dma_semaphore, #tpu.memory_space<semaphore_mem>>) src(%dma_wait3A_1172 : memref<1000012x16xf32, #tpu.memory_space<hbm>>) dst(%dma_wait3A_1166 : memref<128x16xf32, #tpu.memory_space<vmem>>)
    %dma_wait3A_1173 = arith.constant 12 : i32
    %dma_wait3A_1174 = arith.constant 0 : i32
    %dma_wait3A_1175 = arith.constant 0 : i32
    %dma_wait3A_1176 = tpu.memref_slice %arg8[%dma_wait3A_1174, %dma_wait3A_1175] : memref<512x16xf32, #tpu.memory_space<vmem>> -> memref<128x16xf32, #tpu.memory_space<vmem>>
    %dma_wait3A_1177 = arith.constant 0 : i32
    %dma_wait3A_1178 = tpu.memref_slice %arg7[%dma_wait3A_1173, %dma_wait3A_1177] : memref<26x512xi32, #tpu.memory_space<vmem>> -> memref<1x128xi32, #tpu.memory_space<vmem>>
    %dma_wait3A_1179 = tpu.memref_squeeze %dma_wait3A_1178 : memref<1x128xi32, #tpu.memory_space<vmem>> -> memref<128xi32, #tpu.memory_space<vmem>>
    %dma_wait3A_1180 = arith.constant 0 : i32
    %dma_wait3A_1181 = arith.constant 0 : i32
    %dma_wait3A_1182 = tpu.memref_slice %arg4[%dma_wait3A_1180, %dma_wait3A_1181] : memref<1000012x16xf32, #tpu.memory_space<hbm>> -> memref<1000012x16xf32, #tpu.memory_space<hbm>>
    tpu.wait_indirect_dma semaphore(%arg10 : memref<!tpu.dma_semaphore, #tpu.memory_space<semaphore_mem>>) src(%dma_wait3A_1182 : memref<1000012x16xf32, #tpu.memory_space<hbm>>) dst(%dma_wait3A_1176 : memref<128x16xf32, #tpu.memory_space<vmem>>)
    %dma_wait3A_1183 = arith.constant 13 : i32
    %dma_wait3A_1184 = arith.constant 0 : i32
    %dma_wait3A_1185 = arith.constant 0 : i32
    %dma_wait3A_1186 = tpu.memref_slice %arg8[%dma_wait3A_1184, %dma_wait3A_1185] : memref<512x16xf32, #tpu.memory_space<vmem>> -> memref<128x16xf32, #tpu.memory_space<vmem>>
    %dma_wait3A_1187 = arith.constant 0 : i32
    %dma_wait3A_1188 = tpu.memref_slice %arg7[%dma_wait3A_1183, %dma_wait3A_1187] : memref<26x512xi32, #tpu.memory_space<vmem>> -> memref<1x128xi32, #tpu.memory_space<vmem>>
    %dma_wait3A_1189 = tpu.memref_squeeze %dma_wait3A_1188 : memref<1x128xi32, #tpu.memory_space<vmem>> -> memref<128xi32, #tpu.memory_space<vmem>>
    %dma_wait3A_1190 = arith.constant 0 : i32
    %dma_wait3A_1191 = arith.constant 0 : i32
    %dma_wait3A_1192 = tpu.memref_slice %arg4[%dma_wait3A_1190, %dma_wait3A_1191] : memref<1000012x16xf32, #tpu.memory_space<hbm>> -> memref<1000012x16xf32, #tpu.memory_space<hbm>>
    tpu.wait_indirect_dma semaphore(%arg10 : memref<!tpu.dma_semaphore, #tpu.memory_space<semaphore_mem>>) src(%dma_wait3A_1192 : memref<1000012x16xf32, #tpu.memory_space<hbm>>) dst(%dma_wait3A_1186 : memref<128x16xf32, #tpu.memory_space<vmem>>)
    %dma_wait3A_1193 = arith.constant 14 : i32
    %dma_wait3A_1194 = arith.constant 0 : i32
    %dma_wait3A_1195 = arith.constant 0 : i32
    %dma_wait3A_1196 = tpu.memref_slice %arg8[%dma_wait3A_1194, %dma_wait3A_1195] : memref<512x16xf32, #tpu.memory_space<vmem>> -> memref<128x16xf32, #tpu.memory_space<vmem>>
    %dma_wait3A_1197 = arith.constant 0 : i32
    %dma_wait3A_1198 = tpu.memref_slice %arg7[%dma_wait3A_1193, %dma_wait3A_1197] : memref<26x512xi32, #tpu.memory_space<vmem>> -> memref<1x128xi32, #tpu.memory_space<vmem>>
    %dma_wait3A_1199 = tpu.memref_squeeze %dma_wait3A_1198 : memref<1x128xi32, #tpu.memory_space<vmem>> -> memref<128xi32, #tpu.memory_space<vmem>>
    %dma_wait3A_1200 = arith.constant 0 : i32
    %dma_wait3A_1201 = arith.constant 0 : i32
    %dma_wait3A_1202 = tpu.memref_slice %arg4[%dma_wait3A_1200, %dma_wait3A_1201] : memref<1000012x16xf32, #tpu.memory_space<hbm>> -> memref<1000012x16xf32, #tpu.memory_space<hbm>>
    tpu.wait_indirect_dma semaphore(%arg10 : memref<!tpu.dma_semaphore, #tpu.memory_space<semaphore_mem>>) src(%dma_wait3A_1202 : memref<1000012x16xf32, #tpu.memory_space<hbm>>) dst(%dma_wait3A_1196 : memref<128x16xf32, #tpu.memory_space<vmem>>)
    %dma_wait3A_1203 = arith.constant 15 : i32
    %dma_wait3A_1204 = arith.constant 0 : i32
    %dma_wait3A_1205 = arith.constant 0 : i32
    %dma_wait3A_1206 = tpu.memref_slice %arg8[%dma_wait3A_1204, %dma_wait3A_1205] : memref<512x16xf32, #tpu.memory_space<vmem>> -> memref<128x16xf32, #tpu.memory_space<vmem>>
    %dma_wait3A_1207 = arith.constant 0 : i32
    %dma_wait3A_1208 = tpu.memref_slice %arg7[%dma_wait3A_1203, %dma_wait3A_1207] : memref<26x512xi32, #tpu.memory_space<vmem>> -> memref<1x128xi32, #tpu.memory_space<vmem>>
    %dma_wait3A_1209 = tpu.memref_squeeze %dma_wait3A_1208 : memref<1x128xi32, #tpu.memory_space<vmem>> -> memref<128xi32, #tpu.memory_space<vmem>>
    %dma_wait3A_1210 = arith.constant 0 : i32
    %dma_wait3A_1211 = arith.constant 0 : i32
    %dma_wait3A_1212 = tpu.memref_slice %arg4[%dma_wait3A_1210, %dma_wait3A_1211] : memref<1000012x16xf32, #tpu.memory_space<hbm>> -> memref<1000012x16xf32, #tpu.memory_space<hbm>>
    tpu.wait_indirect_dma semaphore(%arg10 : memref<!tpu.dma_semaphore, #tpu.memory_space<semaphore_mem>>) src(%dma_wait3A_1212 : memref<1000012x16xf32, #tpu.memory_space<hbm>>) dst(%dma_wait3A_1206 : memref<128x16xf32, #tpu.memory_space<vmem>>)
    %dma_wait3A_1213 = arith.constant 16 : i32
    %dma_wait3A_1214 = arith.constant 0 : i32
    %dma_wait3A_1215 = arith.constant 0 : i32
    %dma_wait3A_1216 = tpu.memref_slice %arg8[%dma_wait3A_1214, %dma_wait3A_1215] : memref<512x16xf32, #tpu.memory_space<vmem>> -> memref<128x16xf32, #tpu.memory_space<vmem>>
    %dma_wait3A_1217 = arith.constant 0 : i32
    %dma_wait3A_1218 = tpu.memref_slice %arg7[%dma_wait3A_1213, %dma_wait3A_1217] : memref<26x512xi32, #tpu.memory_space<vmem>> -> memref<1x128xi32, #tpu.memory_space<vmem>>
    %dma_wait3A_1219 = tpu.memref_squeeze %dma_wait3A_1218 : memref<1x128xi32, #tpu.memory_space<vmem>> -> memref<128xi32, #tpu.memory_space<vmem>>
    %dma_wait3A_1220 = arith.constant 0 : i32
    %dma_wait3A_1221 = arith.constant 0 : i32
    %dma_wait3A_1222 = tpu.memref_slice %arg4[%dma_wait3A_1220, %dma_wait3A_1221] : memref<1000012x16xf32, #tpu.memory_space<hbm>> -> memref<1000012x16xf32, #tpu.memory_space<hbm>>
    tpu.wait_indirect_dma semaphore(%arg10 : memref<!tpu.dma_semaphore, #tpu.memory_space<semaphore_mem>>) src(%dma_wait3A_1222 : memref<1000012x16xf32, #tpu.memory_space<hbm>>) dst(%dma_wait3A_1216 : memref<128x16xf32, #tpu.memory_space<vmem>>)
    %dma_wait3A_1223 = arith.constant 17 : i32
    %dma_wait3A_1224 = arith.constant 0 : i32
    %dma_wait3A_1225 = arith.constant 0 : i32
    %dma_wait3A_1226 = tpu.memref_slice %arg8[%dma_wait3A_1224, %dma_wait3A_1225] : memref<512x16xf32, #tpu.memory_space<vmem>> -> memref<128x16xf32, #tpu.memory_space<vmem>>
    %dma_wait3A_1227 = arith.constant 0 : i32
    %dma_wait3A_1228 = tpu.memref_slice %arg7[%dma_wait3A_1223, %dma_wait3A_1227] : memref<26x512xi32, #tpu.memory_space<vmem>> -> memref<1x128xi32, #tpu.memory_space<vmem>>
    %dma_wait3A_1229 = tpu.memref_squeeze %dma_wait3A_1228 : memref<1x128xi32, #tpu.memory_space<vmem>> -> memref<128xi32, #tpu.memory_space<vmem>>
    %dma_wait3A_1230 = arith.constant 0 : i32
    %dma_wait3A_1231 = arith.constant 0 : i32
    %dma_wait3A_1232 = tpu.memref_slice %arg4[%dma_wait3A_1230, %dma_wait3A_1231] : memref<1000012x16xf32, #tpu.memory_space<hbm>> -> memref<1000012x16xf32, #tpu.memory_space<hbm>>
    tpu.wait_indirect_dma semaphore(%arg10 : memref<!tpu.dma_semaphore, #tpu.memory_space<semaphore_mem>>) src(%dma_wait3A_1232 : memref<1000012x16xf32, #tpu.memory_space<hbm>>) dst(%dma_wait3A_1226 : memref<128x16xf32, #tpu.memory_space<vmem>>)
    %dma_wait3A_1233 = arith.constant 18 : i32
    %dma_wait3A_1234 = arith.constant 0 : i32
    %dma_wait3A_1235 = arith.constant 0 : i32
    %dma_wait3A_1236 = tpu.memref_slice %arg8[%dma_wait3A_1234, %dma_wait3A_1235] : memref<512x16xf32, #tpu.memory_space<vmem>> -> memref<128x16xf32, #tpu.memory_space<vmem>>
    %dma_wait3A_1237 = arith.constant 0 : i32
    %dma_wait3A_1238 = tpu.memref_slice %arg7[%dma_wait3A_1233, %dma_wait3A_1237] : memref<26x512xi32, #tpu.memory_space<vmem>> -> memref<1x128xi32, #tpu.memory_space<vmem>>
    %dma_wait3A_1239 = tpu.memref_squeeze %dma_wait3A_1238 : memref<1x128xi32, #tpu.memory_space<vmem>> -> memref<128xi32, #tpu.memory_space<vmem>>
    %dma_wait3A_1240 = arith.constant 0 : i32
    %dma_wait3A_1241 = arith.constant 0 : i32
    %dma_wait3A_1242 = tpu.memref_slice %arg4[%dma_wait3A_1240, %dma_wait3A_1241] : memref<1000012x16xf32, #tpu.memory_space<hbm>> -> memref<1000012x16xf32, #tpu.memory_space<hbm>>
    tpu.wait_indirect_dma semaphore(%arg10 : memref<!tpu.dma_semaphore, #tpu.memory_space<semaphore_mem>>) src(%dma_wait3A_1242 : memref<1000012x16xf32, #tpu.memory_space<hbm>>) dst(%dma_wait3A_1236 : memref<128x16xf32, #tpu.memory_space<vmem>>)
    %dma_wait3A_1243 = arith.constant 19 : i32
    %dma_wait3A_1244 = arith.constant 0 : i32
    %dma_wait3A_1245 = arith.constant 0 : i32
    %dma_wait3A_1246 = tpu.memref_slice %arg8[%dma_wait3A_1244, %dma_wait3A_1245] : memref<512x16xf32, #tpu.memory_space<vmem>> -> memref<128x16xf32, #tpu.memory_space<vmem>>
    %dma_wait3A_1247 = arith.constant 0 : i32
    %dma_wait3A_1248 = tpu.memref_slice %arg7[%dma_wait3A_1243, %dma_wait3A_1247] : memref<26x512xi32, #tpu.memory_space<vmem>> -> memref<1x128xi32, #tpu.memory_space<vmem>>
    %dma_wait3A_1249 = tpu.memref_squeeze %dma_wait3A_1248 : memref<1x128xi32, #tpu.memory_space<vmem>> -> memref<128xi32, #tpu.memory_space<vmem>>
    %dma_wait3A_1250 = arith.constant 0 : i32
    %dma_wait3A_1251 = arith.constant 0 : i32
    %dma_wait3A_1252 = tpu.memref_slice %arg4[%dma_wait3A_1250, %dma_wait3A_1251] : memref<1000012x16xf32, #tpu.memory_space<hbm>> -> memref<1000012x16xf32, #tpu.memory_space<hbm>>
    tpu.wait_indirect_dma semaphore(%arg10 : memref<!tpu.dma_semaphore, #tpu.memory_space<semaphore_mem>>) src(%dma_wait3A_1252 : memref<1000012x16xf32, #tpu.memory_space<hbm>>) dst(%dma_wait3A_1246 : memref<128x16xf32, #tpu.memory_space<vmem>>)
    %dma_wait3A_1253 = arith.constant 20 : i32
    %dma_wait3A_1254 = arith.constant 0 : i32
    %dma_wait3A_1255 = arith.constant 0 : i32
    %dma_wait3A_1256 = tpu.memref_slice %arg8[%dma_wait3A_1254, %dma_wait3A_1255] : memref<512x16xf32, #tpu.memory_space<vmem>> -> memref<128x16xf32, #tpu.memory_space<vmem>>
    %dma_wait3A_1257 = arith.constant 0 : i32
    %dma_wait3A_1258 = tpu.memref_slice %arg7[%dma_wait3A_1253, %dma_wait3A_1257] : memref<26x512xi32, #tpu.memory_space<vmem>> -> memref<1x128xi32, #tpu.memory_space<vmem>>
    %dma_wait3A_1259 = tpu.memref_squeeze %dma_wait3A_1258 : memref<1x128xi32, #tpu.memory_space<vmem>> -> memref<128xi32, #tpu.memory_space<vmem>>
    %dma_wait3A_1260 = arith.constant 0 : i32
    %dma_wait3A_1261 = arith.constant 0 : i32
    %dma_wait3A_1262 = tpu.memref_slice %arg4[%dma_wait3A_1260, %dma_wait3A_1261] : memref<1000012x16xf32, #tpu.memory_space<hbm>> -> memref<1000012x16xf32, #tpu.memory_space<hbm>>
    tpu.wait_indirect_dma semaphore(%arg10 : memref<!tpu.dma_semaphore, #tpu.memory_space<semaphore_mem>>) src(%dma_wait3A_1262 : memref<1000012x16xf32, #tpu.memory_space<hbm>>) dst(%dma_wait3A_1256 : memref<128x16xf32, #tpu.memory_space<vmem>>)
    %dma_wait3A_1263 = arith.constant 21 : i32
    %dma_wait3A_1264 = arith.constant 0 : i32
    %dma_wait3A_1265 = arith.constant 0 : i32
    %dma_wait3A_1266 = tpu.memref_slice %arg8[%dma_wait3A_1264, %dma_wait3A_1265] : memref<512x16xf32, #tpu.memory_space<vmem>> -> memref<128x16xf32, #tpu.memory_space<vmem>>
    %dma_wait3A_1267 = arith.constant 0 : i32
    %dma_wait3A_1268 = tpu.memref_slice %arg7[%dma_wait3A_1263, %dma_wait3A_1267] : memref<26x512xi32, #tpu.memory_space<vmem>> -> memref<1x128xi32, #tpu.memory_space<vmem>>
    %dma_wait3A_1269 = tpu.memref_squeeze %dma_wait3A_1268 : memref<1x128xi32, #tpu.memory_space<vmem>> -> memref<128xi32, #tpu.memory_space<vmem>>
    %dma_wait3A_1270 = arith.constant 0 : i32
    %dma_wait3A_1271 = arith.constant 0 : i32
    %dma_wait3A_1272 = tpu.memref_slice %arg4[%dma_wait3A_1270, %dma_wait3A_1271] : memref<1000012x16xf32, #tpu.memory_space<hbm>> -> memref<1000012x16xf32, #tpu.memory_space<hbm>>
    tpu.wait_indirect_dma semaphore(%arg10 : memref<!tpu.dma_semaphore, #tpu.memory_space<semaphore_mem>>) src(%dma_wait3A_1272 : memref<1000012x16xf32, #tpu.memory_space<hbm>>) dst(%dma_wait3A_1266 : memref<128x16xf32, #tpu.memory_space<vmem>>)
    %dma_wait3A_1273 = arith.constant 22 : i32
    %dma_wait3A_1274 = arith.constant 0 : i32
    %dma_wait3A_1275 = arith.constant 0 : i32
    %dma_wait3A_1276 = tpu.memref_slice %arg8[%dma_wait3A_1274, %dma_wait3A_1275] : memref<512x16xf32, #tpu.memory_space<vmem>> -> memref<128x16xf32, #tpu.memory_space<vmem>>
    %dma_wait3A_1277 = arith.constant 0 : i32
    %dma_wait3A_1278 = tpu.memref_slice %arg7[%dma_wait3A_1273, %dma_wait3A_1277] : memref<26x512xi32, #tpu.memory_space<vmem>> -> memref<1x128xi32, #tpu.memory_space<vmem>>
    %dma_wait3A_1279 = tpu.memref_squeeze %dma_wait3A_1278 : memref<1x128xi32, #tpu.memory_space<vmem>> -> memref<128xi32, #tpu.memory_space<vmem>>
    %dma_wait3A_1280 = arith.constant 0 : i32
    %dma_wait3A_1281 = arith.constant 0 : i32
    %dma_wait3A_1282 = tpu.memref_slice %arg4[%dma_wait3A_1280, %dma_wait3A_1281] : memref<1000012x16xf32, #tpu.memory_space<hbm>> -> memref<1000012x16xf32, #tpu.memory_space<hbm>>
    tpu.wait_indirect_dma semaphore(%arg10 : memref<!tpu.dma_semaphore, #tpu.memory_space<semaphore_mem>>) src(%dma_wait3A_1282 : memref<1000012x16xf32, #tpu.memory_space<hbm>>) dst(%dma_wait3A_1276 : memref<128x16xf32, #tpu.memory_space<vmem>>)
    %dma_wait3A_1283 = arith.constant 23 : i32
    %dma_wait3A_1284 = arith.constant 0 : i32
    %dma_wait3A_1285 = arith.constant 0 : i32
    %dma_wait3A_1286 = tpu.memref_slice %arg8[%dma_wait3A_1284, %dma_wait3A_1285] : memref<512x16xf32, #tpu.memory_space<vmem>> -> memref<128x16xf32, #tpu.memory_space<vmem>>
    %dma_wait3A_1287 = arith.constant 0 : i32
    %dma_wait3A_1288 = tpu.memref_slice %arg7[%dma_wait3A_1283, %dma_wait3A_1287] : memref<26x512xi32, #tpu.memory_space<vmem>> -> memref<1x128xi32, #tpu.memory_space<vmem>>
    %dma_wait3A_1289 = tpu.memref_squeeze %dma_wait3A_1288 : memref<1x128xi32, #tpu.memory_space<vmem>> -> memref<128xi32, #tpu.memory_space<vmem>>
    %dma_wait3A_1290 = arith.constant 0 : i32
    %dma_wait3A_1291 = arith.constant 0 : i32
    %dma_wait3A_1292 = tpu.memref_slice %arg4[%dma_wait3A_1290, %dma_wait3A_1291] : memref<1000012x16xf32, #tpu.memory_space<hbm>> -> memref<1000012x16xf32, #tpu.memory_space<hbm>>
    tpu.wait_indirect_dma semaphore(%arg10 : memref<!tpu.dma_semaphore, #tpu.memory_space<semaphore_mem>>) src(%dma_wait3A_1292 : memref<1000012x16xf32, #tpu.memory_space<hbm>>) dst(%dma_wait3A_1286 : memref<128x16xf32, #tpu.memory_space<vmem>>)
    %dma_wait3A_1293 = arith.constant 24 : i32
    %dma_wait3A_1294 = arith.constant 0 : i32
    %dma_wait3A_1295 = arith.constant 0 : i32
    %dma_wait3A_1296 = tpu.memref_slice %arg8[%dma_wait3A_1294, %dma_wait3A_1295] : memref<512x16xf32, #tpu.memory_space<vmem>> -> memref<128x16xf32, #tpu.memory_space<vmem>>
    %dma_wait3A_1297 = arith.constant 0 : i32
    %dma_wait3A_1298 = tpu.memref_slice %arg7[%dma_wait3A_1293, %dma_wait3A_1297] : memref<26x512xi32, #tpu.memory_space<vmem>> -> memref<1x128xi32, #tpu.memory_space<vmem>>
    %dma_wait3A_1299 = tpu.memref_squeeze %dma_wait3A_1298 : memref<1x128xi32, #tpu.memory_space<vmem>> -> memref<128xi32, #tpu.memory_space<vmem>>
    %dma_wait3A_1300 = arith.constant 0 : i32
    %dma_wait3A_1301 = arith.constant 0 : i32
    %dma_wait3A_1302 = tpu.memref_slice %arg4[%dma_wait3A_1300, %dma_wait3A_1301] : memref<1000012x16xf32, #tpu.memory_space<hbm>> -> memref<1000012x16xf32, #tpu.memory_space<hbm>>
    tpu.wait_indirect_dma semaphore(%arg10 : memref<!tpu.dma_semaphore, #tpu.memory_space<semaphore_mem>>) src(%dma_wait3A_1302 : memref<1000012x16xf32, #tpu.memory_space<hbm>>) dst(%dma_wait3A_1296 : memref<128x16xf32, #tpu.memory_space<vmem>>)
    %dma_wait3A_1303 = arith.constant 25 : i32
    %dma_wait3A_1304 = arith.constant 0 : i32
    %dma_wait3A_1305 = arith.constant 0 : i32
    %dma_wait3A_1306 = tpu.memref_slice %arg8[%dma_wait3A_1304, %dma_wait3A_1305] : memref<512x16xf32, #tpu.memory_space<vmem>> -> memref<128x16xf32, #tpu.memory_space<vmem>>
    %dma_wait3A_1307 = arith.constant 0 : i32
    %dma_wait3A_1308 = tpu.memref_slice %arg7[%dma_wait3A_1303, %dma_wait3A_1307] : memref<26x512xi32, #tpu.memory_space<vmem>> -> memref<1x128xi32, #tpu.memory_space<vmem>>
    %dma_wait3A_1309 = tpu.memref_squeeze %dma_wait3A_1308 : memref<1x128xi32, #tpu.memory_space<vmem>> -> memref<128xi32, #tpu.memory_space<vmem>>
    %dma_wait3A_1310 = arith.constant 0 : i32
    %dma_wait3A_1311 = arith.constant 0 : i32
    %dma_wait3A_1312 = tpu.memref_slice %arg4[%dma_wait3A_1310, %dma_wait3A_1311] : memref<1000012x16xf32, #tpu.memory_space<hbm>> -> memref<1000012x16xf32, #tpu.memory_space<hbm>>
    tpu.wait_indirect_dma semaphore(%arg10 : memref<!tpu.dma_semaphore, #tpu.memory_space<semaphore_mem>>) src(%dma_wait3A_1312 : memref<1000012x16xf32, #tpu.memory_space<hbm>>) dst(%dma_wait3A_1306 : memref<128x16xf32, #tpu.memory_space<vmem>>)
    %dma_wait3A_1313 = arith.constant 0 : i32
    %dma_wait3A_1314 = arith.constant 128 : i32
    %dma_wait3A_1315 = arith.constant 0 : i32
    %dma_wait3A_1316 = tpu.memref_slice %arg8[%dma_wait3A_1314, %dma_wait3A_1315] : memref<512x16xf32, #tpu.memory_space<vmem>> -> memref<128x16xf32, #tpu.memory_space<vmem>>
    %dma_wait3A_1317 = arith.constant 128 : i32
    %dma_wait3A_1318 = tpu.memref_slice %arg7[%dma_wait3A_1313, %dma_wait3A_1317] : memref<26x512xi32, #tpu.memory_space<vmem>> -> memref<1x128xi32, #tpu.memory_space<vmem>>
    %dma_wait3A_1319 = tpu.memref_squeeze %dma_wait3A_1318 : memref<1x128xi32, #tpu.memory_space<vmem>> -> memref<128xi32, #tpu.memory_space<vmem>>
    %dma_wait3A_1320 = arith.constant 0 : i32
    %dma_wait3A_1321 = arith.constant 0 : i32
    %dma_wait3A_1322 = tpu.memref_slice %arg4[%dma_wait3A_1320, %dma_wait3A_1321] : memref<1000012x16xf32, #tpu.memory_space<hbm>> -> memref<1000012x16xf32, #tpu.memory_space<hbm>>
    tpu.wait_indirect_dma semaphore(%arg10 : memref<!tpu.dma_semaphore, #tpu.memory_space<semaphore_mem>>) src(%dma_wait3A_1322 : memref<1000012x16xf32, #tpu.memory_space<hbm>>) dst(%dma_wait3A_1316 : memref<128x16xf32, #tpu.memory_space<vmem>>)
    %dma_wait3A_1323 = arith.constant 1 : i32
    %dma_wait3A_1324 = arith.constant 128 : i32
    %dma_wait3A_1325 = arith.constant 0 : i32
    %dma_wait3A_1326 = tpu.memref_slice %arg8[%dma_wait3A_1324, %dma_wait3A_1325] : memref<512x16xf32, #tpu.memory_space<vmem>> -> memref<128x16xf32, #tpu.memory_space<vmem>>
    %dma_wait3A_1327 = arith.constant 128 : i32
    %dma_wait3A_1328 = tpu.memref_slice %arg7[%dma_wait3A_1323, %dma_wait3A_1327] : memref<26x512xi32, #tpu.memory_space<vmem>> -> memref<1x128xi32, #tpu.memory_space<vmem>>
    %dma_wait3A_1329 = tpu.memref_squeeze %dma_wait3A_1328 : memref<1x128xi32, #tpu.memory_space<vmem>> -> memref<128xi32, #tpu.memory_space<vmem>>
    %dma_wait3A_1330 = arith.constant 0 : i32
    %dma_wait3A_1331 = arith.constant 0 : i32
    %dma_wait3A_1332 = tpu.memref_slice %arg4[%dma_wait3A_1330, %dma_wait3A_1331] : memref<1000012x16xf32, #tpu.memory_space<hbm>> -> memref<1000012x16xf32, #tpu.memory_space<hbm>>
    tpu.wait_indirect_dma semaphore(%arg10 : memref<!tpu.dma_semaphore, #tpu.memory_space<semaphore_mem>>) src(%dma_wait3A_1332 : memref<1000012x16xf32, #tpu.memory_space<hbm>>) dst(%dma_wait3A_1326 : memref<128x16xf32, #tpu.memory_space<vmem>>)
    %dma_wait3A_1333 = arith.constant 2 : i32
    %dma_wait3A_1334 = arith.constant 128 : i32
    %dma_wait3A_1335 = arith.constant 0 : i32
    %dma_wait3A_1336 = tpu.memref_slice %arg8[%dma_wait3A_1334, %dma_wait3A_1335] : memref<512x16xf32, #tpu.memory_space<vmem>> -> memref<128x16xf32, #tpu.memory_space<vmem>>
    %dma_wait3A_1337 = arith.constant 128 : i32
    %dma_wait3A_1338 = tpu.memref_slice %arg7[%dma_wait3A_1333, %dma_wait3A_1337] : memref<26x512xi32, #tpu.memory_space<vmem>> -> memref<1x128xi32, #tpu.memory_space<vmem>>
    %dma_wait3A_1339 = tpu.memref_squeeze %dma_wait3A_1338 : memref<1x128xi32, #tpu.memory_space<vmem>> -> memref<128xi32, #tpu.memory_space<vmem>>
    %dma_wait3A_1340 = arith.constant 0 : i32
    %dma_wait3A_1341 = arith.constant 0 : i32
    %dma_wait3A_1342 = tpu.memref_slice %arg4[%dma_wait3A_1340, %dma_wait3A_1341] : memref<1000012x16xf32, #tpu.memory_space<hbm>> -> memref<1000012x16xf32, #tpu.memory_space<hbm>>
    tpu.wait_indirect_dma semaphore(%arg10 : memref<!tpu.dma_semaphore, #tpu.memory_space<semaphore_mem>>) src(%dma_wait3A_1342 : memref<1000012x16xf32, #tpu.memory_space<hbm>>) dst(%dma_wait3A_1336 : memref<128x16xf32, #tpu.memory_space<vmem>>)
    %dma_wait3A_1343 = arith.constant 3 : i32
    %dma_wait3A_1344 = arith.constant 128 : i32
    %dma_wait3A_1345 = arith.constant 0 : i32
    %dma_wait3A_1346 = tpu.memref_slice %arg8[%dma_wait3A_1344, %dma_wait3A_1345] : memref<512x16xf32, #tpu.memory_space<vmem>> -> memref<128x16xf32, #tpu.memory_space<vmem>>
    %dma_wait3A_1347 = arith.constant 128 : i32
    %dma_wait3A_1348 = tpu.memref_slice %arg7[%dma_wait3A_1343, %dma_wait3A_1347] : memref<26x512xi32, #tpu.memory_space<vmem>> -> memref<1x128xi32, #tpu.memory_space<vmem>>
    %dma_wait3A_1349 = tpu.memref_squeeze %dma_wait3A_1348 : memref<1x128xi32, #tpu.memory_space<vmem>> -> memref<128xi32, #tpu.memory_space<vmem>>
    %dma_wait3A_1350 = arith.constant 0 : i32
    %dma_wait3A_1351 = arith.constant 0 : i32
    %dma_wait3A_1352 = tpu.memref_slice %arg4[%dma_wait3A_1350, %dma_wait3A_1351] : memref<1000012x16xf32, #tpu.memory_space<hbm>> -> memref<1000012x16xf32, #tpu.memory_space<hbm>>
    tpu.wait_indirect_dma semaphore(%arg10 : memref<!tpu.dma_semaphore, #tpu.memory_space<semaphore_mem>>) src(%dma_wait3A_1352 : memref<1000012x16xf32, #tpu.memory_space<hbm>>) dst(%dma_wait3A_1346 : memref<128x16xf32, #tpu.memory_space<vmem>>)
    %dma_wait3A_1353 = arith.constant 4 : i32
    %dma_wait3A_1354 = arith.constant 128 : i32
    %dma_wait3A_1355 = arith.constant 0 : i32
    %dma_wait3A_1356 = tpu.memref_slice %arg8[%dma_wait3A_1354, %dma_wait3A_1355] : memref<512x16xf32, #tpu.memory_space<vmem>> -> memref<128x16xf32, #tpu.memory_space<vmem>>
    %dma_wait3A_1357 = arith.constant 128 : i32
    %dma_wait3A_1358 = tpu.memref_slice %arg7[%dma_wait3A_1353, %dma_wait3A_1357] : memref<26x512xi32, #tpu.memory_space<vmem>> -> memref<1x128xi32, #tpu.memory_space<vmem>>
    %dma_wait3A_1359 = tpu.memref_squeeze %dma_wait3A_1358 : memref<1x128xi32, #tpu.memory_space<vmem>> -> memref<128xi32, #tpu.memory_space<vmem>>
    %dma_wait3A_1360 = arith.constant 0 : i32
    %dma_wait3A_1361 = arith.constant 0 : i32
    %dma_wait3A_1362 = tpu.memref_slice %arg4[%dma_wait3A_1360, %dma_wait3A_1361] : memref<1000012x16xf32, #tpu.memory_space<hbm>> -> memref<1000012x16xf32, #tpu.memory_space<hbm>>
    tpu.wait_indirect_dma semaphore(%arg10 : memref<!tpu.dma_semaphore, #tpu.memory_space<semaphore_mem>>) src(%dma_wait3A_1362 : memref<1000012x16xf32, #tpu.memory_space<hbm>>) dst(%dma_wait3A_1356 : memref<128x16xf32, #tpu.memory_space<vmem>>)
    %dma_wait3A_1363 = arith.constant 5 : i32
    %dma_wait3A_1364 = arith.constant 128 : i32
    %dma_wait3A_1365 = arith.constant 0 : i32
    %dma_wait3A_1366 = tpu.memref_slice %arg8[%dma_wait3A_1364, %dma_wait3A_1365] : memref<512x16xf32, #tpu.memory_space<vmem>> -> memref<128x16xf32, #tpu.memory_space<vmem>>
    %dma_wait3A_1367 = arith.constant 128 : i32
    %dma_wait3A_1368 = tpu.memref_slice %arg7[%dma_wait3A_1363, %dma_wait3A_1367] : memref<26x512xi32, #tpu.memory_space<vmem>> -> memref<1x128xi32, #tpu.memory_space<vmem>>
    %dma_wait3A_1369 = tpu.memref_squeeze %dma_wait3A_1368 : memref<1x128xi32, #tpu.memory_space<vmem>> -> memref<128xi32, #tpu.memory_space<vmem>>
    %dma_wait3A_1370 = arith.constant 0 : i32
    %dma_wait3A_1371 = arith.constant 0 : i32
    %dma_wait3A_1372 = tpu.memref_slice %arg4[%dma_wait3A_1370, %dma_wait3A_1371] : memref<1000012x16xf32, #tpu.memory_space<hbm>> -> memref<1000012x16xf32, #tpu.memory_space<hbm>>
    tpu.wait_indirect_dma semaphore(%arg10 : memref<!tpu.dma_semaphore, #tpu.memory_space<semaphore_mem>>) src(%dma_wait3A_1372 : memref<1000012x16xf32, #tpu.memory_space<hbm>>) dst(%dma_wait3A_1366 : memref<128x16xf32, #tpu.memory_space<vmem>>)
    %dma_wait3A_1373 = arith.constant 6 : i32
    %dma_wait3A_1374 = arith.constant 128 : i32
    %dma_wait3A_1375 = arith.constant 0 : i32
    %dma_wait3A_1376 = tpu.memref_slice %arg8[%dma_wait3A_1374, %dma_wait3A_1375] : memref<512x16xf32, #tpu.memory_space<vmem>> -> memref<128x16xf32, #tpu.memory_space<vmem>>
    %dma_wait3A_1377 = arith.constant 128 : i32
    %dma_wait3A_1378 = tpu.memref_slice %arg7[%dma_wait3A_1373, %dma_wait3A_1377] : memref<26x512xi32, #tpu.memory_space<vmem>> -> memref<1x128xi32, #tpu.memory_space<vmem>>
    %dma_wait3A_1379 = tpu.memref_squeeze %dma_wait3A_1378 : memref<1x128xi32, #tpu.memory_space<vmem>> -> memref<128xi32, #tpu.memory_space<vmem>>
    %dma_wait3A_1380 = arith.constant 0 : i32
    %dma_wait3A_1381 = arith.constant 0 : i32
    %dma_wait3A_1382 = tpu.memref_slice %arg4[%dma_wait3A_1380, %dma_wait3A_1381] : memref<1000012x16xf32, #tpu.memory_space<hbm>> -> memref<1000012x16xf32, #tpu.memory_space<hbm>>
    tpu.wait_indirect_dma semaphore(%arg10 : memref<!tpu.dma_semaphore, #tpu.memory_space<semaphore_mem>>) src(%dma_wait3A_1382 : memref<1000012x16xf32, #tpu.memory_space<hbm>>) dst(%dma_wait3A_1376 : memref<128x16xf32, #tpu.memory_space<vmem>>)
    %dma_wait3A_1383 = arith.constant 7 : i32
    %dma_wait3A_1384 = arith.constant 128 : i32
    %dma_wait3A_1385 = arith.constant 0 : i32
    %dma_wait3A_1386 = tpu.memref_slice %arg8[%dma_wait3A_1384, %dma_wait3A_1385] : memref<512x16xf32, #tpu.memory_space<vmem>> -> memref<128x16xf32, #tpu.memory_space<vmem>>
    %dma_wait3A_1387 = arith.constant 128 : i32
    %dma_wait3A_1388 = tpu.memref_slice %arg7[%dma_wait3A_1383, %dma_wait3A_1387] : memref<26x512xi32, #tpu.memory_space<vmem>> -> memref<1x128xi32, #tpu.memory_space<vmem>>
    %dma_wait3A_1389 = tpu.memref_squeeze %dma_wait3A_1388 : memref<1x128xi32, #tpu.memory_space<vmem>> -> memref<128xi32, #tpu.memory_space<vmem>>
    %dma_wait3A_1390 = arith.constant 0 : i32
    %dma_wait3A_1391 = arith.constant 0 : i32
    %dma_wait3A_1392 = tpu.memref_slice %arg4[%dma_wait3A_1390, %dma_wait3A_1391] : memref<1000012x16xf32, #tpu.memory_space<hbm>> -> memref<1000012x16xf32, #tpu.memory_space<hbm>>
    tpu.wait_indirect_dma semaphore(%arg10 : memref<!tpu.dma_semaphore, #tpu.memory_space<semaphore_mem>>) src(%dma_wait3A_1392 : memref<1000012x16xf32, #tpu.memory_space<hbm>>) dst(%dma_wait3A_1386 : memref<128x16xf32, #tpu.memory_space<vmem>>)
    %dma_wait3A_1393 = arith.constant 8 : i32
    %dma_wait3A_1394 = arith.constant 128 : i32
    %dma_wait3A_1395 = arith.constant 0 : i32
    %dma_wait3A_1396 = tpu.memref_slice %arg8[%dma_wait3A_1394, %dma_wait3A_1395] : memref<512x16xf32, #tpu.memory_space<vmem>> -> memref<128x16xf32, #tpu.memory_space<vmem>>
    %dma_wait3A_1397 = arith.constant 128 : i32
    %dma_wait3A_1398 = tpu.memref_slice %arg7[%dma_wait3A_1393, %dma_wait3A_1397] : memref<26x512xi32, #tpu.memory_space<vmem>> -> memref<1x128xi32, #tpu.memory_space<vmem>>
    %dma_wait3A_1399 = tpu.memref_squeeze %dma_wait3A_1398 : memref<1x128xi32, #tpu.memory_space<vmem>> -> memref<128xi32, #tpu.memory_space<vmem>>
    %dma_wait3A_1400 = arith.constant 0 : i32
    %dma_wait3A_1401 = arith.constant 0 : i32
    %dma_wait3A_1402 = tpu.memref_slice %arg4[%dma_wait3A_1400, %dma_wait3A_1401] : memref<1000012x16xf32, #tpu.memory_space<hbm>> -> memref<1000012x16xf32, #tpu.memory_space<hbm>>
    tpu.wait_indirect_dma semaphore(%arg10 : memref<!tpu.dma_semaphore, #tpu.memory_space<semaphore_mem>>) src(%dma_wait3A_1402 : memref<1000012x16xf32, #tpu.memory_space<hbm>>) dst(%dma_wait3A_1396 : memref<128x16xf32, #tpu.memory_space<vmem>>)
    %dma_wait3A_1403 = arith.constant 9 : i32
    %dma_wait3A_1404 = arith.constant 128 : i32
    %dma_wait3A_1405 = arith.constant 0 : i32
    %dma_wait3A_1406 = tpu.memref_slice %arg8[%dma_wait3A_1404, %dma_wait3A_1405] : memref<512x16xf32, #tpu.memory_space<vmem>> -> memref<128x16xf32, #tpu.memory_space<vmem>>
    %dma_wait3A_1407 = arith.constant 128 : i32
    %dma_wait3A_1408 = tpu.memref_slice %arg7[%dma_wait3A_1403, %dma_wait3A_1407] : memref<26x512xi32, #tpu.memory_space<vmem>> -> memref<1x128xi32, #tpu.memory_space<vmem>>
    %dma_wait3A_1409 = tpu.memref_squeeze %dma_wait3A_1408 : memref<1x128xi32, #tpu.memory_space<vmem>> -> memref<128xi32, #tpu.memory_space<vmem>>
    %dma_wait3A_1410 = arith.constant 0 : i32
    %dma_wait3A_1411 = arith.constant 0 : i32
    %dma_wait3A_1412 = tpu.memref_slice %arg4[%dma_wait3A_1410, %dma_wait3A_1411] : memref<1000012x16xf32, #tpu.memory_space<hbm>> -> memref<1000012x16xf32, #tpu.memory_space<hbm>>
    tpu.wait_indirect_dma semaphore(%arg10 : memref<!tpu.dma_semaphore, #tpu.memory_space<semaphore_mem>>) src(%dma_wait3A_1412 : memref<1000012x16xf32, #tpu.memory_space<hbm>>) dst(%dma_wait3A_1406 : memref<128x16xf32, #tpu.memory_space<vmem>>)
    %dma_wait3A_1413 = arith.constant 10 : i32
    %dma_wait3A_1414 = arith.constant 128 : i32
    %dma_wait3A_1415 = arith.constant 0 : i32
    %dma_wait3A_1416 = tpu.memref_slice %arg8[%dma_wait3A_1414, %dma_wait3A_1415] : memref<512x16xf32, #tpu.memory_space<vmem>> -> memref<128x16xf32, #tpu.memory_space<vmem>>
    %dma_wait3A_1417 = arith.constant 128 : i32
    %dma_wait3A_1418 = tpu.memref_slice %arg7[%dma_wait3A_1413, %dma_wait3A_1417] : memref<26x512xi32, #tpu.memory_space<vmem>> -> memref<1x128xi32, #tpu.memory_space<vmem>>
    %dma_wait3A_1419 = tpu.memref_squeeze %dma_wait3A_1418 : memref<1x128xi32, #tpu.memory_space<vmem>> -> memref<128xi32, #tpu.memory_space<vmem>>
    %dma_wait3A_1420 = arith.constant 0 : i32
    %dma_wait3A_1421 = arith.constant 0 : i32
    %dma_wait3A_1422 = tpu.memref_slice %arg4[%dma_wait3A_1420, %dma_wait3A_1421] : memref<1000012x16xf32, #tpu.memory_space<hbm>> -> memref<1000012x16xf32, #tpu.memory_space<hbm>>
    tpu.wait_indirect_dma semaphore(%arg10 : memref<!tpu.dma_semaphore, #tpu.memory_space<semaphore_mem>>) src(%dma_wait3A_1422 : memref<1000012x16xf32, #tpu.memory_space<hbm>>) dst(%dma_wait3A_1416 : memref<128x16xf32, #tpu.memory_space<vmem>>)
    %dma_wait3A_1423 = arith.constant 11 : i32
    %dma_wait3A_1424 = arith.constant 128 : i32
    %dma_wait3A_1425 = arith.constant 0 : i32
    %dma_wait3A_1426 = tpu.memref_slice %arg8[%dma_wait3A_1424, %dma_wait3A_1425] : memref<512x16xf32, #tpu.memory_space<vmem>> -> memref<128x16xf32, #tpu.memory_space<vmem>>
    %dma_wait3A_1427 = arith.constant 128 : i32
    %dma_wait3A_1428 = tpu.memref_slice %arg7[%dma_wait3A_1423, %dma_wait3A_1427] : memref<26x512xi32, #tpu.memory_space<vmem>> -> memref<1x128xi32, #tpu.memory_space<vmem>>
    %dma_wait3A_1429 = tpu.memref_squeeze %dma_wait3A_1428 : memref<1x128xi32, #tpu.memory_space<vmem>> -> memref<128xi32, #tpu.memory_space<vmem>>
    %dma_wait3A_1430 = arith.constant 0 : i32
    %dma_wait3A_1431 = arith.constant 0 : i32
    %dma_wait3A_1432 = tpu.memref_slice %arg4[%dma_wait3A_1430, %dma_wait3A_1431] : memref<1000012x16xf32, #tpu.memory_space<hbm>> -> memref<1000012x16xf32, #tpu.memory_space<hbm>>
    tpu.wait_indirect_dma semaphore(%arg10 : memref<!tpu.dma_semaphore, #tpu.memory_space<semaphore_mem>>) src(%dma_wait3A_1432 : memref<1000012x16xf32, #tpu.memory_space<hbm>>) dst(%dma_wait3A_1426 : memref<128x16xf32, #tpu.memory_space<vmem>>)
    %dma_wait3A_1433 = arith.constant 12 : i32
    %dma_wait3A_1434 = arith.constant 128 : i32
    %dma_wait3A_1435 = arith.constant 0 : i32
    %dma_wait3A_1436 = tpu.memref_slice %arg8[%dma_wait3A_1434, %dma_wait3A_1435] : memref<512x16xf32, #tpu.memory_space<vmem>> -> memref<128x16xf32, #tpu.memory_space<vmem>>
    %dma_wait3A_1437 = arith.constant 128 : i32
    %dma_wait3A_1438 = tpu.memref_slice %arg7[%dma_wait3A_1433, %dma_wait3A_1437] : memref<26x512xi32, #tpu.memory_space<vmem>> -> memref<1x128xi32, #tpu.memory_space<vmem>>
    %dma_wait3A_1439 = tpu.memref_squeeze %dma_wait3A_1438 : memref<1x128xi32, #tpu.memory_space<vmem>> -> memref<128xi32, #tpu.memory_space<vmem>>
    %dma_wait3A_1440 = arith.constant 0 : i32
    %dma_wait3A_1441 = arith.constant 0 : i32
    %dma_wait3A_1442 = tpu.memref_slice %arg4[%dma_wait3A_1440, %dma_wait3A_1441] : memref<1000012x16xf32, #tpu.memory_space<hbm>> -> memref<1000012x16xf32, #tpu.memory_space<hbm>>
    tpu.wait_indirect_dma semaphore(%arg10 : memref<!tpu.dma_semaphore, #tpu.memory_space<semaphore_mem>>) src(%dma_wait3A_1442 : memref<1000012x16xf32, #tpu.memory_space<hbm>>) dst(%dma_wait3A_1436 : memref<128x16xf32, #tpu.memory_space<vmem>>)
    %dma_wait3A_1443 = arith.constant 13 : i32
    %dma_wait3A_1444 = arith.constant 128 : i32
    %dma_wait3A_1445 = arith.constant 0 : i32
    %dma_wait3A_1446 = tpu.memref_slice %arg8[%dma_wait3A_1444, %dma_wait3A_1445] : memref<512x16xf32, #tpu.memory_space<vmem>> -> memref<128x16xf32, #tpu.memory_space<vmem>>
    %dma_wait3A_1447 = arith.constant 128 : i32
    %dma_wait3A_1448 = tpu.memref_slice %arg7[%dma_wait3A_1443, %dma_wait3A_1447] : memref<26x512xi32, #tpu.memory_space<vmem>> -> memref<1x128xi32, #tpu.memory_space<vmem>>
    %dma_wait3A_1449 = tpu.memref_squeeze %dma_wait3A_1448 : memref<1x128xi32, #tpu.memory_space<vmem>> -> memref<128xi32, #tpu.memory_space<vmem>>
    %dma_wait3A_1450 = arith.constant 0 : i32
    %dma_wait3A_1451 = arith.constant 0 : i32
    %dma_wait3A_1452 = tpu.memref_slice %arg4[%dma_wait3A_1450, %dma_wait3A_1451] : memref<1000012x16xf32, #tpu.memory_space<hbm>> -> memref<1000012x16xf32, #tpu.memory_space<hbm>>
    tpu.wait_indirect_dma semaphore(%arg10 : memref<!tpu.dma_semaphore, #tpu.memory_space<semaphore_mem>>) src(%dma_wait3A_1452 : memref<1000012x16xf32, #tpu.memory_space<hbm>>) dst(%dma_wait3A_1446 : memref<128x16xf32, #tpu.memory_space<vmem>>)
    %dma_wait3A_1453 = arith.constant 14 : i32
    %dma_wait3A_1454 = arith.constant 128 : i32
    %dma_wait3A_1455 = arith.constant 0 : i32
    %dma_wait3A_1456 = tpu.memref_slice %arg8[%dma_wait3A_1454, %dma_wait3A_1455] : memref<512x16xf32, #tpu.memory_space<vmem>> -> memref<128x16xf32, #tpu.memory_space<vmem>>
    %dma_wait3A_1457 = arith.constant 128 : i32
    %dma_wait3A_1458 = tpu.memref_slice %arg7[%dma_wait3A_1453, %dma_wait3A_1457] : memref<26x512xi32, #tpu.memory_space<vmem>> -> memref<1x128xi32, #tpu.memory_space<vmem>>
    %dma_wait3A_1459 = tpu.memref_squeeze %dma_wait3A_1458 : memref<1x128xi32, #tpu.memory_space<vmem>> -> memref<128xi32, #tpu.memory_space<vmem>>
    %dma_wait3A_1460 = arith.constant 0 : i32
    %dma_wait3A_1461 = arith.constant 0 : i32
    %dma_wait3A_1462 = tpu.memref_slice %arg4[%dma_wait3A_1460, %dma_wait3A_1461] : memref<1000012x16xf32, #tpu.memory_space<hbm>> -> memref<1000012x16xf32, #tpu.memory_space<hbm>>
    tpu.wait_indirect_dma semaphore(%arg10 : memref<!tpu.dma_semaphore, #tpu.memory_space<semaphore_mem>>) src(%dma_wait3A_1462 : memref<1000012x16xf32, #tpu.memory_space<hbm>>) dst(%dma_wait3A_1456 : memref<128x16xf32, #tpu.memory_space<vmem>>)
    %dma_wait3A_1463 = arith.constant 15 : i32
    %dma_wait3A_1464 = arith.constant 128 : i32
    %dma_wait3A_1465 = arith.constant 0 : i32
    %dma_wait3A_1466 = tpu.memref_slice %arg8[%dma_wait3A_1464, %dma_wait3A_1465] : memref<512x16xf32, #tpu.memory_space<vmem>> -> memref<128x16xf32, #tpu.memory_space<vmem>>
    %dma_wait3A_1467 = arith.constant 128 : i32
    %dma_wait3A_1468 = tpu.memref_slice %arg7[%dma_wait3A_1463, %dma_wait3A_1467] : memref<26x512xi32, #tpu.memory_space<vmem>> -> memref<1x128xi32, #tpu.memory_space<vmem>>
    %dma_wait3A_1469 = tpu.memref_squeeze %dma_wait3A_1468 : memref<1x128xi32, #tpu.memory_space<vmem>> -> memref<128xi32, #tpu.memory_space<vmem>>
    %dma_wait3A_1470 = arith.constant 0 : i32
    %dma_wait3A_1471 = arith.constant 0 : i32
    %dma_wait3A_1472 = tpu.memref_slice %arg4[%dma_wait3A_1470, %dma_wait3A_1471] : memref<1000012x16xf32, #tpu.memory_space<hbm>> -> memref<1000012x16xf32, #tpu.memory_space<hbm>>
    tpu.wait_indirect_dma semaphore(%arg10 : memref<!tpu.dma_semaphore, #tpu.memory_space<semaphore_mem>>) src(%dma_wait3A_1472 : memref<1000012x16xf32, #tpu.memory_space<hbm>>) dst(%dma_wait3A_1466 : memref<128x16xf32, #tpu.memory_space<vmem>>)
    %dma_wait3A_1473 = arith.constant 16 : i32
    %dma_wait3A_1474 = arith.constant 128 : i32
    %dma_wait3A_1475 = arith.constant 0 : i32
    %dma_wait3A_1476 = tpu.memref_slice %arg8[%dma_wait3A_1474, %dma_wait3A_1475] : memref<512x16xf32, #tpu.memory_space<vmem>> -> memref<128x16xf32, #tpu.memory_space<vmem>>
    %dma_wait3A_1477 = arith.constant 128 : i32
    %dma_wait3A_1478 = tpu.memref_slice %arg7[%dma_wait3A_1473, %dma_wait3A_1477] : memref<26x512xi32, #tpu.memory_space<vmem>> -> memref<1x128xi32, #tpu.memory_space<vmem>>
    %dma_wait3A_1479 = tpu.memref_squeeze %dma_wait3A_1478 : memref<1x128xi32, #tpu.memory_space<vmem>> -> memref<128xi32, #tpu.memory_space<vmem>>
    %dma_wait3A_1480 = arith.constant 0 : i32
    %dma_wait3A_1481 = arith.constant 0 : i32
    %dma_wait3A_1482 = tpu.memref_slice %arg4[%dma_wait3A_1480, %dma_wait3A_1481] : memref<1000012x16xf32, #tpu.memory_space<hbm>> -> memref<1000012x16xf32, #tpu.memory_space<hbm>>
    tpu.wait_indirect_dma semaphore(%arg10 : memref<!tpu.dma_semaphore, #tpu.memory_space<semaphore_mem>>) src(%dma_wait3A_1482 : memref<1000012x16xf32, #tpu.memory_space<hbm>>) dst(%dma_wait3A_1476 : memref<128x16xf32, #tpu.memory_space<vmem>>)
    %dma_wait3A_1483 = arith.constant 17 : i32
    %dma_wait3A_1484 = arith.constant 128 : i32
    %dma_wait3A_1485 = arith.constant 0 : i32
    %dma_wait3A_1486 = tpu.memref_slice %arg8[%dma_wait3A_1484, %dma_wait3A_1485] : memref<512x16xf32, #tpu.memory_space<vmem>> -> memref<128x16xf32, #tpu.memory_space<vmem>>
    %dma_wait3A_1487 = arith.constant 128 : i32
    %dma_wait3A_1488 = tpu.memref_slice %arg7[%dma_wait3A_1483, %dma_wait3A_1487] : memref<26x512xi32, #tpu.memory_space<vmem>> -> memref<1x128xi32, #tpu.memory_space<vmem>>
    %dma_wait3A_1489 = tpu.memref_squeeze %dma_wait3A_1488 : memref<1x128xi32, #tpu.memory_space<vmem>> -> memref<128xi32, #tpu.memory_space<vmem>>
    %dma_wait3A_1490 = arith.constant 0 : i32
    %dma_wait3A_1491 = arith.constant 0 : i32
    %dma_wait3A_1492 = tpu.memref_slice %arg4[%dma_wait3A_1490, %dma_wait3A_1491] : memref<1000012x16xf32, #tpu.memory_space<hbm>> -> memref<1000012x16xf32, #tpu.memory_space<hbm>>
    tpu.wait_indirect_dma semaphore(%arg10 : memref<!tpu.dma_semaphore, #tpu.memory_space<semaphore_mem>>) src(%dma_wait3A_1492 : memref<1000012x16xf32, #tpu.memory_space<hbm>>) dst(%dma_wait3A_1486 : memref<128x16xf32, #tpu.memory_space<vmem>>)
    %dma_wait3A_1493 = arith.constant 18 : i32
    %dma_wait3A_1494 = arith.constant 128 : i32
    %dma_wait3A_1495 = arith.constant 0 : i32
    %dma_wait3A_1496 = tpu.memref_slice %arg8[%dma_wait3A_1494, %dma_wait3A_1495] : memref<512x16xf32, #tpu.memory_space<vmem>> -> memref<128x16xf32, #tpu.memory_space<vmem>>
    %dma_wait3A_1497 = arith.constant 128 : i32
    %dma_wait3A_1498 = tpu.memref_slice %arg7[%dma_wait3A_1493, %dma_wait3A_1497] : memref<26x512xi32, #tpu.memory_space<vmem>> -> memref<1x128xi32, #tpu.memory_space<vmem>>
    %dma_wait3A_1499 = tpu.memref_squeeze %dma_wait3A_1498 : memref<1x128xi32, #tpu.memory_space<vmem>> -> memref<128xi32, #tpu.memory_space<vmem>>
    %dma_wait3A_1500 = arith.constant 0 : i32
    %dma_wait3A_1501 = arith.constant 0 : i32
    %dma_wait3A_1502 = tpu.memref_slice %arg4[%dma_wait3A_1500, %dma_wait3A_1501] : memref<1000012x16xf32, #tpu.memory_space<hbm>> -> memref<1000012x16xf32, #tpu.memory_space<hbm>>
    tpu.wait_indirect_dma semaphore(%arg10 : memref<!tpu.dma_semaphore, #tpu.memory_space<semaphore_mem>>) src(%dma_wait3A_1502 : memref<1000012x16xf32, #tpu.memory_space<hbm>>) dst(%dma_wait3A_1496 : memref<128x16xf32, #tpu.memory_space<vmem>>)
    %dma_wait3A_1503 = arith.constant 19 : i32
    %dma_wait3A_1504 = arith.constant 128 : i32
    %dma_wait3A_1505 = arith.constant 0 : i32
    %dma_wait3A_1506 = tpu.memref_slice %arg8[%dma_wait3A_1504, %dma_wait3A_1505] : memref<512x16xf32, #tpu.memory_space<vmem>> -> memref<128x16xf32, #tpu.memory_space<vmem>>
    %dma_wait3A_1507 = arith.constant 128 : i32
    %dma_wait3A_1508 = tpu.memref_slice %arg7[%dma_wait3A_1503, %dma_wait3A_1507] : memref<26x512xi32, #tpu.memory_space<vmem>> -> memref<1x128xi32, #tpu.memory_space<vmem>>
    %dma_wait3A_1509 = tpu.memref_squeeze %dma_wait3A_1508 : memref<1x128xi32, #tpu.memory_space<vmem>> -> memref<128xi32, #tpu.memory_space<vmem>>
    %dma_wait3A_1510 = arith.constant 0 : i32
    %dma_wait3A_1511 = arith.constant 0 : i32
    %dma_wait3A_1512 = tpu.memref_slice %arg4[%dma_wait3A_1510, %dma_wait3A_1511] : memref<1000012x16xf32, #tpu.memory_space<hbm>> -> memref<1000012x16xf32, #tpu.memory_space<hbm>>
    tpu.wait_indirect_dma semaphore(%arg10 : memref<!tpu.dma_semaphore, #tpu.memory_space<semaphore_mem>>) src(%dma_wait3A_1512 : memref<1000012x16xf32, #tpu.memory_space<hbm>>) dst(%dma_wait3A_1506 : memref<128x16xf32, #tpu.memory_space<vmem>>)
    %dma_wait3A_1513 = arith.constant 20 : i32
    %dma_wait3A_1514 = arith.constant 128 : i32
    %dma_wait3A_1515 = arith.constant 0 : i32
    %dma_wait3A_1516 = tpu.memref_slice %arg8[%dma_wait3A_1514, %dma_wait3A_1515] : memref<512x16xf32, #tpu.memory_space<vmem>> -> memref<128x16xf32, #tpu.memory_space<vmem>>
    %dma_wait3A_1517 = arith.constant 128 : i32
    %dma_wait3A_1518 = tpu.memref_slice %arg7[%dma_wait3A_1513, %dma_wait3A_1517] : memref<26x512xi32, #tpu.memory_space<vmem>> -> memref<1x128xi32, #tpu.memory_space<vmem>>
    %dma_wait3A_1519 = tpu.memref_squeeze %dma_wait3A_1518 : memref<1x128xi32, #tpu.memory_space<vmem>> -> memref<128xi32, #tpu.memory_space<vmem>>
    %dma_wait3A_1520 = arith.constant 0 : i32
    %dma_wait3A_1521 = arith.constant 0 : i32
    %dma_wait3A_1522 = tpu.memref_slice %arg4[%dma_wait3A_1520, %dma_wait3A_1521] : memref<1000012x16xf32, #tpu.memory_space<hbm>> -> memref<1000012x16xf32, #tpu.memory_space<hbm>>
    tpu.wait_indirect_dma semaphore(%arg10 : memref<!tpu.dma_semaphore, #tpu.memory_space<semaphore_mem>>) src(%dma_wait3A_1522 : memref<1000012x16xf32, #tpu.memory_space<hbm>>) dst(%dma_wait3A_1516 : memref<128x16xf32, #tpu.memory_space<vmem>>)
    %dma_wait3A_1523 = arith.constant 21 : i32
    %dma_wait3A_1524 = arith.constant 128 : i32
    %dma_wait3A_1525 = arith.constant 0 : i32
    %dma_wait3A_1526 = tpu.memref_slice %arg8[%dma_wait3A_1524, %dma_wait3A_1525] : memref<512x16xf32, #tpu.memory_space<vmem>> -> memref<128x16xf32, #tpu.memory_space<vmem>>
    %dma_wait3A_1527 = arith.constant 128 : i32
    %dma_wait3A_1528 = tpu.memref_slice %arg7[%dma_wait3A_1523, %dma_wait3A_1527] : memref<26x512xi32, #tpu.memory_space<vmem>> -> memref<1x128xi32, #tpu.memory_space<vmem>>
    %dma_wait3A_1529 = tpu.memref_squeeze %dma_wait3A_1528 : memref<1x128xi32, #tpu.memory_space<vmem>> -> memref<128xi32, #tpu.memory_space<vmem>>
    %dma_wait3A_1530 = arith.constant 0 : i32
    %dma_wait3A_1531 = arith.constant 0 : i32
    %dma_wait3A_1532 = tpu.memref_slice %arg4[%dma_wait3A_1530, %dma_wait3A_1531] : memref<1000012x16xf32, #tpu.memory_space<hbm>> -> memref<1000012x16xf32, #tpu.memory_space<hbm>>
    tpu.wait_indirect_dma semaphore(%arg10 : memref<!tpu.dma_semaphore, #tpu.memory_space<semaphore_mem>>) src(%dma_wait3A_1532 : memref<1000012x16xf32, #tpu.memory_space<hbm>>) dst(%dma_wait3A_1526 : memref<128x16xf32, #tpu.memory_space<vmem>>)
    %dma_wait3A_1533 = arith.constant 22 : i32
    %dma_wait3A_1534 = arith.constant 128 : i32
    %dma_wait3A_1535 = arith.constant 0 : i32
    %dma_wait3A_1536 = tpu.memref_slice %arg8[%dma_wait3A_1534, %dma_wait3A_1535] : memref<512x16xf32, #tpu.memory_space<vmem>> -> memref<128x16xf32, #tpu.memory_space<vmem>>
    %dma_wait3A_1537 = arith.constant 128 : i32
    %dma_wait3A_1538 = tpu.memref_slice %arg7[%dma_wait3A_1533, %dma_wait3A_1537] : memref<26x512xi32, #tpu.memory_space<vmem>> -> memref<1x128xi32, #tpu.memory_space<vmem>>
    %dma_wait3A_1539 = tpu.memref_squeeze %dma_wait3A_1538 : memref<1x128xi32, #tpu.memory_space<vmem>> -> memref<128xi32, #tpu.memory_space<vmem>>
    %dma_wait3A_1540 = arith.constant 0 : i32
    %dma_wait3A_1541 = arith.constant 0 : i32
    %dma_wait3A_1542 = tpu.memref_slice %arg4[%dma_wait3A_1540, %dma_wait3A_1541] : memref<1000012x16xf32, #tpu.memory_space<hbm>> -> memref<1000012x16xf32, #tpu.memory_space<hbm>>
    tpu.wait_indirect_dma semaphore(%arg10 : memref<!tpu.dma_semaphore, #tpu.memory_space<semaphore_mem>>) src(%dma_wait3A_1542 : memref<1000012x16xf32, #tpu.memory_space<hbm>>) dst(%dma_wait3A_1536 : memref<128x16xf32, #tpu.memory_space<vmem>>)
    %dma_wait3A_1543 = arith.constant 23 : i32
    %dma_wait3A_1544 = arith.constant 128 : i32
    %dma_wait3A_1545 = arith.constant 0 : i32
    %dma_wait3A_1546 = tpu.memref_slice %arg8[%dma_wait3A_1544, %dma_wait3A_1545] : memref<512x16xf32, #tpu.memory_space<vmem>> -> memref<128x16xf32, #tpu.memory_space<vmem>>
    %dma_wait3A_1547 = arith.constant 128 : i32
    %dma_wait3A_1548 = tpu.memref_slice %arg7[%dma_wait3A_1543, %dma_wait3A_1547] : memref<26x512xi32, #tpu.memory_space<vmem>> -> memref<1x128xi32, #tpu.memory_space<vmem>>
    %dma_wait3A_1549 = tpu.memref_squeeze %dma_wait3A_1548 : memref<1x128xi32, #tpu.memory_space<vmem>> -> memref<128xi32, #tpu.memory_space<vmem>>
    %dma_wait3A_1550 = arith.constant 0 : i32
    %dma_wait3A_1551 = arith.constant 0 : i32
    %dma_wait3A_1552 = tpu.memref_slice %arg4[%dma_wait3A_1550, %dma_wait3A_1551] : memref<1000012x16xf32, #tpu.memory_space<hbm>> -> memref<1000012x16xf32, #tpu.memory_space<hbm>>
    tpu.wait_indirect_dma semaphore(%arg10 : memref<!tpu.dma_semaphore, #tpu.memory_space<semaphore_mem>>) src(%dma_wait3A_1552 : memref<1000012x16xf32, #tpu.memory_space<hbm>>) dst(%dma_wait3A_1546 : memref<128x16xf32, #tpu.memory_space<vmem>>)
    %dma_wait3A_1553 = arith.constant 24 : i32
    %dma_wait3A_1554 = arith.constant 128 : i32
    %dma_wait3A_1555 = arith.constant 0 : i32
    %dma_wait3A_1556 = tpu.memref_slice %arg8[%dma_wait3A_1554, %dma_wait3A_1555] : memref<512x16xf32, #tpu.memory_space<vmem>> -> memref<128x16xf32, #tpu.memory_space<vmem>>
    %dma_wait3A_1557 = arith.constant 128 : i32
    %dma_wait3A_1558 = tpu.memref_slice %arg7[%dma_wait3A_1553, %dma_wait3A_1557] : memref<26x512xi32, #tpu.memory_space<vmem>> -> memref<1x128xi32, #tpu.memory_space<vmem>>
    %dma_wait3A_1559 = tpu.memref_squeeze %dma_wait3A_1558 : memref<1x128xi32, #tpu.memory_space<vmem>> -> memref<128xi32, #tpu.memory_space<vmem>>
    %dma_wait3A_1560 = arith.constant 0 : i32
    %dma_wait3A_1561 = arith.constant 0 : i32
    %dma_wait3A_1562 = tpu.memref_slice %arg4[%dma_wait3A_1560, %dma_wait3A_1561] : memref<1000012x16xf32, #tpu.memory_space<hbm>> -> memref<1000012x16xf32, #tpu.memory_space<hbm>>
    tpu.wait_indirect_dma semaphore(%arg10 : memref<!tpu.dma_semaphore, #tpu.memory_space<semaphore_mem>>) src(%dma_wait3A_1562 : memref<1000012x16xf32, #tpu.memory_space<hbm>>) dst(%dma_wait3A_1556 : memref<128x16xf32, #tpu.memory_space<vmem>>)
    %dma_wait3A_1563 = arith.constant 25 : i32
    %dma_wait3A_1564 = arith.constant 128 : i32
    %dma_wait3A_1565 = arith.constant 0 : i32
    %dma_wait3A_1566 = tpu.memref_slice %arg8[%dma_wait3A_1564, %dma_wait3A_1565] : memref<512x16xf32, #tpu.memory_space<vmem>> -> memref<128x16xf32, #tpu.memory_space<vmem>>
    %dma_wait3A_1567 = arith.constant 128 : i32
    %dma_wait3A_1568 = tpu.memref_slice %arg7[%dma_wait3A_1563, %dma_wait3A_1567] : memref<26x512xi32, #tpu.memory_space<vmem>> -> memref<1x128xi32, #tpu.memory_space<vmem>>
    %dma_wait3A_1569 = tpu.memref_squeeze %dma_wait3A_1568 : memref<1x128xi32, #tpu.memory_space<vmem>> -> memref<128xi32, #tpu.memory_space<vmem>>
    %dma_wait3A_1570 = arith.constant 0 : i32
    %dma_wait3A_1571 = arith.constant 0 : i32
    %dma_wait3A_1572 = tpu.memref_slice %arg4[%dma_wait3A_1570, %dma_wait3A_1571] : memref<1000012x16xf32, #tpu.memory_space<hbm>> -> memref<1000012x16xf32, #tpu.memory_space<hbm>>
    tpu.wait_indirect_dma semaphore(%arg10 : memref<!tpu.dma_semaphore, #tpu.memory_space<semaphore_mem>>) src(%dma_wait3A_1572 : memref<1000012x16xf32, #tpu.memory_space<hbm>>) dst(%dma_wait3A_1566 : memref<128x16xf32, #tpu.memory_space<vmem>>)
    %dma_wait3A_1573 = arith.constant 0 : i32
    %dma_wait3A_1574 = arith.constant 256 : i32
    %dma_wait3A_1575 = arith.constant 0 : i32
    %dma_wait3A_1576 = tpu.memref_slice %arg8[%dma_wait3A_1574, %dma_wait3A_1575] : memref<512x16xf32, #tpu.memory_space<vmem>> -> memref<128x16xf32, #tpu.memory_space<vmem>>
    %dma_wait3A_1577 = arith.constant 256 : i32
    %dma_wait3A_1578 = tpu.memref_slice %arg7[%dma_wait3A_1573, %dma_wait3A_1577] : memref<26x512xi32, #tpu.memory_space<vmem>> -> memref<1x128xi32, #tpu.memory_space<vmem>>
    %dma_wait3A_1579 = tpu.memref_squeeze %dma_wait3A_1578 : memref<1x128xi32, #tpu.memory_space<vmem>> -> memref<128xi32, #tpu.memory_space<vmem>>
    %dma_wait3A_1580 = arith.constant 0 : i32
    %dma_wait3A_1581 = arith.constant 0 : i32
    %dma_wait3A_1582 = tpu.memref_slice %arg4[%dma_wait3A_1580, %dma_wait3A_1581] : memref<1000012x16xf32, #tpu.memory_space<hbm>> -> memref<1000012x16xf32, #tpu.memory_space<hbm>>
    tpu.wait_indirect_dma semaphore(%arg10 : memref<!tpu.dma_semaphore, #tpu.memory_space<semaphore_mem>>) src(%dma_wait3A_1582 : memref<1000012x16xf32, #tpu.memory_space<hbm>>) dst(%dma_wait3A_1576 : memref<128x16xf32, #tpu.memory_space<vmem>>)
    %dma_wait3A_1583 = arith.constant 1 : i32
    %dma_wait3A_1584 = arith.constant 256 : i32
    %dma_wait3A_1585 = arith.constant 0 : i32
    %dma_wait3A_1586 = tpu.memref_slice %arg8[%dma_wait3A_1584, %dma_wait3A_1585] : memref<512x16xf32, #tpu.memory_space<vmem>> -> memref<128x16xf32, #tpu.memory_space<vmem>>
    %dma_wait3A_1587 = arith.constant 256 : i32
    %dma_wait3A_1588 = tpu.memref_slice %arg7[%dma_wait3A_1583, %dma_wait3A_1587] : memref<26x512xi32, #tpu.memory_space<vmem>> -> memref<1x128xi32, #tpu.memory_space<vmem>>
    %dma_wait3A_1589 = tpu.memref_squeeze %dma_wait3A_1588 : memref<1x128xi32, #tpu.memory_space<vmem>> -> memref<128xi32, #tpu.memory_space<vmem>>
    %dma_wait3A_1590 = arith.constant 0 : i32
    %dma_wait3A_1591 = arith.constant 0 : i32
    %dma_wait3A_1592 = tpu.memref_slice %arg4[%dma_wait3A_1590, %dma_wait3A_1591] : memref<1000012x16xf32, #tpu.memory_space<hbm>> -> memref<1000012x16xf32, #tpu.memory_space<hbm>>
    tpu.wait_indirect_dma semaphore(%arg10 : memref<!tpu.dma_semaphore, #tpu.memory_space<semaphore_mem>>) src(%dma_wait3A_1592 : memref<1000012x16xf32, #tpu.memory_space<hbm>>) dst(%dma_wait3A_1586 : memref<128x16xf32, #tpu.memory_space<vmem>>)
    %dma_wait3A_1593 = arith.constant 2 : i32
    %dma_wait3A_1594 = arith.constant 256 : i32
    %dma_wait3A_1595 = arith.constant 0 : i32
    %dma_wait3A_1596 = tpu.memref_slice %arg8[%dma_wait3A_1594, %dma_wait3A_1595] : memref<512x16xf32, #tpu.memory_space<vmem>> -> memref<128x16xf32, #tpu.memory_space<vmem>>
    %dma_wait3A_1597 = arith.constant 256 : i32
    %dma_wait3A_1598 = tpu.memref_slice %arg7[%dma_wait3A_1593, %dma_wait3A_1597] : memref<26x512xi32, #tpu.memory_space<vmem>> -> memref<1x128xi32, #tpu.memory_space<vmem>>
    %dma_wait3A_1599 = tpu.memref_squeeze %dma_wait3A_1598 : memref<1x128xi32, #tpu.memory_space<vmem>> -> memref<128xi32, #tpu.memory_space<vmem>>
    %dma_wait3A_1600 = arith.constant 0 : i32
    %dma_wait3A_1601 = arith.constant 0 : i32
    %dma_wait3A_1602 = tpu.memref_slice %arg4[%dma_wait3A_1600, %dma_wait3A_1601] : memref<1000012x16xf32, #tpu.memory_space<hbm>> -> memref<1000012x16xf32, #tpu.memory_space<hbm>>
    tpu.wait_indirect_dma semaphore(%arg10 : memref<!tpu.dma_semaphore, #tpu.memory_space<semaphore_mem>>) src(%dma_wait3A_1602 : memref<1000012x16xf32, #tpu.memory_space<hbm>>) dst(%dma_wait3A_1596 : memref<128x16xf32, #tpu.memory_space<vmem>>)
    %dma_wait3A_1603 = arith.constant 3 : i32
    %dma_wait3A_1604 = arith.constant 256 : i32
    %dma_wait3A_1605 = arith.constant 0 : i32
    %dma_wait3A_1606 = tpu.memref_slice %arg8[%dma_wait3A_1604, %dma_wait3A_1605] : memref<512x16xf32, #tpu.memory_space<vmem>> -> memref<128x16xf32, #tpu.memory_space<vmem>>
    %dma_wait3A_1607 = arith.constant 256 : i32
    %dma_wait3A_1608 = tpu.memref_slice %arg7[%dma_wait3A_1603, %dma_wait3A_1607] : memref<26x512xi32, #tpu.memory_space<vmem>> -> memref<1x128xi32, #tpu.memory_space<vmem>>
    %dma_wait3A_1609 = tpu.memref_squeeze %dma_wait3A_1608 : memref<1x128xi32, #tpu.memory_space<vmem>> -> memref<128xi32, #tpu.memory_space<vmem>>
    %dma_wait3A_1610 = arith.constant 0 : i32
    %dma_wait3A_1611 = arith.constant 0 : i32
    %dma_wait3A_1612 = tpu.memref_slice %arg4[%dma_wait3A_1610, %dma_wait3A_1611] : memref<1000012x16xf32, #tpu.memory_space<hbm>> -> memref<1000012x16xf32, #tpu.memory_space<hbm>>
    tpu.wait_indirect_dma semaphore(%arg10 : memref<!tpu.dma_semaphore, #tpu.memory_space<semaphore_mem>>) src(%dma_wait3A_1612 : memref<1000012x16xf32, #tpu.memory_space<hbm>>) dst(%dma_wait3A_1606 : memref<128x16xf32, #tpu.memory_space<vmem>>)
    %dma_wait3A_1613 = arith.constant 4 : i32
    %dma_wait3A_1614 = arith.constant 256 : i32
    %dma_wait3A_1615 = arith.constant 0 : i32
    %dma_wait3A_1616 = tpu.memref_slice %arg8[%dma_wait3A_1614, %dma_wait3A_1615] : memref<512x16xf32, #tpu.memory_space<vmem>> -> memref<128x16xf32, #tpu.memory_space<vmem>>
    %dma_wait3A_1617 = arith.constant 256 : i32
    %dma_wait3A_1618 = tpu.memref_slice %arg7[%dma_wait3A_1613, %dma_wait3A_1617] : memref<26x512xi32, #tpu.memory_space<vmem>> -> memref<1x128xi32, #tpu.memory_space<vmem>>
    %dma_wait3A_1619 = tpu.memref_squeeze %dma_wait3A_1618 : memref<1x128xi32, #tpu.memory_space<vmem>> -> memref<128xi32, #tpu.memory_space<vmem>>
    %dma_wait3A_1620 = arith.constant 0 : i32
    %dma_wait3A_1621 = arith.constant 0 : i32
    %dma_wait3A_1622 = tpu.memref_slice %arg4[%dma_wait3A_1620, %dma_wait3A_1621] : memref<1000012x16xf32, #tpu.memory_space<hbm>> -> memref<1000012x16xf32, #tpu.memory_space<hbm>>
    tpu.wait_indirect_dma semaphore(%arg10 : memref<!tpu.dma_semaphore, #tpu.memory_space<semaphore_mem>>) src(%dma_wait3A_1622 : memref<1000012x16xf32, #tpu.memory_space<hbm>>) dst(%dma_wait3A_1616 : memref<128x16xf32, #tpu.memory_space<vmem>>)
    %dma_wait3A_1623 = arith.constant 5 : i32
    %dma_wait3A_1624 = arith.constant 256 : i32
    %dma_wait3A_1625 = arith.constant 0 : i32
    %dma_wait3A_1626 = tpu.memref_slice %arg8[%dma_wait3A_1624, %dma_wait3A_1625] : memref<512x16xf32, #tpu.memory_space<vmem>> -> memref<128x16xf32, #tpu.memory_space<vmem>>
    %dma_wait3A_1627 = arith.constant 256 : i32
    %dma_wait3A_1628 = tpu.memref_slice %arg7[%dma_wait3A_1623, %dma_wait3A_1627] : memref<26x512xi32, #tpu.memory_space<vmem>> -> memref<1x128xi32, #tpu.memory_space<vmem>>
    %dma_wait3A_1629 = tpu.memref_squeeze %dma_wait3A_1628 : memref<1x128xi32, #tpu.memory_space<vmem>> -> memref<128xi32, #tpu.memory_space<vmem>>
    %dma_wait3A_1630 = arith.constant 0 : i32
    %dma_wait3A_1631 = arith.constant 0 : i32
    %dma_wait3A_1632 = tpu.memref_slice %arg4[%dma_wait3A_1630, %dma_wait3A_1631] : memref<1000012x16xf32, #tpu.memory_space<hbm>> -> memref<1000012x16xf32, #tpu.memory_space<hbm>>
    tpu.wait_indirect_dma semaphore(%arg10 : memref<!tpu.dma_semaphore, #tpu.memory_space<semaphore_mem>>) src(%dma_wait3A_1632 : memref<1000012x16xf32, #tpu.memory_space<hbm>>) dst(%dma_wait3A_1626 : memref<128x16xf32, #tpu.memory_space<vmem>>)
    %dma_wait3A_1633 = arith.constant 6 : i32
    %dma_wait3A_1634 = arith.constant 256 : i32
    %dma_wait3A_1635 = arith.constant 0 : i32
    %dma_wait3A_1636 = tpu.memref_slice %arg8[%dma_wait3A_1634, %dma_wait3A_1635] : memref<512x16xf32, #tpu.memory_space<vmem>> -> memref<128x16xf32, #tpu.memory_space<vmem>>
    %dma_wait3A_1637 = arith.constant 256 : i32
    %dma_wait3A_1638 = tpu.memref_slice %arg7[%dma_wait3A_1633, %dma_wait3A_1637] : memref<26x512xi32, #tpu.memory_space<vmem>> -> memref<1x128xi32, #tpu.memory_space<vmem>>
    %dma_wait3A_1639 = tpu.memref_squeeze %dma_wait3A_1638 : memref<1x128xi32, #tpu.memory_space<vmem>> -> memref<128xi32, #tpu.memory_space<vmem>>
    %dma_wait3A_1640 = arith.constant 0 : i32
    %dma_wait3A_1641 = arith.constant 0 : i32
    %dma_wait3A_1642 = tpu.memref_slice %arg4[%dma_wait3A_1640, %dma_wait3A_1641] : memref<1000012x16xf32, #tpu.memory_space<hbm>> -> memref<1000012x16xf32, #tpu.memory_space<hbm>>
    tpu.wait_indirect_dma semaphore(%arg10 : memref<!tpu.dma_semaphore, #tpu.memory_space<semaphore_mem>>) src(%dma_wait3A_1642 : memref<1000012x16xf32, #tpu.memory_space<hbm>>) dst(%dma_wait3A_1636 : memref<128x16xf32, #tpu.memory_space<vmem>>)
    %dma_wait3A_1643 = arith.constant 7 : i32
    %dma_wait3A_1644 = arith.constant 256 : i32
    %dma_wait3A_1645 = arith.constant 0 : i32
    %dma_wait3A_1646 = tpu.memref_slice %arg8[%dma_wait3A_1644, %dma_wait3A_1645] : memref<512x16xf32, #tpu.memory_space<vmem>> -> memref<128x16xf32, #tpu.memory_space<vmem>>
    %dma_wait3A_1647 = arith.constant 256 : i32
    %dma_wait3A_1648 = tpu.memref_slice %arg7[%dma_wait3A_1643, %dma_wait3A_1647] : memref<26x512xi32, #tpu.memory_space<vmem>> -> memref<1x128xi32, #tpu.memory_space<vmem>>
    %dma_wait3A_1649 = tpu.memref_squeeze %dma_wait3A_1648 : memref<1x128xi32, #tpu.memory_space<vmem>> -> memref<128xi32, #tpu.memory_space<vmem>>
    %dma_wait3A_1650 = arith.constant 0 : i32
    %dma_wait3A_1651 = arith.constant 0 : i32
    %dma_wait3A_1652 = tpu.memref_slice %arg4[%dma_wait3A_1650, %dma_wait3A_1651] : memref<1000012x16xf32, #tpu.memory_space<hbm>> -> memref<1000012x16xf32, #tpu.memory_space<hbm>>
    tpu.wait_indirect_dma semaphore(%arg10 : memref<!tpu.dma_semaphore, #tpu.memory_space<semaphore_mem>>) src(%dma_wait3A_1652 : memref<1000012x16xf32, #tpu.memory_space<hbm>>) dst(%dma_wait3A_1646 : memref<128x16xf32, #tpu.memory_space<vmem>>)
    %dma_wait3A_1653 = arith.constant 8 : i32
    %dma_wait3A_1654 = arith.constant 256 : i32
    %dma_wait3A_1655 = arith.constant 0 : i32
    %dma_wait3A_1656 = tpu.memref_slice %arg8[%dma_wait3A_1654, %dma_wait3A_1655] : memref<512x16xf32, #tpu.memory_space<vmem>> -> memref<128x16xf32, #tpu.memory_space<vmem>>
    %dma_wait3A_1657 = arith.constant 256 : i32
    %dma_wait3A_1658 = tpu.memref_slice %arg7[%dma_wait3A_1653, %dma_wait3A_1657] : memref<26x512xi32, #tpu.memory_space<vmem>> -> memref<1x128xi32, #tpu.memory_space<vmem>>
    %dma_wait3A_1659 = tpu.memref_squeeze %dma_wait3A_1658 : memref<1x128xi32, #tpu.memory_space<vmem>> -> memref<128xi32, #tpu.memory_space<vmem>>
    %dma_wait3A_1660 = arith.constant 0 : i32
    %dma_wait3A_1661 = arith.constant 0 : i32
    %dma_wait3A_1662 = tpu.memref_slice %arg4[%dma_wait3A_1660, %dma_wait3A_1661] : memref<1000012x16xf32, #tpu.memory_space<hbm>> -> memref<1000012x16xf32, #tpu.memory_space<hbm>>
    tpu.wait_indirect_dma semaphore(%arg10 : memref<!tpu.dma_semaphore, #tpu.memory_space<semaphore_mem>>) src(%dma_wait3A_1662 : memref<1000012x16xf32, #tpu.memory_space<hbm>>) dst(%dma_wait3A_1656 : memref<128x16xf32, #tpu.memory_space<vmem>>)
    %dma_wait3A_1663 = arith.constant 9 : i32
    %dma_wait3A_1664 = arith.constant 256 : i32
    %dma_wait3A_1665 = arith.constant 0 : i32
    %dma_wait3A_1666 = tpu.memref_slice %arg8[%dma_wait3A_1664, %dma_wait3A_1665] : memref<512x16xf32, #tpu.memory_space<vmem>> -> memref<128x16xf32, #tpu.memory_space<vmem>>
    %dma_wait3A_1667 = arith.constant 256 : i32
    %dma_wait3A_1668 = tpu.memref_slice %arg7[%dma_wait3A_1663, %dma_wait3A_1667] : memref<26x512xi32, #tpu.memory_space<vmem>> -> memref<1x128xi32, #tpu.memory_space<vmem>>
    %dma_wait3A_1669 = tpu.memref_squeeze %dma_wait3A_1668 : memref<1x128xi32, #tpu.memory_space<vmem>> -> memref<128xi32, #tpu.memory_space<vmem>>
    %dma_wait3A_1670 = arith.constant 0 : i32
    %dma_wait3A_1671 = arith.constant 0 : i32
    %dma_wait3A_1672 = tpu.memref_slice %arg4[%dma_wait3A_1670, %dma_wait3A_1671] : memref<1000012x16xf32, #tpu.memory_space<hbm>> -> memref<1000012x16xf32, #tpu.memory_space<hbm>>
    tpu.wait_indirect_dma semaphore(%arg10 : memref<!tpu.dma_semaphore, #tpu.memory_space<semaphore_mem>>) src(%dma_wait3A_1672 : memref<1000012x16xf32, #tpu.memory_space<hbm>>) dst(%dma_wait3A_1666 : memref<128x16xf32, #tpu.memory_space<vmem>>)
    %dma_wait3A_1673 = arith.constant 10 : i32
    %dma_wait3A_1674 = arith.constant 256 : i32
    %dma_wait3A_1675 = arith.constant 0 : i32
    %dma_wait3A_1676 = tpu.memref_slice %arg8[%dma_wait3A_1674, %dma_wait3A_1675] : memref<512x16xf32, #tpu.memory_space<vmem>> -> memref<128x16xf32, #tpu.memory_space<vmem>>
    %dma_wait3A_1677 = arith.constant 256 : i32
    %dma_wait3A_1678 = tpu.memref_slice %arg7[%dma_wait3A_1673, %dma_wait3A_1677] : memref<26x512xi32, #tpu.memory_space<vmem>> -> memref<1x128xi32, #tpu.memory_space<vmem>>
    %dma_wait3A_1679 = tpu.memref_squeeze %dma_wait3A_1678 : memref<1x128xi32, #tpu.memory_space<vmem>> -> memref<128xi32, #tpu.memory_space<vmem>>
    %dma_wait3A_1680 = arith.constant 0 : i32
    %dma_wait3A_1681 = arith.constant 0 : i32
    %dma_wait3A_1682 = tpu.memref_slice %arg4[%dma_wait3A_1680, %dma_wait3A_1681] : memref<1000012x16xf32, #tpu.memory_space<hbm>> -> memref<1000012x16xf32, #tpu.memory_space<hbm>>
    tpu.wait_indirect_dma semaphore(%arg10 : memref<!tpu.dma_semaphore, #tpu.memory_space<semaphore_mem>>) src(%dma_wait3A_1682 : memref<1000012x16xf32, #tpu.memory_space<hbm>>) dst(%dma_wait3A_1676 : memref<128x16xf32, #tpu.memory_space<vmem>>)
    %dma_wait3A_1683 = arith.constant 11 : i32
    %dma_wait3A_1684 = arith.constant 256 : i32
    %dma_wait3A_1685 = arith.constant 0 : i32
    %dma_wait3A_1686 = tpu.memref_slice %arg8[%dma_wait3A_1684, %dma_wait3A_1685] : memref<512x16xf32, #tpu.memory_space<vmem>> -> memref<128x16xf32, #tpu.memory_space<vmem>>
    %dma_wait3A_1687 = arith.constant 256 : i32
    %dma_wait3A_1688 = tpu.memref_slice %arg7[%dma_wait3A_1683, %dma_wait3A_1687] : memref<26x512xi32, #tpu.memory_space<vmem>> -> memref<1x128xi32, #tpu.memory_space<vmem>>
    %dma_wait3A_1689 = tpu.memref_squeeze %dma_wait3A_1688 : memref<1x128xi32, #tpu.memory_space<vmem>> -> memref<128xi32, #tpu.memory_space<vmem>>
    %dma_wait3A_1690 = arith.constant 0 : i32
    %dma_wait3A_1691 = arith.constant 0 : i32
    %dma_wait3A_1692 = tpu.memref_slice %arg4[%dma_wait3A_1690, %dma_wait3A_1691] : memref<1000012x16xf32, #tpu.memory_space<hbm>> -> memref<1000012x16xf32, #tpu.memory_space<hbm>>
    tpu.wait_indirect_dma semaphore(%arg10 : memref<!tpu.dma_semaphore, #tpu.memory_space<semaphore_mem>>) src(%dma_wait3A_1692 : memref<1000012x16xf32, #tpu.memory_space<hbm>>) dst(%dma_wait3A_1686 : memref<128x16xf32, #tpu.memory_space<vmem>>)
    %dma_wait3A_1693 = arith.constant 12 : i32
    %dma_wait3A_1694 = arith.constant 256 : i32
    %dma_wait3A_1695 = arith.constant 0 : i32
    %dma_wait3A_1696 = tpu.memref_slice %arg8[%dma_wait3A_1694, %dma_wait3A_1695] : memref<512x16xf32, #tpu.memory_space<vmem>> -> memref<128x16xf32, #tpu.memory_space<vmem>>
    %dma_wait3A_1697 = arith.constant 256 : i32
    %dma_wait3A_1698 = tpu.memref_slice %arg7[%dma_wait3A_1693, %dma_wait3A_1697] : memref<26x512xi32, #tpu.memory_space<vmem>> -> memref<1x128xi32, #tpu.memory_space<vmem>>
    %dma_wait3A_1699 = tpu.memref_squeeze %dma_wait3A_1698 : memref<1x128xi32, #tpu.memory_space<vmem>> -> memref<128xi32, #tpu.memory_space<vmem>>
    %dma_wait3A_1700 = arith.constant 0 : i32
    %dma_wait3A_1701 = arith.constant 0 : i32
    %dma_wait3A_1702 = tpu.memref_slice %arg4[%dma_wait3A_1700, %dma_wait3A_1701] : memref<1000012x16xf32, #tpu.memory_space<hbm>> -> memref<1000012x16xf32, #tpu.memory_space<hbm>>
    tpu.wait_indirect_dma semaphore(%arg10 : memref<!tpu.dma_semaphore, #tpu.memory_space<semaphore_mem>>) src(%dma_wait3A_1702 : memref<1000012x16xf32, #tpu.memory_space<hbm>>) dst(%dma_wait3A_1696 : memref<128x16xf32, #tpu.memory_space<vmem>>)
    %dma_wait3A_1703 = arith.constant 13 : i32
    %dma_wait3A_1704 = arith.constant 256 : i32
    %dma_wait3A_1705 = arith.constant 0 : i32
    %dma_wait3A_1706 = tpu.memref_slice %arg8[%dma_wait3A_1704, %dma_wait3A_1705] : memref<512x16xf32, #tpu.memory_space<vmem>> -> memref<128x16xf32, #tpu.memory_space<vmem>>
    %dma_wait3A_1707 = arith.constant 256 : i32
    %dma_wait3A_1708 = tpu.memref_slice %arg7[%dma_wait3A_1703, %dma_wait3A_1707] : memref<26x512xi32, #tpu.memory_space<vmem>> -> memref<1x128xi32, #tpu.memory_space<vmem>>
    %dma_wait3A_1709 = tpu.memref_squeeze %dma_wait3A_1708 : memref<1x128xi32, #tpu.memory_space<vmem>> -> memref<128xi32, #tpu.memory_space<vmem>>
    %dma_wait3A_1710 = arith.constant 0 : i32
    %dma_wait3A_1711 = arith.constant 0 : i32
    %dma_wait3A_1712 = tpu.memref_slice %arg4[%dma_wait3A_1710, %dma_wait3A_1711] : memref<1000012x16xf32, #tpu.memory_space<hbm>> -> memref<1000012x16xf32, #tpu.memory_space<hbm>>
    tpu.wait_indirect_dma semaphore(%arg10 : memref<!tpu.dma_semaphore, #tpu.memory_space<semaphore_mem>>) src(%dma_wait3A_1712 : memref<1000012x16xf32, #tpu.memory_space<hbm>>) dst(%dma_wait3A_1706 : memref<128x16xf32, #tpu.memory_space<vmem>>)
    %dma_wait3A_1713 = arith.constant 14 : i32
    %dma_wait3A_1714 = arith.constant 256 : i32
    %dma_wait3A_1715 = arith.constant 0 : i32
    %dma_wait3A_1716 = tpu.memref_slice %arg8[%dma_wait3A_1714, %dma_wait3A_1715] : memref<512x16xf32, #tpu.memory_space<vmem>> -> memref<128x16xf32, #tpu.memory_space<vmem>>
    %dma_wait3A_1717 = arith.constant 256 : i32
    %dma_wait3A_1718 = tpu.memref_slice %arg7[%dma_wait3A_1713, %dma_wait3A_1717] : memref<26x512xi32, #tpu.memory_space<vmem>> -> memref<1x128xi32, #tpu.memory_space<vmem>>
    %dma_wait3A_1719 = tpu.memref_squeeze %dma_wait3A_1718 : memref<1x128xi32, #tpu.memory_space<vmem>> -> memref<128xi32, #tpu.memory_space<vmem>>
    %dma_wait3A_1720 = arith.constant 0 : i32
    %dma_wait3A_1721 = arith.constant 0 : i32
    %dma_wait3A_1722 = tpu.memref_slice %arg4[%dma_wait3A_1720, %dma_wait3A_1721] : memref<1000012x16xf32, #tpu.memory_space<hbm>> -> memref<1000012x16xf32, #tpu.memory_space<hbm>>
    tpu.wait_indirect_dma semaphore(%arg10 : memref<!tpu.dma_semaphore, #tpu.memory_space<semaphore_mem>>) src(%dma_wait3A_1722 : memref<1000012x16xf32, #tpu.memory_space<hbm>>) dst(%dma_wait3A_1716 : memref<128x16xf32, #tpu.memory_space<vmem>>)
    %dma_wait3A_1723 = arith.constant 15 : i32
    %dma_wait3A_1724 = arith.constant 256 : i32
    %dma_wait3A_1725 = arith.constant 0 : i32
    %dma_wait3A_1726 = tpu.memref_slice %arg8[%dma_wait3A_1724, %dma_wait3A_1725] : memref<512x16xf32, #tpu.memory_space<vmem>> -> memref<128x16xf32, #tpu.memory_space<vmem>>
    %dma_wait3A_1727 = arith.constant 256 : i32
    %dma_wait3A_1728 = tpu.memref_slice %arg7[%dma_wait3A_1723, %dma_wait3A_1727] : memref<26x512xi32, #tpu.memory_space<vmem>> -> memref<1x128xi32, #tpu.memory_space<vmem>>
    %dma_wait3A_1729 = tpu.memref_squeeze %dma_wait3A_1728 : memref<1x128xi32, #tpu.memory_space<vmem>> -> memref<128xi32, #tpu.memory_space<vmem>>
    %dma_wait3A_1730 = arith.constant 0 : i32
    %dma_wait3A_1731 = arith.constant 0 : i32
    %dma_wait3A_1732 = tpu.memref_slice %arg4[%dma_wait3A_1730, %dma_wait3A_1731] : memref<1000012x16xf32, #tpu.memory_space<hbm>> -> memref<1000012x16xf32, #tpu.memory_space<hbm>>
    tpu.wait_indirect_dma semaphore(%arg10 : memref<!tpu.dma_semaphore, #tpu.memory_space<semaphore_mem>>) src(%dma_wait3A_1732 : memref<1000012x16xf32, #tpu.memory_space<hbm>>) dst(%dma_wait3A_1726 : memref<128x16xf32, #tpu.memory_space<vmem>>)
    %dma_wait3A_1733 = arith.constant 16 : i32
    %dma_wait3A_1734 = arith.constant 256 : i32
    %dma_wait3A_1735 = arith.constant 0 : i32
    %dma_wait3A_1736 = tpu.memref_slice %arg8[%dma_wait3A_1734, %dma_wait3A_1735] : memref<512x16xf32, #tpu.memory_space<vmem>> -> memref<128x16xf32, #tpu.memory_space<vmem>>
    %dma_wait3A_1737 = arith.constant 256 : i32
    %dma_wait3A_1738 = tpu.memref_slice %arg7[%dma_wait3A_1733, %dma_wait3A_1737] : memref<26x512xi32, #tpu.memory_space<vmem>> -> memref<1x128xi32, #tpu.memory_space<vmem>>
    %dma_wait3A_1739 = tpu.memref_squeeze %dma_wait3A_1738 : memref<1x128xi32, #tpu.memory_space<vmem>> -> memref<128xi32, #tpu.memory_space<vmem>>
    %dma_wait3A_1740 = arith.constant 0 : i32
    %dma_wait3A_1741 = arith.constant 0 : i32
    %dma_wait3A_1742 = tpu.memref_slice %arg4[%dma_wait3A_1740, %dma_wait3A_1741] : memref<1000012x16xf32, #tpu.memory_space<hbm>> -> memref<1000012x16xf32, #tpu.memory_space<hbm>>
    tpu.wait_indirect_dma semaphore(%arg10 : memref<!tpu.dma_semaphore, #tpu.memory_space<semaphore_mem>>) src(%dma_wait3A_1742 : memref<1000012x16xf32, #tpu.memory_space<hbm>>) dst(%dma_wait3A_1736 : memref<128x16xf32, #tpu.memory_space<vmem>>)
    %dma_wait3A_1743 = arith.constant 17 : i32
    %dma_wait3A_1744 = arith.constant 256 : i32
    %dma_wait3A_1745 = arith.constant 0 : i32
    %dma_wait3A_1746 = tpu.memref_slice %arg8[%dma_wait3A_1744, %dma_wait3A_1745] : memref<512x16xf32, #tpu.memory_space<vmem>> -> memref<128x16xf32, #tpu.memory_space<vmem>>
    %dma_wait3A_1747 = arith.constant 256 : i32
    %dma_wait3A_1748 = tpu.memref_slice %arg7[%dma_wait3A_1743, %dma_wait3A_1747] : memref<26x512xi32, #tpu.memory_space<vmem>> -> memref<1x128xi32, #tpu.memory_space<vmem>>
    %dma_wait3A_1749 = tpu.memref_squeeze %dma_wait3A_1748 : memref<1x128xi32, #tpu.memory_space<vmem>> -> memref<128xi32, #tpu.memory_space<vmem>>
    %dma_wait3A_1750 = arith.constant 0 : i32
    %dma_wait3A_1751 = arith.constant 0 : i32
    %dma_wait3A_1752 = tpu.memref_slice %arg4[%dma_wait3A_1750, %dma_wait3A_1751] : memref<1000012x16xf32, #tpu.memory_space<hbm>> -> memref<1000012x16xf32, #tpu.memory_space<hbm>>
    tpu.wait_indirect_dma semaphore(%arg10 : memref<!tpu.dma_semaphore, #tpu.memory_space<semaphore_mem>>) src(%dma_wait3A_1752 : memref<1000012x16xf32, #tpu.memory_space<hbm>>) dst(%dma_wait3A_1746 : memref<128x16xf32, #tpu.memory_space<vmem>>)
    %dma_wait3A_1753 = arith.constant 18 : i32
    %dma_wait3A_1754 = arith.constant 256 : i32
    %dma_wait3A_1755 = arith.constant 0 : i32
    %dma_wait3A_1756 = tpu.memref_slice %arg8[%dma_wait3A_1754, %dma_wait3A_1755] : memref<512x16xf32, #tpu.memory_space<vmem>> -> memref<128x16xf32, #tpu.memory_space<vmem>>
    %dma_wait3A_1757 = arith.constant 256 : i32
    %dma_wait3A_1758 = tpu.memref_slice %arg7[%dma_wait3A_1753, %dma_wait3A_1757] : memref<26x512xi32, #tpu.memory_space<vmem>> -> memref<1x128xi32, #tpu.memory_space<vmem>>
    %dma_wait3A_1759 = tpu.memref_squeeze %dma_wait3A_1758 : memref<1x128xi32, #tpu.memory_space<vmem>> -> memref<128xi32, #tpu.memory_space<vmem>>
    %dma_wait3A_1760 = arith.constant 0 : i32
    %dma_wait3A_1761 = arith.constant 0 : i32
    %dma_wait3A_1762 = tpu.memref_slice %arg4[%dma_wait3A_1760, %dma_wait3A_1761] : memref<1000012x16xf32, #tpu.memory_space<hbm>> -> memref<1000012x16xf32, #tpu.memory_space<hbm>>
    tpu.wait_indirect_dma semaphore(%arg10 : memref<!tpu.dma_semaphore, #tpu.memory_space<semaphore_mem>>) src(%dma_wait3A_1762 : memref<1000012x16xf32, #tpu.memory_space<hbm>>) dst(%dma_wait3A_1756 : memref<128x16xf32, #tpu.memory_space<vmem>>)
    %dma_wait3A_1763 = arith.constant 19 : i32
    %dma_wait3A_1764 = arith.constant 256 : i32
    %dma_wait3A_1765 = arith.constant 0 : i32
    %dma_wait3A_1766 = tpu.memref_slice %arg8[%dma_wait3A_1764, %dma_wait3A_1765] : memref<512x16xf32, #tpu.memory_space<vmem>> -> memref<128x16xf32, #tpu.memory_space<vmem>>
    %dma_wait3A_1767 = arith.constant 256 : i32
    %dma_wait3A_1768 = tpu.memref_slice %arg7[%dma_wait3A_1763, %dma_wait3A_1767] : memref<26x512xi32, #tpu.memory_space<vmem>> -> memref<1x128xi32, #tpu.memory_space<vmem>>
    %dma_wait3A_1769 = tpu.memref_squeeze %dma_wait3A_1768 : memref<1x128xi32, #tpu.memory_space<vmem>> -> memref<128xi32, #tpu.memory_space<vmem>>
    %dma_wait3A_1770 = arith.constant 0 : i32
    %dma_wait3A_1771 = arith.constant 0 : i32
    %dma_wait3A_1772 = tpu.memref_slice %arg4[%dma_wait3A_1770, %dma_wait3A_1771] : memref<1000012x16xf32, #tpu.memory_space<hbm>> -> memref<1000012x16xf32, #tpu.memory_space<hbm>>
    tpu.wait_indirect_dma semaphore(%arg10 : memref<!tpu.dma_semaphore, #tpu.memory_space<semaphore_mem>>) src(%dma_wait3A_1772 : memref<1000012x16xf32, #tpu.memory_space<hbm>>) dst(%dma_wait3A_1766 : memref<128x16xf32, #tpu.memory_space<vmem>>)
    %dma_wait3A_1773 = arith.constant 20 : i32
    %dma_wait3A_1774 = arith.constant 256 : i32
    %dma_wait3A_1775 = arith.constant 0 : i32
    %dma_wait3A_1776 = tpu.memref_slice %arg8[%dma_wait3A_1774, %dma_wait3A_1775] : memref<512x16xf32, #tpu.memory_space<vmem>> -> memref<128x16xf32, #tpu.memory_space<vmem>>
    %dma_wait3A_1777 = arith.constant 256 : i32
    %dma_wait3A_1778 = tpu.memref_slice %arg7[%dma_wait3A_1773, %dma_wait3A_1777] : memref<26x512xi32, #tpu.memory_space<vmem>> -> memref<1x128xi32, #tpu.memory_space<vmem>>
    %dma_wait3A_1779 = tpu.memref_squeeze %dma_wait3A_1778 : memref<1x128xi32, #tpu.memory_space<vmem>> -> memref<128xi32, #tpu.memory_space<vmem>>
    %dma_wait3A_1780 = arith.constant 0 : i32
    %dma_wait3A_1781 = arith.constant 0 : i32
    %dma_wait3A_1782 = tpu.memref_slice %arg4[%dma_wait3A_1780, %dma_wait3A_1781] : memref<1000012x16xf32, #tpu.memory_space<hbm>> -> memref<1000012x16xf32, #tpu.memory_space<hbm>>
    tpu.wait_indirect_dma semaphore(%arg10 : memref<!tpu.dma_semaphore, #tpu.memory_space<semaphore_mem>>) src(%dma_wait3A_1782 : memref<1000012x16xf32, #tpu.memory_space<hbm>>) dst(%dma_wait3A_1776 : memref<128x16xf32, #tpu.memory_space<vmem>>)
    %dma_wait3A_1783 = arith.constant 21 : i32
    %dma_wait3A_1784 = arith.constant 256 : i32
    %dma_wait3A_1785 = arith.constant 0 : i32
    %dma_wait3A_1786 = tpu.memref_slice %arg8[%dma_wait3A_1784, %dma_wait3A_1785] : memref<512x16xf32, #tpu.memory_space<vmem>> -> memref<128x16xf32, #tpu.memory_space<vmem>>
    %dma_wait3A_1787 = arith.constant 256 : i32
    %dma_wait3A_1788 = tpu.memref_slice %arg7[%dma_wait3A_1783, %dma_wait3A_1787] : memref<26x512xi32, #tpu.memory_space<vmem>> -> memref<1x128xi32, #tpu.memory_space<vmem>>
    %dma_wait3A_1789 = tpu.memref_squeeze %dma_wait3A_1788 : memref<1x128xi32, #tpu.memory_space<vmem>> -> memref<128xi32, #tpu.memory_space<vmem>>
    %dma_wait3A_1790 = arith.constant 0 : i32
    %dma_wait3A_1791 = arith.constant 0 : i32
    %dma_wait3A_1792 = tpu.memref_slice %arg4[%dma_wait3A_1790, %dma_wait3A_1791] : memref<1000012x16xf32, #tpu.memory_space<hbm>> -> memref<1000012x16xf32, #tpu.memory_space<hbm>>
    tpu.wait_indirect_dma semaphore(%arg10 : memref<!tpu.dma_semaphore, #tpu.memory_space<semaphore_mem>>) src(%dma_wait3A_1792 : memref<1000012x16xf32, #tpu.memory_space<hbm>>) dst(%dma_wait3A_1786 : memref<128x16xf32, #tpu.memory_space<vmem>>)
    %dma_wait3A_1793 = arith.constant 22 : i32
    %dma_wait3A_1794 = arith.constant 256 : i32
    %dma_wait3A_1795 = arith.constant 0 : i32
    %dma_wait3A_1796 = tpu.memref_slice %arg8[%dma_wait3A_1794, %dma_wait3A_1795] : memref<512x16xf32, #tpu.memory_space<vmem>> -> memref<128x16xf32, #tpu.memory_space<vmem>>
    %dma_wait3A_1797 = arith.constant 256 : i32
    %dma_wait3A_1798 = tpu.memref_slice %arg7[%dma_wait3A_1793, %dma_wait3A_1797] : memref<26x512xi32, #tpu.memory_space<vmem>> -> memref<1x128xi32, #tpu.memory_space<vmem>>
    %dma_wait3A_1799 = tpu.memref_squeeze %dma_wait3A_1798 : memref<1x128xi32, #tpu.memory_space<vmem>> -> memref<128xi32, #tpu.memory_space<vmem>>
    %dma_wait3A_1800 = arith.constant 0 : i32
    %dma_wait3A_1801 = arith.constant 0 : i32
    %dma_wait3A_1802 = tpu.memref_slice %arg4[%dma_wait3A_1800, %dma_wait3A_1801] : memref<1000012x16xf32, #tpu.memory_space<hbm>> -> memref<1000012x16xf32, #tpu.memory_space<hbm>>
    tpu.wait_indirect_dma semaphore(%arg10 : memref<!tpu.dma_semaphore, #tpu.memory_space<semaphore_mem>>) src(%dma_wait3A_1802 : memref<1000012x16xf32, #tpu.memory_space<hbm>>) dst(%dma_wait3A_1796 : memref<128x16xf32, #tpu.memory_space<vmem>>)
    %dma_wait3A_1803 = arith.constant 23 : i32
    %dma_wait3A_1804 = arith.constant 256 : i32
    %dma_wait3A_1805 = arith.constant 0 : i32
    %dma_wait3A_1806 = tpu.memref_slice %arg8[%dma_wait3A_1804, %dma_wait3A_1805] : memref<512x16xf32, #tpu.memory_space<vmem>> -> memref<128x16xf32, #tpu.memory_space<vmem>>
    %dma_wait3A_1807 = arith.constant 256 : i32
    %dma_wait3A_1808 = tpu.memref_slice %arg7[%dma_wait3A_1803, %dma_wait3A_1807] : memref<26x512xi32, #tpu.memory_space<vmem>> -> memref<1x128xi32, #tpu.memory_space<vmem>>
    %dma_wait3A_1809 = tpu.memref_squeeze %dma_wait3A_1808 : memref<1x128xi32, #tpu.memory_space<vmem>> -> memref<128xi32, #tpu.memory_space<vmem>>
    %dma_wait3A_1810 = arith.constant 0 : i32
    %dma_wait3A_1811 = arith.constant 0 : i32
    %dma_wait3A_1812 = tpu.memref_slice %arg4[%dma_wait3A_1810, %dma_wait3A_1811] : memref<1000012x16xf32, #tpu.memory_space<hbm>> -> memref<1000012x16xf32, #tpu.memory_space<hbm>>
    tpu.wait_indirect_dma semaphore(%arg10 : memref<!tpu.dma_semaphore, #tpu.memory_space<semaphore_mem>>) src(%dma_wait3A_1812 : memref<1000012x16xf32, #tpu.memory_space<hbm>>) dst(%dma_wait3A_1806 : memref<128x16xf32, #tpu.memory_space<vmem>>)
    %dma_wait3A_1813 = arith.constant 24 : i32
    %dma_wait3A_1814 = arith.constant 256 : i32
    %dma_wait3A_1815 = arith.constant 0 : i32
    %dma_wait3A_1816 = tpu.memref_slice %arg8[%dma_wait3A_1814, %dma_wait3A_1815] : memref<512x16xf32, #tpu.memory_space<vmem>> -> memref<128x16xf32, #tpu.memory_space<vmem>>
    %dma_wait3A_1817 = arith.constant 256 : i32
    %dma_wait3A_1818 = tpu.memref_slice %arg7[%dma_wait3A_1813, %dma_wait3A_1817] : memref<26x512xi32, #tpu.memory_space<vmem>> -> memref<1x128xi32, #tpu.memory_space<vmem>>
    %dma_wait3A_1819 = tpu.memref_squeeze %dma_wait3A_1818 : memref<1x128xi32, #tpu.memory_space<vmem>> -> memref<128xi32, #tpu.memory_space<vmem>>
    %dma_wait3A_1820 = arith.constant 0 : i32
    %dma_wait3A_1821 = arith.constant 0 : i32
    %dma_wait3A_1822 = tpu.memref_slice %arg4[%dma_wait3A_1820, %dma_wait3A_1821] : memref<1000012x16xf32, #tpu.memory_space<hbm>> -> memref<1000012x16xf32, #tpu.memory_space<hbm>>
    tpu.wait_indirect_dma semaphore(%arg10 : memref<!tpu.dma_semaphore, #tpu.memory_space<semaphore_mem>>) src(%dma_wait3A_1822 : memref<1000012x16xf32, #tpu.memory_space<hbm>>) dst(%dma_wait3A_1816 : memref<128x16xf32, #tpu.memory_space<vmem>>)
    %dma_wait3A_1823 = arith.constant 25 : i32
    %dma_wait3A_1824 = arith.constant 256 : i32
    %dma_wait3A_1825 = arith.constant 0 : i32
    %dma_wait3A_1826 = tpu.memref_slice %arg8[%dma_wait3A_1824, %dma_wait3A_1825] : memref<512x16xf32, #tpu.memory_space<vmem>> -> memref<128x16xf32, #tpu.memory_space<vmem>>
    %dma_wait3A_1827 = arith.constant 256 : i32
    %dma_wait3A_1828 = tpu.memref_slice %arg7[%dma_wait3A_1823, %dma_wait3A_1827] : memref<26x512xi32, #tpu.memory_space<vmem>> -> memref<1x128xi32, #tpu.memory_space<vmem>>
    %dma_wait3A_1829 = tpu.memref_squeeze %dma_wait3A_1828 : memref<1x128xi32, #tpu.memory_space<vmem>> -> memref<128xi32, #tpu.memory_space<vmem>>
    %dma_wait3A_1830 = arith.constant 0 : i32
    %dma_wait3A_1831 = arith.constant 0 : i32
    %dma_wait3A_1832 = tpu.memref_slice %arg4[%dma_wait3A_1830, %dma_wait3A_1831] : memref<1000012x16xf32, #tpu.memory_space<hbm>> -> memref<1000012x16xf32, #tpu.memory_space<hbm>>
    tpu.wait_indirect_dma semaphore(%arg10 : memref<!tpu.dma_semaphore, #tpu.memory_space<semaphore_mem>>) src(%dma_wait3A_1832 : memref<1000012x16xf32, #tpu.memory_space<hbm>>) dst(%dma_wait3A_1826 : memref<128x16xf32, #tpu.memory_space<vmem>>)
    %dma_wait3A_1833 = arith.constant 0 : i32
    %dma_wait3A_1834 = arith.constant 384 : i32
    %dma_wait3A_1835 = arith.constant 0 : i32
    %dma_wait3A_1836 = tpu.memref_slice %arg8[%dma_wait3A_1834, %dma_wait3A_1835] : memref<512x16xf32, #tpu.memory_space<vmem>> -> memref<128x16xf32, #tpu.memory_space<vmem>>
    %dma_wait3A_1837 = arith.constant 384 : i32
    %dma_wait3A_1838 = tpu.memref_slice %arg7[%dma_wait3A_1833, %dma_wait3A_1837] : memref<26x512xi32, #tpu.memory_space<vmem>> -> memref<1x128xi32, #tpu.memory_space<vmem>>
    %dma_wait3A_1839 = tpu.memref_squeeze %dma_wait3A_1838 : memref<1x128xi32, #tpu.memory_space<vmem>> -> memref<128xi32, #tpu.memory_space<vmem>>
    %dma_wait3A_1840 = arith.constant 0 : i32
    %dma_wait3A_1841 = arith.constant 0 : i32
    %dma_wait3A_1842 = tpu.memref_slice %arg4[%dma_wait3A_1840, %dma_wait3A_1841] : memref<1000012x16xf32, #tpu.memory_space<hbm>> -> memref<1000012x16xf32, #tpu.memory_space<hbm>>
    tpu.wait_indirect_dma semaphore(%arg10 : memref<!tpu.dma_semaphore, #tpu.memory_space<semaphore_mem>>) src(%dma_wait3A_1842 : memref<1000012x16xf32, #tpu.memory_space<hbm>>) dst(%dma_wait3A_1836 : memref<128x16xf32, #tpu.memory_space<vmem>>)
    %dma_wait3A_1843 = arith.constant 1 : i32
    %dma_wait3A_1844 = arith.constant 384 : i32
    %dma_wait3A_1845 = arith.constant 0 : i32
    %dma_wait3A_1846 = tpu.memref_slice %arg8[%dma_wait3A_1844, %dma_wait3A_1845] : memref<512x16xf32, #tpu.memory_space<vmem>> -> memref<128x16xf32, #tpu.memory_space<vmem>>
    %dma_wait3A_1847 = arith.constant 384 : i32
    %dma_wait3A_1848 = tpu.memref_slice %arg7[%dma_wait3A_1843, %dma_wait3A_1847] : memref<26x512xi32, #tpu.memory_space<vmem>> -> memref<1x128xi32, #tpu.memory_space<vmem>>
    %dma_wait3A_1849 = tpu.memref_squeeze %dma_wait3A_1848 : memref<1x128xi32, #tpu.memory_space<vmem>> -> memref<128xi32, #tpu.memory_space<vmem>>
    %dma_wait3A_1850 = arith.constant 0 : i32
    %dma_wait3A_1851 = arith.constant 0 : i32
    %dma_wait3A_1852 = tpu.memref_slice %arg4[%dma_wait3A_1850, %dma_wait3A_1851] : memref<1000012x16xf32, #tpu.memory_space<hbm>> -> memref<1000012x16xf32, #tpu.memory_space<hbm>>
    tpu.wait_indirect_dma semaphore(%arg10 : memref<!tpu.dma_semaphore, #tpu.memory_space<semaphore_mem>>) src(%dma_wait3A_1852 : memref<1000012x16xf32, #tpu.memory_space<hbm>>) dst(%dma_wait3A_1846 : memref<128x16xf32, #tpu.memory_space<vmem>>)
    %dma_wait3A_1853 = arith.constant 2 : i32
    %dma_wait3A_1854 = arith.constant 384 : i32
    %dma_wait3A_1855 = arith.constant 0 : i32
    %dma_wait3A_1856 = tpu.memref_slice %arg8[%dma_wait3A_1854, %dma_wait3A_1855] : memref<512x16xf32, #tpu.memory_space<vmem>> -> memref<128x16xf32, #tpu.memory_space<vmem>>
    %dma_wait3A_1857 = arith.constant 384 : i32
    %dma_wait3A_1858 = tpu.memref_slice %arg7[%dma_wait3A_1853, %dma_wait3A_1857] : memref<26x512xi32, #tpu.memory_space<vmem>> -> memref<1x128xi32, #tpu.memory_space<vmem>>
    %dma_wait3A_1859 = tpu.memref_squeeze %dma_wait3A_1858 : memref<1x128xi32, #tpu.memory_space<vmem>> -> memref<128xi32, #tpu.memory_space<vmem>>
    %dma_wait3A_1860 = arith.constant 0 : i32
    %dma_wait3A_1861 = arith.constant 0 : i32
    %dma_wait3A_1862 = tpu.memref_slice %arg4[%dma_wait3A_1860, %dma_wait3A_1861] : memref<1000012x16xf32, #tpu.memory_space<hbm>> -> memref<1000012x16xf32, #tpu.memory_space<hbm>>
    tpu.wait_indirect_dma semaphore(%arg10 : memref<!tpu.dma_semaphore, #tpu.memory_space<semaphore_mem>>) src(%dma_wait3A_1862 : memref<1000012x16xf32, #tpu.memory_space<hbm>>) dst(%dma_wait3A_1856 : memref<128x16xf32, #tpu.memory_space<vmem>>)
    %dma_wait3A_1863 = arith.constant 3 : i32
    %dma_wait3A_1864 = arith.constant 384 : i32
    %dma_wait3A_1865 = arith.constant 0 : i32
    %dma_wait3A_1866 = tpu.memref_slice %arg8[%dma_wait3A_1864, %dma_wait3A_1865] : memref<512x16xf32, #tpu.memory_space<vmem>> -> memref<128x16xf32, #tpu.memory_space<vmem>>
    %dma_wait3A_1867 = arith.constant 384 : i32
    %dma_wait3A_1868 = tpu.memref_slice %arg7[%dma_wait3A_1863, %dma_wait3A_1867] : memref<26x512xi32, #tpu.memory_space<vmem>> -> memref<1x128xi32, #tpu.memory_space<vmem>>
    %dma_wait3A_1869 = tpu.memref_squeeze %dma_wait3A_1868 : memref<1x128xi32, #tpu.memory_space<vmem>> -> memref<128xi32, #tpu.memory_space<vmem>>
    %dma_wait3A_1870 = arith.constant 0 : i32
    %dma_wait3A_1871 = arith.constant 0 : i32
    %dma_wait3A_1872 = tpu.memref_slice %arg4[%dma_wait3A_1870, %dma_wait3A_1871] : memref<1000012x16xf32, #tpu.memory_space<hbm>> -> memref<1000012x16xf32, #tpu.memory_space<hbm>>
    tpu.wait_indirect_dma semaphore(%arg10 : memref<!tpu.dma_semaphore, #tpu.memory_space<semaphore_mem>>) src(%dma_wait3A_1872 : memref<1000012x16xf32, #tpu.memory_space<hbm>>) dst(%dma_wait3A_1866 : memref<128x16xf32, #tpu.memory_space<vmem>>)
    %dma_wait3A_1873 = arith.constant 4 : i32
    %dma_wait3A_1874 = arith.constant 384 : i32
    %dma_wait3A_1875 = arith.constant 0 : i32
    %dma_wait3A_1876 = tpu.memref_slice %arg8[%dma_wait3A_1874, %dma_wait3A_1875] : memref<512x16xf32, #tpu.memory_space<vmem>> -> memref<128x16xf32, #tpu.memory_space<vmem>>
    %dma_wait3A_1877 = arith.constant 384 : i32
    %dma_wait3A_1878 = tpu.memref_slice %arg7[%dma_wait3A_1873, %dma_wait3A_1877] : memref<26x512xi32, #tpu.memory_space<vmem>> -> memref<1x128xi32, #tpu.memory_space<vmem>>
    %dma_wait3A_1879 = tpu.memref_squeeze %dma_wait3A_1878 : memref<1x128xi32, #tpu.memory_space<vmem>> -> memref<128xi32, #tpu.memory_space<vmem>>
    %dma_wait3A_1880 = arith.constant 0 : i32
    %dma_wait3A_1881 = arith.constant 0 : i32
    %dma_wait3A_1882 = tpu.memref_slice %arg4[%dma_wait3A_1880, %dma_wait3A_1881] : memref<1000012x16xf32, #tpu.memory_space<hbm>> -> memref<1000012x16xf32, #tpu.memory_space<hbm>>
    tpu.wait_indirect_dma semaphore(%arg10 : memref<!tpu.dma_semaphore, #tpu.memory_space<semaphore_mem>>) src(%dma_wait3A_1882 : memref<1000012x16xf32, #tpu.memory_space<hbm>>) dst(%dma_wait3A_1876 : memref<128x16xf32, #tpu.memory_space<vmem>>)
    %dma_wait3A_1883 = arith.constant 5 : i32
    %dma_wait3A_1884 = arith.constant 384 : i32
    %dma_wait3A_1885 = arith.constant 0 : i32
    %dma_wait3A_1886 = tpu.memref_slice %arg8[%dma_wait3A_1884, %dma_wait3A_1885] : memref<512x16xf32, #tpu.memory_space<vmem>> -> memref<128x16xf32, #tpu.memory_space<vmem>>
    %dma_wait3A_1887 = arith.constant 384 : i32
    %dma_wait3A_1888 = tpu.memref_slice %arg7[%dma_wait3A_1883, %dma_wait3A_1887] : memref<26x512xi32, #tpu.memory_space<vmem>> -> memref<1x128xi32, #tpu.memory_space<vmem>>
    %dma_wait3A_1889 = tpu.memref_squeeze %dma_wait3A_1888 : memref<1x128xi32, #tpu.memory_space<vmem>> -> memref<128xi32, #tpu.memory_space<vmem>>
    %dma_wait3A_1890 = arith.constant 0 : i32
    %dma_wait3A_1891 = arith.constant 0 : i32
    %dma_wait3A_1892 = tpu.memref_slice %arg4[%dma_wait3A_1890, %dma_wait3A_1891] : memref<1000012x16xf32, #tpu.memory_space<hbm>> -> memref<1000012x16xf32, #tpu.memory_space<hbm>>
    tpu.wait_indirect_dma semaphore(%arg10 : memref<!tpu.dma_semaphore, #tpu.memory_space<semaphore_mem>>) src(%dma_wait3A_1892 : memref<1000012x16xf32, #tpu.memory_space<hbm>>) dst(%dma_wait3A_1886 : memref<128x16xf32, #tpu.memory_space<vmem>>)
    %dma_wait3A_1893 = arith.constant 6 : i32
    %dma_wait3A_1894 = arith.constant 384 : i32
    %dma_wait3A_1895 = arith.constant 0 : i32
    %dma_wait3A_1896 = tpu.memref_slice %arg8[%dma_wait3A_1894, %dma_wait3A_1895] : memref<512x16xf32, #tpu.memory_space<vmem>> -> memref<128x16xf32, #tpu.memory_space<vmem>>
    %dma_wait3A_1897 = arith.constant 384 : i32
    %dma_wait3A_1898 = tpu.memref_slice %arg7[%dma_wait3A_1893, %dma_wait3A_1897] : memref<26x512xi32, #tpu.memory_space<vmem>> -> memref<1x128xi32, #tpu.memory_space<vmem>>
    %dma_wait3A_1899 = tpu.memref_squeeze %dma_wait3A_1898 : memref<1x128xi32, #tpu.memory_space<vmem>> -> memref<128xi32, #tpu.memory_space<vmem>>
    %dma_wait3A_1900 = arith.constant 0 : i32
    %dma_wait3A_1901 = arith.constant 0 : i32
    %dma_wait3A_1902 = tpu.memref_slice %arg4[%dma_wait3A_1900, %dma_wait3A_1901] : memref<1000012x16xf32, #tpu.memory_space<hbm>> -> memref<1000012x16xf32, #tpu.memory_space<hbm>>
    tpu.wait_indirect_dma semaphore(%arg10 : memref<!tpu.dma_semaphore, #tpu.memory_space<semaphore_mem>>) src(%dma_wait3A_1902 : memref<1000012x16xf32, #tpu.memory_space<hbm>>) dst(%dma_wait3A_1896 : memref<128x16xf32, #tpu.memory_space<vmem>>)
    %dma_wait3A_1903 = arith.constant 7 : i32
    %dma_wait3A_1904 = arith.constant 384 : i32
    %dma_wait3A_1905 = arith.constant 0 : i32
    %dma_wait3A_1906 = tpu.memref_slice %arg8[%dma_wait3A_1904, %dma_wait3A_1905] : memref<512x16xf32, #tpu.memory_space<vmem>> -> memref<128x16xf32, #tpu.memory_space<vmem>>
    %dma_wait3A_1907 = arith.constant 384 : i32
    %dma_wait3A_1908 = tpu.memref_slice %arg7[%dma_wait3A_1903, %dma_wait3A_1907] : memref<26x512xi32, #tpu.memory_space<vmem>> -> memref<1x128xi32, #tpu.memory_space<vmem>>
    %dma_wait3A_1909 = tpu.memref_squeeze %dma_wait3A_1908 : memref<1x128xi32, #tpu.memory_space<vmem>> -> memref<128xi32, #tpu.memory_space<vmem>>
    %dma_wait3A_1910 = arith.constant 0 : i32
    %dma_wait3A_1911 = arith.constant 0 : i32
    %dma_wait3A_1912 = tpu.memref_slice %arg4[%dma_wait3A_1910, %dma_wait3A_1911] : memref<1000012x16xf32, #tpu.memory_space<hbm>> -> memref<1000012x16xf32, #tpu.memory_space<hbm>>
    tpu.wait_indirect_dma semaphore(%arg10 : memref<!tpu.dma_semaphore, #tpu.memory_space<semaphore_mem>>) src(%dma_wait3A_1912 : memref<1000012x16xf32, #tpu.memory_space<hbm>>) dst(%dma_wait3A_1906 : memref<128x16xf32, #tpu.memory_space<vmem>>)
    %dma_wait3A_1913 = arith.constant 8 : i32
    %dma_wait3A_1914 = arith.constant 384 : i32
    %dma_wait3A_1915 = arith.constant 0 : i32
    %dma_wait3A_1916 = tpu.memref_slice %arg8[%dma_wait3A_1914, %dma_wait3A_1915] : memref<512x16xf32, #tpu.memory_space<vmem>> -> memref<128x16xf32, #tpu.memory_space<vmem>>
    %dma_wait3A_1917 = arith.constant 384 : i32
    %dma_wait3A_1918 = tpu.memref_slice %arg7[%dma_wait3A_1913, %dma_wait3A_1917] : memref<26x512xi32, #tpu.memory_space<vmem>> -> memref<1x128xi32, #tpu.memory_space<vmem>>
    %dma_wait3A_1919 = tpu.memref_squeeze %dma_wait3A_1918 : memref<1x128xi32, #tpu.memory_space<vmem>> -> memref<128xi32, #tpu.memory_space<vmem>>
    %dma_wait3A_1920 = arith.constant 0 : i32
    %dma_wait3A_1921 = arith.constant 0 : i32
    %dma_wait3A_1922 = tpu.memref_slice %arg4[%dma_wait3A_1920, %dma_wait3A_1921] : memref<1000012x16xf32, #tpu.memory_space<hbm>> -> memref<1000012x16xf32, #tpu.memory_space<hbm>>
    tpu.wait_indirect_dma semaphore(%arg10 : memref<!tpu.dma_semaphore, #tpu.memory_space<semaphore_mem>>) src(%dma_wait3A_1922 : memref<1000012x16xf32, #tpu.memory_space<hbm>>) dst(%dma_wait3A_1916 : memref<128x16xf32, #tpu.memory_space<vmem>>)
    %dma_wait3A_1923 = arith.constant 9 : i32
    %dma_wait3A_1924 = arith.constant 384 : i32
    %dma_wait3A_1925 = arith.constant 0 : i32
    %dma_wait3A_1926 = tpu.memref_slice %arg8[%dma_wait3A_1924, %dma_wait3A_1925] : memref<512x16xf32, #tpu.memory_space<vmem>> -> memref<128x16xf32, #tpu.memory_space<vmem>>
    %dma_wait3A_1927 = arith.constant 384 : i32
    %dma_wait3A_1928 = tpu.memref_slice %arg7[%dma_wait3A_1923, %dma_wait3A_1927] : memref<26x512xi32, #tpu.memory_space<vmem>> -> memref<1x128xi32, #tpu.memory_space<vmem>>
    %dma_wait3A_1929 = tpu.memref_squeeze %dma_wait3A_1928 : memref<1x128xi32, #tpu.memory_space<vmem>> -> memref<128xi32, #tpu.memory_space<vmem>>
    %dma_wait3A_1930 = arith.constant 0 : i32
    %dma_wait3A_1931 = arith.constant 0 : i32
    %dma_wait3A_1932 = tpu.memref_slice %arg4[%dma_wait3A_1930, %dma_wait3A_1931] : memref<1000012x16xf32, #tpu.memory_space<hbm>> -> memref<1000012x16xf32, #tpu.memory_space<hbm>>
    tpu.wait_indirect_dma semaphore(%arg10 : memref<!tpu.dma_semaphore, #tpu.memory_space<semaphore_mem>>) src(%dma_wait3A_1932 : memref<1000012x16xf32, #tpu.memory_space<hbm>>) dst(%dma_wait3A_1926 : memref<128x16xf32, #tpu.memory_space<vmem>>)
    %dma_wait3A_1933 = arith.constant 10 : i32
    %dma_wait3A_1934 = arith.constant 384 : i32
    %dma_wait3A_1935 = arith.constant 0 : i32
    %dma_wait3A_1936 = tpu.memref_slice %arg8[%dma_wait3A_1934, %dma_wait3A_1935] : memref<512x16xf32, #tpu.memory_space<vmem>> -> memref<128x16xf32, #tpu.memory_space<vmem>>
    %dma_wait3A_1937 = arith.constant 384 : i32
    %dma_wait3A_1938 = tpu.memref_slice %arg7[%dma_wait3A_1933, %dma_wait3A_1937] : memref<26x512xi32, #tpu.memory_space<vmem>> -> memref<1x128xi32, #tpu.memory_space<vmem>>
    %dma_wait3A_1939 = tpu.memref_squeeze %dma_wait3A_1938 : memref<1x128xi32, #tpu.memory_space<vmem>> -> memref<128xi32, #tpu.memory_space<vmem>>
    %dma_wait3A_1940 = arith.constant 0 : i32
    %dma_wait3A_1941 = arith.constant 0 : i32
    %dma_wait3A_1942 = tpu.memref_slice %arg4[%dma_wait3A_1940, %dma_wait3A_1941] : memref<1000012x16xf32, #tpu.memory_space<hbm>> -> memref<1000012x16xf32, #tpu.memory_space<hbm>>
    tpu.wait_indirect_dma semaphore(%arg10 : memref<!tpu.dma_semaphore, #tpu.memory_space<semaphore_mem>>) src(%dma_wait3A_1942 : memref<1000012x16xf32, #tpu.memory_space<hbm>>) dst(%dma_wait3A_1936 : memref<128x16xf32, #tpu.memory_space<vmem>>)
    %dma_wait3A_1943 = arith.constant 11 : i32
    %dma_wait3A_1944 = arith.constant 384 : i32
    %dma_wait3A_1945 = arith.constant 0 : i32
    %dma_wait3A_1946 = tpu.memref_slice %arg8[%dma_wait3A_1944, %dma_wait3A_1945] : memref<512x16xf32, #tpu.memory_space<vmem>> -> memref<128x16xf32, #tpu.memory_space<vmem>>
    %dma_wait3A_1947 = arith.constant 384 : i32
    %dma_wait3A_1948 = tpu.memref_slice %arg7[%dma_wait3A_1943, %dma_wait3A_1947] : memref<26x512xi32, #tpu.memory_space<vmem>> -> memref<1x128xi32, #tpu.memory_space<vmem>>
    %dma_wait3A_1949 = tpu.memref_squeeze %dma_wait3A_1948 : memref<1x128xi32, #tpu.memory_space<vmem>> -> memref<128xi32, #tpu.memory_space<vmem>>
    %dma_wait3A_1950 = arith.constant 0 : i32
    %dma_wait3A_1951 = arith.constant 0 : i32
    %dma_wait3A_1952 = tpu.memref_slice %arg4[%dma_wait3A_1950, %dma_wait3A_1951] : memref<1000012x16xf32, #tpu.memory_space<hbm>> -> memref<1000012x16xf32, #tpu.memory_space<hbm>>
    tpu.wait_indirect_dma semaphore(%arg10 : memref<!tpu.dma_semaphore, #tpu.memory_space<semaphore_mem>>) src(%dma_wait3A_1952 : memref<1000012x16xf32, #tpu.memory_space<hbm>>) dst(%dma_wait3A_1946 : memref<128x16xf32, #tpu.memory_space<vmem>>)
    %dma_wait3A_1953 = arith.constant 12 : i32
    %dma_wait3A_1954 = arith.constant 384 : i32
    %dma_wait3A_1955 = arith.constant 0 : i32
    %dma_wait3A_1956 = tpu.memref_slice %arg8[%dma_wait3A_1954, %dma_wait3A_1955] : memref<512x16xf32, #tpu.memory_space<vmem>> -> memref<128x16xf32, #tpu.memory_space<vmem>>
    %dma_wait3A_1957 = arith.constant 384 : i32
    %dma_wait3A_1958 = tpu.memref_slice %arg7[%dma_wait3A_1953, %dma_wait3A_1957] : memref<26x512xi32, #tpu.memory_space<vmem>> -> memref<1x128xi32, #tpu.memory_space<vmem>>
    %dma_wait3A_1959 = tpu.memref_squeeze %dma_wait3A_1958 : memref<1x128xi32, #tpu.memory_space<vmem>> -> memref<128xi32, #tpu.memory_space<vmem>>
    %dma_wait3A_1960 = arith.constant 0 : i32
    %dma_wait3A_1961 = arith.constant 0 : i32
    %dma_wait3A_1962 = tpu.memref_slice %arg4[%dma_wait3A_1960, %dma_wait3A_1961] : memref<1000012x16xf32, #tpu.memory_space<hbm>> -> memref<1000012x16xf32, #tpu.memory_space<hbm>>
    tpu.wait_indirect_dma semaphore(%arg10 : memref<!tpu.dma_semaphore, #tpu.memory_space<semaphore_mem>>) src(%dma_wait3A_1962 : memref<1000012x16xf32, #tpu.memory_space<hbm>>) dst(%dma_wait3A_1956 : memref<128x16xf32, #tpu.memory_space<vmem>>)
    %dma_wait3A_1963 = arith.constant 13 : i32
    %dma_wait3A_1964 = arith.constant 384 : i32
    %dma_wait3A_1965 = arith.constant 0 : i32
    %dma_wait3A_1966 = tpu.memref_slice %arg8[%dma_wait3A_1964, %dma_wait3A_1965] : memref<512x16xf32, #tpu.memory_space<vmem>> -> memref<128x16xf32, #tpu.memory_space<vmem>>
    %dma_wait3A_1967 = arith.constant 384 : i32
    %dma_wait3A_1968 = tpu.memref_slice %arg7[%dma_wait3A_1963, %dma_wait3A_1967] : memref<26x512xi32, #tpu.memory_space<vmem>> -> memref<1x128xi32, #tpu.memory_space<vmem>>
    %dma_wait3A_1969 = tpu.memref_squeeze %dma_wait3A_1968 : memref<1x128xi32, #tpu.memory_space<vmem>> -> memref<128xi32, #tpu.memory_space<vmem>>
    %dma_wait3A_1970 = arith.constant 0 : i32
    %dma_wait3A_1971 = arith.constant 0 : i32
    %dma_wait3A_1972 = tpu.memref_slice %arg4[%dma_wait3A_1970, %dma_wait3A_1971] : memref<1000012x16xf32, #tpu.memory_space<hbm>> -> memref<1000012x16xf32, #tpu.memory_space<hbm>>
    tpu.wait_indirect_dma semaphore(%arg10 : memref<!tpu.dma_semaphore, #tpu.memory_space<semaphore_mem>>) src(%dma_wait3A_1972 : memref<1000012x16xf32, #tpu.memory_space<hbm>>) dst(%dma_wait3A_1966 : memref<128x16xf32, #tpu.memory_space<vmem>>)
    %dma_wait3A_1973 = arith.constant 14 : i32
    %dma_wait3A_1974 = arith.constant 384 : i32
    %dma_wait3A_1975 = arith.constant 0 : i32
    %dma_wait3A_1976 = tpu.memref_slice %arg8[%dma_wait3A_1974, %dma_wait3A_1975] : memref<512x16xf32, #tpu.memory_space<vmem>> -> memref<128x16xf32, #tpu.memory_space<vmem>>
    %dma_wait3A_1977 = arith.constant 384 : i32
    %dma_wait3A_1978 = tpu.memref_slice %arg7[%dma_wait3A_1973, %dma_wait3A_1977] : memref<26x512xi32, #tpu.memory_space<vmem>> -> memref<1x128xi32, #tpu.memory_space<vmem>>
    %dma_wait3A_1979 = tpu.memref_squeeze %dma_wait3A_1978 : memref<1x128xi32, #tpu.memory_space<vmem>> -> memref<128xi32, #tpu.memory_space<vmem>>
    %dma_wait3A_1980 = arith.constant 0 : i32
    %dma_wait3A_1981 = arith.constant 0 : i32
    %dma_wait3A_1982 = tpu.memref_slice %arg4[%dma_wait3A_1980, %dma_wait3A_1981] : memref<1000012x16xf32, #tpu.memory_space<hbm>> -> memref<1000012x16xf32, #tpu.memory_space<hbm>>
    tpu.wait_indirect_dma semaphore(%arg10 : memref<!tpu.dma_semaphore, #tpu.memory_space<semaphore_mem>>) src(%dma_wait3A_1982 : memref<1000012x16xf32, #tpu.memory_space<hbm>>) dst(%dma_wait3A_1976 : memref<128x16xf32, #tpu.memory_space<vmem>>)
    %dma_wait3A_1983 = arith.constant 15 : i32
    %dma_wait3A_1984 = arith.constant 384 : i32
    %dma_wait3A_1985 = arith.constant 0 : i32
    %dma_wait3A_1986 = tpu.memref_slice %arg8[%dma_wait3A_1984, %dma_wait3A_1985] : memref<512x16xf32, #tpu.memory_space<vmem>> -> memref<128x16xf32, #tpu.memory_space<vmem>>
    %dma_wait3A_1987 = arith.constant 384 : i32
    %dma_wait3A_1988 = tpu.memref_slice %arg7[%dma_wait3A_1983, %dma_wait3A_1987] : memref<26x512xi32, #tpu.memory_space<vmem>> -> memref<1x128xi32, #tpu.memory_space<vmem>>
    %dma_wait3A_1989 = tpu.memref_squeeze %dma_wait3A_1988 : memref<1x128xi32, #tpu.memory_space<vmem>> -> memref<128xi32, #tpu.memory_space<vmem>>
    %dma_wait3A_1990 = arith.constant 0 : i32
    %dma_wait3A_1991 = arith.constant 0 : i32
    %dma_wait3A_1992 = tpu.memref_slice %arg4[%dma_wait3A_1990, %dma_wait3A_1991] : memref<1000012x16xf32, #tpu.memory_space<hbm>> -> memref<1000012x16xf32, #tpu.memory_space<hbm>>
    tpu.wait_indirect_dma semaphore(%arg10 : memref<!tpu.dma_semaphore, #tpu.memory_space<semaphore_mem>>) src(%dma_wait3A_1992 : memref<1000012x16xf32, #tpu.memory_space<hbm>>) dst(%dma_wait3A_1986 : memref<128x16xf32, #tpu.memory_space<vmem>>)
    %dma_wait3A_1993 = arith.constant 16 : i32
    %dma_wait3A_1994 = arith.constant 384 : i32
    %dma_wait3A_1995 = arith.constant 0 : i32
    %dma_wait3A_1996 = tpu.memref_slice %arg8[%dma_wait3A_1994, %dma_wait3A_1995] : memref<512x16xf32, #tpu.memory_space<vmem>> -> memref<128x16xf32, #tpu.memory_space<vmem>>
    %dma_wait3A_1997 = arith.constant 384 : i32
    %dma_wait3A_1998 = tpu.memref_slice %arg7[%dma_wait3A_1993, %dma_wait3A_1997] : memref<26x512xi32, #tpu.memory_space<vmem>> -> memref<1x128xi32, #tpu.memory_space<vmem>>
    %dma_wait3A_1999 = tpu.memref_squeeze %dma_wait3A_1998 : memref<1x128xi32, #tpu.memory_space<vmem>> -> memref<128xi32, #tpu.memory_space<vmem>>
    %dma_wait3A_2000 = arith.constant 0 : i32
    %dma_wait3A_2001 = arith.constant 0 : i32
    %dma_wait3A_2002 = tpu.memref_slice %arg4[%dma_wait3A_2000, %dma_wait3A_2001] : memref<1000012x16xf32, #tpu.memory_space<hbm>> -> memref<1000012x16xf32, #tpu.memory_space<hbm>>
    tpu.wait_indirect_dma semaphore(%arg10 : memref<!tpu.dma_semaphore, #tpu.memory_space<semaphore_mem>>) src(%dma_wait3A_2002 : memref<1000012x16xf32, #tpu.memory_space<hbm>>) dst(%dma_wait3A_1996 : memref<128x16xf32, #tpu.memory_space<vmem>>)
    %dma_wait3A_2003 = arith.constant 17 : i32
    %dma_wait3A_2004 = arith.constant 384 : i32
    %dma_wait3A_2005 = arith.constant 0 : i32
    %dma_wait3A_2006 = tpu.memref_slice %arg8[%dma_wait3A_2004, %dma_wait3A_2005] : memref<512x16xf32, #tpu.memory_space<vmem>> -> memref<128x16xf32, #tpu.memory_space<vmem>>
    %dma_wait3A_2007 = arith.constant 384 : i32
    %dma_wait3A_2008 = tpu.memref_slice %arg7[%dma_wait3A_2003, %dma_wait3A_2007] : memref<26x512xi32, #tpu.memory_space<vmem>> -> memref<1x128xi32, #tpu.memory_space<vmem>>
    %dma_wait3A_2009 = tpu.memref_squeeze %dma_wait3A_2008 : memref<1x128xi32, #tpu.memory_space<vmem>> -> memref<128xi32, #tpu.memory_space<vmem>>
    %dma_wait3A_2010 = arith.constant 0 : i32
    %dma_wait3A_2011 = arith.constant 0 : i32
    %dma_wait3A_2012 = tpu.memref_slice %arg4[%dma_wait3A_2010, %dma_wait3A_2011] : memref<1000012x16xf32, #tpu.memory_space<hbm>> -> memref<1000012x16xf32, #tpu.memory_space<hbm>>
    tpu.wait_indirect_dma semaphore(%arg10 : memref<!tpu.dma_semaphore, #tpu.memory_space<semaphore_mem>>) src(%dma_wait3A_2012 : memref<1000012x16xf32, #tpu.memory_space<hbm>>) dst(%dma_wait3A_2006 : memref<128x16xf32, #tpu.memory_space<vmem>>)
    %dma_wait3A_2013 = arith.constant 18 : i32
    %dma_wait3A_2014 = arith.constant 384 : i32
    %dma_wait3A_2015 = arith.constant 0 : i32
    %dma_wait3A_2016 = tpu.memref_slice %arg8[%dma_wait3A_2014, %dma_wait3A_2015] : memref<512x16xf32, #tpu.memory_space<vmem>> -> memref<128x16xf32, #tpu.memory_space<vmem>>
    %dma_wait3A_2017 = arith.constant 384 : i32
    %dma_wait3A_2018 = tpu.memref_slice %arg7[%dma_wait3A_2013, %dma_wait3A_2017] : memref<26x512xi32, #tpu.memory_space<vmem>> -> memref<1x128xi32, #tpu.memory_space<vmem>>
    %dma_wait3A_2019 = tpu.memref_squeeze %dma_wait3A_2018 : memref<1x128xi32, #tpu.memory_space<vmem>> -> memref<128xi32, #tpu.memory_space<vmem>>
    %dma_wait3A_2020 = arith.constant 0 : i32
    %dma_wait3A_2021 = arith.constant 0 : i32
    %dma_wait3A_2022 = tpu.memref_slice %arg4[%dma_wait3A_2020, %dma_wait3A_2021] : memref<1000012x16xf32, #tpu.memory_space<hbm>> -> memref<1000012x16xf32, #tpu.memory_space<hbm>>
    tpu.wait_indirect_dma semaphore(%arg10 : memref<!tpu.dma_semaphore, #tpu.memory_space<semaphore_mem>>) src(%dma_wait3A_2022 : memref<1000012x16xf32, #tpu.memory_space<hbm>>) dst(%dma_wait3A_2016 : memref<128x16xf32, #tpu.memory_space<vmem>>)
    %dma_wait3A_2023 = arith.constant 19 : i32
    %dma_wait3A_2024 = arith.constant 384 : i32
    %dma_wait3A_2025 = arith.constant 0 : i32
    %dma_wait3A_2026 = tpu.memref_slice %arg8[%dma_wait3A_2024, %dma_wait3A_2025] : memref<512x16xf32, #tpu.memory_space<vmem>> -> memref<128x16xf32, #tpu.memory_space<vmem>>
    %dma_wait3A_2027 = arith.constant 384 : i32
    %dma_wait3A_2028 = tpu.memref_slice %arg7[%dma_wait3A_2023, %dma_wait3A_2027] : memref<26x512xi32, #tpu.memory_space<vmem>> -> memref<1x128xi32, #tpu.memory_space<vmem>>
    %dma_wait3A_2029 = tpu.memref_squeeze %dma_wait3A_2028 : memref<1x128xi32, #tpu.memory_space<vmem>> -> memref<128xi32, #tpu.memory_space<vmem>>
    %dma_wait3A_2030 = arith.constant 0 : i32
    %dma_wait3A_2031 = arith.constant 0 : i32
    %dma_wait3A_2032 = tpu.memref_slice %arg4[%dma_wait3A_2030, %dma_wait3A_2031] : memref<1000012x16xf32, #tpu.memory_space<hbm>> -> memref<1000012x16xf32, #tpu.memory_space<hbm>>
    tpu.wait_indirect_dma semaphore(%arg10 : memref<!tpu.dma_semaphore, #tpu.memory_space<semaphore_mem>>) src(%dma_wait3A_2032 : memref<1000012x16xf32, #tpu.memory_space<hbm>>) dst(%dma_wait3A_2026 : memref<128x16xf32, #tpu.memory_space<vmem>>)
    %dma_wait3A_2033 = arith.constant 20 : i32
    %dma_wait3A_2034 = arith.constant 384 : i32
    %dma_wait3A_2035 = arith.constant 0 : i32
    %dma_wait3A_2036 = tpu.memref_slice %arg8[%dma_wait3A_2034, %dma_wait3A_2035] : memref<512x16xf32, #tpu.memory_space<vmem>> -> memref<128x16xf32, #tpu.memory_space<vmem>>
    %dma_wait3A_2037 = arith.constant 384 : i32
    %dma_wait3A_2038 = tpu.memref_slice %arg7[%dma_wait3A_2033, %dma_wait3A_2037] : memref<26x512xi32, #tpu.memory_space<vmem>> -> memref<1x128xi32, #tpu.memory_space<vmem>>
    %dma_wait3A_2039 = tpu.memref_squeeze %dma_wait3A_2038 : memref<1x128xi32, #tpu.memory_space<vmem>> -> memref<128xi32, #tpu.memory_space<vmem>>
    %dma_wait3A_2040 = arith.constant 0 : i32
    %dma_wait3A_2041 = arith.constant 0 : i32
    %dma_wait3A_2042 = tpu.memref_slice %arg4[%dma_wait3A_2040, %dma_wait3A_2041] : memref<1000012x16xf32, #tpu.memory_space<hbm>> -> memref<1000012x16xf32, #tpu.memory_space<hbm>>
    tpu.wait_indirect_dma semaphore(%arg10 : memref<!tpu.dma_semaphore, #tpu.memory_space<semaphore_mem>>) src(%dma_wait3A_2042 : memref<1000012x16xf32, #tpu.memory_space<hbm>>) dst(%dma_wait3A_2036 : memref<128x16xf32, #tpu.memory_space<vmem>>)
    %dma_wait3A_2043 = arith.constant 21 : i32
    %dma_wait3A_2044 = arith.constant 384 : i32
    %dma_wait3A_2045 = arith.constant 0 : i32
    %dma_wait3A_2046 = tpu.memref_slice %arg8[%dma_wait3A_2044, %dma_wait3A_2045] : memref<512x16xf32, #tpu.memory_space<vmem>> -> memref<128x16xf32, #tpu.memory_space<vmem>>
    %dma_wait3A_2047 = arith.constant 384 : i32
    %dma_wait3A_2048 = tpu.memref_slice %arg7[%dma_wait3A_2043, %dma_wait3A_2047] : memref<26x512xi32, #tpu.memory_space<vmem>> -> memref<1x128xi32, #tpu.memory_space<vmem>>
    %dma_wait3A_2049 = tpu.memref_squeeze %dma_wait3A_2048 : memref<1x128xi32, #tpu.memory_space<vmem>> -> memref<128xi32, #tpu.memory_space<vmem>>
    %dma_wait3A_2050 = arith.constant 0 : i32
    %dma_wait3A_2051 = arith.constant 0 : i32
    %dma_wait3A_2052 = tpu.memref_slice %arg4[%dma_wait3A_2050, %dma_wait3A_2051] : memref<1000012x16xf32, #tpu.memory_space<hbm>> -> memref<1000012x16xf32, #tpu.memory_space<hbm>>
    tpu.wait_indirect_dma semaphore(%arg10 : memref<!tpu.dma_semaphore, #tpu.memory_space<semaphore_mem>>) src(%dma_wait3A_2052 : memref<1000012x16xf32, #tpu.memory_space<hbm>>) dst(%dma_wait3A_2046 : memref<128x16xf32, #tpu.memory_space<vmem>>)
    %dma_wait3A_2053 = arith.constant 22 : i32
    %dma_wait3A_2054 = arith.constant 384 : i32
    %dma_wait3A_2055 = arith.constant 0 : i32
    %dma_wait3A_2056 = tpu.memref_slice %arg8[%dma_wait3A_2054, %dma_wait3A_2055] : memref<512x16xf32, #tpu.memory_space<vmem>> -> memref<128x16xf32, #tpu.memory_space<vmem>>
    %dma_wait3A_2057 = arith.constant 384 : i32
    %dma_wait3A_2058 = tpu.memref_slice %arg7[%dma_wait3A_2053, %dma_wait3A_2057] : memref<26x512xi32, #tpu.memory_space<vmem>> -> memref<1x128xi32, #tpu.memory_space<vmem>>
    %dma_wait3A_2059 = tpu.memref_squeeze %dma_wait3A_2058 : memref<1x128xi32, #tpu.memory_space<vmem>> -> memref<128xi32, #tpu.memory_space<vmem>>
    %dma_wait3A_2060 = arith.constant 0 : i32
    %dma_wait3A_2061 = arith.constant 0 : i32
    %dma_wait3A_2062 = tpu.memref_slice %arg4[%dma_wait3A_2060, %dma_wait3A_2061] : memref<1000012x16xf32, #tpu.memory_space<hbm>> -> memref<1000012x16xf32, #tpu.memory_space<hbm>>
    tpu.wait_indirect_dma semaphore(%arg10 : memref<!tpu.dma_semaphore, #tpu.memory_space<semaphore_mem>>) src(%dma_wait3A_2062 : memref<1000012x16xf32, #tpu.memory_space<hbm>>) dst(%dma_wait3A_2056 : memref<128x16xf32, #tpu.memory_space<vmem>>)
    %dma_wait3A_2063 = arith.constant 23 : i32
    %dma_wait3A_2064 = arith.constant 384 : i32
    %dma_wait3A_2065 = arith.constant 0 : i32
    %dma_wait3A_2066 = tpu.memref_slice %arg8[%dma_wait3A_2064, %dma_wait3A_2065] : memref<512x16xf32, #tpu.memory_space<vmem>> -> memref<128x16xf32, #tpu.memory_space<vmem>>
    %dma_wait3A_2067 = arith.constant 384 : i32
    %dma_wait3A_2068 = tpu.memref_slice %arg7[%dma_wait3A_2063, %dma_wait3A_2067] : memref<26x512xi32, #tpu.memory_space<vmem>> -> memref<1x128xi32, #tpu.memory_space<vmem>>
    %dma_wait3A_2069 = tpu.memref_squeeze %dma_wait3A_2068 : memref<1x128xi32, #tpu.memory_space<vmem>> -> memref<128xi32, #tpu.memory_space<vmem>>
    %dma_wait3A_2070 = arith.constant 0 : i32
    %dma_wait3A_2071 = arith.constant 0 : i32
    %dma_wait3A_2072 = tpu.memref_slice %arg4[%dma_wait3A_2070, %dma_wait3A_2071] : memref<1000012x16xf32, #tpu.memory_space<hbm>> -> memref<1000012x16xf32, #tpu.memory_space<hbm>>
    tpu.wait_indirect_dma semaphore(%arg10 : memref<!tpu.dma_semaphore, #tpu.memory_space<semaphore_mem>>) src(%dma_wait3A_2072 : memref<1000012x16xf32, #tpu.memory_space<hbm>>) dst(%dma_wait3A_2066 : memref<128x16xf32, #tpu.memory_space<vmem>>)
    %dma_wait3A_2073 = arith.constant 24 : i32
    %dma_wait3A_2074 = arith.constant 384 : i32
    %dma_wait3A_2075 = arith.constant 0 : i32
    %dma_wait3A_2076 = tpu.memref_slice %arg8[%dma_wait3A_2074, %dma_wait3A_2075] : memref<512x16xf32, #tpu.memory_space<vmem>> -> memref<128x16xf32, #tpu.memory_space<vmem>>
    %dma_wait3A_2077 = arith.constant 384 : i32
    %dma_wait3A_2078 = tpu.memref_slice %arg7[%dma_wait3A_2073, %dma_wait3A_2077] : memref<26x512xi32, #tpu.memory_space<vmem>> -> memref<1x128xi32, #tpu.memory_space<vmem>>
    %dma_wait3A_2079 = tpu.memref_squeeze %dma_wait3A_2078 : memref<1x128xi32, #tpu.memory_space<vmem>> -> memref<128xi32, #tpu.memory_space<vmem>>
    %dma_wait3A_2080 = arith.constant 0 : i32
    %dma_wait3A_2081 = arith.constant 0 : i32
    %dma_wait3A_2082 = tpu.memref_slice %arg4[%dma_wait3A_2080, %dma_wait3A_2081] : memref<1000012x16xf32, #tpu.memory_space<hbm>> -> memref<1000012x16xf32, #tpu.memory_space<hbm>>
    tpu.wait_indirect_dma semaphore(%arg10 : memref<!tpu.dma_semaphore, #tpu.memory_space<semaphore_mem>>) src(%dma_wait3A_2082 : memref<1000012x16xf32, #tpu.memory_space<hbm>>) dst(%dma_wait3A_2076 : memref<128x16xf32, #tpu.memory_space<vmem>>)
    %dma_wait3A_2083 = arith.constant 25 : i32
    %dma_wait3A_2084 = arith.constant 384 : i32
    %dma_wait3A_2085 = arith.constant 0 : i32
    %dma_wait3A_2086 = tpu.memref_slice %arg8[%dma_wait3A_2084, %dma_wait3A_2085] : memref<512x16xf32, #tpu.memory_space<vmem>> -> memref<128x16xf32, #tpu.memory_space<vmem>>
    %dma_wait3A_2087 = arith.constant 384 : i32
    %dma_wait3A_2088 = tpu.memref_slice %arg7[%dma_wait3A_2083, %dma_wait3A_2087] : memref<26x512xi32, #tpu.memory_space<vmem>> -> memref<1x128xi32, #tpu.memory_space<vmem>>
    %dma_wait3A_2089 = tpu.memref_squeeze %dma_wait3A_2088 : memref<1x128xi32, #tpu.memory_space<vmem>> -> memref<128xi32, #tpu.memory_space<vmem>>
    %dma_wait3A_2090 = arith.constant 0 : i32
    %dma_wait3A_2091 = arith.constant 0 : i32
    %dma_wait3A_2092 = tpu.memref_slice %arg4[%dma_wait3A_2090, %dma_wait3A_2091] : memref<1000012x16xf32, #tpu.memory_space<hbm>> -> memref<1000012x16xf32, #tpu.memory_space<hbm>>
    tpu.wait_indirect_dma semaphore(%arg10 : memref<!tpu.dma_semaphore, #tpu.memory_space<semaphore_mem>>) src(%dma_wait3A_2092 : memref<1000012x16xf32, #tpu.memory_space<hbm>>) dst(%dma_wait3A_2086 : memref<128x16xf32, #tpu.memory_space<vmem>>)
    %mul3A_2093 = arith.constant 512 : i32
    %mul3A_2094 = arith.muli %add3A, %mul3A_2093 : i32
    "tpu.region"() ({
      %run_scoped3A = tpu.sem_alloc : memref<!tpu.dma_semaphore, #tpu.memory_space<semaphore_mem>>
      %dma_start3A_2095 = arith.constant 0 : i32
      %dma_start3A_2096 = tpu.memref_slice %arg5[%mul3A_2094, %dma_start3A_2095] : memref<16384x16xf32, #tpu.memory_space<hbm>> -> memref<512x16xf32, #tpu.memory_space<hbm>>
      %dma_start3A_2097 = arith.constant 0 : i32
      %dma_start3A_2098 = tpu.memref_slice %arg5[%mul3A_2094, %dma_start3A_2097] : memref<16384x16xf32, #tpu.memory_space<hbm>> -> memref<512x16xf32, #tpu.memory_space<hbm>>
      tpu.enqueue_dma source(%arg8 : memref<512x16xf32, #tpu.memory_space<vmem>>) target(%dma_start3A_2098 : memref<512x16xf32, #tpu.memory_space<hbm>>) target_semaphore(%run_scoped3A : memref<!tpu.dma_semaphore, #tpu.memory_space<semaphore_mem>>)
      %dma_wait3A_2099 = arith.constant 0 : i32
      %dma_wait3A_2100 = tpu.memref_slice %arg5[%mul3A_2094, %dma_wait3A_2099] : memref<16384x16xf32, #tpu.memory_space<hbm>> -> memref<512x16xf32, #tpu.memory_space<hbm>>
      %dma_wait3A_2101 = arith.constant 0 : i32
      %dma_wait3A_2102 = tpu.memref_slice %arg5[%mul3A_2094, %dma_wait3A_2101] : memref<16384x16xf32, #tpu.memory_space<hbm>> -> memref<512x16xf32, #tpu.memory_space<hbm>>
      tpu.wait_dma2 semaphore(%run_scoped3A : memref<!tpu.dma_semaphore, #tpu.memory_space<semaphore_mem>>) src(%arg8 : memref<512x16xf32, #tpu.memory_space<vmem>>) dst(%dma_wait3A_2102 : memref<512x16xf32, #tpu.memory_space<hbm>>)
      tpu.yield
    }) : () -> ()
    return
  }
}

</mosaic_0001>

<sc_bundles>
// kernel: kernel.3.cloned.1.call-start
scs
__scs_entry_jumppad:
0x0: {  	(pc) =	sbr.rel $0x88, $3  }
0x1: {  	(tag) =	ssettag $0x0;
	lr =	simm.s32 $0x1  }
0x2: {  	[smem:$0x3F9E] =	sst lr;
	_ =	strace $0xD0000000  }
0x3: {  	_ = 	snop  }
0x4: {  	_ = 	snop  }
0x5: {  	_ = 	snop  }
0x6: {  	_ = 	snop  }
0x7: {  	_ = 	snop  }
__scs_overlays_trampoline_lowered:
0x8: {  	[smem:$0x3FAD] =	sst s0  }
0x9: {  	[smem:$0x3FAE] =	sst s1  }
0xa: {  	[smem:$0x3FAF] =	sst s2  }
0xb: {  	[smem:$0x3FB0] =	sst s3  }
0xc: {  	[smem:$0x3FB1] =	sst s4  }
0xd: {  	[smem:$0x3FB2] =	sst s5  }
0xe: {  	[smem:$0x3FB3] =	sst s6  }
0xf: {  	[smem:$0x3FB4] =	sst s7  }
0x10: {  	[smem:$0x3FB5] =	sst s8  }
0x11: {  	[smem:$0x3FB6] =	sst s9;
	s0 =	simm.s32 @!p0 $0x0  }
0x12: {  	s1 =	sld [smem:$0x3F9C];
	s0 =	simm.s32 @p0 $0x1  }
0x13: {  	[smem:$0x3FB7] =	sst s0;
	s0 =	simm.s32 @!p1 $0x0  }
0x14: {  	s2 =	sld [smem:$0x3F9B];
	s0 =	simm.s32 @p1 $0x1  }
0x15: {  	[smem:$0x3FB8] =	sst s0;
	s0 =	simm.s32 @!p2 $0x0  }
0x16: {  	s3 =	sld [smem:$0x3FDB];
	s0 =	simm.s32 @p2 $0x1  }
0x17: {  	s4 =	simm.s32 $0x1BF5;
	[smem:$0x3FBA] =	sst s0  }
0x18: {  	s0 =	sld [smem:$0x3F9D];
	_ =	swait.ge [sflag:s4], $0x0  }
0x19: {  	s7 =	sld [smem:$0x3F9E]  }
0x1a: {  	s8 =	sadd.s32 $0xFFFFE003, lr  }
0x1b: {  	s9 =	sadd.s32 $0xFFFFFEF7, lr;
	s5 =	simm.s32 $0xFFFFFFFF;
	p2 =	slt.u32 s8, $0xFFFFF086  }
0x1c: {  	p1 =	slt.u32 s9, $0xF7A;
	s5 =	simm.s32 @!p2 $0x0  }
0x1d: {  	s5 =	simm.s32 @p1 $0x1;
	p0 =	seq.s32 s7, s2  }
0x1e: {  	s7 =	smul.u32 @!p0 $0xF7A, s2;
	p2 =	seq.s32 @!p0 s5, $0x0  }
0x1f: {  	s9 =	smul.u32 $0xF7A, s1;
	s8 =	simm.s32 @!p0 $0x1BF5;
	p2 =	por !p2, p0  }
0x20: {  	[sflag:s8] =	ssyncset.s32 @!p0 $0xFFFFF086;
	s6 =	sadd.s32 @!p0 s3, s7;
	s7 =	simm.s32 @!p0 $0x108  }
0x21: {  	s3 =	sadd.s32 s3, s9;
	s6 =	sadd.s32 @!p0 $0x88, s6;
	s7 =	simm.s32 @p2 $0x1082  }
0x22: {  	[simem:s7], [sflag:s8] =	dma.local @!p0 [hbm:s6], $0xF7A  }
0x23: {  	s9 =	sor.u32 $0xD0000000, s2;
	s6 =	simm.s32 $0x108;
	_ =	swait.ge @!p0 [sflag:s8], $0x0  }
0x24: {  	s3 =	sadd.s32 $0x88, s3;
	s6 =	simm.s32 @!p1 $0x1082;
	[sflag:s4] =	ssyncset.s32 $0xFFFFF086  }
0x25: {  	[simem:s6], [sflag:s4] =	dma.local [hbm:s3], $0xF7A  }
0x26: {  	[smem:$0x3F9E] =	sst s1;
	(tag) =	ssettag s2;
	_ =	strace s9  }
0x27: {  	s1 =	sld [smem:$0x3FAE]  }
0x28: {  	s2 =	sld [smem:$0x3FAF]  }
0x29: {  	s4 =	sld [smem:$0x3FB1]  }
0x2a: {  	p0 =	seq.s32 s5, $0x0;
	s5 =	sld [smem:$0x3FB2]  }
0x2b: {  	s6 =	sld [smem:$0x3FB3]  }
0x2c: {  	s7 =	sld [smem:$0x3FB4]  }
0x2d: {  	s3 =	simm.s32 $0x108;
	s8 =	sld [smem:$0x3FB5]  }
0x2e: {  	s3 =	simm.s32 @!p0 $0x1082;
	s9 =	sld [smem:$0x3FB6]  }
0x2f: {  	lr =	sadd.s32 s0, s3;
	s0 =	sld [smem:$0x3FAD]  }
0x30: {  	s3 =	sld [smem:$0x3FB0]  }
0x31: {  	[smem:$0x3FB9] =	sst s10  }
0x32: {  	s10 =	sld [smem:$0x3FB7];
	_ =	sdelay $0x3  }
0x33: {  	p0 =	seq.s32 s10, $0x1;
	s10 =	sld [smem:$0x3FB9];
	_ =	sdelay $0x3  }
0x34: {  	[smem:$0x3FB9] =	sst s10  }
0x35: {  	s10 =	sld [smem:$0x3FB8];
	_ =	sdelay $0x3  }
0x36: {  	p1 =	seq.s32 s10, $0x1;
	s10 =	sld [smem:$0x3FB9];
	_ =	sdelay $0x3  }
0x37: {  	[smem:$0x3FB9] =	sst s10  }
0x38: {  	s10 =	sld [smem:$0x3FBA]  }
0x39: {  	_ = 	snop;
	(pc) =	sbr.ind lr, $3  }
0x3a: {  	_ = 	snop  }
0x3b: {  	_ = 	snop  }
0x3c: {  	p2 =	seq.s32 s10, $0x1;
	s10 =	sld [smem:$0x3FB9]  }
0x3d: {  	_ =	shalt  }
0x3e: {  	_ =	shalt  }
0x3f: {  	_ =	shalt  }
0x40: {  	_ =	shalt  }
0x41: {  	_ =	shalt  }
0x42: {  	_ =	shalt  }
0x43: {  	_ =	shalt  }
0x44: {  	_ =	shalt  }
0x45: {  	_ =	shalt  }
0x46: {  	_ =	shalt  }
0x47: {  	_ =	shalt  }
0x48: {  	_ =	shalt  }
0x49: {  	_ =	shalt  }
0x4a: {  	_ =	shalt  }
0x4b: {  	_ =	shalt  }
0x4c: {  	_ =	shalt  }
0x4d: {  	_ =	shalt  }
0x4e: {  	_ =	shalt  }
0x4f: {  	_ =	shalt  }
0x50: {  	_ =	shalt  }
0x51: {  	_ =	shalt  }
0x52: {  	_ =	shalt  }
0x53: {  	_ =	shalt  }
0x54: {  	_ =	shalt  }
0x55: {  	_ =	shalt  }
0x56: {  	_ =	shalt  }
0x57: {  	_ =	shalt  }
0x58: {  	_ =	shalt  }
0x59: {  	_ =	shalt  }
0x5a: {  	_ =	shalt  }
0x5b: {  	_ =	shalt  }
0x5c: {  	_ =	shalt  }
0x5d: {  	_ =	shalt  }
0x5e: {  	_ =	shalt  }
0x5f: {  	_ =	shalt  }
0x60: {  	_ =	shalt  }
0x61: {  	_ =	shalt  }
0x62: {  	_ =	shalt  }
0x63: {  	_ =	shalt  }
0x64: {  	_ =	shalt  }
0x65: {  	_ =	shalt  }
0x66: {  	_ =	shalt  }
0x67: {  	_ =	shalt  }
0x68: {  	_ =	shalt  }
0x69: {  	_ =	shalt  }
0x6a: {  	_ =	shalt  }
0x6b: {  	_ =	shalt  }
0x6c: {  	_ =	shalt  }
0x6d: {  	_ =	shalt  }
0x6e: {  	_ =	shalt  }
0x6f: {  	_ =	shalt  }
0x70: {  	_ =	shalt  }
0x71: {  	_ =	shalt  }
0x72: {  	_ =	shalt  }
0x73: {  	_ =	shalt  }
0x74: {  	_ =	shalt  }
0x75: {  	_ =	shalt  }
0x76: {  	_ =	shalt  }
0x77: {  	_ =	shalt  }
0x78: {  	_ =	shalt  }
0x79: {  	_ =	shalt  }
0x7a: {  	_ =	shalt  }
0x7b: {  	_ =	shalt  }
0x7c: {  	_ =	shalt  }
0x7d: {  	_ =	shalt  }
0x7e: {  	_ =	shalt  }
0x7f: {  	_ =	shalt  }
0x80: {  	_ =	shalt  }
0x81: {  	_ =	shalt  }
0x82: {  	_ =	shalt  }
0x83: {  	_ =	shalt  }
0x84: {  	_ =	shalt  }
0x85: {  	_ =	shalt  }
0x86: {  	_ =	shalt  }
0x87: {  	_ =	shalt  }
.Lfunc_end0:
.L_simem_size_0:
called_computation_lowered:
.L_overlay_start_0:
0x88: {  	s2 =	sld [smem:$0x3FD9]  }
0x89: {  	s3 =	sld [smem:$0x3FFE];
	_ =	sdelay $0x1  }
0x8a: {  	s1 =	srdreg.scid  }
0x8b: {  	s0 =	sand.u32 $0x1, s1  }
0x8c: {  	s17 =	sshll.u32 s0, $0xA;
	s2 =	sadd.s32 s3, s2  }
0x8d: {  	s2 =	sadd.s32 s2, s17  }
0x8e: {  	[smem:$0x3FC5] =	sst s2  }
0x8f: {  	_ = 	snop  }
0x90: {  	s2 =	sld [smem:$0x3FC7]  }
0x91: {  	s18 =	sld [smem:$0x3FD0];
	(tm) =	ssettm $0x1  }
0x92: {  	s4 =	sld [smem:$0x3FFB];
	_ =	sdelay $0x3  }
0x93: {  	_ =	strace s4  }
0x94: {  	s4 =	sld [smem:$0x3FFC];
	_ =	sdelay $0x3  }
0x95: {  	_ =	strace s4  }
0x96: {  	s4 =	sld [smem:$0x3FFD];
	_ =	sdelay $0x3  }
0x97: {  	_ =	strace s4  }
0x98: {  	_ =	strace $0x8FFFFFFF  }
0x99: {  	s19 =	sld [smem:$0x3FDB];
	_ =	sdelay $0x1  }
0x9a: {  	s5 =	simm.s32 $_scs_section_size  }
0x9b: {  	s6 =	simm.s32 $_size__tile_overlayer_lowered;
	s7 =	simm.s32 $_tile_overlayer_lowered  }
0x9c: {  	s22 =	simm.s32 $0x1BFF;
	s21 =	sshll.u32 s7, $0x1;
	s4 =	sadd.s32 s5, s19  }
0x9d: {  	s8 =	simm.s32 $0x0;
	s20 =	sshll.u32 s6, $0x1;
	s6 =	sadd.s32 s21, s4  }
0x9e: {  	[timem:s8], [sflag:s22] =	dma.local [hbm:s6], s20  }
0x9f: {  	_ =	swait.ge [sflag:s22], s20  }
0xa0: {  	s5 =	ssub.s32 $0x0, s20;
	[sflag:s22] =	ssyncset.done $0x0  }
0xa1: {  	[sflag:s22] =	ssyncadd.s32 s5;
	_ =	sdelay $0x1  }
0xa2: {  	s23 =	simm.s32 $0x1B8B  }
0xa3: {  	_ =	swait.ge [sflag:s23], $0x1  }
0xa4: {  	[sflag:s23] =	ssyncset.done $0x0  }
0xa5: {  	s25 =	simm.s32 $0x1B8E;
	s24 =	sld [smem:$0x3FFE];
	[sflag:s23] =	ssyncadd.s32 $0xFFFFFFFF  }
0xa6: {  	s26 =	simm.s32 $execute0_lowered;
	[smem:$0x3FD2] =	sst s25  }
0xa7: {  	s6 =	sshll.u32 s26, $0x1;
	_ =	strace $0x80000046;
	[dreg:$0x1] =	wrdreg $0xFFFFFFFF  }
0xa8: {  	s28 =	simm.s32 $_size_execute0_lowered;
	s4 =	sadd.s32 s4, s6;
	[dreg:$0x0] =	wrdreg $0x0  }
0xa9: {  	s6 =	sshll.u32 s28, $0x1;
	[dreg:$0x2] =	wrdreg s4  }
0xaa: {  	[dreg:$0x3] =	wrdreg s6  }
0xab: {  	[dreg:$0x4] =	wrdreg $0xC0  }
0xac: {  	_ =	task [dreg:s8], $0x5FFFF  }
0xad: {  	[dreg:$0x1] =	wrdreg $0xFFFFFFFF  }
0xae: {  	[dreg:$0x0] =	wrdreg $0x60  }
0xaf: {  	[dreg:$0x2] =	wrdreg s24  }
0xb0: {  	[dreg:$0x3] =	wrdreg s2  }
0xb1: {  	[dreg:$0x4] =	wrdreg s18  }
0xb2: {  	[dreg:$0x5] =	wrdreg $0x9  }
0xb3: {  	_ =	task.clear_ibuf [dreg:s8], $0x6FFFF;
	_ =	strace $0x90000046  }
0xb4: {  	s29 =	simm.s32 $0x9;
	_ =	strace $0x80000048  }
0xb5: {  	_ =	swait.ge [sflag:s29], $0x1  }
0xb6: {  	[sflag:s29] =	ssyncadd.s32 $0xFFFFFFFF  }
0xb7: {  	_ =	strace $0x90000048  }
0xb8: {  	_ =	sfence  }
0xb9: {  	s30 =	sld [smem:$0x0];
	_ =	sdelay $0x2  }
0xba: {  	s31 =	sshll.u32 s1, $0xD;
	s1 =	sshrl.u32 s1, $0x2  }
0xbb: {  	s3 =	sand.u32 $0x4000, s31;
	s1 =	sadd.s32 s1, s30  }
0xbc: {  	s0 =	sor.u32 s3, s0;
	s1 =	sshll.u32 s1, $0x11  }
0xbd: {  	s0 =	sor.u32 s1, s0  }
0xbe: {  	s0 =	sadd.s32 $0x8F2B, s0  }
0xbf: {  	[sflag:s0] =	ssyncadd.remote.s32 $0x1  }
0xc0: {  	_ =	sfence.sel $0xFFFF  }
0xc1: {  	[dreg:$0x0] =	wrdreg $0xFFFFFFFF;
	(pc) =	sbr.abs _section_cstart, $3  }
0xc2: {  	[dreg:$0x1] =	wrdreg $0xFFFFFFFF  }
0xc3: {  	_ =	task.clear_ibuf [dreg:s8], $0x2FFFF;
	_ =	strace $0x9FFFFFFF  }
0xc4: {  	(tm) =	ssettm $0x7FFFFFFF  }
0xc5: {  	_ =	shalt  }
tec
execute0_lowered:
.L_overlay_start_1:
0x0: {  	(tag) =	ssettag $0x1  }
0x1: {  	s0 =	rddreg [dreg:$0x0]  }
0x2: {  	s1 =	srdreg.scid;
	s2 =	stileid.u32  }
0x3: {  	s6 =	rddreg [dreg:$0x2];
	s3 =	simm.s32 $0x0;
	s9 =	simm.s32 $0x2  }
0x4: {  	s10 =	simm.s32 $0x80;
	s12 =	simm.s32 $0x6800;
	s16 =	simm.s32 $0x7000  }
0x5: {  	s21 =	simm.s32 $0x7800;
	s28 =	simm.s32 $0x8000;
	s20 =	simm.s32 $0x5380  }
0x6: {  	s22 =	simm.s32 $0x5580;
	s23 =	simm.s32 $0x5780;
	s24 =	simm.s32 $0x5980  }
0x7: {  	s25 =	simm.s32 $0x5B80;
	s29 =	simm.s32 $0x5F80;
	s30 =	simm.s32 $0x6180  }
0x8: {  	s31 =	simm.s32 $0x6380;
	s1 =	sand.u32 $0x1, s1;
	s2 =	sshll.u32 s2, $0x1  }
0x9: {  	s8 =	simm.s32 $0x0;
	[smem:$0x7FF] =	sst s3;
	s2 =	sor.u32 s1, s2  }
0xa: {  	s1 =	ssub.s32 $0x2, s1;
	s4 =	smul.u32 $0x680, s2;
	s2 =	sshll.u32 s2, $0xA  }
0xb: {  	_ =	strace $0x80000047;
	s26 =	sshrl.u32 s1, $0x1;
	s6 =	sadd.s32 s6, s2  }
0xc: {  	s2 =	simm.s32 $0x1;
	s5 =	sadd.s32 s4, s0;
	s4 =	sadd.s32 $0xF42C00, s0  }
0xd: {  	v0 =	vlaneseq.u32;
	s0 =	ssub.s32 s1, s26;
	s26 =	simm.s32 $0x5D80;
	s1 =	simm.s32 $0x6580  }
0xe: {  	v0 =	vmul.u32 $0x1A, v0;
	s5 =	sadd.s32 $0x600, s5;
	s7 =	smax.u32 s0, $0x1;
	s0 =	simm.s32 $0x6780  }
.LBB2_1:
0xf: {  	s11 =	rddreg [dreg:$0x1];
	s13 =	simm.s32 $0x8800  }
0x10: {  	[tilespmem:s13], [sflag:$0x2] =	stream.linear.gather [hbm4b:s11+s3], $0x10, $0x38;
	[tilespmem:$0x8810] =	vst v63  }
0x11: {  	_ =	swait.ge [sflag:s9], $0x10  }
0x12: {  	[sflag:s9] =	ssyncset.done $0x0  }
0x13: {  	[sflag:s9] =	ssyncadd.s32 $0xFFFFFFF0  }
0x14: {  	[tilespmem:s3], [sflag:$0x2] =	stream.linear.gather [hbm4b:s5+s3], $0x3400, $0x38;
	[tilespmem:$0x8810] =	vst v63  }
0x15: {  	_ =	swait.ge [sflag:s9], $0x3400  }
0x16: {  	[sflag:s9] =	ssyncset.done $0x0  }
0x17: {  	s11 =	simm.s32 $0x3400;
	s13 =	simm.s32 $0x0;
	[sflag:s9] =	ssyncadd.s32 $0xFFFFCC00  }
.LBB2_2:
0x18: {  	v3 =	vadd.s32 s13, v0;
	_ =	sdelay $0x4  }
0x19: {  	s14 =	smul.u32 $0x963E, s13;
	v4 =	vld.idx.msk [tilespmem:v3+s3+$0x0], $0xffff  }
0x1a: {  	s15 =	sadd.s32 $0x1A0, s13;
	v1 =	vmov s11  }
0x1b: {  	s17 =	simm.s32 $0x0;
	s18 =	simm.s32 $0x80;
	v2 =	vmov s14;
	s14 =	simm.s32 $0x40;
	v3 =	vadd.s32 s15, v0  }
.LBB2_3:
0x1c: {  	p0 =	sne.s32 s18, $0x7C0;
	_ =	sdelay $0x1  }
0x1d: {  	s19 =	sshra.s32 s17, $0x2;
	s17 =	smov.u32 s14;
	s14 =	smov.u32 s18;
	v4 =	vadd.s32 v2, v4  }
.Ltmp0:
0x1e: {  	[tilespmem:v1+s19+$0x0 ss:$0x1] =	vst.idx.msk $0xffff, v4;
	(pc) =	sbr.rel @p0 .LBB2_3-.Ltmp0, $3  }
0x1f: {  	v4 =	vld.idx.msk [tilespmem:v3+s3+$0x0], $0xffff;
	_ =	sdelay $0x1  }
0x20: {  	s15 =	sadd.s32 $0x1A0, s15  }
0x21: {  	s18 =	sadd.s32 $0x40, s18;
	v3 =	vadd.s32 s15, v0  }
0x22: {  	_ =	sdelay $0x2  }
0x23: {  	s15 =	sshra.s32 s17, $0x2;
	v4 =	vadd.s32 v2, v4  }
0x24: {  	[tilespmem:v1+s15+$0x0 ss:$0x1] =	vst.idx.msk $0xffff, v4  }
0x25: {  	s13 =	sadd.s32 $0x1, s13;
	v3 =	vld.idx.msk [tilespmem:v3+s3+$0x0], $0xffff  }
0x26: {  	p0 =	sne.s32 s13, $0x1A  }
.Ltmp1:
0x27: {  	_ = 	snop;
	(pc) =	sbr.rel @p0 .LBB2_2-.Ltmp1, $3  }
0x28: {  	_ =	sdelay $0x1  }
0x29: {  	s14 =	sshra.s32 s14, $0x2;
	v2 =	vadd.s32 v2, v3  }
0x2a: {  	s11 =	sadd.s32 $0x200, s11;
	[tilespmem:v1+s14+$0x0 ss:$0x1] =	vst.idx.msk $0xffff, v2  }
0x2b: {  	v1 =	vld [tilespmem:$0x8800];
	_ =	sdelay $0x3  }
0x2c: {  	s11 =	simm.s32 $0x40;
	s13 =	simm.s32 $0x0  }
.LBB2_6:
0x2d: {  	p0 =	sne.s32 s11, $0x7FC0;
	[tilespmem:s13+$0x6800] =	vst v1;
	s13 =	smov.u32 s11;
	s11 =	sadd.s32 $0x40, s11  }
.Ltmp2:
0x2e: {  	v1 =	vld [tilespmem:$0x8800];
	(pc) =	sbr.rel @p0 .LBB2_6-.Ltmp2, $2  }
0x2f: {  	_ =	sdelay $0x2  }
0x30: {  	s13 =	sshra.s32 s13, $0x2  }
0x31: {  	[tilespmem:s13+$0x6800] =	vst v1;
	s11 =	simm.s32 $0x3400  }
0x32: {  	[tilespmem:s12], [sflag:$0x1] =	stream.indirect.gather.add.f32 [hbm:s4], $0x10, s11, s10, $0xb8;
	[tilespmem:$0x8810] =	vst v63  }
0x33: {  	s18 =	simm.s32 $0x3600  }
0x34: {  	[tilespmem:s12], [sflag:$0x1] =	stream.indirect.gather.add.f32 [hbm:s4], $0x10, s18, s10, $0xb8;
	[tilespmem:$0x8810] =	vst v63  }
0x35: {  	s19 =	simm.s32 $0x3800  }
0x36: {  	[tilespmem:s12], [sflag:$0x1] =	stream.indirect.gather.add.f32 [hbm:s4], $0x10, s19, s10, $0xb8;
	[tilespmem:$0x8810] =	vst v63  }
0x37: {  	s13 =	simm.s32 $0x3A00  }
0x38: {  	[tilespmem:s12], [sflag:$0x1] =	stream.indirect.gather.add.f32 [hbm:s4], $0x10, s13, s10, $0xb8;
	[tilespmem:$0x8810] =	vst v63  }
0x39: {  	s14 =	simm.s32 $0x3C00  }
0x3a: {  	[tilespmem:s12], [sflag:$0x1] =	stream.indirect.gather.add.f32 [hbm:s4], $0x10, s14, s10, $0xb8;
	[tilespmem:$0x8810] =	vst v63  }
0x3b: {  	s15 =	simm.s32 $0x3E00  }
0x3c: {  	[tilespmem:s12], [sflag:$0x1] =	stream.indirect.gather.add.f32 [hbm:s4], $0x10, s15, s10, $0xb8;
	[tilespmem:$0x8810] =	vst v63  }
0x3d: {  	s17 =	simm.s32 $0x4000  }
0x3e: {  	[tilespmem:s12], [sflag:$0x1] =	stream.indirect.gather.add.f32 [hbm:s4], $0x10, s17, s10, $0xb8;
	[tilespmem:$0x8810] =	vst v63  }
0x3f: {  	s18 =	simm.s32 $0x4200  }
0x40: {  	[tilespmem:s12], [sflag:$0x1] =	stream.indirect.gather.add.f32 [hbm:s4], $0x10, s18, s10, $0xb8;
	[tilespmem:$0x8810] =	vst v63  }
0x41: {  	s19 =	simm.s32 $0x4400  }
0x42: {  	[tilespmem:s12], [sflag:$0x1] =	stream.indirect.gather.add.f32 [hbm:s4], $0x10, s19, s10, $0xb8;
	[tilespmem:$0x8810] =	vst v63  }
0x43: {  	s13 =	simm.s32 $0x4600  }
0x44: {  	[tilespmem:s12], [sflag:$0x1] =	stream.indirect.gather.add.f32 [hbm:s4], $0x10, s13, s10, $0xb8;
	[tilespmem:$0x8810] =	vst v63  }
0x45: {  	s14 =	simm.s32 $0x4800  }
0x46: {  	[tilespmem:s12], [sflag:$0x1] =	stream.indirect.gather.add.f32 [hbm:s4], $0x10, s14, s10, $0xb8;
	[tilespmem:$0x8810] =	vst v63  }
0x47: {  	s15 =	simm.s32 $0x4A00  }
0x48: {  	[tilespmem:s12], [sflag:$0x1] =	stream.indirect.gather.add.f32 [hbm:s4], $0x10, s15, s10, $0xb8;
	[tilespmem:$0x8810] =	vst v63  }
0x49: {  	s17 =	simm.s32 $0x4C00  }
0x4a: {  	[tilespmem:s12], [sflag:$0x1] =	stream.indirect.gather.add.f32 [hbm:s4], $0x10, s17, s10, $0xb8;
	[tilespmem:$0x8810] =	vst v63  }
0x4b: {  	s18 =	simm.s32 $0x4E00  }
0x4c: {  	[tilespmem:s12], [sflag:$0x1] =	stream.indirect.gather.add.f32 [hbm:s4], $0x10, s18, s10, $0xb8;
	[tilespmem:$0x8810] =	vst v63  }
0x4d: {  	s19 =	simm.s32 $0x5000  }
0x4e: {  	[tilespmem:s12], [sflag:$0x1] =	stream.indirect.gather.add.f32 [hbm:s4], $0x10, s19, s10, $0xb8;
	[tilespmem:$0x8810] =	vst v63  }
0x4f: {  	s13 =	simm.s32 $0x5200  }
0x50: {  	[tilespmem:s12], [sflag:$0x1] =	stream.indirect.gather.add.f32 [hbm:s4], $0x10, s13, s10, $0xb8;
	[tilespmem:$0x8810] =	vst v63  }
0x51: {  	s14 =	simm.s32 $0x5400  }
0x52: {  	[tilespmem:s12], [sflag:$0x1] =	stream.indirect.gather.add.f32 [hbm:s4], $0x10, s14, s10, $0xb8;
	[tilespmem:$0x8810] =	vst v63  }
0x53: {  	s15 =	simm.s32 $0x5600  }
0x54: {  	[tilespmem:s12], [sflag:$0x1] =	stream.indirect.gather.add.f32 [hbm:s4], $0x10, s15, s10, $0xb8;
	[tilespmem:$0x8810] =	vst v63  }
0x55: {  	s17 =	simm.s32 $0x5800  }
0x56: {  	[tilespmem:s12], [sflag:$0x1] =	stream.indirect.gather.add.f32 [hbm:s4], $0x10, s17, s10, $0xb8;
	[tilespmem:$0x8810] =	vst v63  }
0x57: {  	s18 =	simm.s32 $0x5A00  }
0x58: {  	[tilespmem:s12], [sflag:$0x1] =	stream.indirect.gather.add.f32 [hbm:s4], $0x10, s18, s10, $0xb8;
	[tilespmem:$0x8810] =	vst v63  }
0x59: {  	s19 =	simm.s32 $0x5C00  }
0x5a: {  	[tilespmem:s12], [sflag:$0x1] =	stream.indirect.gather.add.f32 [hbm:s4], $0x10, s19, s10, $0xb8;
	[tilespmem:$0x8810] =	vst v63  }
0x5b: {  	s13 =	simm.s32 $0x5E00  }
0x5c: {  	[tilespmem:s12], [sflag:$0x1] =	stream.indirect.gather.add.f32 [hbm:s4], $0x10, s13, s10, $0xb8;
	[tilespmem:$0x8810] =	vst v63  }
0x5d: {  	s14 =	simm.s32 $0x6000  }
0x5e: {  	[tilespmem:s12], [sflag:$0x1] =	stream.indirect.gather.add.f32 [hbm:s4], $0x10, s14, s10, $0xb8;
	[tilespmem:$0x8810] =	vst v63  }
0x5f: {  	s15 =	simm.s32 $0x6200  }
0x60: {  	[tilespmem:s12], [sflag:$0x1] =	stream.indirect.gather.add.f32 [hbm:s4], $0x10, s15, s10, $0xb8;
	[tilespmem:$0x8810] =	vst v63  }
0x61: {  	s17 =	simm.s32 $0x6400  }
0x62: {  	[tilespmem:s12], [sflag:$0x1] =	stream.indirect.gather.add.f32 [hbm:s4], $0x10, s17, s10, $0xb8;
	[tilespmem:$0x8810] =	vst v63  }
0x63: {  	s18 =	simm.s32 $0x6600  }
0x64: {  	[tilespmem:s12], [sflag:$0x1] =	stream.indirect.gather.add.f32 [hbm:s4], $0x10, s18, s10, $0xb8;
	[tilespmem:$0x8810] =	vst v63  }
0x65: {  	s19 =	simm.s32 $0x3480  }
0x66: {  	[tilespmem:s16], [sflag:$0x1] =	stream.indirect.gather.add.f32 [hbm:s4], $0x10, s19, s10, $0xb8;
	[tilespmem:$0x8810] =	vst v63  }
0x67: {  	s13 =	simm.s32 $0x3680  }
0x68: {  	[tilespmem:s16], [sflag:$0x1] =	stream.indirect.gather.add.f32 [hbm:s4], $0x10, s13, s10, $0xb8;
	[tilespmem:$0x8810] =	vst v63  }
0x69: {  	s14 =	simm.s32 $0x3880  }
0x6a: {  	[tilespmem:s16], [sflag:$0x1] =	stream.indirect.gather.add.f32 [hbm:s4], $0x10, s14, s10, $0xb8;
	[tilespmem:$0x8810] =	vst v63  }
0x6b: {  	s15 =	simm.s32 $0x3A80  }
0x6c: {  	[tilespmem:s16], [sflag:$0x1] =	stream.indirect.gather.add.f32 [hbm:s4], $0x10, s15, s10, $0xb8;
	[tilespmem:$0x8810] =	vst v63  }
0x6d: {  	s17 =	simm.s32 $0x3C80  }
0x6e: {  	[tilespmem:s16], [sflag:$0x1] =	stream.indirect.gather.add.f32 [hbm:s4], $0x10, s17, s10, $0xb8;
	[tilespmem:$0x8810] =	vst v63  }
0x6f: {  	s18 =	simm.s32 $0x3E80  }
0x70: {  	[tilespmem:s16], [sflag:$0x1] =	stream.indirect.gather.add.f32 [hbm:s4], $0x10, s18, s10, $0xb8;
	[tilespmem:$0x8810] =	vst v63  }
0x71: {  	s19 =	simm.s32 $0x4080  }
0x72: {  	[tilespmem:s16], [sflag:$0x1] =	stream.indirect.gather.add.f32 [hbm:s4], $0x10, s19, s10, $0xb8;
	[tilespmem:$0x8810] =	vst v63  }
0x73: {  	s13 =	simm.s32 $0x4280  }
0x74: {  	[tilespmem:s16], [sflag:$0x1] =	stream.indirect.gather.add.f32 [hbm:s4], $0x10, s13, s10, $0xb8;
	[tilespmem:$0x8810] =	vst v63  }
0x75: {  	s14 =	simm.s32 $0x4480  }
0x76: {  	[tilespmem:s16], [sflag:$0x1] =	stream.indirect.gather.add.f32 [hbm:s4], $0x10, s14, s10, $0xb8;
	[tilespmem:$0x8810] =	vst v63  }
0x77: {  	s15 =	simm.s32 $0x4680  }
0x78: {  	[tilespmem:s16], [sflag:$0x1] =	stream.indirect.gather.add.f32 [hbm:s4], $0x10, s15, s10, $0xb8;
	[tilespmem:$0x8810] =	vst v63  }
0x79: {  	s17 =	simm.s32 $0x4880  }
0x7a: {  	[tilespmem:s16], [sflag:$0x1] =	stream.indirect.gather.add.f32 [hbm:s4], $0x10, s17, s10, $0xb8;
	[tilespmem:$0x8810] =	vst v63  }
0x7b: {  	s18 =	simm.s32 $0x4A80  }
0x7c: {  	[tilespmem:s16], [sflag:$0x1] =	stream.indirect.gather.add.f32 [hbm:s4], $0x10, s18, s10, $0xb8;
	[tilespmem:$0x8810] =	vst v63  }
0x7d: {  	s19 =	simm.s32 $0x4C80  }
0x7e: {  	[tilespmem:s16], [sflag:$0x1] =	stream.indirect.gather.add.f32 [hbm:s4], $0x10, s19, s10, $0xb8;
	[tilespmem:$0x8810] =	vst v63  }
0x7f: {  	s13 =	simm.s32 $0x4E80  }
0x80: {  	[tilespmem:s16], [sflag:$0x1] =	stream.indirect.gather.add.f32 [hbm:s4], $0x10, s13, s10, $0xb8;
	[tilespmem:$0x8810] =	vst v63  }
0x81: {  	s14 =	simm.s32 $0x5080  }
0x82: {  	[tilespmem:s16], [sflag:$0x1] =	stream.indirect.gather.add.f32 [hbm:s4], $0x10, s14, s10, $0xb8;
	[tilespmem:$0x8810] =	vst v63  }
0x83: {  	s15 =	simm.s32 $0x5280  }
0x84: {  	[tilespmem:s16], [sflag:$0x1] =	stream.indirect.gather.add.f32 [hbm:s4], $0x10, s15, s10, $0xb8;
	[tilespmem:$0x8810] =	vst v63  }
0x85: {  	s17 =	simm.s32 $0x5480  }
0x86: {  	[tilespmem:s16], [sflag:$0x1] =	stream.indirect.gather.add.f32 [hbm:s4], $0x10, s17, s10, $0xb8;
	[tilespmem:$0x8810] =	vst v63  }
0x87: {  	s18 =	simm.s32 $0x5680  }
0x88: {  	[tilespmem:s16], [sflag:$0x1] =	stream.indirect.gather.add.f32 [hbm:s4], $0x10, s18, s10, $0xb8;
	[tilespmem:$0x8810] =	vst v63  }
0x89: {  	s19 =	simm.s32 $0x5880  }
0x8a: {  	[tilespmem:s16], [sflag:$0x1] =	stream.indirect.gather.add.f32 [hbm:s4], $0x10, s19, s10, $0xb8;
	[tilespmem:$0x8810] =	vst v63  }
0x8b: {  	s13 =	simm.s32 $0x5A80  }
0x8c: {  	[tilespmem:s16], [sflag:$0x1] =	stream.indirect.gather.add.f32 [hbm:s4], $0x10, s13, s10, $0xb8;
	[tilespmem:$0x8810] =	vst v63  }
0x8d: {  	s14 =	simm.s32 $0x5C80  }
0x8e: {  	[tilespmem:s16], [sflag:$0x1] =	stream.indirect.gather.add.f32 [hbm:s4], $0x10, s14, s10, $0xb8;
	[tilespmem:$0x8810] =	vst v63  }
0x8f: {  	s15 =	simm.s32 $0x5E80  }
0x90: {  	[tilespmem:s16], [sflag:$0x1] =	stream.indirect.gather.add.f32 [hbm:s4], $0x10, s15, s10, $0xb8;
	[tilespmem:$0x8810] =	vst v63  }
0x91: {  	s17 =	simm.s32 $0x6080  }
0x92: {  	[tilespmem:s16], [sflag:$0x1] =	stream.indirect.gather.add.f32 [hbm:s4], $0x10, s17, s10, $0xb8;
	[tilespmem:$0x8810] =	vst v63  }
0x93: {  	s18 =	simm.s32 $0x6280  }
0x94: {  	[tilespmem:s16], [sflag:$0x1] =	stream.indirect.gather.add.f32 [hbm:s4], $0x10, s18, s10, $0xb8;
	[tilespmem:$0x8810] =	vst v63  }
0x95: {  	s19 =	simm.s32 $0x6480  }
0x96: {  	[tilespmem:s16], [sflag:$0x1] =	stream.indirect.gather.add.f32 [hbm:s4], $0x10, s19, s10, $0xb8;
	[tilespmem:$0x8810] =	vst v63  }
0x97: {  	s13 =	simm.s32 $0x6680  }
0x98: {  	[tilespmem:s16], [sflag:$0x1] =	stream.indirect.gather.add.f32 [hbm:s4], $0x10, s13, s10, $0xb8;
	[tilespmem:$0x8810] =	vst v63  }
0x99: {  	s14 =	simm.s32 $0x3500  }
0x9a: {  	[tilespmem:s21], [sflag:$0x1] =	stream.indirect.gather.add.f32 [hbm:s4], $0x10, s14, s10, $0xb8;
	[tilespmem:$0x8810] =	vst v63  }
0x9b: {  	s15 =	simm.s32 $0x3700  }
0x9c: {  	[tilespmem:s21], [sflag:$0x1] =	stream.indirect.gather.add.f32 [hbm:s4], $0x10, s15, s10, $0xb8;
	[tilespmem:$0x8810] =	vst v63  }
0x9d: {  	s17 =	simm.s32 $0x3900  }
0x9e: {  	[tilespmem:s21], [sflag:$0x1] =	stream.indirect.gather.add.f32 [hbm:s4], $0x10, s17, s10, $0xb8;
	[tilespmem:$0x8810] =	vst v63  }
0x9f: {  	s18 =	simm.s32 $0x3B00  }
0xa0: {  	[tilespmem:s21], [sflag:$0x1] =	stream.indirect.gather.add.f32 [hbm:s4], $0x10, s18, s10, $0xb8;
	[tilespmem:$0x8810] =	vst v63  }
0xa1: {  	s19 =	simm.s32 $0x3D00  }
0xa2: {  	[tilespmem:s21], [sflag:$0x1] =	stream.indirect.gather.add.f32 [hbm:s4], $0x10, s19, s10, $0xb8;
	[tilespmem:$0x8810] =	vst v63  }
0xa3: {  	s13 =	simm.s32 $0x3F00  }
0xa4: {  	[tilespmem:s21], [sflag:$0x1] =	stream.indirect.gather.add.f32 [hbm:s4], $0x10, s13, s10, $0xb8;
	[tilespmem:$0x8810] =	vst v63  }
0xa5: {  	s14 =	simm.s32 $0x4100  }
0xa6: {  	[tilespmem:s21], [sflag:$0x1] =	stream.indirect.gather.add.f32 [hbm:s4], $0x10, s14, s10, $0xb8;
	[tilespmem:$0x8810] =	vst v63  }
0xa7: {  	s15 =	simm.s32 $0x4300  }
0xa8: {  	[tilespmem:s21], [sflag:$0x1] =	stream.indirect.gather.add.f32 [hbm:s4], $0x10, s15, s10, $0xb8;
	[tilespmem:$0x8810] =	vst v63  }
0xa9: {  	s17 =	simm.s32 $0x4500  }
0xaa: {  	[tilespmem:s21], [sflag:$0x1] =	stream.indirect.gather.add.f32 [hbm:s4], $0x10, s17, s10, $0xb8;
	[tilespmem:$0x8810] =	vst v63  }
0xab: {  	s18 =	simm.s32 $0x4700  }
0xac: {  	[tilespmem:s21], [sflag:$0x1] =	stream.indirect.gather.add.f32 [hbm:s4], $0x10, s18, s10, $0xb8;
	[tilespmem:$0x8810] =	vst v63  }
0xad: {  	s19 =	simm.s32 $0x4900  }
0xae: {  	[tilespmem:s21], [sflag:$0x1] =	stream.indirect.gather.add.f32 [hbm:s4], $0x10, s19, s10, $0xb8;
	[tilespmem:$0x8810] =	vst v63  }
0xaf: {  	s13 =	simm.s32 $0x4B00  }
0xb0: {  	[tilespmem:s21], [sflag:$0x1] =	stream.indirect.gather.add.f32 [hbm:s4], $0x10, s13, s10, $0xb8;
	[tilespmem:$0x8810] =	vst v63  }
0xb1: {  	s14 =	simm.s32 $0x4D00  }
0xb2: {  	[tilespmem:s21], [sflag:$0x1] =	stream.indirect.gather.add.f32 [hbm:s4], $0x10, s14, s10, $0xb8;
	[tilespmem:$0x8810] =	vst v63  }
0xb3: {  	s15 =	simm.s32 $0x4F00  }
0xb4: {  	[tilespmem:s21], [sflag:$0x1] =	stream.indirect.gather.add.f32 [hbm:s4], $0x10, s15, s10, $0xb8;
	[tilespmem:$0x8810] =	vst v63  }
0xb5: {  	s17 =	simm.s32 $0x5100  }
0xb6: {  	[tilespmem:s21], [sflag:$0x1] =	stream.indirect.gather.add.f32 [hbm:s4], $0x10, s17, s10, $0xb8;
	[tilespmem:$0x8810] =	vst v63  }
0xb7: {  	s18 =	simm.s32 $0x5300  }
0xb8: {  	[tilespmem:s21], [sflag:$0x1] =	stream.indirect.gather.add.f32 [hbm:s4], $0x10, s18, s10, $0xb8;
	[tilespmem:$0x8810] =	vst v63  }
0xb9: {  	s19 =	simm.s32 $0x5500  }
0xba: {  	[tilespmem:s21], [sflag:$0x1] =	stream.indirect.gather.add.f32 [hbm:s4], $0x10, s19, s10, $0xb8;
	[tilespmem:$0x8810] =	vst v63  }
0xbb: {  	s13 =	simm.s32 $0x5700  }
0xbc: {  	[tilespmem:s21], [sflag:$0x1] =	stream.indirect.gather.add.f32 [hbm:s4], $0x10, s13, s10, $0xb8;
	[tilespmem:$0x8810] =	vst v63  }
0xbd: {  	s14 =	simm.s32 $0x5900  }
0xbe: {  	[tilespmem:s21], [sflag:$0x1] =	stream.indirect.gather.add.f32 [hbm:s4], $0x10, s14, s10, $0xb8;
	[tilespmem:$0x8810] =	vst v63  }
0xbf: {  	s15 =	simm.s32 $0x5B00  }
0xc0: {  	[tilespmem:s21], [sflag:$0x1] =	stream.indirect.gather.add.f32 [hbm:s4], $0x10, s15, s10, $0xb8;
	[tilespmem:$0x8810] =	vst v63  }
0xc1: {  	s17 =	simm.s32 $0x5D00  }
0xc2: {  	[tilespmem:s21], [sflag:$0x1] =	stream.indirect.gather.add.f32 [hbm:s4], $0x10, s17, s10, $0xb8;
	[tilespmem:$0x8810] =	vst v63  }
0xc3: {  	s18 =	simm.s32 $0x5F00  }
0xc4: {  	[tilespmem:s21], [sflag:$0x1] =	stream.indirect.gather.add.f32 [hbm:s4], $0x10, s18, s10, $0xb8;
	[tilespmem:$0x8810] =	vst v63  }
0xc5: {  	s19 =	simm.s32 $0x6100  }
0xc6: {  	[tilespmem:s21], [sflag:$0x1] =	stream.indirect.gather.add.f32 [hbm:s4], $0x10, s19, s10, $0xb8;
	[tilespmem:$0x8810] =	vst v63  }
0xc7: {  	s13 =	simm.s32 $0x6300  }
0xc8: {  	[tilespmem:s21], [sflag:$0x1] =	stream.indirect.gather.add.f32 [hbm:s4], $0x10, s13, s10, $0xb8;
	[tilespmem:$0x8810] =	vst v63  }
0xc9: {  	s14 =	simm.s32 $0x6500  }
0xca: {  	[tilespmem:s21], [sflag:$0x1] =	stream.indirect.gather.add.f32 [hbm:s4], $0x10, s14, s10, $0xb8;
	[tilespmem:$0x8810] =	vst v63  }
0xcb: {  	s15 =	simm.s32 $0x6700  }
0xcc: {  	[tilespmem:s21], [sflag:$0x1] =	stream.indirect.gather.add.f32 [hbm:s4], $0x10, s15, s10, $0xb8;
	[tilespmem:$0x8810] =	vst v63  }
0xcd: {  	s17 =	simm.s32 $0x3580  }
0xce: {  	[tilespmem:s28], [sflag:$0x1] =	stream.indirect.gather.add.f32 [hbm:s4], $0x10, s17, s10, $0xb8;
	[tilespmem:$0x8810] =	vst v63  }
0xcf: {  	s18 =	simm.s32 $0x3780  }
0xd0: {  	[tilespmem:s28], [sflag:$0x1] =	stream.indirect.gather.add.f32 [hbm:s4], $0x10, s18, s10, $0xb8;
	[tilespmem:$0x8810] =	vst v63  }
0xd1: {  	s19 =	simm.s32 $0x3980  }
0xd2: {  	[tilespmem:s28], [sflag:$0x1] =	stream.indirect.gather.add.f32 [hbm:s4], $0x10, s19, s10, $0xb8;
	[tilespmem:$0x8810] =	vst v63  }
0xd3: {  	s13 =	simm.s32 $0x3B80  }
0xd4: {  	[tilespmem:s28], [sflag:$0x1] =	stream.indirect.gather.add.f32 [hbm:s4], $0x10, s13, s10, $0xb8;
	[tilespmem:$0x8810] =	vst v63  }
0xd5: {  	s14 =	simm.s32 $0x3D80  }
0xd6: {  	[tilespmem:s28], [sflag:$0x1] =	stream.indirect.gather.add.f32 [hbm:s4], $0x10, s14, s10, $0xb8;
	[tilespmem:$0x8810] =	vst v63  }
0xd7: {  	s15 =	simm.s32 $0x3F80  }
0xd8: {  	[tilespmem:s28], [sflag:$0x1] =	stream.indirect.gather.add.f32 [hbm:s4], $0x10, s15, s10, $0xb8;
	[tilespmem:$0x8810] =	vst v63  }
0xd9: {  	s17 =	simm.s32 $0x4180  }
0xda: {  	[tilespmem:s28], [sflag:$0x1] =	stream.indirect.gather.add.f32 [hbm:s4], $0x10, s17, s10, $0xb8;
	[tilespmem:$0x8810] =	vst v63  }
0xdb: {  	s18 =	simm.s32 $0x4380  }
0xdc: {  	[tilespmem:s28], [sflag:$0x1] =	stream.indirect.gather.add.f32 [hbm:s4], $0x10, s18, s10, $0xb8;
	[tilespmem:$0x8810] =	vst v63  }
0xdd: {  	s19 =	simm.s32 $0x4580  }
0xde: {  	[tilespmem:s28], [sflag:$0x1] =	stream.indirect.gather.add.f32 [hbm:s4], $0x10, s19, s10, $0xb8;
	[tilespmem:$0x8810] =	vst v63  }
0xdf: {  	s13 =	simm.s32 $0x4780  }
0xe0: {  	[tilespmem:s28], [sflag:$0x1] =	stream.indirect.gather.add.f32 [hbm:s4], $0x10, s13, s10, $0xb8;
	[tilespmem:$0x8810] =	vst v63  }
0xe1: {  	s14 =	simm.s32 $0x4980  }
0xe2: {  	[tilespmem:s28], [sflag:$0x1] =	stream.indirect.gather.add.f32 [hbm:s4], $0x10, s14, s10, $0xb8;
	[tilespmem:$0x8810] =	vst v63  }
0xe3: {  	s15 =	simm.s32 $0x4B80  }
0xe4: {  	[tilespmem:s28], [sflag:$0x1] =	stream.indirect.gather.add.f32 [hbm:s4], $0x10, s15, s10, $0xb8;
	[tilespmem:$0x8810] =	vst v63  }
0xe5: {  	s17 =	simm.s32 $0x4D80  }
0xe6: {  	[tilespmem:s28], [sflag:$0x1] =	stream.indirect.gather.add.f32 [hbm:s4], $0x10, s17, s10, $0xb8;
	[tilespmem:$0x8810] =	vst v63  }
0xe7: {  	s18 =	simm.s32 $0x4F80  }
0xe8: {  	[tilespmem:s28], [sflag:$0x1] =	stream.indirect.gather.add.f32 [hbm:s4], $0x10, s18, s10, $0xb8;
	[tilespmem:$0x8810] =	vst v63  }
0xe9: {  	s19 =	simm.s32 $0x5180  }
0xea: {  	[tilespmem:s28], [sflag:$0x1] =	stream.indirect.gather.add.f32 [hbm:s4], $0x10, s19, s10, $0xb8;
	[tilespmem:$0x8810] =	vst v63  }
0xeb: {  	_ = 	snop  }
0xec: {  	[tilespmem:s28], [sflag:$0x1] =	stream.indirect.gather.add.f32 [hbm:s4], $0x10, s20, s10, $0xb8;
	[tilespmem:$0x8810] =	vst v63  }
0xed: {  	_ = 	snop  }
0xee: {  	[tilespmem:s28], [sflag:$0x1] =	stream.indirect.gather.add.f32 [hbm:s4], $0x10, s22, s10, $0xb8;
	[tilespmem:$0x8810] =	vst v63  }
0xef: {  	_ = 	snop  }
0xf0: {  	[tilespmem:s28], [sflag:$0x1] =	stream.indirect.gather.add.f32 [hbm:s4], $0x10, s23, s10, $0xb8;
	[tilespmem:$0x8810] =	vst v63  }
0xf1: {  	_ = 	snop  }
0xf2: {  	[tilespmem:s28], [sflag:$0x1] =	stream.indirect.gather.add.f32 [hbm:s4], $0x10, s24, s10, $0xb8;
	[tilespmem:$0x8810] =	vst v63  }
0xf3: {  	_ = 	snop  }
0xf4: {  	[tilespmem:s28], [sflag:$0x1] =	stream.indirect.gather.add.f32 [hbm:s4], $0x10, s25, s10, $0xb8;
	[tilespmem:$0x8810] =	vst v63  }
0xf5: {  	_ = 	snop  }
0xf6: {  	[tilespmem:s28], [sflag:$0x1] =	stream.indirect.gather.add.f32 [hbm:s4], $0x10, s26, s10, $0xb8;
	[tilespmem:$0x8810] =	vst v63  }
0xf7: {  	_ = 	snop  }
0xf8: {  	[tilespmem:s28], [sflag:$0x1] =	stream.indirect.gather.add.f32 [hbm:s4], $0x10, s29, s10, $0xb8;
	[tilespmem:$0x8810] =	vst v63  }
0xf9: {  	_ = 	snop  }
0xfa: {  	[tilespmem:s28], [sflag:$0x1] =	stream.indirect.gather.add.f32 [hbm:s4], $0x10, s30, s10, $0xb8;
	[tilespmem:$0x8810] =	vst v63  }
0xfb: {  	_ = 	snop  }
0xfc: {  	[tilespmem:s28], [sflag:$0x1] =	stream.indirect.gather.add.f32 [hbm:s4], $0x10, s31, s10, $0xb8;
	[tilespmem:$0x8810] =	vst v63  }
0xfd: {  	_ = 	snop  }
0xfe: {  	[tilespmem:s28], [sflag:$0x1] =	stream.indirect.gather.add.f32 [hbm:s4], $0x10, s1, s10, $0xb8;
	[tilespmem:$0x8810] =	vst v63  }
0xff: {  	_ = 	snop  }
0x100: {  	[tilespmem:s28], [sflag:$0x1] =	stream.indirect.gather.add.f32 [hbm:s4], $0x10, s0, s10, $0xb8;
	[tilespmem:$0x8810] =	vst v63  }
0x101: {  	_ =	swait.ge [sflag:s2], $0x800  }
0x102: {  	[sflag:s2] =	ssyncset.done $0x0  }
0x103: {  	[sflag:s2] =	ssyncadd.s32 $0xFFFFF800  }
0x104: {  	_ =	swait.ge [sflag:s2], $0x800  }
0x105: {  	[sflag:s2] =	ssyncset.done $0x0  }
0x106: {  	[sflag:s2] =	ssyncadd.s32 $0xFFFFF800  }
0x107: {  	_ =	swait.ge [sflag:s2], $0x800  }
0x108: {  	[sflag:s2] =	ssyncset.done $0x0  }
0x109: {  	[sflag:s2] =	ssyncadd.s32 $0xFFFFF800  }
0x10a: {  	_ =	swait.ge [sflag:s2], $0x800  }
0x10b: {  	[sflag:s2] =	ssyncset.done $0x0  }
0x10c: {  	[sflag:s2] =	ssyncadd.s32 $0xFFFFF800  }
0x10d: {  	_ =	swait.ge [sflag:s2], $0x800  }
0x10e: {  	[sflag:s2] =	ssyncset.done $0x0  }
0x10f: {  	[sflag:s2] =	ssyncadd.s32 $0xFFFFF800  }
0x110: {  	_ =	swait.ge [sflag:s2], $0x800  }
0x111: {  	[sflag:s2] =	ssyncset.done $0x0  }
0x112: {  	[sflag:s2] =	ssyncadd.s32 $0xFFFFF800  }
0x113: {  	_ =	swait.ge [sflag:s2], $0x800  }
0x114: {  	[sflag:s2] =	ssyncset.done $0x0  }
0x115: {  	[sflag:s2] =	ssyncadd.s32 $0xFFFFF800  }
0x116: {  	_ =	swait.ge [sflag:s2], $0x800  }
0x117: {  	[sflag:s2] =	ssyncset.done $0x0  }
0x118: {  	[sflag:s2] =	ssyncadd.s32 $0xFFFFF800  }
0x119: {  	_ =	swait.ge [sflag:s2], $0x800  }
0x11a: {  	[sflag:s2] =	ssyncset.done $0x0  }
0x11b: {  	[sflag:s2] =	ssyncadd.s32 $0xFFFFF800  }
0x11c: {  	_ =	swait.ge [sflag:s2], $0x800  }
0x11d: {  	[sflag:s2] =	ssyncset.done $0x0  }
0x11e: {  	[sflag:s2] =	ssyncadd.s32 $0xFFFFF800  }
0x11f: {  	_ =	swait.ge [sflag:s2], $0x800  }
0x120: {  	[sflag:s2] =	ssyncset.done $0x0  }
0x121: {  	[sflag:s2] =	ssyncadd.s32 $0xFFFFF800  }
0x122: {  	_ =	swait.ge [sflag:s2], $0x800  }
0x123: {  	[sflag:s2] =	ssyncset.done $0x0  }
0x124: {  	[sflag:s2] =	ssyncadd.s32 $0xFFFFF800  }
0x125: {  	_ =	swait.ge [sflag:s2], $0x800  }
0x126: {  	[sflag:s2] =	ssyncset.done $0x0  }
0x127: {  	[sflag:s2] =	ssyncadd.s32 $0xFFFFF800  }
0x128: {  	_ =	swait.ge [sflag:s2], $0x800  }
0x129: {  	[sflag:s2] =	ssyncset.done $0x0  }
0x12a: {  	[sflag:s2] =	ssyncadd.s32 $0xFFFFF800  }
0x12b: {  	_ =	swait.ge [sflag:s2], $0x800  }
0x12c: {  	[sflag:s2] =	ssyncset.done $0x0  }
0x12d: {  	[sflag:s2] =	ssyncadd.s32 $0xFFFFF800  }
0x12e: {  	_ =	swait.ge [sflag:s2], $0x800  }
0x12f: {  	[sflag:s2] =	ssyncset.done $0x0  }
0x130: {  	[sflag:s2] =	ssyncadd.s32 $0xFFFFF800  }
0x131: {  	_ =	swait.ge [sflag:s2], $0x800  }
0x132: {  	[sflag:s2] =	ssyncset.done $0x0  }
0x133: {  	[sflag:s2] =	ssyncadd.s32 $0xFFFFF800  }
0x134: {  	_ =	swait.ge [sflag:s2], $0x800  }
0x135: {  	[sflag:s2] =	ssyncset.done $0x0  }
0x136: {  	[sflag:s2] =	ssyncadd.s32 $0xFFFFF800  }
0x137: {  	_ =	swait.ge [sflag:s2], $0x800  }
0x138: {  	[sflag:s2] =	ssyncset.done $0x0  }
0x139: {  	[sflag:s2] =	ssyncadd.s32 $0xFFFFF800  }
0x13a: {  	_ =	swait.ge [sflag:s2], $0x800  }
0x13b: {  	[sflag:s2] =	ssyncset.done $0x0  }
0x13c: {  	[sflag:s2] =	ssyncadd.s32 $0xFFFFF800  }
0x13d: {  	_ =	swait.ge [sflag:s2], $0x800  }
0x13e: {  	[sflag:s2] =	ssyncset.done $0x0  }
0x13f: {  	[sflag:s2] =	ssyncadd.s32 $0xFFFFF800  }
0x140: {  	_ =	swait.ge [sflag:s2], $0x800  }
0x141: {  	[sflag:s2] =	ssyncset.done $0x0  }
0x142: {  	[sflag:s2] =	ssyncadd.s32 $0xFFFFF800  }
0x143: {  	_ =	swait.ge [sflag:s2], $0x800  }
0x144: {  	[sflag:s2] =	ssyncset.done $0x0  }
0x145: {  	[sflag:s2] =	ssyncadd.s32 $0xFFFFF800  }
0x146: {  	_ =	swait.ge [sflag:s2], $0x800  }
0x147: {  	[sflag:s2] =	ssyncset.done $0x0  }
0x148: {  	[sflag:s2] =	ssyncadd.s32 $0xFFFFF800  }
0x149: {  	_ =	swait.ge [sflag:s2], $0x800  }
0x14a: {  	[sflag:s2] =	ssyncset.done $0x0  }
0x14b: {  	[sflag:s2] =	ssyncadd.s32 $0xFFFFF800  }
0x14c: {  	_ =	swait.ge [sflag:s2], $0x800  }
0x14d: {  	[sflag:s2] =	ssyncset.done $0x0  }
0x14e: {  	[sflag:s2] =	ssyncadd.s32 $0xFFFFF800  }
0x14f: {  	_ =	swait.ge [sflag:s2], $0x800  }
0x150: {  	[sflag:s2] =	ssyncset.done $0x0  }
0x151: {  	[sflag:s2] =	ssyncadd.s32 $0xFFFFF800  }
0x152: {  	_ =	swait.ge [sflag:s2], $0x800  }
0x153: {  	[sflag:s2] =	ssyncset.done $0x0  }
0x154: {  	[sflag:s2] =	ssyncadd.s32 $0xFFFFF800  }
0x155: {  	_ =	swait.ge [sflag:s2], $0x800  }
0x156: {  	[sflag:s2] =	ssyncset.done $0x0  }
0x157: {  	[sflag:s2] =	ssyncadd.s32 $0xFFFFF800  }
0x158: {  	_ =	swait.ge [sflag:s2], $0x800  }
0x159: {  	[sflag:s2] =	ssyncset.done $0x0  }
0x15a: {  	[sflag:s2] =	ssyncadd.s32 $0xFFFFF800  }
0x15b: {  	_ =	swait.ge [sflag:s2], $0x800  }
0x15c: {  	[sflag:s2] =	ssyncset.done $0x0  }
0x15d: {  	[sflag:s2] =	ssyncadd.s32 $0xFFFFF800  }
0x15e: {  	_ =	swait.ge [sflag:s2], $0x800  }
0x15f: {  	[sflag:s2] =	ssyncset.done $0x0  }
0x160: {  	[sflag:s2] =	ssyncadd.s32 $0xFFFFF800  }
0x161: {  	_ =	swait.ge [sflag:s2], $0x800  }
0x162: {  	[sflag:s2] =	ssyncset.done $0x0  }
0x163: {  	[sflag:s2] =	ssyncadd.s32 $0xFFFFF800  }
0x164: {  	_ =	swait.ge [sflag:s2], $0x800  }
0x165: {  	[sflag:s2] =	ssyncset.done $0x0  }
0x166: {  	[sflag:s2] =	ssyncadd.s32 $0xFFFFF800  }
0x167: {  	_ =	swait.ge [sflag:s2], $0x800  }
0x168: {  	[sflag:s2] =	ssyncset.done $0x0  }
0x169: {  	[sflag:s2] =	ssyncadd.s32 $0xFFFFF800  }
0x16a: {  	_ =	swait.ge [sflag:s2], $0x800  }
0x16b: {  	[sflag:s2] =	ssyncset.done $0x0  }
0x16c: {  	[sflag:s2] =	ssyncadd.s32 $0xFFFFF800  }
0x16d: {  	_ =	swait.ge [sflag:s2], $0x800  }
0x16e: {  	[sflag:s2] =	ssyncset.done $0x0  }
0x16f: {  	[sflag:s2] =	ssyncadd.s32 $0xFFFFF800  }
0x170: {  	_ =	swait.ge [sflag:s2], $0x800  }
0x171: {  	[sflag:s2] =	ssyncset.done $0x0  }
0x172: {  	[sflag:s2] =	ssyncadd.s32 $0xFFFFF800  }
0x173: {  	_ =	swait.ge [sflag:s2], $0x800  }
0x174: {  	[sflag:s2] =	ssyncset.done $0x0  }
0x175: {  	[sflag:s2] =	ssyncadd.s32 $0xFFFFF800  }
0x176: {  	_ =	swait.ge [sflag:s2], $0x800  }
0x177: {  	[sflag:s2] =	ssyncset.done $0x0  }
0x178: {  	[sflag:s2] =	ssyncadd.s32 $0xFFFFF800  }
0x179: {  	_ =	swait.ge [sflag:s2], $0x800  }
0x17a: {  	[sflag:s2] =	ssyncset.done $0x0  }
0x17b: {  	[sflag:s2] =	ssyncadd.s32 $0xFFFFF800  }
0x17c: {  	_ =	swait.ge [sflag:s2], $0x800  }
0x17d: {  	[sflag:s2] =	ssyncset.done $0x0  }
0x17e: {  	[sflag:s2] =	ssyncadd.s32 $0xFFFFF800  }
0x17f: {  	_ =	swait.ge [sflag:s2], $0x800  }
0x180: {  	[sflag:s2] =	ssyncset.done $0x0  }
0x181: {  	[sflag:s2] =	ssyncadd.s32 $0xFFFFF800  }
0x182: {  	_ =	swait.ge [sflag:s2], $0x800  }
0x183: {  	[sflag:s2] =	ssyncset.done $0x0  }
0x184: {  	[sflag:s2] =	ssyncadd.s32 $0xFFFFF800  }
0x185: {  	_ =	swait.ge [sflag:s2], $0x800  }
0x186: {  	[sflag:s2] =	ssyncset.done $0x0  }
0x187: {  	[sflag:s2] =	ssyncadd.s32 $0xFFFFF800  }
0x188: {  	_ =	swait.ge [sflag:s2], $0x800  }
0x189: {  	[sflag:s2] =	ssyncset.done $0x0  }
0x18a: {  	[sflag:s2] =	ssyncadd.s32 $0xFFFFF800  }
0x18b: {  	_ =	swait.ge [sflag:s2], $0x800  }
0x18c: {  	[sflag:s2] =	ssyncset.done $0x0  }
0x18d: {  	[sflag:s2] =	ssyncadd.s32 $0xFFFFF800  }
0x18e: {  	_ =	swait.ge [sflag:s2], $0x800  }
0x18f: {  	[sflag:s2] =	ssyncset.done $0x0  }
0x190: {  	[sflag:s2] =	ssyncadd.s32 $0xFFFFF800  }
0x191: {  	_ =	swait.ge [sflag:s2], $0x800  }
0x192: {  	[sflag:s2] =	ssyncset.done $0x0  }
0x193: {  	[sflag:s2] =	ssyncadd.s32 $0xFFFFF800  }
0x194: {  	_ =	swait.ge [sflag:s2], $0x800  }
0x195: {  	[sflag:s2] =	ssyncset.done $0x0  }
0x196: {  	[sflag:s2] =	ssyncadd.s32 $0xFFFFF800  }
0x197: {  	_ =	swait.ge [sflag:s2], $0x800  }
0x198: {  	[sflag:s2] =	ssyncset.done $0x0  }
0x199: {  	[sflag:s2] =	ssyncadd.s32 $0xFFFFF800  }
0x19a: {  	_ =	swait.ge [sflag:s2], $0x800  }
0x19b: {  	[sflag:s2] =	ssyncset.done $0x0  }
0x19c: {  	[sflag:s2] =	ssyncadd.s32 $0xFFFFF800  }
0x19d: {  	_ =	swait.ge [sflag:s2], $0x800  }
0x19e: {  	[sflag:s2] =	ssyncset.done $0x0  }
0x19f: {  	[sflag:s2] =	ssyncadd.s32 $0xFFFFF800  }
0x1a0: {  	_ =	swait.ge [sflag:s2], $0x800  }
0x1a1: {  	[sflag:s2] =	ssyncset.done $0x0  }
0x1a2: {  	[sflag:s2] =	ssyncadd.s32 $0xFFFFF800  }
0x1a3: {  	_ =	swait.ge [sflag:s2], $0x800  }
0x1a4: {  	[sflag:s2] =	ssyncset.done $0x0  }
0x1a5: {  	[sflag:s2] =	ssyncadd.s32 $0xFFFFF800  }
0x1a6: {  	_ =	swait.ge [sflag:s2], $0x800  }
0x1a7: {  	[sflag:s2] =	ssyncset.done $0x0  }
0x1a8: {  	[sflag:s2] =	ssyncadd.s32 $0xFFFFF800  }
0x1a9: {  	_ =	swait.ge [sflag:s2], $0x800  }
0x1aa: {  	[sflag:s2] =	ssyncset.done $0x0  }
0x1ab: {  	[sflag:s2] =	ssyncadd.s32 $0xFFFFF800  }
0x1ac: {  	_ =	swait.ge [sflag:s2], $0x800  }
0x1ad: {  	[sflag:s2] =	ssyncset.done $0x0  }
0x1ae: {  	[sflag:s2] =	ssyncadd.s32 $0xFFFFF800  }
0x1af: {  	_ =	swait.ge [sflag:s2], $0x800  }
0x1b0: {  	[sflag:s2] =	ssyncset.done $0x0  }
0x1b1: {  	[sflag:s2] =	ssyncadd.s32 $0xFFFFF800  }
0x1b2: {  	_ =	swait.ge [sflag:s2], $0x800  }
0x1b3: {  	[sflag:s2] =	ssyncset.done $0x0  }
0x1b4: {  	[sflag:s2] =	ssyncadd.s32 $0xFFFFF800  }
0x1b5: {  	_ =	swait.ge [sflag:s2], $0x800  }
0x1b6: {  	[sflag:s2] =	ssyncset.done $0x0  }
0x1b7: {  	[sflag:s2] =	ssyncadd.s32 $0xFFFFF800  }
0x1b8: {  	_ =	swait.ge [sflag:s2], $0x800  }
0x1b9: {  	[sflag:s2] =	ssyncset.done $0x0  }
0x1ba: {  	[sflag:s2] =	ssyncadd.s32 $0xFFFFF800  }
0x1bb: {  	_ =	swait.ge [sflag:s2], $0x800  }
0x1bc: {  	[sflag:s2] =	ssyncset.done $0x0  }
0x1bd: {  	[sflag:s2] =	ssyncadd.s32 $0xFFFFF800  }
0x1be: {  	_ =	swait.ge [sflag:s2], $0x800  }
0x1bf: {  	[sflag:s2] =	ssyncset.done $0x0  }
0x1c0: {  	[sflag:s2] =	ssyncadd.s32 $0xFFFFF800  }
0x1c1: {  	_ =	swait.ge [sflag:s2], $0x800  }
0x1c2: {  	[sflag:s2] =	ssyncset.done $0x0  }
0x1c3: {  	[sflag:s2] =	ssyncadd.s32 $0xFFFFF800  }
0x1c4: {  	_ =	swait.ge [sflag:s2], $0x800  }
0x1c5: {  	[sflag:s2] =	ssyncset.done $0x0  }
0x1c6: {  	[sflag:s2] =	ssyncadd.s32 $0xFFFFF800  }
0x1c7: {  	_ =	swait.ge [sflag:s2], $0x800  }
0x1c8: {  	[sflag:s2] =	ssyncset.done $0x0  }
0x1c9: {  	[sflag:s2] =	ssyncadd.s32 $0xFFFFF800  }
0x1ca: {  	_ =	swait.ge [sflag:s2], $0x800  }
0x1cb: {  	[sflag:s2] =	ssyncset.done $0x0  }
0x1cc: {  	[sflag:s2] =	ssyncadd.s32 $0xFFFFF800  }
0x1cd: {  	_ =	swait.ge [sflag:s2], $0x800  }
0x1ce: {  	[sflag:s2] =	ssyncset.done $0x0  }
0x1cf: {  	[sflag:s2] =	ssyncadd.s32 $0xFFFFF800  }
0x1d0: {  	_ =	swait.ge [sflag:s2], $0x800  }
0x1d1: {  	[sflag:s2] =	ssyncset.done $0x0  }
0x1d2: {  	[sflag:s2] =	ssyncadd.s32 $0xFFFFF800  }
0x1d3: {  	_ =	swait.ge [sflag:s2], $0x800  }
0x1d4: {  	[sflag:s2] =	ssyncset.done $0x0  }
0x1d5: {  	[sflag:s2] =	ssyncadd.s32 $0xFFFFF800  }
0x1d6: {  	_ =	swait.ge [sflag:s2], $0x800  }
0x1d7: {  	[sflag:s2] =	ssyncset.done $0x0  }
0x1d8: {  	[sflag:s2] =	ssyncadd.s32 $0xFFFFF800  }
0x1d9: {  	_ =	swait.ge [sflag:s2], $0x800  }
0x1da: {  	[sflag:s2] =	ssyncset.done $0x0  }
0x1db: {  	[sflag:s2] =	ssyncadd.s32 $0xFFFFF800  }
0x1dc: {  	_ =	swait.ge [sflag:s2], $0x800  }
0x1dd: {  	[sflag:s2] =	ssyncset.done $0x0  }
0x1de: {  	[sflag:s2] =	ssyncadd.s32 $0xFFFFF800  }
0x1df: {  	_ =	swait.ge [sflag:s2], $0x800  }
0x1e0: {  	[sflag:s2] =	ssyncset.done $0x0  }
0x1e1: {  	[sflag:s2] =	ssyncadd.s32 $0xFFFFF800  }
0x1e2: {  	_ =	swait.ge [sflag:s2], $0x800  }
0x1e3: {  	[sflag:s2] =	ssyncset.done $0x0  }
0x1e4: {  	[sflag:s2] =	ssyncadd.s32 $0xFFFFF800  }
0x1e5: {  	_ =	swait.ge [sflag:s2], $0x800  }
0x1e6: {  	[sflag:s2] =	ssyncset.done $0x0  }
0x1e7: {  	[sflag:s2] =	ssyncadd.s32 $0xFFFFF800  }
0x1e8: {  	_ =	swait.ge [sflag:s2], $0x800  }
0x1e9: {  	[sflag:s2] =	ssyncset.done $0x0  }
0x1ea: {  	[sflag:s2] =	ssyncadd.s32 $0xFFFFF800  }
0x1eb: {  	_ =	swait.ge [sflag:s2], $0x800  }
0x1ec: {  	[sflag:s2] =	ssyncset.done $0x0  }
0x1ed: {  	[sflag:s2] =	ssyncadd.s32 $0xFFFFF800  }
0x1ee: {  	_ =	swait.ge [sflag:s2], $0x800  }
0x1ef: {  	[sflag:s2] =	ssyncset.done $0x0  }
0x1f0: {  	[sflag:s2] =	ssyncadd.s32 $0xFFFFF800  }
0x1f1: {  	_ =	swait.ge [sflag:s2], $0x800  }
0x1f2: {  	[sflag:s2] =	ssyncset.done $0x0  }
0x1f3: {  	[sflag:s2] =	ssyncadd.s32 $0xFFFFF800  }
0x1f4: {  	_ =	swait.ge [sflag:s2], $0x800  }
0x1f5: {  	[sflag:s2] =	ssyncset.done $0x0  }
0x1f6: {  	[sflag:s2] =	ssyncadd.s32 $0xFFFFF800  }
0x1f7: {  	_ =	swait.ge [sflag:s2], $0x800  }
0x1f8: {  	[sflag:s2] =	ssyncset.done $0x0  }
0x1f9: {  	[sflag:s2] =	ssyncadd.s32 $0xFFFFF800  }
0x1fa: {  	_ =	swait.ge [sflag:s2], $0x800  }
0x1fb: {  	[sflag:s2] =	ssyncset.done $0x0  }
0x1fc: {  	[sflag:s2] =	ssyncadd.s32 $0xFFFFF800  }
0x1fd: {  	_ =	swait.ge [sflag:s2], $0x800  }
0x1fe: {  	[sflag:s2] =	ssyncset.done $0x0  }
0x1ff: {  	[sflag:s2] =	ssyncadd.s32 $0xFFFFF800  }
0x200: {  	_ =	swait.ge [sflag:s2], $0x800  }
0x201: {  	[sflag:s2] =	ssyncset.done $0x0  }
0x202: {  	[sflag:s2] =	ssyncadd.s32 $0xFFFFF800  }
0x203: {  	_ =	swait.ge [sflag:s2], $0x800  }
0x204: {  	[sflag:s2] =	ssyncset.done $0x0  }
0x205: {  	[sflag:s2] =	ssyncadd.s32 $0xFFFFF800  }
0x206: {  	_ =	swait.ge [sflag:s2], $0x800  }
0x207: {  	[sflag:s2] =	ssyncset.done $0x0  }
0x208: {  	[sflag:s2] =	ssyncadd.s32 $0xFFFFF800  }
0x209: {  	_ =	swait.ge [sflag:s2], $0x800  }
0x20a: {  	[sflag:s2] =	ssyncset.done $0x0  }
0x20b: {  	[sflag:s2] =	ssyncadd.s32 $0xFFFFF800  }
0x20c: {  	_ =	swait.ge [sflag:s2], $0x800  }
0x20d: {  	[sflag:s2] =	ssyncset.done $0x0  }
0x20e: {  	[sflag:s2] =	ssyncadd.s32 $0xFFFFF800  }
0x20f: {  	_ =	swait.ge [sflag:s2], $0x800  }
0x210: {  	[sflag:s2] =	ssyncset.done $0x0  }
0x211: {  	[sflag:s2] =	ssyncadd.s32 $0xFFFFF800  }
0x212: {  	_ =	swait.ge [sflag:s2], $0x800  }
0x213: {  	[sflag:s2] =	ssyncset.done $0x0  }
0x214: {  	[sflag:s2] =	ssyncadd.s32 $0xFFFFF800  }
0x215: {  	_ =	swait.ge [sflag:s2], $0x800  }
0x216: {  	[sflag:s2] =	ssyncset.done $0x0  }
0x217: {  	[sflag:s2] =	ssyncadd.s32 $0xFFFFF800  }
0x218: {  	_ =	swait.ge [sflag:s2], $0x800  }
0x219: {  	[sflag:s2] =	ssyncset.done $0x0  }
0x21a: {  	[sflag:s2] =	ssyncadd.s32 $0xFFFFF800  }
0x21b: {  	_ =	swait.ge [sflag:s2], $0x800  }
0x21c: {  	[sflag:s2] =	ssyncset.done $0x0  }
0x21d: {  	[sflag:s2] =	ssyncadd.s32 $0xFFFFF800  }
0x21e: {  	_ =	swait.ge [sflag:s2], $0x800  }
0x21f: {  	[sflag:s2] =	ssyncset.done $0x0  }
0x220: {  	[sflag:s2] =	ssyncadd.s32 $0xFFFFF800  }
0x221: {  	_ =	swait.ge [sflag:s2], $0x800  }
0x222: {  	[sflag:s2] =	ssyncset.done $0x0  }
0x223: {  	[sflag:s2] =	ssyncadd.s32 $0xFFFFF800  }
0x224: {  	_ =	swait.ge [sflag:s2], $0x800  }
0x225: {  	[sflag:s2] =	ssyncset.done $0x0  }
0x226: {  	[sflag:s2] =	ssyncadd.s32 $0xFFFFF800  }
0x227: {  	_ =	swait.ge [sflag:s2], $0x800  }
0x228: {  	[sflag:s2] =	ssyncset.done $0x0  }
0x229: {  	[sflag:s2] =	ssyncadd.s32 $0xFFFFF800  }
0x22a: {  	_ =	swait.ge [sflag:s2], $0x800  }
0x22b: {  	[sflag:s2] =	ssyncset.done $0x0  }
0x22c: {  	[sflag:s2] =	ssyncadd.s32 $0xFFFFF800  }
0x22d: {  	_ =	swait.ge [sflag:s2], $0x800  }
0x22e: {  	[sflag:s2] =	ssyncset.done $0x0  }
0x22f: {  	[sflag:s2] =	ssyncadd.s32 $0xFFFFF800  }
0x230: {  	_ =	swait.ge [sflag:s2], $0x800  }
0x231: {  	[sflag:s2] =	ssyncset.done $0x0  }
0x232: {  	[sflag:s2] =	ssyncadd.s32 $0xFFFFF800  }
0x233: {  	_ =	swait.ge [sflag:s2], $0x800  }
0x234: {  	[sflag:s2] =	ssyncset.done $0x0  }
0x235: {  	[sflag:s2] =	ssyncadd.s32 $0xFFFFF800  }
0x236: {  	s8 =	sadd.s32 $0x1, s8;
	_ =	swait.ge [sflag:s2], $0x800  }
0x237: {  	p0 =	sne.s32 s8, s7;
	[sflag:s2] =	ssyncset.done $0x0  }
.Ltmp3:
0x238: {  	[sflag:s2] =	ssyncadd.s32 $0xFFFFF800;
	(pc) =	sbr.rel @p0 .LBB2_1-.Ltmp3, $4  }
0x239: {  	[hbm4b:s6+s3] =	stream.linear.scatter [tilespmem:s12], [sflag:$0x2], $0x2000, $0x38;
	[tilespmem:$0x8810] =	vst v63  }
0x23a: {  	_ =	swait.ge [sflag:s9], $0x2000  }
0x23b: {  	[sflag:s9] =	ssyncset.done $0x0  }
0x23c: {  	[sflag:s9] =	ssyncadd.s32 $0xFFFFE000  }
0x23d: {  	_ =	sfence.sel $0x180000  }
0x23e: {  	[bflag:$0x0] =	sbarrier.arrive $0xFFFF  }
0x23f: {  	_ =	strace $0x90000047  }
0x240: {  	s0 =	stileid.u32;
	[bflag:$0x2] =	sbarrier.arrive $0xFFFF  }
0x241: {  	p0 =	sne.s32 s0, $0x0;
	s0 =	rddreg [dreg:$0x3]  }
0x242: {  	s0 =	sadd.s32 @!p0 $0x100000, s0  }
0x243: {  	[sflag:s0] =	ssyncadd.tile.s32 @!p0 $0x1;
	_ =	shalt  }
.Lfunc_end2:
_tile_overlayer_lowered:
.L_overlay_start_2:
0x244: {  	(tag) =	ssettag $0x2  }
0x245: {  	s0 =	rddreg [dreg:$0x0];
	s2 =	stileid.u32  }
0x246: {  	s1 =	rddreg [dreg:$0x1];
	p0 =	sne.s32 s2, $0x0  }
0x247: {  	s3 =	rddreg [dreg:$0x2];
	[bflag:$0x3] =	sbarrier.arrive $0xFFFF;
	s2 =	simm.s32 @!p0 $0x1C02  }
0x248: {  	[timem:s3], [sflag:s2] =	dma.local @!p0 [hbm:s0], s1  }
0x249: {  	s0 =	simm.s32 @!p0 $0x2  }
0x24a: {  	_ =	swait.ge @!p0 [sflag:s0], s1  }
0x24b: {  	s1 =	ssub.s32 @!p0 $0x0, s1;
	[sflag:s0] =	ssyncset.done @!p0 $0x0  }
0x24c: {  	[sflag:s0] =	ssyncadd.s32 @!p0 s1  }
0x24d: {  	[bflag:$0x3] =	sbarrier.arrive $0xFFFF  }
0x24e: {  	_ =	shalt  }

</sc_bundles>
